<compile_context>
chip_gen: v7x
topology: tpu7x:2x2x1
jax: 0.10.2.dev20260603
libtpu: 0.0.44.dev20260713+nightly
codegen_flags: <defaults>
</compile_context>

<pallas_src>
import functools

import jax
import jax.numpy as jnp
from jax import lax
from jax.experimental import pallas as pl
from jax.experimental.pallas import tpu as pltpu
from jax.experimental.pallas import tpu_sc as plsc

_INPUT_DIM = 100000
_D = 32
_BATCH = 4096
_SEQ = 200
_N = _BATCH * _SEQ


def _make_kernel():
    info = plsc.get_sparse_core_info()
    nc, ns = info.num_cores, info.num_subcores
    nw = nc * ns
    n_per_w = _N // nw
    gs = 4
    rows = gs * 128
    ng = _SEQ // gs

    mesh = plsc.VectorSubcoreMesh(core_axis_name="c", subcore_axis_name="s")

    @functools.partial(
        pl.kernel,
        mesh=mesh,
        out_type=jax.ShapeDtypeStruct((_SEQ, 4, 32, 8, 128), jnp.float32),
        scratch_types=[
            pltpu.VMEM((n_per_w,), jnp.int32),
            pltpu.VMEM((n_per_w,), jnp.int32),
            pltpu.VMEM((2, rows, _D), jnp.float32),
            pltpu.VMEM((2, gs, 4, 8, 129), jnp.float32),
            pltpu.SemaphoreType.DMA,
            pltpu.SemaphoreType.DMA,
            pltpu.SemaphoreType.DMA,
            pltpu.SemaphoreType.DMA,
        ],
        compiler_params=pltpu.CompilerParams(
            use_tc_tiling_on_sc=False, needs_layout_passes=False
        ),
    )
    def k(idx_hbm, table_hbm, out_hbm, idx_v, gidx_v, gbuf, tbuf,
          g0, g1, o0, o1):
        gsem = (g0, g1)
        osem = (o0, o1)
        w = lax.axis_index("s") * nc + lax.axis_index("c")
        base = w * n_per_w
        pltpu.sync_copy(idx_hbm.at[pl.ds(base, n_per_w)], idx_v)

        iota = lax.iota(jnp.int32, 16)
        iota200 = iota * _SEQ
        zeros = jnp.zeros((16,), jnp.int32)
        dgv = (iota >> 3, (iota >> 3) + 2)
        ddv = iota & 7

        def build_body(s, carry):
            for q in range(8):
                inds = iota200 + (q * 16 * _SEQ + s)
                v = plsc.load_gather(idx_v, [inds])
                v = (
                    jnp.minimum(jnp.maximum(v, -_INPUT_DIM), _INPUT_DIM)
                    + _INPUT_DIM
                )
                gidx_v[pl.ds(s * 128 + q * 16, 16)] = v
            return carry

        lax.fori_loop(0, _SEQ, build_body, 0)

        def gather_desc(i, p):
            return pltpu.make_async_copy(
                table_hbm.at[gidx_v.at[pl.ds(i * rows, rows)]],
                gbuf.at[p],
                gsem[p],
            )

        def out_desc(i, p):
            return pltpu.make_async_copy(
                tbuf.at[p, :, :, :, pl.ds(0, 128)],
                out_hbm.at[pl.ds(i * gs, gs), :, w],
                osem[p],
            )

        def transpose_chunk(p):
            def u_body(u, carry):
                sl = u >> 3
                q = u & 7
                r0 = u * 16
                tb = tbuf.at[p, sl]
                for kk in range(16):
                    r = r0 + kk
                    bl_s = zeros + (q * 16 + kk)
                    for h in range(2):
                        v = gbuf[p, r, pl.ds(16 * h, 16)]
                        plsc.store_scatter(tb, [dgv[h], ddv, bl_s], v)
                return carry

            lax.fori_loop(0, rows // 16, u_body, 0)

        def step(i, p, wait_prev, issue_next):
            gather_desc(i, p).wait()
            if wait_prev:
                out_desc(i - 2, p).wait()
            transpose_chunk(p)
            out_desc(i, p).start()
            if issue_next:
                gather_desc(i + 2, p).start()

        gather_desc(0, 0).start()
        gather_desc(1, 1).start()
        step(0, 0, False, True)
        step(1, 1, False, True)

        def loop_body(j, carry):
            step(2 * j, 0, True, True)
            step(2 * j + 1, 1, True, True)
            return carry

        lax.fori_loop(1, ng // 2 - 1, loop_body, 0)

        step(ng - 2, 0, True, False)
        step(ng - 1, 1, True, False)
        out_desc(ng - 2, 0).wait()
        out_desc(ng - 1, 1).wait()

    return k


_gather_kernel = _make_kernel()


def kernel(inputs, embeddings):
    flat = inputs.reshape(_N)
    out5 = _gather_kernel(flat, embeddings)
    return out5.transpose(2, 4, 0, 1, 3).reshape(_BATCH, _SEQ, _D)

# --- scband reference (transcript-rebuilt; emitter-appended) ---
"""Pipeline reference for scband-position-embedding-10342281248912 (READ-ONLY COPY).

The authoritative reference and input builder live on the scoring server;
editing this copy changes nothing except your own understanding.
"""

import jax, jax.numpy as jnp
import numpy as np

INPUT_DIM = 100000
OUTPUT_DIM = 32
BATCH = 4096
SEQ_LEN = 200

def setup_inputs(seed: int = 0) -> dict:
    key = jax.random.key(seed)
    k1, k2 = jax.random.split(key)
    # positions: integers in [0, INPUT_DIM); expand mode allows negatives too,
    # but we sample non-negative positions per spec (fill=randint, fill_max=INPUT_DIM)
    inputs = jax.random.randint(k1, (BATCH, SEQ_LEN), 0, INPUT_DIM, dtype=jnp.int32)
    # expand mode table: (2*input_dim + 1, output_dim), keras 'uniform' init = U(-0.05, 0.05)
    embeddings = jax.random.uniform(k2, (2 * INPUT_DIM + 1, OUTPUT_DIM), dtype=jnp.float32, minval=-0.05, maxval=0.05)
    return {"inputs": inputs, "embeddings": embeddings}

def reference(inputs, embeddings):
    # PositionEmbedding MODE_EXPAND forward:
    #   K.gather(embeddings, K.minimum(K.maximum(inputs, -input_dim), input_dim) + input_dim)
    idx = jnp.clip(inputs.astype(jnp.int32), -INPUT_DIM, INPUT_DIM) + INPUT_DIM
    return jnp.take(embeddings, idx, axis=0)

if __name__ == "__main__":
    import jax
    _d = setup_inputs()
    print(jax.jit(kernel)(*tuple(_d.values())))

</pallas_src>

<mosaic_0001>
#map = affine_map<(d0, d1) -> (0)>
#map1 = affine_map<(d0, d1) -> (0, 0)>
#map2 = affine_map<(d0, d1) -> (0, 0, 0, 0, 0)>
module attributes {stable_mosaic.version = 14 : i64} {
  func.func @k(%arg0: i32, %arg1: i32, %arg2: memref<819200xi32, #tpu.memory_space<hbm>>, %arg3: memref<200001x32xf32, #tpu.memory_space<hbm>>, %arg4: memref<200x4x32x8x128xf32, #tpu.memory_space<hbm>>, %arg5: memref<25600xi32, #tpu.memory_space<vmem>>, %arg6: memref<25600xi32, #tpu.memory_space<vmem>>, %arg7: memref<2x512x32xf32, #tpu.memory_space<vmem>>, %arg8: memref<2x4x4x8x129xf32, #tpu.memory_space<vmem>>, %arg9: memref<!tpu.dma_semaphore, #tpu.memory_space<semaphore_mem>>, %arg10: memref<!tpu.dma_semaphore, #tpu.memory_space<semaphore_mem>>, %arg11: memref<!tpu.dma_semaphore, #tpu.memory_space<semaphore_mem>>, %arg12: memref<!tpu.dma_semaphore, #tpu.memory_space<semaphore_mem>>) attributes {dimension_semantics = [#tpu.dimension_semantics<core_parallel>, #tpu.dimension_semantics<subcore_parallel>], iteration_bounds = array<i64: 2, 16>, scalar_prefetch = 0 : i64, scratch_operands = 8 : i64, tpu.core_type = #tpu.core_type<sc_vector_subcore>, window_params = [{transform_indices = #map}, {transform_indices = #map1}, {transform_indices = #map2}]} {
    %mul3A = arith.constant 2 : i32
    %mul3A_0 = arith.muli %arg1, %mul3A : i32
    %add3A = arith.addi %mul3A_0, %arg0 : i32
    %mul3A_1 = arith.constant 25600 : i32
    %mul3A_2 = arith.muli %add3A, %mul3A_1 : i32
    "tpu.region"() ({
      %run_scoped3A = tpu.sem_alloc : memref<!tpu.dma_semaphore, #tpu.memory_space<semaphore_mem>>
      %dma_start3A_330 = tpu.memref_slice %arg2[%mul3A_2] : memref<819200xi32, #tpu.memory_space<hbm>> -> memref<25600xi32, #tpu.memory_space<hbm>>
      %dma_start3A_331 = tpu.memref_slice %arg2[%mul3A_2] : memref<819200xi32, #tpu.memory_space<hbm>> -> memref<25600xi32, #tpu.memory_space<hbm>>
      tpu.enqueue_dma source(%dma_start3A_331 : memref<25600xi32, #tpu.memory_space<hbm>>) target(%arg5 : memref<25600xi32, #tpu.memory_space<vmem>>) target_semaphore(%run_scoped3A : memref<!tpu.dma_semaphore, #tpu.memory_space<semaphore_mem>>)
      %dma_wait3A_332 = tpu.memref_slice %arg2[%mul3A_2] : memref<819200xi32, #tpu.memory_space<hbm>> -> memref<25600xi32, #tpu.memory_space<hbm>>
      %dma_wait3A_333 = tpu.memref_slice %arg2[%mul3A_2] : memref<819200xi32, #tpu.memory_space<hbm>> -> memref<25600xi32, #tpu.memory_space<hbm>>
      tpu.wait_dma2 semaphore(%run_scoped3A : memref<!tpu.dma_semaphore, #tpu.memory_space<semaphore_mem>>) src(%dma_wait3A_333 : memref<25600xi32, #tpu.memory_space<hbm>>) dst(%arg5 : memref<25600xi32, #tpu.memory_space<vmem>>)
      tpu.yield
    }) : () -> ()
    %iota3A = tpu.iota {dimensions = array<i32: 0>} : vector<16xi32>
    %mul3A_3 = arith.constant 200 : i32
    %mul3A_4 = vector.broadcast %mul3A_3 : i32 to vector<16xi32>
    %mul3A_5 = arith.muli %iota3A, %mul3A_4 : vector<16xi32>
    %broadcast_in_dim3A = arith.constant 0 : i32
    %broadcast_in_dim3A_6 = vector.broadcast %broadcast_in_dim3A : i32 to vector<16xi32>
    %shift_right_arithmetic3A = arith.constant 3 : i32
    %shift_right_arithmetic3A_7 = vector.broadcast %shift_right_arithmetic3A : i32 to vector<16xi32>
    %shift_right_arithmetic3A_8 = arith.shrsi %iota3A, %shift_right_arithmetic3A_7 : vector<16xi32>
    %shift_right_arithmetic3A_9 = arith.constant 3 : i32
    %shift_right_arithmetic3A_10 = vector.broadcast %shift_right_arithmetic3A_9 : i32 to vector<16xi32>
    %shift_right_arithmetic3A_11 = arith.shrsi %iota3A, %shift_right_arithmetic3A_10 : vector<16xi32>
    %add3A_12 = arith.constant 2 : i32
    %add3A_13 = vector.broadcast %add3A_12 : i32 to vector<16xi32>
    %add3A_14 = arith.addi %shift_right_arithmetic3A_11, %add3A_13 : vector<16xi32>
    %and3A = arith.constant 7 : i32
    %and3A_15 = vector.broadcast %and3A : i32 to vector<16xi32>
    %and3A_16 = arith.andi %iota3A, %and3A_15 : vector<16xi32>
    %scan3A = arith.constant 0 : i32
    %scan3A_17 = arith.constant 0 : i32
    %scan3A_18 = arith.constant 200 : i32
    %scan3A_19 = arith.addi %scan3A_17, %scan3A_18 : i32
    %scan3A_20 = arith.constant 1 : i32
    scf.for %scan3A_330 = %scan3A_17 to %scan3A_19 step %scan3A_20  : i32 {
      %add3A_331 = arith.constant 0 : i32
      %add3A_332 = arith.addi %add3A_331, %scan3A_330 : i32
      %add3A_333 = vector.broadcast %add3A_332 : i32 to vector<16xi32>
      %add3A_334 = arith.addi %mul3A_5, %add3A_333 : vector<16xi32>
      %gather3A = tpu.vector_load_idx %arg5[%add3A_334] : memref<25600xi32, #tpu.memory_space<vmem>>[vector<16xi32>], vector<16xi32>,
      %max3A = arith.constant -100000 : i32
      %max3A_335 = vector.broadcast %max3A : i32 to vector<16xi32>
      %max3A_336 = arith.maxsi %gather3A, %max3A_335 : vector<16xi32>
      %min3A = arith.constant 100000 : i32
      %min3A_337 = vector.broadcast %min3A : i32 to vector<16xi32>
      %min3A_338 = arith.minsi %max3A_336, %min3A_337 : vector<16xi32>
      %add3A_339 = arith.constant 100000 : i32
      %add3A_340 = vector.broadcast %add3A_339 : i32 to vector<16xi32>
      %add3A_341 = arith.addi %min3A_338, %add3A_340 : vector<16xi32>
      %mul3A_342 = arith.constant 128 : i32
      %mul3A_343 = arith.muli %scan3A_330, %mul3A_342 : i32
      %add3A_344 = arith.constant 0 : i32
      %add3A_345 = arith.addi %mul3A_343, %add3A_344 : i32
      %swap3A = arith.index_cast %add3A_345 : i32 to index
      %swap3A_346 = tpu.vector_load %arg6[%swap3A] {strides = array<i32>} : memref<25600xi32, #tpu.memory_space<vmem>>, vector<16xi32>,
      tpu.vector_store %arg6[%swap3A], %add3A_341 {strides = array<i32>} : memref<25600xi32, #tpu.memory_space<vmem>>, vector<16xi32>,
      %add3A_347 = arith.constant 3200 : i32
      %add3A_348 = arith.addi %add3A_347, %scan3A_330 : i32
      %add3A_349 = vector.broadcast %add3A_348 : i32 to vector<16xi32>
      %add3A_350 = arith.addi %mul3A_5, %add3A_349 : vector<16xi32>
      %gather3A_351 = tpu.vector_load_idx %arg5[%add3A_350] : memref<25600xi32, #tpu.memory_space<vmem>>[vector<16xi32>], vector<16xi32>,
      %max3A_352 = arith.constant -100000 : i32
      %max3A_353 = vector.broadcast %max3A_352 : i32 to vector<16xi32>
      %max3A_354 = arith.maxsi %gather3A_351, %max3A_353 : vector<16xi32>
      %min3A_355 = arith.constant 100000 : i32
      %min3A_356 = vector.broadcast %min3A_355 : i32 to vector<16xi32>
      %min3A_357 = arith.minsi %max3A_354, %min3A_356 : vector<16xi32>
      %add3A_358 = arith.constant 100000 : i32
      %add3A_359 = vector.broadcast %add3A_358 : i32 to vector<16xi32>
      %add3A_360 = arith.addi %min3A_357, %add3A_359 : vector<16xi32>
      %mul3A_361 = arith.constant 128 : i32
      %mul3A_362 = arith.muli %scan3A_330, %mul3A_361 : i32
      %add3A_363 = arith.constant 16 : i32
      %add3A_364 = arith.addi %mul3A_362, %add3A_363 : i32
      %swap3A_365 = arith.index_cast %add3A_364 : i32 to index
      %swap3A_366 = tpu.vector_load %arg6[%swap3A_365] {strides = array<i32>} : memref<25600xi32, #tpu.memory_space<vmem>>, vector<16xi32>,
      tpu.vector_store %arg6[%swap3A_365], %add3A_360 {strides = array<i32>} : memref<25600xi32, #tpu.memory_space<vmem>>, vector<16xi32>,
      %add3A_367 = arith.constant 6400 : i32
      %add3A_368 = arith.addi %add3A_367, %scan3A_330 : i32
      %add3A_369 = vector.broadcast %add3A_368 : i32 to vector<16xi32>
      %add3A_370 = arith.addi %mul3A_5, %add3A_369 : vector<16xi32>
      %gather3A_371 = tpu.vector_load_idx %arg5[%add3A_370] : memref<25600xi32, #tpu.memory_space<vmem>>[vector<16xi32>], vector<16xi32>,
      %max3A_372 = arith.constant -100000 : i32
      %max3A_373 = vector.broadcast %max3A_372 : i32 to vector<16xi32>
      %max3A_374 = arith.maxsi %gather3A_371, %max3A_373 : vector<16xi32>
      %min3A_375 = arith.constant 100000 : i32
      %min3A_376 = vector.broadcast %min3A_375 : i32 to vector<16xi32>
      %min3A_377 = arith.minsi %max3A_374, %min3A_376 : vector<16xi32>
      %add3A_378 = arith.constant 100000 : i32
      %add3A_379 = vector.broadcast %add3A_378 : i32 to vector<16xi32>
      %add3A_380 = arith.addi %min3A_377, %add3A_379 : vector<16xi32>
      %mul3A_381 = arith.constant 128 : i32
      %mul3A_382 = arith.muli %scan3A_330, %mul3A_381 : i32
      %add3A_383 = arith.constant 32 : i32
      %add3A_384 = arith.addi %mul3A_382, %add3A_383 : i32
      %swap3A_385 = arith.index_cast %add3A_384 : i32 to index
      %swap3A_386 = tpu.vector_load %arg6[%swap3A_385] {strides = array<i32>} : memref<25600xi32, #tpu.memory_space<vmem>>, vector<16xi32>,
      tpu.vector_store %arg6[%swap3A_385], %add3A_380 {strides = array<i32>} : memref<25600xi32, #tpu.memory_space<vmem>>, vector<16xi32>,
      %add3A_387 = arith.constant 9600 : i32
      %add3A_388 = arith.addi %add3A_387, %scan3A_330 : i32
      %add3A_389 = vector.broadcast %add3A_388 : i32 to vector<16xi32>
      %add3A_390 = arith.addi %mul3A_5, %add3A_389 : vector<16xi32>
      %gather3A_391 = tpu.vector_load_idx %arg5[%add3A_390] : memref<25600xi32, #tpu.memory_space<vmem>>[vector<16xi32>], vector<16xi32>,
      %max3A_392 = arith.constant -100000 : i32
      %max3A_393 = vector.broadcast %max3A_392 : i32 to vector<16xi32>
      %max3A_394 = arith.maxsi %gather3A_391, %max3A_393 : vector<16xi32>
      %min3A_395 = arith.constant 100000 : i32
      %min3A_396 = vector.broadcast %min3A_395 : i32 to vector<16xi32>
      %min3A_397 = arith.minsi %max3A_394, %min3A_396 : vector<16xi32>
      %add3A_398 = arith.constant 100000 : i32
      %add3A_399 = vector.broadcast %add3A_398 : i32 to vector<16xi32>
      %add3A_400 = arith.addi %min3A_397, %add3A_399 : vector<16xi32>
      %mul3A_401 = arith.constant 128 : i32
      %mul3A_402 = arith.muli %scan3A_330, %mul3A_401 : i32
      %add3A_403 = arith.constant 48 : i32
      %add3A_404 = arith.addi %mul3A_402, %add3A_403 : i32
      %swap3A_405 = arith.index_cast %add3A_404 : i32 to index
      %swap3A_406 = tpu.vector_load %arg6[%swap3A_405] {strides = array<i32>} : memref<25600xi32, #tpu.memory_space<vmem>>, vector<16xi32>,
      tpu.vector_store %arg6[%swap3A_405], %add3A_400 {strides = array<i32>} : memref<25600xi32, #tpu.memory_space<vmem>>, vector<16xi32>,
      %add3A_407 = arith.constant 12800 : i32
      %add3A_408 = arith.addi %add3A_407, %scan3A_330 : i32
      %add3A_409 = vector.broadcast %add3A_408 : i32 to vector<16xi32>
      %add3A_410 = arith.addi %mul3A_5, %add3A_409 : vector<16xi32>
      %gather3A_411 = tpu.vector_load_idx %arg5[%add3A_410] : memref<25600xi32, #tpu.memory_space<vmem>>[vector<16xi32>], vector<16xi32>,
      %max3A_412 = arith.constant -100000 : i32
      %max3A_413 = vector.broadcast %max3A_412 : i32 to vector<16xi32>
      %max3A_414 = arith.maxsi %gather3A_411, %max3A_413 : vector<16xi32>
      %min3A_415 = arith.constant 100000 : i32
      %min3A_416 = vector.broadcast %min3A_415 : i32 to vector<16xi32>
      %min3A_417 = arith.minsi %max3A_414, %min3A_416 : vector<16xi32>
      %add3A_418 = arith.constant 100000 : i32
      %add3A_419 = vector.broadcast %add3A_418 : i32 to vector<16xi32>
      %add3A_420 = arith.addi %min3A_417, %add3A_419 : vector<16xi32>
      %mul3A_421 = arith.constant 128 : i32
      %mul3A_422 = arith.muli %scan3A_330, %mul3A_421 : i32
      %add3A_423 = arith.constant 64 : i32
      %add3A_424 = arith.addi %mul3A_422, %add3A_423 : i32
      %swap3A_425 = arith.index_cast %add3A_424 : i32 to index
      %swap3A_426 = tpu.vector_load %arg6[%swap3A_425] {strides = array<i32>} : memref<25600xi32, #tpu.memory_space<vmem>>, vector<16xi32>,
      tpu.vector_store %arg6[%swap3A_425], %add3A_420 {strides = array<i32>} : memref<25600xi32, #tpu.memory_space<vmem>>, vector<16xi32>,
      %add3A_427 = arith.constant 16000 : i32
      %add3A_428 = arith.addi %add3A_427, %scan3A_330 : i32
      %add3A_429 = vector.broadcast %add3A_428 : i32 to vector<16xi32>
      %add3A_430 = arith.addi %mul3A_5, %add3A_429 : vector<16xi32>
      %gather3A_431 = tpu.vector_load_idx %arg5[%add3A_430] : memref<25600xi32, #tpu.memory_space<vmem>>[vector<16xi32>], vector<16xi32>,
      %max3A_432 = arith.constant -100000 : i32
      %max3A_433 = vector.broadcast %max3A_432 : i32 to vector<16xi32>
      %max3A_434 = arith.maxsi %gather3A_431, %max3A_433 : vector<16xi32>
      %min3A_435 = arith.constant 100000 : i32
      %min3A_436 = vector.broadcast %min3A_435 : i32 to vector<16xi32>
      %min3A_437 = arith.minsi %max3A_434, %min3A_436 : vector<16xi32>
      %add3A_438 = arith.constant 100000 : i32
      %add3A_439 = vector.broadcast %add3A_438 : i32 to vector<16xi32>
      %add3A_440 = arith.addi %min3A_437, %add3A_439 : vector<16xi32>
      %mul3A_441 = arith.constant 128 : i32
      %mul3A_442 = arith.muli %scan3A_330, %mul3A_441 : i32
      %add3A_443 = arith.constant 80 : i32
      %add3A_444 = arith.addi %mul3A_442, %add3A_443 : i32
      %swap3A_445 = arith.index_cast %add3A_444 : i32 to index
      %swap3A_446 = tpu.vector_load %arg6[%swap3A_445] {strides = array<i32>} : memref<25600xi32, #tpu.memory_space<vmem>>, vector<16xi32>,
      tpu.vector_store %arg6[%swap3A_445], %add3A_440 {strides = array<i32>} : memref<25600xi32, #tpu.memory_space<vmem>>, vector<16xi32>,
      %add3A_447 = arith.constant 19200 : i32
      %add3A_448 = arith.addi %add3A_447, %scan3A_330 : i32
      %add3A_449 = vector.broadcast %add3A_448 : i32 to vector<16xi32>
      %add3A_450 = arith.addi %mul3A_5, %add3A_449 : vector<16xi32>
      %gather3A_451 = tpu.vector_load_idx %arg5[%add3A_450] : memref<25600xi32, #tpu.memory_space<vmem>>[vector<16xi32>], vector<16xi32>,
      %max3A_452 = arith.constant -100000 : i32
      %max3A_453 = vector.broadcast %max3A_452 : i32 to vector<16xi32>
      %max3A_454 = arith.maxsi %gather3A_451, %max3A_453 : vector<16xi32>
      %min3A_455 = arith.constant 100000 : i32
      %min3A_456 = vector.broadcast %min3A_455 : i32 to vector<16xi32>
      %min3A_457 = arith.minsi %max3A_454, %min3A_456 : vector<16xi32>
      %add3A_458 = arith.constant 100000 : i32
      %add3A_459 = vector.broadcast %add3A_458 : i32 to vector<16xi32>
      %add3A_460 = arith.addi %min3A_457, %add3A_459 : vector<16xi32>
      %mul3A_461 = arith.constant 128 : i32
      %mul3A_462 = arith.muli %scan3A_330, %mul3A_461 : i32
      %add3A_463 = arith.constant 96 : i32
      %add3A_464 = arith.addi %mul3A_462, %add3A_463 : i32
      %swap3A_465 = arith.index_cast %add3A_464 : i32 to index
      %swap3A_466 = tpu.vector_load %arg6[%swap3A_465] {strides = array<i32>} : memref<25600xi32, #tpu.memory_space<vmem>>, vector<16xi32>,
      tpu.vector_store %arg6[%swap3A_465], %add3A_460 {strides = array<i32>} : memref<25600xi32, #tpu.memory_space<vmem>>, vector<16xi32>,
      %add3A_467 = arith.constant 22400 : i32
      %add3A_468 = arith.addi %add3A_467, %scan3A_330 : i32
      %add3A_469 = vector.broadcast %add3A_468 : i32 to vector<16xi32>
      %add3A_470 = arith.addi %mul3A_5, %add3A_469 : vector<16xi32>
      %gather3A_471 = tpu.vector_load_idx %arg5[%add3A_470] : memref<25600xi32, #tpu.memory_space<vmem>>[vector<16xi32>], vector<16xi32>,
      %max3A_472 = arith.constant -100000 : i32
      %max3A_473 = vector.broadcast %max3A_472 : i32 to vector<16xi32>
      %max3A_474 = arith.maxsi %gather3A_471, %max3A_473 : vector<16xi32>
      %min3A_475 = arith.constant 100000 : i32
      %min3A_476 = vector.broadcast %min3A_475 : i32 to vector<16xi32>
      %min3A_477 = arith.minsi %max3A_474, %min3A_476 : vector<16xi32>
      %add3A_478 = arith.constant 100000 : i32
      %add3A_479 = vector.broadcast %add3A_478 : i32 to vector<16xi32>
      %add3A_480 = arith.addi %min3A_477, %add3A_479 : vector<16xi32>
      %mul3A_481 = arith.constant 128 : i32
      %mul3A_482 = arith.muli %scan3A_330, %mul3A_481 : i32
      %add3A_483 = arith.constant 112 : i32
      %add3A_484 = arith.addi %mul3A_482, %add3A_483 : i32
      %swap3A_485 = arith.index_cast %add3A_484 : i32 to index
      %swap3A_486 = tpu.vector_load %arg6[%swap3A_485] {strides = array<i32>} : memref<25600xi32, #tpu.memory_space<vmem>>, vector<16xi32>,
      tpu.vector_store %arg6[%swap3A_485], %add3A_480 {strides = array<i32>} : memref<25600xi32, #tpu.memory_space<vmem>>, vector<16xi32>,
    }
    %scan3A_21 = arith.constant 200 : i32
    %dma_start3A = arith.constant 0 : i32
    %dma_start3A_22 = arith.constant 0 : i32
    %dma_start3A_23 = arith.constant 0 : i32
    %dma_start3A_24 = tpu.memref_slice %arg7[%dma_start3A, %dma_start3A_22, %dma_start3A_23] : memref<2x512x32xf32, #tpu.memory_space<vmem>> -> memref<1x512x32xf32, #tpu.memory_space<vmem>>
    %dma_start3A_25 = tpu.memref_squeeze %dma_start3A_24 : memref<1x512x32xf32, #tpu.memory_space<vmem>> -> memref<512x32xf32, #tpu.memory_space<vmem>>
    %dma_start3A_26 = arith.constant 0 : i32
    %dma_start3A_27 = tpu.memref_slice %arg6[%dma_start3A_26] : memref<25600xi32, #tpu.memory_space<vmem>> -> memref<512xi32, #tpu.memory_space<vmem>>
    %dma_start3A_28 = arith.constant 0 : i32
    %dma_start3A_29 = arith.constant 0 : i32
    %dma_start3A_30 = tpu.memref_slice %arg3[%dma_start3A_28, %dma_start3A_29] : memref<200001x32xf32, #tpu.memory_space<hbm>> -> memref<200001x32xf32, #tpu.memory_space<hbm>>
    tpu.enqueue_indirect_dma source(%dma_start3A_30 : memref<200001x32xf32, #tpu.memory_space<hbm>>) target(%dma_start3A_25 : memref<512x32xf32, #tpu.memory_space<vmem>>) offsets(%dma_start3A_27 : memref<512xi32, #tpu.memory_space<vmem>>) semaphore(%arg9 : memref<!tpu.dma_semaphore, #tpu.memory_space<semaphore_mem>>)
    %dma_start3A_31 = arith.constant 1 : i32
    %dma_start3A_32 = arith.constant 0 : i32
    %dma_start3A_33 = arith.constant 0 : i32
    %dma_start3A_34 = tpu.memref_slice %arg7[%dma_start3A_31, %dma_start3A_32, %dma_start3A_33] : memref<2x512x32xf32, #tpu.memory_space<vmem>> -> memref<1x512x32xf32, #tpu.memory_space<vmem>>
    %dma_start3A_35 = tpu.memref_squeeze %dma_start3A_34 : memref<1x512x32xf32, #tpu.memory_space<vmem>> -> memref<512x32xf32, #tpu.memory_space<vmem>>
    %dma_start3A_36 = arith.constant 512 : i32
    %dma_start3A_37 = tpu.memref_slice %arg6[%dma_start3A_36] : memref<25600xi32, #tpu.memory_space<vmem>> -> memref<512xi32, #tpu.memory_space<vmem>>
    %dma_start3A_38 = arith.constant 0 : i32
    %dma_start3A_39 = arith.constant 0 : i32
    %dma_start3A_40 = tpu.memref_slice %arg3[%dma_start3A_38, %dma_start3A_39] : memref<200001x32xf32, #tpu.memory_space<hbm>> -> memref<200001x32xf32, #tpu.memory_space<hbm>>
    tpu.enqueue_indirect_dma source(%dma_start3A_40 : memref<200001x32xf32, #tpu.memory_space<hbm>>) target(%dma_start3A_35 : memref<512x32xf32, #tpu.memory_space<vmem>>) offsets(%dma_start3A_37 : memref<512xi32, #tpu.memory_space<vmem>>) semaphore(%arg10 : memref<!tpu.dma_semaphore, #tpu.memory_space<semaphore_mem>>)
    %dma_wait3A = arith.constant 0 : i32
    %dma_wait3A_41 = arith.constant 0 : i32
    %dma_wait3A_42 = arith.constant 0 : i32
    %dma_wait3A_43 = tpu.memref_slice %arg7[%dma_wait3A, %dma_wait3A_41, %dma_wait3A_42] : memref<2x512x32xf32, #tpu.memory_space<vmem>> -> memref<1x512x32xf32, #tpu.memory_space<vmem>>
    %dma_wait3A_44 = tpu.memref_squeeze %dma_wait3A_43 : memref<1x512x32xf32, #tpu.memory_space<vmem>> -> memref<512x32xf32, #tpu.memory_space<vmem>>
    %dma_wait3A_45 = arith.constant 0 : i32
    %dma_wait3A_46 = tpu.memref_slice %arg6[%dma_wait3A_45] : memref<25600xi32, #tpu.memory_space<vmem>> -> memref<512xi32, #tpu.memory_space<vmem>>
    %dma_wait3A_47 = arith.constant 0 : i32
    %dma_wait3A_48 = arith.constant 0 : i32
    %dma_wait3A_49 = tpu.memref_slice %arg3[%dma_wait3A_47, %dma_wait3A_48] : memref<200001x32xf32, #tpu.memory_space<hbm>> -> memref<200001x32xf32, #tpu.memory_space<hbm>>
    tpu.wait_indirect_dma semaphore(%arg9 : memref<!tpu.dma_semaphore, #tpu.memory_space<semaphore_mem>>) src(%dma_wait3A_49 : memref<200001x32xf32, #tpu.memory_space<hbm>>) dst(%dma_wait3A_44 : memref<512x32xf32, #tpu.memory_space<vmem>>)
    %scan3A_50 = arith.constant 0 : i32
    %scan3A_51 = arith.constant 0 : i32
    %scan3A_52 = arith.constant 32 : i32
    %scan3A_53 = arith.addi %scan3A_51, %scan3A_52 : i32
    %scan3A_54 = arith.constant 1 : i32
    scf.for %scan3A_330 = %scan3A_51 to %scan3A_53 step %scan3A_54  : i32 {
      %shift_right_arithmetic3A_331 = arith.constant 3 : i32
      %shift_right_arithmetic3A_332 = arith.shrsi %scan3A_330, %shift_right_arithmetic3A_331 : i32
      %and3A_333 = arith.constant 7 : i32
      %and3A_334 = arith.andi %scan3A_330, %and3A_333 : i32
      %mul3A_335 = arith.constant 16 : i32
      %mul3A_336 = arith.muli %scan3A_330, %mul3A_335 : i32
      %add3A_337 = arith.constant 0 : i32
      %add3A_338 = arith.addi %mul3A_336, %add3A_337 : i32
      %mul3A_339 = arith.constant 16 : i32
      %mul3A_340 = arith.muli %and3A_334, %mul3A_339 : i32
      %add3A_341 = arith.constant 0 : i32
      %add3A_342 = arith.addi %mul3A_340, %add3A_341 : i32
      %add3A_343 = vector.broadcast %add3A_342 : i32 to vector<16xi32>
      %add3A_344 = arith.addi %broadcast_in_dim3A_6, %add3A_343 : vector<16xi32>
      %get3A = arith.constant 0 : i32
      %get3A_345 = arith.index_cast %get3A : i32 to index
      %get3A_346 = arith.index_cast %add3A_338 : i32 to index
      %get3A_347 = arith.constant 0 : index
      %get3A_348 = tpu.vector_load %arg7[%get3A_345, %get3A_346, %get3A_347] {strides = array<i32>} : memref<2x512x32xf32, #tpu.memory_space<vmem>>, vector<16xf32>,
      %scatter3A = arith.constant 0 : i32
      %scatter3A_349 = arith.constant 0 : i32
      %scatter3A_350 = arith.constant 0 : i32
      %scatter3A_351 = arith.constant 0 : i32
      %scatter3A_352 = tpu.memref_slice %arg8[%scatter3A, %shift_right_arithmetic3A_332, %scatter3A_349, %scatter3A_350, %scatter3A_351] : memref<2x4x4x8x129xf32, #tpu.memory_space<vmem>> -> memref<1x1x4x8x129xf32, #tpu.memory_space<vmem>>
      %scatter3A_353 = tpu.memref_squeeze %scatter3A_352 : memref<1x1x4x8x129xf32, #tpu.memory_space<vmem>> -> memref<4x8x129xf32, #tpu.memory_space<vmem>>
      tpu.vector_store_idx %scatter3A_353[%shift_right_arithmetic3A_8, %and3A_16, %add3A_344], %get3A_348 : memref<4x8x129xf32, #tpu.memory_space<vmem>>[vector<16xi32>, vector<16xi32>, vector<16xi32>], vector<16xf32>,
      %get3A_354 = arith.constant 0 : i32
      %get3A_355 = arith.index_cast %get3A_354 : i32 to index
      %get3A_356 = arith.index_cast %add3A_338 : i32 to index
      %get3A_357 = arith.constant 16 : index
      %get3A_358 = tpu.vector_load %arg7[%get3A_355, %get3A_356, %get3A_357] {strides = array<i32>} : memref<2x512x32xf32, #tpu.memory_space<vmem>>, vector<16xf32>,
      %scatter3A_359 = arith.constant 0 : i32
      %scatter3A_360 = arith.constant 0 : i32
      %scatter3A_361 = arith.constant 0 : i32
      %scatter3A_362 = arith.constant 0 : i32
      %scatter3A_363 = tpu.memref_slice %arg8[%scatter3A_359, %shift_right_arithmetic3A_332, %scatter3A_360, %scatter3A_361, %scatter3A_362] : memref<2x4x4x8x129xf32, #tpu.memory_space<vmem>> -> memref<1x1x4x8x129xf32, #tpu.memory_space<vmem>>
      %scatter3A_364 = tpu.memref_squeeze %scatter3A_363 : memref<1x1x4x8x129xf32, #tpu.memory_space<vmem>> -> memref<4x8x129xf32, #tpu.memory_space<vmem>>
      tpu.vector_store_idx %scatter3A_364[%add3A_14, %and3A_16, %add3A_344], %get3A_358 : memref<4x8x129xf32, #tpu.memory_space<vmem>>[vector<16xi32>, vector<16xi32>, vector<16xi32>], vector<16xf32>,
      %add3A_365 = arith.constant 1 : i32
      %add3A_366 = arith.addi %mul3A_336, %add3A_365 : i32
      %mul3A_367 = arith.constant 16 : i32
      %mul3A_368 = arith.muli %and3A_334, %mul3A_367 : i32
      %add3A_369 = arith.constant 1 : i32
      %add3A_370 = arith.addi %mul3A_368, %add3A_369 : i32
      %add3A_371 = vector.broadcast %add3A_370 : i32 to vector<16xi32>
      %add3A_372 = arith.addi %broadcast_in_dim3A_6, %add3A_371 : vector<16xi32>
      %get3A_373 = arith.constant 0 : i32
      %get3A_374 = arith.index_cast %get3A_373 : i32 to index
      %get3A_375 = arith.index_cast %add3A_366 : i32 to index
      %get3A_376 = arith.constant 0 : index
      %get3A_377 = tpu.vector_load %arg7[%get3A_374, %get3A_375, %get3A_376] {strides = array<i32>} : memref<2x512x32xf32, #tpu.memory_space<vmem>>, vector<16xf32>,
      %scatter3A_378 = arith.constant 0 : i32
      %scatter3A_379 = arith.constant 0 : i32
      %scatter3A_380 = arith.constant 0 : i32
      %scatter3A_381 = arith.constant 0 : i32
      %scatter3A_382 = tpu.memref_slice %arg8[%scatter3A_378, %shift_right_arithmetic3A_332, %scatter3A_379, %scatter3A_380, %scatter3A_381] : memref<2x4x4x8x129xf32, #tpu.memory_space<vmem>> -> memref<1x1x4x8x129xf32, #tpu.memory_space<vmem>>
      %scatter3A_383 = tpu.memref_squeeze %scatter3A_382 : memref<1x1x4x8x129xf32, #tpu.memory_space<vmem>> -> memref<4x8x129xf32, #tpu.memory_space<vmem>>
      tpu.vector_store_idx %scatter3A_383[%shift_right_arithmetic3A_8, %and3A_16, %add3A_372], %get3A_377 : memref<4x8x129xf32, #tpu.memory_space<vmem>>[vector<16xi32>, vector<16xi32>, vector<16xi32>], vector<16xf32>,
      %get3A_384 = arith.constant 0 : i32
      %get3A_385 = arith.index_cast %get3A_384 : i32 to index
      %get3A_386 = arith.index_cast %add3A_366 : i32 to index
      %get3A_387 = arith.constant 16 : index
      %get3A_388 = tpu.vector_load %arg7[%get3A_385, %get3A_386, %get3A_387] {strides = array<i32>} : memref<2x512x32xf32, #tpu.memory_space<vmem>>, vector<16xf32>,
      %scatter3A_389 = arith.constant 0 : i32
      %scatter3A_390 = arith.constant 0 : i32
      %scatter3A_391 = arith.constant 0 : i32
      %scatter3A_392 = arith.constant 0 : i32
      %scatter3A_393 = tpu.memref_slice %arg8[%scatter3A_389, %shift_right_arithmetic3A_332, %scatter3A_390, %scatter3A_391, %scatter3A_392] : memref<2x4x4x8x129xf32, #tpu.memory_space<vmem>> -> memref<1x1x4x8x129xf32, #tpu.memory_space<vmem>>
      %scatter3A_394 = tpu.memref_squeeze %scatter3A_393 : memref<1x1x4x8x129xf32, #tpu.memory_space<vmem>> -> memref<4x8x129xf32, #tpu.memory_space<vmem>>
      tpu.vector_store_idx %scatter3A_394[%add3A_14, %and3A_16, %add3A_372], %get3A_388 : memref<4x8x129xf32, #tpu.memory_space<vmem>>[vector<16xi32>, vector<16xi32>, vector<16xi32>], vector<16xf32>,
      %add3A_395 = arith.constant 2 : i32
      %add3A_396 = arith.addi %mul3A_336, %add3A_395 : i32
      %mul3A_397 = arith.constant 16 : i32
      %mul3A_398 = arith.muli %and3A_334, %mul3A_397 : i32
      %add3A_399 = arith.constant 2 : i32
      %add3A_400 = arith.addi %mul3A_398, %add3A_399 : i32
      %add3A_401 = vector.broadcast %add3A_400 : i32 to vector<16xi32>
      %add3A_402 = arith.addi %broadcast_in_dim3A_6, %add3A_401 : vector<16xi32>
      %get3A_403 = arith.constant 0 : i32
      %get3A_404 = arith.index_cast %get3A_403 : i32 to index
      %get3A_405 = arith.index_cast %add3A_396 : i32 to index
      %get3A_406 = arith.constant 0 : index
      %get3A_407 = tpu.vector_load %arg7[%get3A_404, %get3A_405, %get3A_406] {strides = array<i32>} : memref<2x512x32xf32, #tpu.memory_space<vmem>>, vector<16xf32>,
      %scatter3A_408 = arith.constant 0 : i32
      %scatter3A_409 = arith.constant 0 : i32
      %scatter3A_410 = arith.constant 0 : i32
      %scatter3A_411 = arith.constant 0 : i32
      %scatter3A_412 = tpu.memref_slice %arg8[%scatter3A_408, %shift_right_arithmetic3A_332, %scatter3A_409, %scatter3A_410, %scatter3A_411] : memref<2x4x4x8x129xf32, #tpu.memory_space<vmem>> -> memref<1x1x4x8x129xf32, #tpu.memory_space<vmem>>
      %scatter3A_413 = tpu.memref_squeeze %scatter3A_412 : memref<1x1x4x8x129xf32, #tpu.memory_space<vmem>> -> memref<4x8x129xf32, #tpu.memory_space<vmem>>
      tpu.vector_store_idx %scatter3A_413[%shift_right_arithmetic3A_8, %and3A_16, %add3A_402], %get3A_407 : memref<4x8x129xf32, #tpu.memory_space<vmem>>[vector<16xi32>, vector<16xi32>, vector<16xi32>], vector<16xf32>,
      %get3A_414 = arith.constant 0 : i32
      %get3A_415 = arith.index_cast %get3A_414 : i32 to index
      %get3A_416 = arith.index_cast %add3A_396 : i32 to index
      %get3A_417 = arith.constant 16 : index
      %get3A_418 = tpu.vector_load %arg7[%get3A_415, %get3A_416, %get3A_417] {strides = array<i32>} : memref<2x512x32xf32, #tpu.memory_space<vmem>>, vector<16xf32>,
      %scatter3A_419 = arith.constant 0 : i32
      %scatter3A_420 = arith.constant 0 : i32
      %scatter3A_421 = arith.constant 0 : i32
      %scatter3A_422 = arith.constant 0 : i32
      %scatter3A_423 = tpu.memref_slice %arg8[%scatter3A_419, %shift_right_arithmetic3A_332, %scatter3A_420, %scatter3A_421, %scatter3A_422] : memref<2x4x4x8x129xf32, #tpu.memory_space<vmem>> -> memref<1x1x4x8x129xf32, #tpu.memory_space<vmem>>
      %scatter3A_424 = tpu.memref_squeeze %scatter3A_423 : memref<1x1x4x8x129xf32, #tpu.memory_space<vmem>> -> memref<4x8x129xf32, #tpu.memory_space<vmem>>
      tpu.vector_store_idx %scatter3A_424[%add3A_14, %and3A_16, %add3A_402], %get3A_418 : memref<4x8x129xf32, #tpu.memory_space<vmem>>[vector<16xi32>, vector<16xi32>, vector<16xi32>], vector<16xf32>,
      %add3A_425 = arith.constant 3 : i32
      %add3A_426 = arith.addi %mul3A_336, %add3A_425 : i32
      %mul3A_427 = arith.constant 16 : i32
      %mul3A_428 = arith.muli %and3A_334, %mul3A_427 : i32
      %add3A_429 = arith.constant 3 : i32
      %add3A_430 = arith.addi %mul3A_428, %add3A_429 : i32
      %add3A_431 = vector.broadcast %add3A_430 : i32 to vector<16xi32>
      %add3A_432 = arith.addi %broadcast_in_dim3A_6, %add3A_431 : vector<16xi32>
      %get3A_433 = arith.constant 0 : i32
      %get3A_434 = arith.index_cast %get3A_433 : i32 to index
      %get3A_435 = arith.index_cast %add3A_426 : i32 to index
      %get3A_436 = arith.constant 0 : index
      %get3A_437 = tpu.vector_load %arg7[%get3A_434, %get3A_435, %get3A_436] {strides = array<i32>} : memref<2x512x32xf32, #tpu.memory_space<vmem>>, vector<16xf32>,
      %scatter3A_438 = arith.constant 0 : i32
      %scatter3A_439 = arith.constant 0 : i32
      %scatter3A_440 = arith.constant 0 : i32
      %scatter3A_441 = arith.constant 0 : i32
      %scatter3A_442 = tpu.memref_slice %arg8[%scatter3A_438, %shift_right_arithmetic3A_332, %scatter3A_439, %scatter3A_440, %scatter3A_441] : memref<2x4x4x8x129xf32, #tpu.memory_space<vmem>> -> memref<1x1x4x8x129xf32, #tpu.memory_space<vmem>>
      %scatter3A_443 = tpu.memref_squeeze %scatter3A_442 : memref<1x1x4x8x129xf32, #tpu.memory_space<vmem>> -> memref<4x8x129xf32, #tpu.memory_space<vmem>>
      tpu.vector_store_idx %scatter3A_443[%shift_right_arithmetic3A_8, %and3A_16, %add3A_432], %get3A_437 : memref<4x8x129xf32, #tpu.memory_space<vmem>>[vector<16xi32>, vector<16xi32>, vector<16xi32>], vector<16xf32>,
      %get3A_444 = arith.constant 0 : i32
      %get3A_445 = arith.index_cast %get3A_444 : i32 to index
      %get3A_446 = arith.index_cast %add3A_426 : i32 to index
      %get3A_447 = arith.constant 16 : index
      %get3A_448 = tpu.vector_load %arg7[%get3A_445, %get3A_446, %get3A_447] {strides = array<i32>} : memref<2x512x32xf32, #tpu.memory_space<vmem>>, vector<16xf32>,
      %scatter3A_449 = arith.constant 0 : i32
      %scatter3A_450 = arith.constant 0 : i32
      %scatter3A_451 = arith.constant 0 : i32
      %scatter3A_452 = arith.constant 0 : i32
      %scatter3A_453 = tpu.memref_slice %arg8[%scatter3A_449, %shift_right_arithmetic3A_332, %scatter3A_450, %scatter3A_451, %scatter3A_452] : memref<2x4x4x8x129xf32, #tpu.memory_space<vmem>> -> memref<1x1x4x8x129xf32, #tpu.memory_space<vmem>>
      %scatter3A_454 = tpu.memref_squeeze %scatter3A_453 : memref<1x1x4x8x129xf32, #tpu.memory_space<vmem>> -> memref<4x8x129xf32, #tpu.memory_space<vmem>>
      tpu.vector_store_idx %scatter3A_454[%add3A_14, %and3A_16, %add3A_432], %get3A_448 : memref<4x8x129xf32, #tpu.memory_space<vmem>>[vector<16xi32>, vector<16xi32>, vector<16xi32>], vector<16xf32>,
      %add3A_455 = arith.constant 4 : i32
      %add3A_456 = arith.addi %mul3A_336, %add3A_455 : i32
      %mul3A_457 = arith.constant 16 : i32
      %mul3A_458 = arith.muli %and3A_334, %mul3A_457 : i32
      %add3A_459 = arith.constant 4 : i32
      %add3A_460 = arith.addi %mul3A_458, %add3A_459 : i32
      %add3A_461 = vector.broadcast %add3A_460 : i32 to vector<16xi32>
      %add3A_462 = arith.addi %broadcast_in_dim3A_6, %add3A_461 : vector<16xi32>
      %get3A_463 = arith.constant 0 : i32
      %get3A_464 = arith.index_cast %get3A_463 : i32 to index
      %get3A_465 = arith.index_cast %add3A_456 : i32 to index
      %get3A_466 = arith.constant 0 : index
      %get3A_467 = tpu.vector_load %arg7[%get3A_464, %get3A_465, %get3A_466] {strides = array<i32>} : memref<2x512x32xf32, #tpu.memory_space<vmem>>, vector<16xf32>,
      %scatter3A_468 = arith.constant 0 : i32
      %scatter3A_469 = arith.constant 0 : i32
      %scatter3A_470 = arith.constant 0 : i32
      %scatter3A_471 = arith.constant 0 : i32
      %scatter3A_472 = tpu.memref_slice %arg8[%scatter3A_468, %shift_right_arithmetic3A_332, %scatter3A_469, %scatter3A_470, %scatter3A_471] : memref<2x4x4x8x129xf32, #tpu.memory_space<vmem>> -> memref<1x1x4x8x129xf32, #tpu.memory_space<vmem>>
      %scatter3A_473 = tpu.memref_squeeze %scatter3A_472 : memref<1x1x4x8x129xf32, #tpu.memory_space<vmem>> -> memref<4x8x129xf32, #tpu.memory_space<vmem>>
      tpu.vector_store_idx %scatter3A_473[%shift_right_arithmetic3A_8, %and3A_16, %add3A_462], %get3A_467 : memref<4x8x129xf32, #tpu.memory_space<vmem>>[vector<16xi32>, vector<16xi32>, vector<16xi32>], vector<16xf32>,
      %get3A_474 = arith.constant 0 : i32
      %get3A_475 = arith.index_cast %get3A_474 : i32 to index
      %get3A_476 = arith.index_cast %add3A_456 : i32 to index
      %get3A_477 = arith.constant 16 : index
      %get3A_478 = tpu.vector_load %arg7[%get3A_475, %get3A_476, %get3A_477] {strides = array<i32>} : memref<2x512x32xf32, #tpu.memory_space<vmem>>, vector<16xf32>,
      %scatter3A_479 = arith.constant 0 : i32
      %scatter3A_480 = arith.constant 0 : i32
      %scatter3A_481 = arith.constant 0 : i32
      %scatter3A_482 = arith.constant 0 : i32
      %scatter3A_483 = tpu.memref_slice %arg8[%scatter3A_479, %shift_right_arithmetic3A_332, %scatter3A_480, %scatter3A_481, %scatter3A_482] : memref<2x4x4x8x129xf32, #tpu.memory_space<vmem>> -> memref<1x1x4x8x129xf32, #tpu.memory_space<vmem>>
      %scatter3A_484 = tpu.memref_squeeze %scatter3A_483 : memref<1x1x4x8x129xf32, #tpu.memory_space<vmem>> -> memref<4x8x129xf32, #tpu.memory_space<vmem>>
      tpu.vector_store_idx %scatter3A_484[%add3A_14, %and3A_16, %add3A_462], %get3A_478 : memref<4x8x129xf32, #tpu.memory_space<vmem>>[vector<16xi32>, vector<16xi32>, vector<16xi32>], vector<16xf32>,
      %add3A_485 = arith.constant 5 : i32
      %add3A_486 = arith.addi %mul3A_336, %add3A_485 : i32
      %mul3A_487 = arith.constant 16 : i32
      %mul3A_488 = arith.muli %and3A_334, %mul3A_487 : i32
      %add3A_489 = arith.constant 5 : i32
      %add3A_490 = arith.addi %mul3A_488, %add3A_489 : i32
      %add3A_491 = vector.broadcast %add3A_490 : i32 to vector<16xi32>
      %add3A_492 = arith.addi %broadcast_in_dim3A_6, %add3A_491 : vector<16xi32>
      %get3A_493 = arith.constant 0 : i32
      %get3A_494 = arith.index_cast %get3A_493 : i32 to index
      %get3A_495 = arith.index_cast %add3A_486 : i32 to index
      %get3A_496 = arith.constant 0 : index
      %get3A_497 = tpu.vector_load %arg7[%get3A_494, %get3A_495, %get3A_496] {strides = array<i32>} : memref<2x512x32xf32, #tpu.memory_space<vmem>>, vector<16xf32>,
      %scatter3A_498 = arith.constant 0 : i32
      %scatter3A_499 = arith.constant 0 : i32
      %scatter3A_500 = arith.constant 0 : i32
      %scatter3A_501 = arith.constant 0 : i32
      %scatter3A_502 = tpu.memref_slice %arg8[%scatter3A_498, %shift_right_arithmetic3A_332, %scatter3A_499, %scatter3A_500, %scatter3A_501] : memref<2x4x4x8x129xf32, #tpu.memory_space<vmem>> -> memref<1x1x4x8x129xf32, #tpu.memory_space<vmem>>
      %scatter3A_503 = tpu.memref_squeeze %scatter3A_502 : memref<1x1x4x8x129xf32, #tpu.memory_space<vmem>> -> memref<4x8x129xf32, #tpu.memory_space<vmem>>
      tpu.vector_store_idx %scatter3A_503[%shift_right_arithmetic3A_8, %and3A_16, %add3A_492], %get3A_497 : memref<4x8x129xf32, #tpu.memory_space<vmem>>[vector<16xi32>, vector<16xi32>, vector<16xi32>], vector<16xf32>,
      %get3A_504 = arith.constant 0 : i32
      %get3A_505 = arith.index_cast %get3A_504 : i32 to index
      %get3A_506 = arith.index_cast %add3A_486 : i32 to index
      %get3A_507 = arith.constant 16 : index
      %get3A_508 = tpu.vector_load %arg7[%get3A_505, %get3A_506, %get3A_507] {strides = array<i32>} : memref<2x512x32xf32, #tpu.memory_space<vmem>>, vector<16xf32>,
      %scatter3A_509 = arith.constant 0 : i32
      %scatter3A_510 = arith.constant 0 : i32
      %scatter3A_511 = arith.constant 0 : i32
      %scatter3A_512 = arith.constant 0 : i32
      %scatter3A_513 = tpu.memref_slice %arg8[%scatter3A_509, %shift_right_arithmetic3A_332, %scatter3A_510, %scatter3A_511, %scatter3A_512] : memref<2x4x4x8x129xf32, #tpu.memory_space<vmem>> -> memref<1x1x4x8x129xf32, #tpu.memory_space<vmem>>
      %scatter3A_514 = tpu.memref_squeeze %scatter3A_513 : memref<1x1x4x8x129xf32, #tpu.memory_space<vmem>> -> memref<4x8x129xf32, #tpu.memory_space<vmem>>
      tpu.vector_store_idx %scatter3A_514[%add3A_14, %and3A_16, %add3A_492], %get3A_508 : memref<4x8x129xf32, #tpu.memory_space<vmem>>[vector<16xi32>, vector<16xi32>, vector<16xi32>], vector<16xf32>,
      %add3A_515 = arith.constant 6 : i32
      %add3A_516 = arith.addi %mul3A_336, %add3A_515 : i32
      %mul3A_517 = arith.constant 16 : i32
      %mul3A_518 = arith.muli %and3A_334, %mul3A_517 : i32
      %add3A_519 = arith.constant 6 : i32
      %add3A_520 = arith.addi %mul3A_518, %add3A_519 : i32
      %add3A_521 = vector.broadcast %add3A_520 : i32 to vector<16xi32>
      %add3A_522 = arith.addi %broadcast_in_dim3A_6, %add3A_521 : vector<16xi32>
      %get3A_523 = arith.constant 0 : i32
      %get3A_524 = arith.index_cast %get3A_523 : i32 to index
      %get3A_525 = arith.index_cast %add3A_516 : i32 to index
      %get3A_526 = arith.constant 0 : index
      %get3A_527 = tpu.vector_load %arg7[%get3A_524, %get3A_525, %get3A_526] {strides = array<i32>} : memref<2x512x32xf32, #tpu.memory_space<vmem>>, vector<16xf32>,
      %scatter3A_528 = arith.constant 0 : i32
      %scatter3A_529 = arith.constant 0 : i32
      %scatter3A_530 = arith.constant 0 : i32
      %scatter3A_531 = arith.constant 0 : i32
      %scatter3A_532 = tpu.memref_slice %arg8[%scatter3A_528, %shift_right_arithmetic3A_332, %scatter3A_529, %scatter3A_530, %scatter3A_531] : memref<2x4x4x8x129xf32, #tpu.memory_space<vmem>> -> memref<1x1x4x8x129xf32, #tpu.memory_space<vmem>>
      %scatter3A_533 = tpu.memref_squeeze %scatter3A_532 : memref<1x1x4x8x129xf32, #tpu.memory_space<vmem>> -> memref<4x8x129xf32, #tpu.memory_space<vmem>>
      tpu.vector_store_idx %scatter3A_533[%shift_right_arithmetic3A_8, %and3A_16, %add3A_522], %get3A_527 : memref<4x8x129xf32, #tpu.memory_space<vmem>>[vector<16xi32>, vector<16xi32>, vector<16xi32>], vector<16xf32>,
      %get3A_534 = arith.constant 0 : i32
      %get3A_535 = arith.index_cast %get3A_534 : i32 to index
      %get3A_536 = arith.index_cast %add3A_516 : i32 to index
      %get3A_537 = arith.constant 16 : index
      %get3A_538 = tpu.vector_load %arg7[%get3A_535, %get3A_536, %get3A_537] {strides = array<i32>} : memref<2x512x32xf32, #tpu.memory_space<vmem>>, vector<16xf32>,
      %scatter3A_539 = arith.constant 0 : i32
      %scatter3A_540 = arith.constant 0 : i32
      %scatter3A_541 = arith.constant 0 : i32
      %scatter3A_542 = arith.constant 0 : i32
      %scatter3A_543 = tpu.memref_slice %arg8[%scatter3A_539, %shift_right_arithmetic3A_332, %scatter3A_540, %scatter3A_541, %scatter3A_542] : memref<2x4x4x8x129xf32, #tpu.memory_space<vmem>> -> memref<1x1x4x8x129xf32, #tpu.memory_space<vmem>>
      %scatter3A_544 = tpu.memref_squeeze %scatter3A_543 : memref<1x1x4x8x129xf32, #tpu.memory_space<vmem>> -> memref<4x8x129xf32, #tpu.memory_space<vmem>>
      tpu.vector_store_idx %scatter3A_544[%add3A_14, %and3A_16, %add3A_522], %get3A_538 : memref<4x8x129xf32, #tpu.memory_space<vmem>>[vector<16xi32>, vector<16xi32>, vector<16xi32>], vector<16xf32>,
      %add3A_545 = arith.constant 7 : i32
      %add3A_546 = arith.addi %mul3A_336, %add3A_545 : i32
      %mul3A_547 = arith.constant 16 : i32
      %mul3A_548 = arith.muli %and3A_334, %mul3A_547 : i32
      %add3A_549 = arith.constant 7 : i32
      %add3A_550 = arith.addi %mul3A_548, %add3A_549 : i32
      %add3A_551 = vector.broadcast %add3A_550 : i32 to vector<16xi32>
      %add3A_552 = arith.addi %broadcast_in_dim3A_6, %add3A_551 : vector<16xi32>
      %get3A_553 = arith.constant 0 : i32
      %get3A_554 = arith.index_cast %get3A_553 : i32 to index
      %get3A_555 = arith.index_cast %add3A_546 : i32 to index
      %get3A_556 = arith.constant 0 : index
      %get3A_557 = tpu.vector_load %arg7[%get3A_554, %get3A_555, %get3A_556] {strides = array<i32>} : memref<2x512x32xf32, #tpu.memory_space<vmem>>, vector<16xf32>,
      %scatter3A_558 = arith.constant 0 : i32
      %scatter3A_559 = arith.constant 0 : i32
      %scatter3A_560 = arith.constant 0 : i32
      %scatter3A_561 = arith.constant 0 : i32
      %scatter3A_562 = tpu.memref_slice %arg8[%scatter3A_558, %shift_right_arithmetic3A_332, %scatter3A_559, %scatter3A_560, %scatter3A_561] : memref<2x4x4x8x129xf32, #tpu.memory_space<vmem>> -> memref<1x1x4x8x129xf32, #tpu.memory_space<vmem>>
      %scatter3A_563 = tpu.memref_squeeze %scatter3A_562 : memref<1x1x4x8x129xf32, #tpu.memory_space<vmem>> -> memref<4x8x129xf32, #tpu.memory_space<vmem>>
      tpu.vector_store_idx %scatter3A_563[%shift_right_arithmetic3A_8, %and3A_16, %add3A_552], %get3A_557 : memref<4x8x129xf32, #tpu.memory_space<vmem>>[vector<16xi32>, vector<16xi32>, vector<16xi32>], vector<16xf32>,
      %get3A_564 = arith.constant 0 : i32
      %get3A_565 = arith.index_cast %get3A_564 : i32 to index
      %get3A_566 = arith.index_cast %add3A_546 : i32 to index
      %get3A_567 = arith.constant 16 : index
      %get3A_568 = tpu.vector_load %arg7[%get3A_565, %get3A_566, %get3A_567] {strides = array<i32>} : memref<2x512x32xf32, #tpu.memory_space<vmem>>, vector<16xf32>,
      %scatter3A_569 = arith.constant 0 : i32
      %scatter3A_570 = arith.constant 0 : i32
      %scatter3A_571 = arith.constant 0 : i32
      %scatter3A_572 = arith.constant 0 : i32
      %scatter3A_573 = tpu.memref_slice %arg8[%scatter3A_569, %shift_right_arithmetic3A_332, %scatter3A_570, %scatter3A_571, %scatter3A_572] : memref<2x4x4x8x129xf32, #tpu.memory_space<vmem>> -> memref<1x1x4x8x129xf32, #tpu.memory_space<vmem>>
      %scatter3A_574 = tpu.memref_squeeze %scatter3A_573 : memref<1x1x4x8x129xf32, #tpu.memory_space<vmem>> -> memref<4x8x129xf32, #tpu.memory_space<vmem>>
      tpu.vector_store_idx %scatter3A_574[%add3A_14, %and3A_16, %add3A_552], %get3A_568 : memref<4x8x129xf32, #tpu.memory_space<vmem>>[vector<16xi32>, vector<16xi32>, vector<16xi32>], vector<16xf32>,
      %add3A_575 = arith.constant 8 : i32
      %add3A_576 = arith.addi %mul3A_336, %add3A_575 : i32
      %mul3A_577 = arith.constant 16 : i32
      %mul3A_578 = arith.muli %and3A_334, %mul3A_577 : i32
      %add3A_579 = arith.constant 8 : i32
      %add3A_580 = arith.addi %mul3A_578, %add3A_579 : i32
      %add3A_581 = vector.broadcast %add3A_580 : i32 to vector<16xi32>
      %add3A_582 = arith.addi %broadcast_in_dim3A_6, %add3A_581 : vector<16xi32>
      %get3A_583 = arith.constant 0 : i32
      %get3A_584 = arith.index_cast %get3A_583 : i32 to index
      %get3A_585 = arith.index_cast %add3A_576 : i32 to index
      %get3A_586 = arith.constant 0 : index
      %get3A_587 = tpu.vector_load %arg7[%get3A_584, %get3A_585, %get3A_586] {strides = array<i32>} : memref<2x512x32xf32, #tpu.memory_space<vmem>>, vector<16xf32>,
      %scatter3A_588 = arith.constant 0 : i32
      %scatter3A_589 = arith.constant 0 : i32
      %scatter3A_590 = arith.constant 0 : i32
      %scatter3A_591 = arith.constant 0 : i32
      %scatter3A_592 = tpu.memref_slice %arg8[%scatter3A_588, %shift_right_arithmetic3A_332, %scatter3A_589, %scatter3A_590, %scatter3A_591] : memref<2x4x4x8x129xf32, #tpu.memory_space<vmem>> -> memref<1x1x4x8x129xf32, #tpu.memory_space<vmem>>
      %scatter3A_593 = tpu.memref_squeeze %scatter3A_592 : memref<1x1x4x8x129xf32, #tpu.memory_space<vmem>> -> memref<4x8x129xf32, #tpu.memory_space<vmem>>
      tpu.vector_store_idx %scatter3A_593[%shift_right_arithmetic3A_8, %and3A_16, %add3A_582], %get3A_587 : memref<4x8x129xf32, #tpu.memory_space<vmem>>[vector<16xi32>, vector<16xi32>, vector<16xi32>], vector<16xf32>,
      %get3A_594 = arith.constant 0 : i32
      %get3A_595 = arith.index_cast %get3A_594 : i32 to index
      %get3A_596 = arith.index_cast %add3A_576 : i32 to index
      %get3A_597 = arith.constant 16 : index
      %get3A_598 = tpu.vector_load %arg7[%get3A_595, %get3A_596, %get3A_597] {strides = array<i32>} : memref<2x512x32xf32, #tpu.memory_space<vmem>>, vector<16xf32>,
      %scatter3A_599 = arith.constant 0 : i32
      %scatter3A_600 = arith.constant 0 : i32
      %scatter3A_601 = arith.constant 0 : i32
      %scatter3A_602 = arith.constant 0 : i32
      %scatter3A_603 = tpu.memref_slice %arg8[%scatter3A_599, %shift_right_arithmetic3A_332, %scatter3A_600, %scatter3A_601, %scatter3A_602] : memref<2x4x4x8x129xf32, #tpu.memory_space<vmem>> -> memref<1x1x4x8x129xf32, #tpu.memory_space<vmem>>
      %scatter3A_604 = tpu.memref_squeeze %scatter3A_603 : memref<1x1x4x8x129xf32, #tpu.memory_space<vmem>> -> memref<4x8x129xf32, #tpu.memory_space<vmem>>
      tpu.vector_store_idx %scatter3A_604[%add3A_14, %and3A_16, %add3A_582], %get3A_598 : memref<4x8x129xf32, #tpu.memory_space<vmem>>[vector<16xi32>, vector<16xi32>, vector<16xi32>], vector<16xf32>,
      %add3A_605 = arith.constant 9 : i32
      %add3A_606 = arith.addi %mul3A_336, %add3A_605 : i32
      %mul3A_607 = arith.constant 16 : i32
      %mul3A_608 = arith.muli %and3A_334, %mul3A_607 : i32
      %add3A_609 = arith.constant 9 : i32
      %add3A_610 = arith.addi %mul3A_608, %add3A_609 : i32
      %add3A_611 = vector.broadcast %add3A_610 : i32 to vector<16xi32>
      %add3A_612 = arith.addi %broadcast_in_dim3A_6, %add3A_611 : vector<16xi32>
      %get3A_613 = arith.constant 0 : i32
      %get3A_614 = arith.index_cast %get3A_613 : i32 to index
      %get3A_615 = arith.index_cast %add3A_606 : i32 to index
      %get3A_616 = arith.constant 0 : index
      %get3A_617 = tpu.vector_load %arg7[%get3A_614, %get3A_615, %get3A_616] {strides = array<i32>} : memref<2x512x32xf32, #tpu.memory_space<vmem>>, vector<16xf32>,
      %scatter3A_618 = arith.constant 0 : i32
      %scatter3A_619 = arith.constant 0 : i32
      %scatter3A_620 = arith.constant 0 : i32
      %scatter3A_621 = arith.constant 0 : i32
      %scatter3A_622 = tpu.memref_slice %arg8[%scatter3A_618, %shift_right_arithmetic3A_332, %scatter3A_619, %scatter3A_620, %scatter3A_621] : memref<2x4x4x8x129xf32, #tpu.memory_space<vmem>> -> memref<1x1x4x8x129xf32, #tpu.memory_space<vmem>>
      %scatter3A_623 = tpu.memref_squeeze %scatter3A_622 : memref<1x1x4x8x129xf32, #tpu.memory_space<vmem>> -> memref<4x8x129xf32, #tpu.memory_space<vmem>>
      tpu.vector_store_idx %scatter3A_623[%shift_right_arithmetic3A_8, %and3A_16, %add3A_612], %get3A_617 : memref<4x8x129xf32, #tpu.memory_space<vmem>>[vector<16xi32>, vector<16xi32>, vector<16xi32>], vector<16xf32>,
      %get3A_624 = arith.constant 0 : i32
      %get3A_625 = arith.index_cast %get3A_624 : i32 to index
      %get3A_626 = arith.index_cast %add3A_606 : i32 to index
      %get3A_627 = arith.constant 16 : index
      %get3A_628 = tpu.vector_load %arg7[%get3A_625, %get3A_626, %get3A_627] {strides = array<i32>} : memref<2x512x32xf32, #tpu.memory_space<vmem>>, vector<16xf32>,
      %scatter3A_629 = arith.constant 0 : i32
      %scatter3A_630 = arith.constant 0 : i32
      %scatter3A_631 = arith.constant 0 : i32
      %scatter3A_632 = arith.constant 0 : i32
      %scatter3A_633 = tpu.memref_slice %arg8[%scatter3A_629, %shift_right_arithmetic3A_332, %scatter3A_630, %scatter3A_631, %scatter3A_632] : memref<2x4x4x8x129xf32, #tpu.memory_space<vmem>> -> memref<1x1x4x8x129xf32, #tpu.memory_space<vmem>>
      %scatter3A_634 = tpu.memref_squeeze %scatter3A_633 : memref<1x1x4x8x129xf32, #tpu.memory_space<vmem>> -> memref<4x8x129xf32, #tpu.memory_space<vmem>>
      tpu.vector_store_idx %scatter3A_634[%add3A_14, %and3A_16, %add3A_612], %get3A_628 : memref<4x8x129xf32, #tpu.memory_space<vmem>>[vector<16xi32>, vector<16xi32>, vector<16xi32>], vector<16xf32>,
      %add3A_635 = arith.constant 10 : i32
      %add3A_636 = arith.addi %mul3A_336, %add3A_635 : i32
      %mul3A_637 = arith.constant 16 : i32
      %mul3A_638 = arith.muli %and3A_334, %mul3A_637 : i32
      %add3A_639 = arith.constant 10 : i32
      %add3A_640 = arith.addi %mul3A_638, %add3A_639 : i32
      %add3A_641 = vector.broadcast %add3A_640 : i32 to vector<16xi32>
      %add3A_642 = arith.addi %broadcast_in_dim3A_6, %add3A_641 : vector<16xi32>
      %get3A_643 = arith.constant 0 : i32
      %get3A_644 = arith.index_cast %get3A_643 : i32 to index
      %get3A_645 = arith.index_cast %add3A_636 : i32 to index
      %get3A_646 = arith.constant 0 : index
      %get3A_647 = tpu.vector_load %arg7[%get3A_644, %get3A_645, %get3A_646] {strides = array<i32>} : memref<2x512x32xf32, #tpu.memory_space<vmem>>, vector<16xf32>,
      %scatter3A_648 = arith.constant 0 : i32
      %scatter3A_649 = arith.constant 0 : i32
      %scatter3A_650 = arith.constant 0 : i32
      %scatter3A_651 = arith.constant 0 : i32
      %scatter3A_652 = tpu.memref_slice %arg8[%scatter3A_648, %shift_right_arithmetic3A_332, %scatter3A_649, %scatter3A_650, %scatter3A_651] : memref<2x4x4x8x129xf32, #tpu.memory_space<vmem>> -> memref<1x1x4x8x129xf32, #tpu.memory_space<vmem>>
      %scatter3A_653 = tpu.memref_squeeze %scatter3A_652 : memref<1x1x4x8x129xf32, #tpu.memory_space<vmem>> -> memref<4x8x129xf32, #tpu.memory_space<vmem>>
      tpu.vector_store_idx %scatter3A_653[%shift_right_arithmetic3A_8, %and3A_16, %add3A_642], %get3A_647 : memref<4x8x129xf32, #tpu.memory_space<vmem>>[vector<16xi32>, vector<16xi32>, vector<16xi32>], vector<16xf32>,
      %get3A_654 = arith.constant 0 : i32
      %get3A_655 = arith.index_cast %get3A_654 : i32 to index
      %get3A_656 = arith.index_cast %add3A_636 : i32 to index
      %get3A_657 = arith.constant 16 : index
      %get3A_658 = tpu.vector_load %arg7[%get3A_655, %get3A_656, %get3A_657] {strides = array<i32>} : memref<2x512x32xf32, #tpu.memory_space<vmem>>, vector<16xf32>,
      %scatter3A_659 = arith.constant 0 : i32
      %scatter3A_660 = arith.constant 0 : i32
      %scatter3A_661 = arith.constant 0 : i32
      %scatter3A_662 = arith.constant 0 : i32
      %scatter3A_663 = tpu.memref_slice %arg8[%scatter3A_659, %shift_right_arithmetic3A_332, %scatter3A_660, %scatter3A_661, %scatter3A_662] : memref<2x4x4x8x129xf32, #tpu.memory_space<vmem>> -> memref<1x1x4x8x129xf32, #tpu.memory_space<vmem>>
      %scatter3A_664 = tpu.memref_squeeze %scatter3A_663 : memref<1x1x4x8x129xf32, #tpu.memory_space<vmem>> -> memref<4x8x129xf32, #tpu.memory_space<vmem>>
      tpu.vector_store_idx %scatter3A_664[%add3A_14, %and3A_16, %add3A_642], %get3A_658 : memref<4x8x129xf32, #tpu.memory_space<vmem>>[vector<16xi32>, vector<16xi32>, vector<16xi32>], vector<16xf32>,
      %add3A_665 = arith.constant 11 : i32
      %add3A_666 = arith.addi %mul3A_336, %add3A_665 : i32
      %mul3A_667 = arith.constant 16 : i32
      %mul3A_668 = arith.muli %and3A_334, %mul3A_667 : i32
      %add3A_669 = arith.constant 11 : i32
      %add3A_670 = arith.addi %mul3A_668, %add3A_669 : i32
      %add3A_671 = vector.broadcast %add3A_670 : i32 to vector<16xi32>
      %add3A_672 = arith.addi %broadcast_in_dim3A_6, %add3A_671 : vector<16xi32>
      %get3A_673 = arith.constant 0 : i32
      %get3A_674 = arith.index_cast %get3A_673 : i32 to index
      %get3A_675 = arith.index_cast %add3A_666 : i32 to index
      %get3A_676 = arith.constant 0 : index
      %get3A_677 = tpu.vector_load %arg7[%get3A_674, %get3A_675, %get3A_676] {strides = array<i32>} : memref<2x512x32xf32, #tpu.memory_space<vmem>>, vector<16xf32>,
      %scatter3A_678 = arith.constant 0 : i32
      %scatter3A_679 = arith.constant 0 : i32
      %scatter3A_680 = arith.constant 0 : i32
      %scatter3A_681 = arith.constant 0 : i32
      %scatter3A_682 = tpu.memref_slice %arg8[%scatter3A_678, %shift_right_arithmetic3A_332, %scatter3A_679, %scatter3A_680, %scatter3A_681] : memref<2x4x4x8x129xf32, #tpu.memory_space<vmem>> -> memref<1x1x4x8x129xf32, #tpu.memory_space<vmem>>
      %scatter3A_683 = tpu.memref_squeeze %scatter3A_682 : memref<1x1x4x8x129xf32, #tpu.memory_space<vmem>> -> memref<4x8x129xf32, #tpu.memory_space<vmem>>
      tpu.vector_store_idx %scatter3A_683[%shift_right_arithmetic3A_8, %and3A_16, %add3A_672], %get3A_677 : memref<4x8x129xf32, #tpu.memory_space<vmem>>[vector<16xi32>, vector<16xi32>, vector<16xi32>], vector<16xf32>,
      %get3A_684 = arith.constant 0 : i32
      %get3A_685 = arith.index_cast %get3A_684 : i32 to index
      %get3A_686 = arith.index_cast %add3A_666 : i32 to index
      %get3A_687 = arith.constant 16 : index
      %get3A_688 = tpu.vector_load %arg7[%get3A_685, %get3A_686, %get3A_687] {strides = array<i32>} : memref<2x512x32xf32, #tpu.memory_space<vmem>>, vector<16xf32>,
      %scatter3A_689 = arith.constant 0 : i32
      %scatter3A_690 = arith.constant 0 : i32
      %scatter3A_691 = arith.constant 0 : i32
      %scatter3A_692 = arith.constant 0 : i32
      %scatter3A_693 = tpu.memref_slice %arg8[%scatter3A_689, %shift_right_arithmetic3A_332, %scatter3A_690, %scatter3A_691, %scatter3A_692] : memref<2x4x4x8x129xf32, #tpu.memory_space<vmem>> -> memref<1x1x4x8x129xf32, #tpu.memory_space<vmem>>
      %scatter3A_694 = tpu.memref_squeeze %scatter3A_693 : memref<1x1x4x8x129xf32, #tpu.memory_space<vmem>> -> memref<4x8x129xf32, #tpu.memory_space<vmem>>
      tpu.vector_store_idx %scatter3A_694[%add3A_14, %and3A_16, %add3A_672], %get3A_688 : memref<4x8x129xf32, #tpu.memory_space<vmem>>[vector<16xi32>, vector<16xi32>, vector<16xi32>], vector<16xf32>,
      %add3A_695 = arith.constant 12 : i32
      %add3A_696 = arith.addi %mul3A_336, %add3A_695 : i32
      %mul3A_697 = arith.constant 16 : i32
      %mul3A_698 = arith.muli %and3A_334, %mul3A_697 : i32
      %add3A_699 = arith.constant 12 : i32
      %add3A_700 = arith.addi %mul3A_698, %add3A_699 : i32
      %add3A_701 = vector.broadcast %add3A_700 : i32 to vector<16xi32>
      %add3A_702 = arith.addi %broadcast_in_dim3A_6, %add3A_701 : vector<16xi32>
      %get3A_703 = arith.constant 0 : i32
      %get3A_704 = arith.index_cast %get3A_703 : i32 to index
      %get3A_705 = arith.index_cast %add3A_696 : i32 to index
      %get3A_706 = arith.constant 0 : index
      %get3A_707 = tpu.vector_load %arg7[%get3A_704, %get3A_705, %get3A_706] {strides = array<i32>} : memref<2x512x32xf32, #tpu.memory_space<vmem>>, vector<16xf32>,
      %scatter3A_708 = arith.constant 0 : i32
      %scatter3A_709 = arith.constant 0 : i32
      %scatter3A_710 = arith.constant 0 : i32
      %scatter3A_711 = arith.constant 0 : i32
      %scatter3A_712 = tpu.memref_slice %arg8[%scatter3A_708, %shift_right_arithmetic3A_332, %scatter3A_709, %scatter3A_710, %scatter3A_711] : memref<2x4x4x8x129xf32, #tpu.memory_space<vmem>> -> memref<1x1x4x8x129xf32, #tpu.memory_space<vmem>>
      %scatter3A_713 = tpu.memref_squeeze %scatter3A_712 : memref<1x1x4x8x129xf32, #tpu.memory_space<vmem>> -> memref<4x8x129xf32, #tpu.memory_space<vmem>>
      tpu.vector_store_idx %scatter3A_713[%shift_right_arithmetic3A_8, %and3A_16, %add3A_702], %get3A_707 : memref<4x8x129xf32, #tpu.memory_space<vmem>>[vector<16xi32>, vector<16xi32>, vector<16xi32>], vector<16xf32>,
      %get3A_714 = arith.constant 0 : i32
      %get3A_715 = arith.index_cast %get3A_714 : i32 to index
      %get3A_716 = arith.index_cast %add3A_696 : i32 to index
      %get3A_717 = arith.constant 16 : index
      %get3A_718 = tpu.vector_load %arg7[%get3A_715, %get3A_716, %get3A_717] {strides = array<i32>} : memref<2x512x32xf32, #tpu.memory_space<vmem>>, vector<16xf32>,
      %scatter3A_719 = arith.constant 0 : i32
      %scatter3A_720 = arith.constant 0 : i32
      %scatter3A_721 = arith.constant 0 : i32
      %scatter3A_722 = arith.constant 0 : i32
      %scatter3A_723 = tpu.memref_slice %arg8[%scatter3A_719, %shift_right_arithmetic3A_332, %scatter3A_720, %scatter3A_721, %scatter3A_722] : memref<2x4x4x8x129xf32, #tpu.memory_space<vmem>> -> memref<1x1x4x8x129xf32, #tpu.memory_space<vmem>>
      %scatter3A_724 = tpu.memref_squeeze %scatter3A_723 : memref<1x1x4x8x129xf32, #tpu.memory_space<vmem>> -> memref<4x8x129xf32, #tpu.memory_space<vmem>>
      tpu.vector_store_idx %scatter3A_724[%add3A_14, %and3A_16, %add3A_702], %get3A_718 : memref<4x8x129xf32, #tpu.memory_space<vmem>>[vector<16xi32>, vector<16xi32>, vector<16xi32>], vector<16xf32>,
      %add3A_725 = arith.constant 13 : i32
      %add3A_726 = arith.addi %mul3A_336, %add3A_725 : i32
      %mul3A_727 = arith.constant 16 : i32
      %mul3A_728 = arith.muli %and3A_334, %mul3A_727 : i32
      %add3A_729 = arith.constant 13 : i32
      %add3A_730 = arith.addi %mul3A_728, %add3A_729 : i32
      %add3A_731 = vector.broadcast %add3A_730 : i32 to vector<16xi32>
      %add3A_732 = arith.addi %broadcast_in_dim3A_6, %add3A_731 : vector<16xi32>
      %get3A_733 = arith.constant 0 : i32
      %get3A_734 = arith.index_cast %get3A_733 : i32 to index
      %get3A_735 = arith.index_cast %add3A_726 : i32 to index
      %get3A_736 = arith.constant 0 : index
      %get3A_737 = tpu.vector_load %arg7[%get3A_734, %get3A_735, %get3A_736] {strides = array<i32>} : memref<2x512x32xf32, #tpu.memory_space<vmem>>, vector<16xf32>,
      %scatter3A_738 = arith.constant 0 : i32
      %scatter3A_739 = arith.constant 0 : i32
      %scatter3A_740 = arith.constant 0 : i32
      %scatter3A_741 = arith.constant 0 : i32
      %scatter3A_742 = tpu.memref_slice %arg8[%scatter3A_738, %shift_right_arithmetic3A_332, %scatter3A_739, %scatter3A_740, %scatter3A_741] : memref<2x4x4x8x129xf32, #tpu.memory_space<vmem>> -> memref<1x1x4x8x129xf32, #tpu.memory_space<vmem>>
      %scatter3A_743 = tpu.memref_squeeze %scatter3A_742 : memref<1x1x4x8x129xf32, #tpu.memory_space<vmem>> -> memref<4x8x129xf32, #tpu.memory_space<vmem>>
      tpu.vector_store_idx %scatter3A_743[%shift_right_arithmetic3A_8, %and3A_16, %add3A_732], %get3A_737 : memref<4x8x129xf32, #tpu.memory_space<vmem>>[vector<16xi32>, vector<16xi32>, vector<16xi32>], vector<16xf32>,
      %get3A_744 = arith.constant 0 : i32
      %get3A_745 = arith.index_cast %get3A_744 : i32 to index
      %get3A_746 = arith.index_cast %add3A_726 : i32 to index
      %get3A_747 = arith.constant 16 : index
      %get3A_748 = tpu.vector_load %arg7[%get3A_745, %get3A_746, %get3A_747] {strides = array<i32>} : memref<2x512x32xf32, #tpu.memory_space<vmem>>, vector<16xf32>,
      %scatter3A_749 = arith.constant 0 : i32
      %scatter3A_750 = arith.constant 0 : i32
      %scatter3A_751 = arith.constant 0 : i32
      %scatter3A_752 = arith.constant 0 : i32
      %scatter3A_753 = tpu.memref_slice %arg8[%scatter3A_749, %shift_right_arithmetic3A_332, %scatter3A_750, %scatter3A_751, %scatter3A_752] : memref<2x4x4x8x129xf32, #tpu.memory_space<vmem>> -> memref<1x1x4x8x129xf32, #tpu.memory_space<vmem>>
      %scatter3A_754 = tpu.memref_squeeze %scatter3A_753 : memref<1x1x4x8x129xf32, #tpu.memory_space<vmem>> -> memref<4x8x129xf32, #tpu.memory_space<vmem>>
      tpu.vector_store_idx %scatter3A_754[%add3A_14, %and3A_16, %add3A_732], %get3A_748 : memref<4x8x129xf32, #tpu.memory_space<vmem>>[vector<16xi32>, vector<16xi32>, vector<16xi32>], vector<16xf32>,
      %add3A_755 = arith.constant 14 : i32
      %add3A_756 = arith.addi %mul3A_336, %add3A_755 : i32
      %mul3A_757 = arith.constant 16 : i32
      %mul3A_758 = arith.muli %and3A_334, %mul3A_757 : i32
      %add3A_759 = arith.constant 14 : i32
      %add3A_760 = arith.addi %mul3A_758, %add3A_759 : i32
      %add3A_761 = vector.broadcast %add3A_760 : i32 to vector<16xi32>
      %add3A_762 = arith.addi %broadcast_in_dim3A_6, %add3A_761 : vector<16xi32>
      %get3A_763 = arith.constant 0 : i32
      %get3A_764 = arith.index_cast %get3A_763 : i32 to index
      %get3A_765 = arith.index_cast %add3A_756 : i32 to index
      %get3A_766 = arith.constant 0 : index
      %get3A_767 = tpu.vector_load %arg7[%get3A_764, %get3A_765, %get3A_766] {strides = array<i32>} : memref<2x512x32xf32, #tpu.memory_space<vmem>>, vector<16xf32>,
      %scatter3A_768 = arith.constant 0 : i32
      %scatter3A_769 = arith.constant 0 : i32
      %scatter3A_770 = arith.constant 0 : i32
      %scatter3A_771 = arith.constant 0 : i32
      %scatter3A_772 = tpu.memref_slice %arg8[%scatter3A_768, %shift_right_arithmetic3A_332, %scatter3A_769, %scatter3A_770, %scatter3A_771] : memref<2x4x4x8x129xf32, #tpu.memory_space<vmem>> -> memref<1x1x4x8x129xf32, #tpu.memory_space<vmem>>
      %scatter3A_773 = tpu.memref_squeeze %scatter3A_772 : memref<1x1x4x8x129xf32, #tpu.memory_space<vmem>> -> memref<4x8x129xf32, #tpu.memory_space<vmem>>
      tpu.vector_store_idx %scatter3A_773[%shift_right_arithmetic3A_8, %and3A_16, %add3A_762], %get3A_767 : memref<4x8x129xf32, #tpu.memory_space<vmem>>[vector<16xi32>, vector<16xi32>, vector<16xi32>], vector<16xf32>,
      %get3A_774 = arith.constant 0 : i32
      %get3A_775 = arith.index_cast %get3A_774 : i32 to index
      %get3A_776 = arith.index_cast %add3A_756 : i32 to index
      %get3A_777 = arith.constant 16 : index
      %get3A_778 = tpu.vector_load %arg7[%get3A_775, %get3A_776, %get3A_777] {strides = array<i32>} : memref<2x512x32xf32, #tpu.memory_space<vmem>>, vector<16xf32>,
      %scatter3A_779 = arith.constant 0 : i32
      %scatter3A_780 = arith.constant 0 : i32
      %scatter3A_781 = arith.constant 0 : i32
      %scatter3A_782 = arith.constant 0 : i32
      %scatter3A_783 = tpu.memref_slice %arg8[%scatter3A_779, %shift_right_arithmetic3A_332, %scatter3A_780, %scatter3A_781, %scatter3A_782] : memref<2x4x4x8x129xf32, #tpu.memory_space<vmem>> -> memref<1x1x4x8x129xf32, #tpu.memory_space<vmem>>
      %scatter3A_784 = tpu.memref_squeeze %scatter3A_783 : memref<1x1x4x8x129xf32, #tpu.memory_space<vmem>> -> memref<4x8x129xf32, #tpu.memory_space<vmem>>
      tpu.vector_store_idx %scatter3A_784[%add3A_14, %and3A_16, %add3A_762], %get3A_778 : memref<4x8x129xf32, #tpu.memory_space<vmem>>[vector<16xi32>, vector<16xi32>, vector<16xi32>], vector<16xf32>,
      %add3A_785 = arith.constant 15 : i32
      %add3A_786 = arith.addi %mul3A_336, %add3A_785 : i32
      %mul3A_787 = arith.constant 16 : i32
      %mul3A_788 = arith.muli %and3A_334, %mul3A_787 : i32
      %add3A_789 = arith.constant 15 : i32
      %add3A_790 = arith.addi %mul3A_788, %add3A_789 : i32
      %add3A_791 = vector.broadcast %add3A_790 : i32 to vector<16xi32>
      %add3A_792 = arith.addi %broadcast_in_dim3A_6, %add3A_791 : vector<16xi32>
      %get3A_793 = arith.constant 0 : i32
      %get3A_794 = arith.index_cast %get3A_793 : i32 to index
      %get3A_795 = arith.index_cast %add3A_786 : i32 to index
      %get3A_796 = arith.constant 0 : index
      %get3A_797 = tpu.vector_load %arg7[%get3A_794, %get3A_795, %get3A_796] {strides = array<i32>} : memref<2x512x32xf32, #tpu.memory_space<vmem>>, vector<16xf32>,
      %scatter3A_798 = arith.constant 0 : i32
      %scatter3A_799 = arith.constant 0 : i32
      %scatter3A_800 = arith.constant 0 : i32
      %scatter3A_801 = arith.constant 0 : i32
      %scatter3A_802 = tpu.memref_slice %arg8[%scatter3A_798, %shift_right_arithmetic3A_332, %scatter3A_799, %scatter3A_800, %scatter3A_801] : memref<2x4x4x8x129xf32, #tpu.memory_space<vmem>> -> memref<1x1x4x8x129xf32, #tpu.memory_space<vmem>>
      %scatter3A_803 = tpu.memref_squeeze %scatter3A_802 : memref<1x1x4x8x129xf32, #tpu.memory_space<vmem>> -> memref<4x8x129xf32, #tpu.memory_space<vmem>>
      tpu.vector_store_idx %scatter3A_803[%shift_right_arithmetic3A_8, %and3A_16, %add3A_792], %get3A_797 : memref<4x8x129xf32, #tpu.memory_space<vmem>>[vector<16xi32>, vector<16xi32>, vector<16xi32>], vector<16xf32>,
      %get3A_804 = arith.constant 0 : i32
      %get3A_805 = arith.index_cast %get3A_804 : i32 to index
      %get3A_806 = arith.index_cast %add3A_786 : i32 to index
      %get3A_807 = arith.constant 16 : index
      %get3A_808 = tpu.vector_load %arg7[%get3A_805, %get3A_806, %get3A_807] {strides = array<i32>} : memref<2x512x32xf32, #tpu.memory_space<vmem>>, vector<16xf32>,
      %scatter3A_809 = arith.constant 0 : i32
      %scatter3A_810 = arith.constant 0 : i32
      %scatter3A_811 = arith.constant 0 : i32
      %scatter3A_812 = arith.constant 0 : i32
      %scatter3A_813 = tpu.memref_slice %arg8[%scatter3A_809, %shift_right_arithmetic3A_332, %scatter3A_810, %scatter3A_811, %scatter3A_812] : memref<2x4x4x8x129xf32, #tpu.memory_space<vmem>> -> memref<1x1x4x8x129xf32, #tpu.memory_space<vmem>>
      %scatter3A_814 = tpu.memref_squeeze %scatter3A_813 : memref<1x1x4x8x129xf32, #tpu.memory_space<vmem>> -> memref<4x8x129xf32, #tpu.memory_space<vmem>>
      tpu.vector_store_idx %scatter3A_814[%add3A_14, %and3A_16, %add3A_792], %get3A_808 : memref<4x8x129xf32, #tpu.memory_space<vmem>>[vector<16xi32>, vector<16xi32>, vector<16xi32>], vector<16xf32>,
    }
    %scan3A_55 = arith.constant 32 : i32
    %dma_start3A_56 = arith.constant 0 : i32
    %dma_start3A_57 = arith.constant 0 : i32
    %dma_start3A_58 = arith.constant 0 : i32
    %dma_start3A_59 = arith.constant 0 : i32
    %dma_start3A_60 = arith.constant 0 : i32
    %dma_start3A_61 = tpu.memref_slice %arg8[%dma_start3A_56, %dma_start3A_57, %dma_start3A_58, %dma_start3A_59, %dma_start3A_60] : memref<2x4x4x8x129xf32, #tpu.memory_space<vmem>> -> memref<1x4x4x8x128xf32, #tpu.memory_space<vmem>>
    %dma_start3A_62 = tpu.memref_squeeze %dma_start3A_61 : memref<1x4x4x8x128xf32, #tpu.memory_space<vmem>> -> memref<4x4x8x128xf32, #tpu.memory_space<vmem>>
    %dma_start3A_63 = arith.constant 0 : i32
    %dma_start3A_64 = arith.constant 0 : i32
    %dma_start3A_65 = arith.constant 0 : i32
    %dma_start3A_66 = arith.constant 0 : i32
    %dma_start3A_67 = tpu.memref_slice %arg4[%dma_start3A_63, %dma_start3A_64, %add3A, %dma_start3A_65, %dma_start3A_66] : memref<200x4x32x8x128xf32, #tpu.memory_space<hbm>> -> memref<4x4x1x8x128xf32, #tpu.memory_space<hbm>>
    %dma_start3A_68 = tpu.memref_squeeze %dma_start3A_67 : memref<4x4x1x8x128xf32, #tpu.memory_space<hbm>> -> memref<4x4x8x128xf32, #tpu.memory_space<hbm>>
    %dma_start3A_69 = arith.constant 0 : i32
    %dma_start3A_70 = arith.constant 0 : i32
    %dma_start3A_71 = arith.constant 0 : i32
    %dma_start3A_72 = arith.constant 0 : i32
    %dma_start3A_73 = tpu.memref_slice %arg4[%dma_start3A_69, %dma_start3A_70, %add3A, %dma_start3A_71, %dma_start3A_72] : memref<200x4x32x8x128xf32, #tpu.memory_space<hbm>> -> memref<4x4x1x8x128xf32, #tpu.memory_space<hbm>>
    %dma_start3A_74 = tpu.memref_squeeze %dma_start3A_73 : memref<4x4x1x8x128xf32, #tpu.memory_space<hbm>> -> memref<4x4x8x128xf32, #tpu.memory_space<hbm>>
    %dma_start3A_75 = arith.constant 0 : i32
    %dma_start3A_76 = arith.constant 0 : i32
    %dma_start3A_77 = arith.constant 0 : i32
    %dma_start3A_78 = arith.constant 0 : i32
    %dma_start3A_79 = tpu.memref_slice %arg8[%dma_start3A_56, %dma_start3A_75, %dma_start3A_76, %dma_start3A_77, %dma_start3A_78] : memref<2x4x4x8x129xf32, #tpu.memory_space<vmem>> -> memref<1x4x4x8x128xf32, #tpu.memory_space<vmem>>
    %dma_start3A_80 = tpu.memref_squeeze %dma_start3A_79 : memref<1x4x4x8x128xf32, #tpu.memory_space<vmem>> -> memref<4x4x8x128xf32, #tpu.memory_space<vmem>>
    tpu.enqueue_dma source(%dma_start3A_80 : memref<4x4x8x128xf32, #tpu.memory_space<vmem>>) target(%dma_start3A_74 : memref<4x4x8x128xf32, #tpu.memory_space<hbm>>) target_semaphore(%arg11 : memref<!tpu.dma_semaphore, #tpu.memory_space<semaphore_mem>>)
    %dma_start3A_81 = arith.constant 0 : i32
    %dma_start3A_82 = arith.constant 0 : i32
    %dma_start3A_83 = arith.constant 0 : i32
    %dma_start3A_84 = tpu.memref_slice %arg7[%dma_start3A_81, %dma_start3A_82, %dma_start3A_83] : memref<2x512x32xf32, #tpu.memory_space<vmem>> -> memref<1x512x32xf32, #tpu.memory_space<vmem>>
    %dma_start3A_85 = tpu.memref_squeeze %dma_start3A_84 : memref<1x512x32xf32, #tpu.memory_space<vmem>> -> memref<512x32xf32, #tpu.memory_space<vmem>>
    %dma_start3A_86 = arith.constant 1024 : i32
    %dma_start3A_87 = tpu.memref_slice %arg6[%dma_start3A_86] : memref<25600xi32, #tpu.memory_space<vmem>> -> memref<512xi32, #tpu.memory_space<vmem>>
    %dma_start3A_88 = arith.constant 0 : i32
    %dma_start3A_89 = arith.constant 0 : i32
    %dma_start3A_90 = tpu.memref_slice %arg3[%dma_start3A_88, %dma_start3A_89] : memref<200001x32xf32, #tpu.memory_space<hbm>> -> memref<200001x32xf32, #tpu.memory_space<hbm>>
    tpu.enqueue_indirect_dma source(%dma_start3A_90 : memref<200001x32xf32, #tpu.memory_space<hbm>>) target(%dma_start3A_85 : memref<512x32xf32, #tpu.memory_space<vmem>>) offsets(%dma_start3A_87 : memref<512xi32, #tpu.memory_space<vmem>>) semaphore(%arg9 : memref<!tpu.dma_semaphore, #tpu.memory_space<semaphore_mem>>)
    %dma_wait3A_91 = arith.constant 1 : i32
    %dma_wait3A_92 = arith.constant 0 : i32
    %dma_wait3A_93 = arith.constant 0 : i32
    %dma_wait3A_94 = tpu.memref_slice %arg7[%dma_wait3A_91, %dma_wait3A_92, %dma_wait3A_93] : memref<2x512x32xf32, #tpu.memory_space<vmem>> -> memref<1x512x32xf32, #tpu.memory_space<vmem>>
    %dma_wait3A_95 = tpu.memref_squeeze %dma_wait3A_94 : memref<1x512x32xf32, #tpu.memory_space<vmem>> -> memref<512x32xf32, #tpu.memory_space<vmem>>
    %dma_wait3A_96 = arith.constant 512 : i32
    %dma_wait3A_97 = tpu.memref_slice %arg6[%dma_wait3A_96] : memref<25600xi32, #tpu.memory_space<vmem>> -> memref<512xi32, #tpu.memory_space<vmem>>
    %dma_wait3A_98 = arith.constant 0 : i32
    %dma_wait3A_99 = arith.constant 0 : i32
    %dma_wait3A_100 = tpu.memref_slice %arg3[%dma_wait3A_98, %dma_wait3A_99] : memref<200001x32xf32, #tpu.memory_space<hbm>> -> memref<200001x32xf32, #tpu.memory_space<hbm>>
    tpu.wait_indirect_dma semaphore(%arg10 : memref<!tpu.dma_semaphore, #tpu.memory_space<semaphore_mem>>) src(%dma_wait3A_100 : memref<200001x32xf32, #tpu.memory_space<hbm>>) dst(%dma_wait3A_95 : memref<512x32xf32, #tpu.memory_space<vmem>>)
    %scan3A_101 = arith.constant 0 : i32
    %scan3A_102 = arith.constant 0 : i32
    %scan3A_103 = arith.constant 32 : i32
    %scan3A_104 = arith.addi %scan3A_102, %scan3A_103 : i32
    %scan3A_105 = arith.constant 1 : i32
    scf.for %scan3A_330 = %scan3A_102 to %scan3A_104 step %scan3A_105  : i32 {
      %shift_right_arithmetic3A_331 = arith.constant 3 : i32
      %shift_right_arithmetic3A_332 = arith.shrsi %scan3A_330, %shift_right_arithmetic3A_331 : i32
      %and3A_333 = arith.constant 7 : i32
      %and3A_334 = arith.andi %scan3A_330, %and3A_333 : i32
      %mul3A_335 = arith.constant 16 : i32
      %mul3A_336 = arith.muli %scan3A_330, %mul3A_335 : i32
      %add3A_337 = arith.constant 0 : i32
      %add3A_338 = arith.addi %mul3A_336, %add3A_337 : i32
      %mul3A_339 = arith.constant 16 : i32
      %mul3A_340 = arith.muli %and3A_334, %mul3A_339 : i32
      %add3A_341 = arith.constant 0 : i32
      %add3A_342 = arith.addi %mul3A_340, %add3A_341 : i32
      %add3A_343 = vector.broadcast %add3A_342 : i32 to vector<16xi32>
      %add3A_344 = arith.addi %broadcast_in_dim3A_6, %add3A_343 : vector<16xi32>
      %get3A = arith.constant 1 : i32
      %get3A_345 = arith.index_cast %get3A : i32 to index
      %get3A_346 = arith.index_cast %add3A_338 : i32 to index
      %get3A_347 = arith.constant 0 : index
      %get3A_348 = tpu.vector_load %arg7[%get3A_345, %get3A_346, %get3A_347] {strides = array<i32>} : memref<2x512x32xf32, #tpu.memory_space<vmem>>, vector<16xf32>,
      %scatter3A = arith.constant 1 : i32
      %scatter3A_349 = arith.constant 0 : i32
      %scatter3A_350 = arith.constant 0 : i32
      %scatter3A_351 = arith.constant 0 : i32
      %scatter3A_352 = tpu.memref_slice %arg8[%scatter3A, %shift_right_arithmetic3A_332, %scatter3A_349, %scatter3A_350, %scatter3A_351] : memref<2x4x4x8x129xf32, #tpu.memory_space<vmem>> -> memref<1x1x4x8x129xf32, #tpu.memory_space<vmem>>
      %scatter3A_353 = tpu.memref_squeeze %scatter3A_352 : memref<1x1x4x8x129xf32, #tpu.memory_space<vmem>> -> memref<4x8x129xf32, #tpu.memory_space<vmem>>
      tpu.vector_store_idx %scatter3A_353[%shift_right_arithmetic3A_8, %and3A_16, %add3A_344], %get3A_348 : memref<4x8x129xf32, #tpu.memory_space<vmem>>[vector<16xi32>, vector<16xi32>, vector<16xi32>], vector<16xf32>,
      %get3A_354 = arith.constant 1 : i32
      %get3A_355 = arith.index_cast %get3A_354 : i32 to index
      %get3A_356 = arith.index_cast %add3A_338 : i32 to index
      %get3A_357 = arith.constant 16 : index
      %get3A_358 = tpu.vector_load %arg7[%get3A_355, %get3A_356, %get3A_357] {strides = array<i32>} : memref<2x512x32xf32, #tpu.memory_space<vmem>>, vector<16xf32>,
      %scatter3A_359 = arith.constant 1 : i32
      %scatter3A_360 = arith.constant 0 : i32
      %scatter3A_361 = arith.constant 0 : i32
      %scatter3A_362 = arith.constant 0 : i32
      %scatter3A_363 = tpu.memref_slice %arg8[%scatter3A_359, %shift_right_arithmetic3A_332, %scatter3A_360, %scatter3A_361, %scatter3A_362] : memref<2x4x4x8x129xf32, #tpu.memory_space<vmem>> -> memref<1x1x4x8x129xf32, #tpu.memory_space<vmem>>
      %scatter3A_364 = tpu.memref_squeeze %scatter3A_363 : memref<1x1x4x8x129xf32, #tpu.memory_space<vmem>> -> memref<4x8x129xf32, #tpu.memory_space<vmem>>
      tpu.vector_store_idx %scatter3A_364[%add3A_14, %and3A_16, %add3A_344], %get3A_358 : memref<4x8x129xf32, #tpu.memory_space<vmem>>[vector<16xi32>, vector<16xi32>, vector<16xi32>], vector<16xf32>,
      %add3A_365 = arith.constant 1 : i32
      %add3A_366 = arith.addi %mul3A_336, %add3A_365 : i32
      %mul3A_367 = arith.constant 16 : i32
      %mul3A_368 = arith.muli %and3A_334, %mul3A_367 : i32
      %add3A_369 = arith.constant 1 : i32
      %add3A_370 = arith.addi %mul3A_368, %add3A_369 : i32
      %add3A_371 = vector.broadcast %add3A_370 : i32 to vector<16xi32>
      %add3A_372 = arith.addi %broadcast_in_dim3A_6, %add3A_371 : vector<16xi32>
      %get3A_373 = arith.constant 1 : i32
      %get3A_374 = arith.index_cast %get3A_373 : i32 to index
      %get3A_375 = arith.index_cast %add3A_366 : i32 to index
      %get3A_376 = arith.constant 0 : index
      %get3A_377 = tpu.vector_load %arg7[%get3A_374, %get3A_375, %get3A_376] {strides = array<i32>} : memref<2x512x32xf32, #tpu.memory_space<vmem>>, vector<16xf32>,
      %scatter3A_378 = arith.constant 1 : i32
      %scatter3A_379 = arith.constant 0 : i32
      %scatter3A_380 = arith.constant 0 : i32
      %scatter3A_381 = arith.constant 0 : i32
      %scatter3A_382 = tpu.memref_slice %arg8[%scatter3A_378, %shift_right_arithmetic3A_332, %scatter3A_379, %scatter3A_380, %scatter3A_381] : memref<2x4x4x8x129xf32, #tpu.memory_space<vmem>> -> memref<1x1x4x8x129xf32, #tpu.memory_space<vmem>>
      %scatter3A_383 = tpu.memref_squeeze %scatter3A_382 : memref<1x1x4x8x129xf32, #tpu.memory_space<vmem>> -> memref<4x8x129xf32, #tpu.memory_space<vmem>>
      tpu.vector_store_idx %scatter3A_383[%shift_right_arithmetic3A_8, %and3A_16, %add3A_372], %get3A_377 : memref<4x8x129xf32, #tpu.memory_space<vmem>>[vector<16xi32>, vector<16xi32>, vector<16xi32>], vector<16xf32>,
      %get3A_384 = arith.constant 1 : i32
      %get3A_385 = arith.index_cast %get3A_384 : i32 to index
      %get3A_386 = arith.index_cast %add3A_366 : i32 to index
      %get3A_387 = arith.constant 16 : index
      %get3A_388 = tpu.vector_load %arg7[%get3A_385, %get3A_386, %get3A_387] {strides = array<i32>} : memref<2x512x32xf32, #tpu.memory_space<vmem>>, vector<16xf32>,
      %scatter3A_389 = arith.constant 1 : i32
      %scatter3A_390 = arith.constant 0 : i32
      %scatter3A_391 = arith.constant 0 : i32
      %scatter3A_392 = arith.constant 0 : i32
      %scatter3A_393 = tpu.memref_slice %arg8[%scatter3A_389, %shift_right_arithmetic3A_332, %scatter3A_390, %scatter3A_391, %scatter3A_392] : memref<2x4x4x8x129xf32, #tpu.memory_space<vmem>> -> memref<1x1x4x8x129xf32, #tpu.memory_space<vmem>>
      %scatter3A_394 = tpu.memref_squeeze %scatter3A_393 : memref<1x1x4x8x129xf32, #tpu.memory_space<vmem>> -> memref<4x8x129xf32, #tpu.memory_space<vmem>>
      tpu.vector_store_idx %scatter3A_394[%add3A_14, %and3A_16, %add3A_372], %get3A_388 : memref<4x8x129xf32, #tpu.memory_space<vmem>>[vector<16xi32>, vector<16xi32>, vector<16xi32>], vector<16xf32>,
      %add3A_395 = arith.constant 2 : i32
      %add3A_396 = arith.addi %mul3A_336, %add3A_395 : i32
      %mul3A_397 = arith.constant 16 : i32
      %mul3A_398 = arith.muli %and3A_334, %mul3A_397 : i32
      %add3A_399 = arith.constant 2 : i32
      %add3A_400 = arith.addi %mul3A_398, %add3A_399 : i32
      %add3A_401 = vector.broadcast %add3A_400 : i32 to vector<16xi32>
      %add3A_402 = arith.addi %broadcast_in_dim3A_6, %add3A_401 : vector<16xi32>
      %get3A_403 = arith.constant 1 : i32
      %get3A_404 = arith.index_cast %get3A_403 : i32 to index
      %get3A_405 = arith.index_cast %add3A_396 : i32 to index
      %get3A_406 = arith.constant 0 : index
      %get3A_407 = tpu.vector_load %arg7[%get3A_404, %get3A_405, %get3A_406] {strides = array<i32>} : memref<2x512x32xf32, #tpu.memory_space<vmem>>, vector<16xf32>,
      %scatter3A_408 = arith.constant 1 : i32
      %scatter3A_409 = arith.constant 0 : i32
      %scatter3A_410 = arith.constant 0 : i32
      %scatter3A_411 = arith.constant 0 : i32
      %scatter3A_412 = tpu.memref_slice %arg8[%scatter3A_408, %shift_right_arithmetic3A_332, %scatter3A_409, %scatter3A_410, %scatter3A_411] : memref<2x4x4x8x129xf32, #tpu.memory_space<vmem>> -> memref<1x1x4x8x129xf32, #tpu.memory_space<vmem>>
      %scatter3A_413 = tpu.memref_squeeze %scatter3A_412 : memref<1x1x4x8x129xf32, #tpu.memory_space<vmem>> -> memref<4x8x129xf32, #tpu.memory_space<vmem>>
      tpu.vector_store_idx %scatter3A_413[%shift_right_arithmetic3A_8, %and3A_16, %add3A_402], %get3A_407 : memref<4x8x129xf32, #tpu.memory_space<vmem>>[vector<16xi32>, vector<16xi32>, vector<16xi32>], vector<16xf32>,
      %get3A_414 = arith.constant 1 : i32
      %get3A_415 = arith.index_cast %get3A_414 : i32 to index
      %get3A_416 = arith.index_cast %add3A_396 : i32 to index
      %get3A_417 = arith.constant 16 : index
      %get3A_418 = tpu.vector_load %arg7[%get3A_415, %get3A_416, %get3A_417] {strides = array<i32>} : memref<2x512x32xf32, #tpu.memory_space<vmem>>, vector<16xf32>,
      %scatter3A_419 = arith.constant 1 : i32
      %scatter3A_420 = arith.constant 0 : i32
      %scatter3A_421 = arith.constant 0 : i32
      %scatter3A_422 = arith.constant 0 : i32
      %scatter3A_423 = tpu.memref_slice %arg8[%scatter3A_419, %shift_right_arithmetic3A_332, %scatter3A_420, %scatter3A_421, %scatter3A_422] : memref<2x4x4x8x129xf32, #tpu.memory_space<vmem>> -> memref<1x1x4x8x129xf32, #tpu.memory_space<vmem>>
      %scatter3A_424 = tpu.memref_squeeze %scatter3A_423 : memref<1x1x4x8x129xf32, #tpu.memory_space<vmem>> -> memref<4x8x129xf32, #tpu.memory_space<vmem>>
      tpu.vector_store_idx %scatter3A_424[%add3A_14, %and3A_16, %add3A_402], %get3A_418 : memref<4x8x129xf32, #tpu.memory_space<vmem>>[vector<16xi32>, vector<16xi32>, vector<16xi32>], vector<16xf32>,
      %add3A_425 = arith.constant 3 : i32
      %add3A_426 = arith.addi %mul3A_336, %add3A_425 : i32
      %mul3A_427 = arith.constant 16 : i32
      %mul3A_428 = arith.muli %and3A_334, %mul3A_427 : i32
      %add3A_429 = arith.constant 3 : i32
      %add3A_430 = arith.addi %mul3A_428, %add3A_429 : i32
      %add3A_431 = vector.broadcast %add3A_430 : i32 to vector<16xi32>
      %add3A_432 = arith.addi %broadcast_in_dim3A_6, %add3A_431 : vector<16xi32>
      %get3A_433 = arith.constant 1 : i32
      %get3A_434 = arith.index_cast %get3A_433 : i32 to index
      %get3A_435 = arith.index_cast %add3A_426 : i32 to index
      %get3A_436 = arith.constant 0 : index
      %get3A_437 = tpu.vector_load %arg7[%get3A_434, %get3A_435, %get3A_436] {strides = array<i32>} : memref<2x512x32xf32, #tpu.memory_space<vmem>>, vector<16xf32>,
      %scatter3A_438 = arith.constant 1 : i32
      %scatter3A_439 = arith.constant 0 : i32
      %scatter3A_440 = arith.constant 0 : i32
      %scatter3A_441 = arith.constant 0 : i32
      %scatter3A_442 = tpu.memref_slice %arg8[%scatter3A_438, %shift_right_arithmetic3A_332, %scatter3A_439, %scatter3A_440, %scatter3A_441] : memref<2x4x4x8x129xf32, #tpu.memory_space<vmem>> -> memref<1x1x4x8x129xf32, #tpu.memory_space<vmem>>
      %scatter3A_443 = tpu.memref_squeeze %scatter3A_442 : memref<1x1x4x8x129xf32, #tpu.memory_space<vmem>> -> memref<4x8x129xf32, #tpu.memory_space<vmem>>
      tpu.vector_store_idx %scatter3A_443[%shift_right_arithmetic3A_8, %and3A_16, %add3A_432], %get3A_437 : memref<4x8x129xf32, #tpu.memory_space<vmem>>[vector<16xi32>, vector<16xi32>, vector<16xi32>], vector<16xf32>,
      %get3A_444 = arith.constant 1 : i32
      %get3A_445 = arith.index_cast %get3A_444 : i32 to index
      %get3A_446 = arith.index_cast %add3A_426 : i32 to index
      %get3A_447 = arith.constant 16 : index
      %get3A_448 = tpu.vector_load %arg7[%get3A_445, %get3A_446, %get3A_447] {strides = array<i32>} : memref<2x512x32xf32, #tpu.memory_space<vmem>>, vector<16xf32>,
      %scatter3A_449 = arith.constant 1 : i32
      %scatter3A_450 = arith.constant 0 : i32
      %scatter3A_451 = arith.constant 0 : i32
      %scatter3A_452 = arith.constant 0 : i32
      %scatter3A_453 = tpu.memref_slice %arg8[%scatter3A_449, %shift_right_arithmetic3A_332, %scatter3A_450, %scatter3A_451, %scatter3A_452] : memref<2x4x4x8x129xf32, #tpu.memory_space<vmem>> -> memref<1x1x4x8x129xf32, #tpu.memory_space<vmem>>
      %scatter3A_454 = tpu.memref_squeeze %scatter3A_453 : memref<1x1x4x8x129xf32, #tpu.memory_space<vmem>> -> memref<4x8x129xf32, #tpu.memory_space<vmem>>
      tpu.vector_store_idx %scatter3A_454[%add3A_14, %and3A_16, %add3A_432], %get3A_448 : memref<4x8x129xf32, #tpu.memory_space<vmem>>[vector<16xi32>, vector<16xi32>, vector<16xi32>], vector<16xf32>,
      %add3A_455 = arith.constant 4 : i32
      %add3A_456 = arith.addi %mul3A_336, %add3A_455 : i32
      %mul3A_457 = arith.constant 16 : i32
      %mul3A_458 = arith.muli %and3A_334, %mul3A_457 : i32
      %add3A_459 = arith.constant 4 : i32
      %add3A_460 = arith.addi %mul3A_458, %add3A_459 : i32
      %add3A_461 = vector.broadcast %add3A_460 : i32 to vector<16xi32>
      %add3A_462 = arith.addi %broadcast_in_dim3A_6, %add3A_461 : vector<16xi32>
      %get3A_463 = arith.constant 1 : i32
      %get3A_464 = arith.index_cast %get3A_463 : i32 to index
      %get3A_465 = arith.index_cast %add3A_456 : i32 to index
      %get3A_466 = arith.constant 0 : index
      %get3A_467 = tpu.vector_load %arg7[%get3A_464, %get3A_465, %get3A_466] {strides = array<i32>} : memref<2x512x32xf32, #tpu.memory_space<vmem>>, vector<16xf32>,
      %scatter3A_468 = arith.constant 1 : i32
      %scatter3A_469 = arith.constant 0 : i32
      %scatter3A_470 = arith.constant 0 : i32
      %scatter3A_471 = arith.constant 0 : i32
      %scatter3A_472 = tpu.memref_slice %arg8[%scatter3A_468, %shift_right_arithmetic3A_332, %scatter3A_469, %scatter3A_470, %scatter3A_471] : memref<2x4x4x8x129xf32, #tpu.memory_space<vmem>> -> memref<1x1x4x8x129xf32, #tpu.memory_space<vmem>>
      %scatter3A_473 = tpu.memref_squeeze %scatter3A_472 : memref<1x1x4x8x129xf32, #tpu.memory_space<vmem>> -> memref<4x8x129xf32, #tpu.memory_space<vmem>>
      tpu.vector_store_idx %scatter3A_473[%shift_right_arithmetic3A_8, %and3A_16, %add3A_462], %get3A_467 : memref<4x8x129xf32, #tpu.memory_space<vmem>>[vector<16xi32>, vector<16xi32>, vector<16xi32>], vector<16xf32>,
      %get3A_474 = arith.constant 1 : i32
      %get3A_475 = arith.index_cast %get3A_474 : i32 to index
      %get3A_476 = arith.index_cast %add3A_456 : i32 to index
      %get3A_477 = arith.constant 16 : index
      %get3A_478 = tpu.vector_load %arg7[%get3A_475, %get3A_476, %get3A_477] {strides = array<i32>} : memref<2x512x32xf32, #tpu.memory_space<vmem>>, vector<16xf32>,
      %scatter3A_479 = arith.constant 1 : i32
      %scatter3A_480 = arith.constant 0 : i32
      %scatter3A_481 = arith.constant 0 : i32
      %scatter3A_482 = arith.constant 0 : i32
      %scatter3A_483 = tpu.memref_slice %arg8[%scatter3A_479, %shift_right_arithmetic3A_332, %scatter3A_480, %scatter3A_481, %scatter3A_482] : memref<2x4x4x8x129xf32, #tpu.memory_space<vmem>> -> memref<1x1x4x8x129xf32, #tpu.memory_space<vmem>>
      %scatter3A_484 = tpu.memref_squeeze %scatter3A_483 : memref<1x1x4x8x129xf32, #tpu.memory_space<vmem>> -> memref<4x8x129xf32, #tpu.memory_space<vmem>>
      tpu.vector_store_idx %scatter3A_484[%add3A_14, %and3A_16, %add3A_462], %get3A_478 : memref<4x8x129xf32, #tpu.memory_space<vmem>>[vector<16xi32>, vector<16xi32>, vector<16xi32>], vector<16xf32>,
      %add3A_485 = arith.constant 5 : i32
      %add3A_486 = arith.addi %mul3A_336, %add3A_485 : i32
      %mul3A_487 = arith.constant 16 : i32
      %mul3A_488 = arith.muli %and3A_334, %mul3A_487 : i32
      %add3A_489 = arith.constant 5 : i32
      %add3A_490 = arith.addi %mul3A_488, %add3A_489 : i32
      %add3A_491 = vector.broadcast %add3A_490 : i32 to vector<16xi32>
      %add3A_492 = arith.addi %broadcast_in_dim3A_6, %add3A_491 : vector<16xi32>
      %get3A_493 = arith.constant 1 : i32
      %get3A_494 = arith.index_cast %get3A_493 : i32 to index
      %get3A_495 = arith.index_cast %add3A_486 : i32 to index
      %get3A_496 = arith.constant 0 : index
      %get3A_497 = tpu.vector_load %arg7[%get3A_494, %get3A_495, %get3A_496] {strides = array<i32>} : memref<2x512x32xf32, #tpu.memory_space<vmem>>, vector<16xf32>,
      %scatter3A_498 = arith.constant 1 : i32
      %scatter3A_499 = arith.constant 0 : i32
      %scatter3A_500 = arith.constant 0 : i32
      %scatter3A_501 = arith.constant 0 : i32
      %scatter3A_502 = tpu.memref_slice %arg8[%scatter3A_498, %shift_right_arithmetic3A_332, %scatter3A_499, %scatter3A_500, %scatter3A_501] : memref<2x4x4x8x129xf32, #tpu.memory_space<vmem>> -> memref<1x1x4x8x129xf32, #tpu.memory_space<vmem>>
      %scatter3A_503 = tpu.memref_squeeze %scatter3A_502 : memref<1x1x4x8x129xf32, #tpu.memory_space<vmem>> -> memref<4x8x129xf32, #tpu.memory_space<vmem>>
      tpu.vector_store_idx %scatter3A_503[%shift_right_arithmetic3A_8, %and3A_16, %add3A_492], %get3A_497 : memref<4x8x129xf32, #tpu.memory_space<vmem>>[vector<16xi32>, vector<16xi32>, vector<16xi32>], vector<16xf32>,
      %get3A_504 = arith.constant 1 : i32
      %get3A_505 = arith.index_cast %get3A_504 : i32 to index
      %get3A_506 = arith.index_cast %add3A_486 : i32 to index
      %get3A_507 = arith.constant 16 : index
      %get3A_508 = tpu.vector_load %arg7[%get3A_505, %get3A_506, %get3A_507] {strides = array<i32>} : memref<2x512x32xf32, #tpu.memory_space<vmem>>, vector<16xf32>,
      %scatter3A_509 = arith.constant 1 : i32
      %scatter3A_510 = arith.constant 0 : i32
      %scatter3A_511 = arith.constant 0 : i32
      %scatter3A_512 = arith.constant 0 : i32
      %scatter3A_513 = tpu.memref_slice %arg8[%scatter3A_509, %shift_right_arithmetic3A_332, %scatter3A_510, %scatter3A_511, %scatter3A_512] : memref<2x4x4x8x129xf32, #tpu.memory_space<vmem>> -> memref<1x1x4x8x129xf32, #tpu.memory_space<vmem>>
      %scatter3A_514 = tpu.memref_squeeze %scatter3A_513 : memref<1x1x4x8x129xf32, #tpu.memory_space<vmem>> -> memref<4x8x129xf32, #tpu.memory_space<vmem>>
      tpu.vector_store_idx %scatter3A_514[%add3A_14, %and3A_16, %add3A_492], %get3A_508 : memref<4x8x129xf32, #tpu.memory_space<vmem>>[vector<16xi32>, vector<16xi32>, vector<16xi32>], vector<16xf32>,
      %add3A_515 = arith.constant 6 : i32
      %add3A_516 = arith.addi %mul3A_336, %add3A_515 : i32
      %mul3A_517 = arith.constant 16 : i32
      %mul3A_518 = arith.muli %and3A_334, %mul3A_517 : i32
      %add3A_519 = arith.constant 6 : i32
      %add3A_520 = arith.addi %mul3A_518, %add3A_519 : i32
      %add3A_521 = vector.broadcast %add3A_520 : i32 to vector<16xi32>
      %add3A_522 = arith.addi %broadcast_in_dim3A_6, %add3A_521 : vector<16xi32>
      %get3A_523 = arith.constant 1 : i32
      %get3A_524 = arith.index_cast %get3A_523 : i32 to index
      %get3A_525 = arith.index_cast %add3A_516 : i32 to index
      %get3A_526 = arith.constant 0 : index
      %get3A_527 = tpu.vector_load %arg7[%get3A_524, %get3A_525, %get3A_526] {strides = array<i32>} : memref<2x512x32xf32, #tpu.memory_space<vmem>>, vector<16xf32>,
      %scatter3A_528 = arith.constant 1 : i32
      %scatter3A_529 = arith.constant 0 : i32
      %scatter3A_530 = arith.constant 0 : i32
      %scatter3A_531 = arith.constant 0 : i32
      %scatter3A_532 = tpu.memref_slice %arg8[%scatter3A_528, %shift_right_arithmetic3A_332, %scatter3A_529, %scatter3A_530, %scatter3A_531] : memref<2x4x4x8x129xf32, #tpu.memory_space<vmem>> -> memref<1x1x4x8x129xf32, #tpu.memory_space<vmem>>
      %scatter3A_533 = tpu.memref_squeeze %scatter3A_532 : memref<1x1x4x8x129xf32, #tpu.memory_space<vmem>> -> memref<4x8x129xf32, #tpu.memory_space<vmem>>
      tpu.vector_store_idx %scatter3A_533[%shift_right_arithmetic3A_8, %and3A_16, %add3A_522], %get3A_527 : memref<4x8x129xf32, #tpu.memory_space<vmem>>[vector<16xi32>, vector<16xi32>, vector<16xi32>], vector<16xf32>,
      %get3A_534 = arith.constant 1 : i32
      %get3A_535 = arith.index_cast %get3A_534 : i32 to index
      %get3A_536 = arith.index_cast %add3A_516 : i32 to index
      %get3A_537 = arith.constant 16 : index
      %get3A_538 = tpu.vector_load %arg7[%get3A_535, %get3A_536, %get3A_537] {strides = array<i32>} : memref<2x512x32xf32, #tpu.memory_space<vmem>>, vector<16xf32>,
      %scatter3A_539 = arith.constant 1 : i32
      %scatter3A_540 = arith.constant 0 : i32
      %scatter3A_541 = arith.constant 0 : i32
      %scatter3A_542 = arith.constant 0 : i32
      %scatter3A_543 = tpu.memref_slice %arg8[%scatter3A_539, %shift_right_arithmetic3A_332, %scatter3A_540, %scatter3A_541, %scatter3A_542] : memref<2x4x4x8x129xf32, #tpu.memory_space<vmem>> -> memref<1x1x4x8x129xf32, #tpu.memory_space<vmem>>
      %scatter3A_544 = tpu.memref_squeeze %scatter3A_543 : memref<1x1x4x8x129xf32, #tpu.memory_space<vmem>> -> memref<4x8x129xf32, #tpu.memory_space<vmem>>
      tpu.vector_store_idx %scatter3A_544[%add3A_14, %and3A_16, %add3A_522], %get3A_538 : memref<4x8x129xf32, #tpu.memory_space<vmem>>[vector<16xi32>, vector<16xi32>, vector<16xi32>], vector<16xf32>,
      %add3A_545 = arith.constant 7 : i32
      %add3A_546 = arith.addi %mul3A_336, %add3A_545 : i32
      %mul3A_547 = arith.constant 16 : i32
      %mul3A_548 = arith.muli %and3A_334, %mul3A_547 : i32
      %add3A_549 = arith.constant 7 : i32
      %add3A_550 = arith.addi %mul3A_548, %add3A_549 : i32
      %add3A_551 = vector.broadcast %add3A_550 : i32 to vector<16xi32>
      %add3A_552 = arith.addi %broadcast_in_dim3A_6, %add3A_551 : vector<16xi32>
      %get3A_553 = arith.constant 1 : i32
      %get3A_554 = arith.index_cast %get3A_553 : i32 to index
      %get3A_555 = arith.index_cast %add3A_546 : i32 to index
      %get3A_556 = arith.constant 0 : index
      %get3A_557 = tpu.vector_load %arg7[%get3A_554, %get3A_555, %get3A_556] {strides = array<i32>} : memref<2x512x32xf32, #tpu.memory_space<vmem>>, vector<16xf32>,
      %scatter3A_558 = arith.constant 1 : i32
      %scatter3A_559 = arith.constant 0 : i32
      %scatter3A_560 = arith.constant 0 : i32
      %scatter3A_561 = arith.constant 0 : i32
      %scatter3A_562 = tpu.memref_slice %arg8[%scatter3A_558, %shift_right_arithmetic3A_332, %scatter3A_559, %scatter3A_560, %scatter3A_561] : memref<2x4x4x8x129xf32, #tpu.memory_space<vmem>> -> memref<1x1x4x8x129xf32, #tpu.memory_space<vmem>>
      %scatter3A_563 = tpu.memref_squeeze %scatter3A_562 : memref<1x1x4x8x129xf32, #tpu.memory_space<vmem>> -> memref<4x8x129xf32, #tpu.memory_space<vmem>>
      tpu.vector_store_idx %scatter3A_563[%shift_right_arithmetic3A_8, %and3A_16, %add3A_552], %get3A_557 : memref<4x8x129xf32, #tpu.memory_space<vmem>>[vector<16xi32>, vector<16xi32>, vector<16xi32>], vector<16xf32>,
      %get3A_564 = arith.constant 1 : i32
      %get3A_565 = arith.index_cast %get3A_564 : i32 to index
      %get3A_566 = arith.index_cast %add3A_546 : i32 to index
      %get3A_567 = arith.constant 16 : index
      %get3A_568 = tpu.vector_load %arg7[%get3A_565, %get3A_566, %get3A_567] {strides = array<i32>} : memref<2x512x32xf32, #tpu.memory_space<vmem>>, vector<16xf32>,
      %scatter3A_569 = arith.constant 1 : i32
      %scatter3A_570 = arith.constant 0 : i32
      %scatter3A_571 = arith.constant 0 : i32
      %scatter3A_572 = arith.constant 0 : i32
      %scatter3A_573 = tpu.memref_slice %arg8[%scatter3A_569, %shift_right_arithmetic3A_332, %scatter3A_570, %scatter3A_571, %scatter3A_572] : memref<2x4x4x8x129xf32, #tpu.memory_space<vmem>> -> memref<1x1x4x8x129xf32, #tpu.memory_space<vmem>>
      %scatter3A_574 = tpu.memref_squeeze %scatter3A_573 : memref<1x1x4x8x129xf32, #tpu.memory_space<vmem>> -> memref<4x8x129xf32, #tpu.memory_space<vmem>>
      tpu.vector_store_idx %scatter3A_574[%add3A_14, %and3A_16, %add3A_552], %get3A_568 : memref<4x8x129xf32, #tpu.memory_space<vmem>>[vector<16xi32>, vector<16xi32>, vector<16xi32>], vector<16xf32>,
      %add3A_575 = arith.constant 8 : i32
      %add3A_576 = arith.addi %mul3A_336, %add3A_575 : i32
      %mul3A_577 = arith.constant 16 : i32
      %mul3A_578 = arith.muli %and3A_334, %mul3A_577 : i32
      %add3A_579 = arith.constant 8 : i32
      %add3A_580 = arith.addi %mul3A_578, %add3A_579 : i32
      %add3A_581 = vector.broadcast %add3A_580 : i32 to vector<16xi32>
      %add3A_582 = arith.addi %broadcast_in_dim3A_6, %add3A_581 : vector<16xi32>
      %get3A_583 = arith.constant 1 : i32
      %get3A_584 = arith.index_cast %get3A_583 : i32 to index
      %get3A_585 = arith.index_cast %add3A_576 : i32 to index
      %get3A_586 = arith.constant 0 : index
      %get3A_587 = tpu.vector_load %arg7[%get3A_584, %get3A_585, %get3A_586] {strides = array<i32>} : memref<2x512x32xf32, #tpu.memory_space<vmem>>, vector<16xf32>,
      %scatter3A_588 = arith.constant 1 : i32
      %scatter3A_589 = arith.constant 0 : i32
      %scatter3A_590 = arith.constant 0 : i32
      %scatter3A_591 = arith.constant 0 : i32
      %scatter3A_592 = tpu.memref_slice %arg8[%scatter3A_588, %shift_right_arithmetic3A_332, %scatter3A_589, %scatter3A_590, %scatter3A_591] : memref<2x4x4x8x129xf32, #tpu.memory_space<vmem>> -> memref<1x1x4x8x129xf32, #tpu.memory_space<vmem>>
      %scatter3A_593 = tpu.memref_squeeze %scatter3A_592 : memref<1x1x4x8x129xf32, #tpu.memory_space<vmem>> -> memref<4x8x129xf32, #tpu.memory_space<vmem>>
      tpu.vector_store_idx %scatter3A_593[%shift_right_arithmetic3A_8, %and3A_16, %add3A_582], %get3A_587 : memref<4x8x129xf32, #tpu.memory_space<vmem>>[vector<16xi32>, vector<16xi32>, vector<16xi32>], vector<16xf32>,
      %get3A_594 = arith.constant 1 : i32
      %get3A_595 = arith.index_cast %get3A_594 : i32 to index
      %get3A_596 = arith.index_cast %add3A_576 : i32 to index
      %get3A_597 = arith.constant 16 : index
      %get3A_598 = tpu.vector_load %arg7[%get3A_595, %get3A_596, %get3A_597] {strides = array<i32>} : memref<2x512x32xf32, #tpu.memory_space<vmem>>, vector<16xf32>,
      %scatter3A_599 = arith.constant 1 : i32
      %scatter3A_600 = arith.constant 0 : i32
      %scatter3A_601 = arith.constant 0 : i32
      %scatter3A_602 = arith.constant 0 : i32
      %scatter3A_603 = tpu.memref_slice %arg8[%scatter3A_599, %shift_right_arithmetic3A_332, %scatter3A_600, %scatter3A_601, %scatter3A_602] : memref<2x4x4x8x129xf32, #tpu.memory_space<vmem>> -> memref<1x1x4x8x129xf32, #tpu.memory_space<vmem>>
      %scatter3A_604 = tpu.memref_squeeze %scatter3A_603 : memref<1x1x4x8x129xf32, #tpu.memory_space<vmem>> -> memref<4x8x129xf32, #tpu.memory_space<vmem>>
      tpu.vector_store_idx %scatter3A_604[%add3A_14, %and3A_16, %add3A_582], %get3A_598 : memref<4x8x129xf32, #tpu.memory_space<vmem>>[vector<16xi32>, vector<16xi32>, vector<16xi32>], vector<16xf32>,
      %add3A_605 = arith.constant 9 : i32
      %add3A_606 = arith.addi %mul3A_336, %add3A_605 : i32
      %mul3A_607 = arith.constant 16 : i32
      %mul3A_608 = arith.muli %and3A_334, %mul3A_607 : i32
      %add3A_609 = arith.constant 9 : i32
      %add3A_610 = arith.addi %mul3A_608, %add3A_609 : i32
      %add3A_611 = vector.broadcast %add3A_610 : i32 to vector<16xi32>
      %add3A_612 = arith.addi %broadcast_in_dim3A_6, %add3A_611 : vector<16xi32>
      %get3A_613 = arith.constant 1 : i32
      %get3A_614 = arith.index_cast %get3A_613 : i32 to index
      %get3A_615 = arith.index_cast %add3A_606 : i32 to index
      %get3A_616 = arith.constant 0 : index
      %get3A_617 = tpu.vector_load %arg7[%get3A_614, %get3A_615, %get3A_616] {strides = array<i32>} : memref<2x512x32xf32, #tpu.memory_space<vmem>>, vector<16xf32>,
      %scatter3A_618 = arith.constant 1 : i32
      %scatter3A_619 = arith.constant 0 : i32
      %scatter3A_620 = arith.constant 0 : i32
      %scatter3A_621 = arith.constant 0 : i32
      %scatter3A_622 = tpu.memref_slice %arg8[%scatter3A_618, %shift_right_arithmetic3A_332, %scatter3A_619, %scatter3A_620, %scatter3A_621] : memref<2x4x4x8x129xf32, #tpu.memory_space<vmem>> -> memref<1x1x4x8x129xf32, #tpu.memory_space<vmem>>
      %scatter3A_623 = tpu.memref_squeeze %scatter3A_622 : memref<1x1x4x8x129xf32, #tpu.memory_space<vmem>> -> memref<4x8x129xf32, #tpu.memory_space<vmem>>
      tpu.vector_store_idx %scatter3A_623[%shift_right_arithmetic3A_8, %and3A_16, %add3A_612], %get3A_617 : memref<4x8x129xf32, #tpu.memory_space<vmem>>[vector<16xi32>, vector<16xi32>, vector<16xi32>], vector<16xf32>,
      %get3A_624 = arith.constant 1 : i32
      %get3A_625 = arith.index_cast %get3A_624 : i32 to index
      %get3A_626 = arith.index_cast %add3A_606 : i32 to index
      %get3A_627 = arith.constant 16 : index
      %get3A_628 = tpu.vector_load %arg7[%get3A_625, %get3A_626, %get3A_627] {strides = array<i32>} : memref<2x512x32xf32, #tpu.memory_space<vmem>>, vector<16xf32>,
      %scatter3A_629 = arith.constant 1 : i32
      %scatter3A_630 = arith.constant 0 : i32
      %scatter3A_631 = arith.constant 0 : i32
      %scatter3A_632 = arith.constant 0 : i32
      %scatter3A_633 = tpu.memref_slice %arg8[%scatter3A_629, %shift_right_arithmetic3A_332, %scatter3A_630, %scatter3A_631, %scatter3A_632] : memref<2x4x4x8x129xf32, #tpu.memory_space<vmem>> -> memref<1x1x4x8x129xf32, #tpu.memory_space<vmem>>
      %scatter3A_634 = tpu.memref_squeeze %scatter3A_633 : memref<1x1x4x8x129xf32, #tpu.memory_space<vmem>> -> memref<4x8x129xf32, #tpu.memory_space<vmem>>
      tpu.vector_store_idx %scatter3A_634[%add3A_14, %and3A_16, %add3A_612], %get3A_628 : memref<4x8x129xf32, #tpu.memory_space<vmem>>[vector<16xi32>, vector<16xi32>, vector<16xi32>], vector<16xf32>,
      %add3A_635 = arith.constant 10 : i32
      %add3A_636 = arith.addi %mul3A_336, %add3A_635 : i32
      %mul3A_637 = arith.constant 16 : i32
      %mul3A_638 = arith.muli %and3A_334, %mul3A_637 : i32
      %add3A_639 = arith.constant 10 : i32
      %add3A_640 = arith.addi %mul3A_638, %add3A_639 : i32
      %add3A_641 = vector.broadcast %add3A_640 : i32 to vector<16xi32>
      %add3A_642 = arith.addi %broadcast_in_dim3A_6, %add3A_641 : vector<16xi32>
      %get3A_643 = arith.constant 1 : i32
      %get3A_644 = arith.index_cast %get3A_643 : i32 to index
      %get3A_645 = arith.index_cast %add3A_636 : i32 to index
      %get3A_646 = arith.constant 0 : index
      %get3A_647 = tpu.vector_load %arg7[%get3A_644, %get3A_645, %get3A_646] {strides = array<i32>} : memref<2x512x32xf32, #tpu.memory_space<vmem>>, vector<16xf32>,
      %scatter3A_648 = arith.constant 1 : i32
      %scatter3A_649 = arith.constant 0 : i32
      %scatter3A_650 = arith.constant 0 : i32
      %scatter3A_651 = arith.constant 0 : i32
      %scatter3A_652 = tpu.memref_slice %arg8[%scatter3A_648, %shift_right_arithmetic3A_332, %scatter3A_649, %scatter3A_650, %scatter3A_651] : memref<2x4x4x8x129xf32, #tpu.memory_space<vmem>> -> memref<1x1x4x8x129xf32, #tpu.memory_space<vmem>>
      %scatter3A_653 = tpu.memref_squeeze %scatter3A_652 : memref<1x1x4x8x129xf32, #tpu.memory_space<vmem>> -> memref<4x8x129xf32, #tpu.memory_space<vmem>>
      tpu.vector_store_idx %scatter3A_653[%shift_right_arithmetic3A_8, %and3A_16, %add3A_642], %get3A_647 : memref<4x8x129xf32, #tpu.memory_space<vmem>>[vector<16xi32>, vector<16xi32>, vector<16xi32>], vector<16xf32>,
      %get3A_654 = arith.constant 1 : i32
      %get3A_655 = arith.index_cast %get3A_654 : i32 to index
      %get3A_656 = arith.index_cast %add3A_636 : i32 to index
      %get3A_657 = arith.constant 16 : index
      %get3A_658 = tpu.vector_load %arg7[%get3A_655, %get3A_656, %get3A_657] {strides = array<i32>} : memref<2x512x32xf32, #tpu.memory_space<vmem>>, vector<16xf32>,
      %scatter3A_659 = arith.constant 1 : i32
      %scatter3A_660 = arith.constant 0 : i32
      %scatter3A_661 = arith.constant 0 : i32
      %scatter3A_662 = arith.constant 0 : i32
      %scatter3A_663 = tpu.memref_slice %arg8[%scatter3A_659, %shift_right_arithmetic3A_332, %scatter3A_660, %scatter3A_661, %scatter3A_662] : memref<2x4x4x8x129xf32, #tpu.memory_space<vmem>> -> memref<1x1x4x8x129xf32, #tpu.memory_space<vmem>>
      %scatter3A_664 = tpu.memref_squeeze %scatter3A_663 : memref<1x1x4x8x129xf32, #tpu.memory_space<vmem>> -> memref<4x8x129xf32, #tpu.memory_space<vmem>>
      tpu.vector_store_idx %scatter3A_664[%add3A_14, %and3A_16, %add3A_642], %get3A_658 : memref<4x8x129xf32, #tpu.memory_space<vmem>>[vector<16xi32>, vector<16xi32>, vector<16xi32>], vector<16xf32>,
      %add3A_665 = arith.constant 11 : i32
      %add3A_666 = arith.addi %mul3A_336, %add3A_665 : i32
      %mul3A_667 = arith.constant 16 : i32
      %mul3A_668 = arith.muli %and3A_334, %mul3A_667 : i32
      %add3A_669 = arith.constant 11 : i32
      %add3A_670 = arith.addi %mul3A_668, %add3A_669 : i32
      %add3A_671 = vector.broadcast %add3A_670 : i32 to vector<16xi32>
      %add3A_672 = arith.addi %broadcast_in_dim3A_6, %add3A_671 : vector<16xi32>
      %get3A_673 = arith.constant 1 : i32
      %get3A_674 = arith.index_cast %get3A_673 : i32 to index
      %get3A_675 = arith.index_cast %add3A_666 : i32 to index
      %get3A_676 = arith.constant 0 : index
      %get3A_677 = tpu.vector_load %arg7[%get3A_674, %get3A_675, %get3A_676] {strides = array<i32>} : memref<2x512x32xf32, #tpu.memory_space<vmem>>, vector<16xf32>,
      %scatter3A_678 = arith.constant 1 : i32
      %scatter3A_679 = arith.constant 0 : i32
      %scatter3A_680 = arith.constant 0 : i32
      %scatter3A_681 = arith.constant 0 : i32
      %scatter3A_682 = tpu.memref_slice %arg8[%scatter3A_678, %shift_right_arithmetic3A_332, %scatter3A_679, %scatter3A_680, %scatter3A_681] : memref<2x4x4x8x129xf32, #tpu.memory_space<vmem>> -> memref<1x1x4x8x129xf32, #tpu.memory_space<vmem>>
      %scatter3A_683 = tpu.memref_squeeze %scatter3A_682 : memref<1x1x4x8x129xf32, #tpu.memory_space<vmem>> -> memref<4x8x129xf32, #tpu.memory_space<vmem>>
      tpu.vector_store_idx %scatter3A_683[%shift_right_arithmetic3A_8, %and3A_16, %add3A_672], %get3A_677 : memref<4x8x129xf32, #tpu.memory_space<vmem>>[vector<16xi32>, vector<16xi32>, vector<16xi32>], vector<16xf32>,
      %get3A_684 = arith.constant 1 : i32
      %get3A_685 = arith.index_cast %get3A_684 : i32 to index
      %get3A_686 = arith.index_cast %add3A_666 : i32 to index
      %get3A_687 = arith.constant 16 : index
      %get3A_688 = tpu.vector_load %arg7[%get3A_685, %get3A_686, %get3A_687] {strides = array<i32>} : memref<2x512x32xf32, #tpu.memory_space<vmem>>, vector<16xf32>,
      %scatter3A_689 = arith.constant 1 : i32
      %scatter3A_690 = arith.constant 0 : i32
      %scatter3A_691 = arith.constant 0 : i32
      %scatter3A_692 = arith.constant 0 : i32
      %scatter3A_693 = tpu.memref_slice %arg8[%scatter3A_689, %shift_right_arithmetic3A_332, %scatter3A_690, %scatter3A_691, %scatter3A_692] : memref<2x4x4x8x129xf32, #tpu.memory_space<vmem>> -> memref<1x1x4x8x129xf32, #tpu.memory_space<vmem>>
      %scatter3A_694 = tpu.memref_squeeze %scatter3A_693 : memref<1x1x4x8x129xf32, #tpu.memory_space<vmem>> -> memref<4x8x129xf32, #tpu.memory_space<vmem>>
      tpu.vector_store_idx %scatter3A_694[%add3A_14, %and3A_16, %add3A_672], %get3A_688 : memref<4x8x129xf32, #tpu.memory_space<vmem>>[vector<16xi32>, vector<16xi32>, vector<16xi32>], vector<16xf32>,
      %add3A_695 = arith.constant 12 : i32
      %add3A_696 = arith.addi %mul3A_336, %add3A_695 : i32
      %mul3A_697 = arith.constant 16 : i32
      %mul3A_698 = arith.muli %and3A_334, %mul3A_697 : i32
      %add3A_699 = arith.constant 12 : i32
      %add3A_700 = arith.addi %mul3A_698, %add3A_699 : i32
      %add3A_701 = vector.broadcast %add3A_700 : i32 to vector<16xi32>
      %add3A_702 = arith.addi %broadcast_in_dim3A_6, %add3A_701 : vector<16xi32>
      %get3A_703 = arith.constant 1 : i32
      %get3A_704 = arith.index_cast %get3A_703 : i32 to index
      %get3A_705 = arith.index_cast %add3A_696 : i32 to index
      %get3A_706 = arith.constant 0 : index
      %get3A_707 = tpu.vector_load %arg7[%get3A_704, %get3A_705, %get3A_706] {strides = array<i32>} : memref<2x512x32xf32, #tpu.memory_space<vmem>>, vector<16xf32>,
      %scatter3A_708 = arith.constant 1 : i32
      %scatter3A_709 = arith.constant 0 : i32
      %scatter3A_710 = arith.constant 0 : i32
      %scatter3A_711 = arith.constant 0 : i32
      %scatter3A_712 = tpu.memref_slice %arg8[%scatter3A_708, %shift_right_arithmetic3A_332, %scatter3A_709, %scatter3A_710, %scatter3A_711] : memref<2x4x4x8x129xf32, #tpu.memory_space<vmem>> -> memref<1x1x4x8x129xf32, #tpu.memory_space<vmem>>
      %scatter3A_713 = tpu.memref_squeeze %scatter3A_712 : memref<1x1x4x8x129xf32, #tpu.memory_space<vmem>> -> memref<4x8x129xf32, #tpu.memory_space<vmem>>
      tpu.vector_store_idx %scatter3A_713[%shift_right_arithmetic3A_8, %and3A_16, %add3A_702], %get3A_707 : memref<4x8x129xf32, #tpu.memory_space<vmem>>[vector<16xi32>, vector<16xi32>, vector<16xi32>], vector<16xf32>,
      %get3A_714 = arith.constant 1 : i32
      %get3A_715 = arith.index_cast %get3A_714 : i32 to index
      %get3A_716 = arith.index_cast %add3A_696 : i32 to index
      %get3A_717 = arith.constant 16 : index
      %get3A_718 = tpu.vector_load %arg7[%get3A_715, %get3A_716, %get3A_717] {strides = array<i32>} : memref<2x512x32xf32, #tpu.memory_space<vmem>>, vector<16xf32>,
      %scatter3A_719 = arith.constant 1 : i32
      %scatter3A_720 = arith.constant 0 : i32
      %scatter3A_721 = arith.constant 0 : i32
      %scatter3A_722 = arith.constant 0 : i32
      %scatter3A_723 = tpu.memref_slice %arg8[%scatter3A_719, %shift_right_arithmetic3A_332, %scatter3A_720, %scatter3A_721, %scatter3A_722] : memref<2x4x4x8x129xf32, #tpu.memory_space<vmem>> -> memref<1x1x4x8x129xf32, #tpu.memory_space<vmem>>
      %scatter3A_724 = tpu.memref_squeeze %scatter3A_723 : memref<1x1x4x8x129xf32, #tpu.memory_space<vmem>> -> memref<4x8x129xf32, #tpu.memory_space<vmem>>
      tpu.vector_store_idx %scatter3A_724[%add3A_14, %and3A_16, %add3A_702], %get3A_718 : memref<4x8x129xf32, #tpu.memory_space<vmem>>[vector<16xi32>, vector<16xi32>, vector<16xi32>], vector<16xf32>,
      %add3A_725 = arith.constant 13 : i32
      %add3A_726 = arith.addi %mul3A_336, %add3A_725 : i32
      %mul3A_727 = arith.constant 16 : i32
      %mul3A_728 = arith.muli %and3A_334, %mul3A_727 : i32
      %add3A_729 = arith.constant 13 : i32
      %add3A_730 = arith.addi %mul3A_728, %add3A_729 : i32
      %add3A_731 = vector.broadcast %add3A_730 : i32 to vector<16xi32>
      %add3A_732 = arith.addi %broadcast_in_dim3A_6, %add3A_731 : vector<16xi32>
      %get3A_733 = arith.constant 1 : i32
      %get3A_734 = arith.index_cast %get3A_733 : i32 to index
      %get3A_735 = arith.index_cast %add3A_726 : i32 to index
      %get3A_736 = arith.constant 0 : index
      %get3A_737 = tpu.vector_load %arg7[%get3A_734, %get3A_735, %get3A_736] {strides = array<i32>} : memref<2x512x32xf32, #tpu.memory_space<vmem>>, vector<16xf32>,
      %scatter3A_738 = arith.constant 1 : i32
      %scatter3A_739 = arith.constant 0 : i32
      %scatter3A_740 = arith.constant 0 : i32
      %scatter3A_741 = arith.constant 0 : i32
      %scatter3A_742 = tpu.memref_slice %arg8[%scatter3A_738, %shift_right_arithmetic3A_332, %scatter3A_739, %scatter3A_740, %scatter3A_741] : memref<2x4x4x8x129xf32, #tpu.memory_space<vmem>> -> memref<1x1x4x8x129xf32, #tpu.memory_space<vmem>>
      %scatter3A_743 = tpu.memref_squeeze %scatter3A_742 : memref<1x1x4x8x129xf32, #tpu.memory_space<vmem>> -> memref<4x8x129xf32, #tpu.memory_space<vmem>>
      tpu.vector_store_idx %scatter3A_743[%shift_right_arithmetic3A_8, %and3A_16, %add3A_732], %get3A_737 : memref<4x8x129xf32, #tpu.memory_space<vmem>>[vector<16xi32>, vector<16xi32>, vector<16xi32>], vector<16xf32>,
      %get3A_744 = arith.constant 1 : i32
      %get3A_745 = arith.index_cast %get3A_744 : i32 to index
      %get3A_746 = arith.index_cast %add3A_726 : i32 to index
      %get3A_747 = arith.constant 16 : index
      %get3A_748 = tpu.vector_load %arg7[%get3A_745, %get3A_746, %get3A_747] {strides = array<i32>} : memref<2x512x32xf32, #tpu.memory_space<vmem>>, vector<16xf32>,
      %scatter3A_749 = arith.constant 1 : i32
      %scatter3A_750 = arith.constant 0 : i32
      %scatter3A_751 = arith.constant 0 : i32
      %scatter3A_752 = arith.constant 0 : i32
      %scatter3A_753 = tpu.memref_slice %arg8[%scatter3A_749, %shift_right_arithmetic3A_332, %scatter3A_750, %scatter3A_751, %scatter3A_752] : memref<2x4x4x8x129xf32, #tpu.memory_space<vmem>> -> memref<1x1x4x8x129xf32, #tpu.memory_space<vmem>>
      %scatter3A_754 = tpu.memref_squeeze %scatter3A_753 : memref<1x1x4x8x129xf32, #tpu.memory_space<vmem>> -> memref<4x8x129xf32, #tpu.memory_space<vmem>>
      tpu.vector_store_idx %scatter3A_754[%add3A_14, %and3A_16, %add3A_732], %get3A_748 : memref<4x8x129xf32, #tpu.memory_space<vmem>>[vector<16xi32>, vector<16xi32>, vector<16xi32>], vector<16xf32>,
      %add3A_755 = arith.constant 14 : i32
      %add3A_756 = arith.addi %mul3A_336, %add3A_755 : i32
      %mul3A_757 = arith.constant 16 : i32
      %mul3A_758 = arith.muli %and3A_334, %mul3A_757 : i32
      %add3A_759 = arith.constant 14 : i32
      %add3A_760 = arith.addi %mul3A_758, %add3A_759 : i32
      %add3A_761 = vector.broadcast %add3A_760 : i32 to vector<16xi32>
      %add3A_762 = arith.addi %broadcast_in_dim3A_6, %add3A_761 : vector<16xi32>
      %get3A_763 = arith.constant 1 : i32
      %get3A_764 = arith.index_cast %get3A_763 : i32 to index
      %get3A_765 = arith.index_cast %add3A_756 : i32 to index
      %get3A_766 = arith.constant 0 : index
      %get3A_767 = tpu.vector_load %arg7[%get3A_764, %get3A_765, %get3A_766] {strides = array<i32>} : memref<2x512x32xf32, #tpu.memory_space<vmem>>, vector<16xf32>,
      %scatter3A_768 = arith.constant 1 : i32
      %scatter3A_769 = arith.constant 0 : i32
      %scatter3A_770 = arith.constant 0 : i32
      %scatter3A_771 = arith.constant 0 : i32
      %scatter3A_772 = tpu.memref_slice %arg8[%scatter3A_768, %shift_right_arithmetic3A_332, %scatter3A_769, %scatter3A_770, %scatter3A_771] : memref<2x4x4x8x129xf32, #tpu.memory_space<vmem>> -> memref<1x1x4x8x129xf32, #tpu.memory_space<vmem>>
      %scatter3A_773 = tpu.memref_squeeze %scatter3A_772 : memref<1x1x4x8x129xf32, #tpu.memory_space<vmem>> -> memref<4x8x129xf32, #tpu.memory_space<vmem>>
      tpu.vector_store_idx %scatter3A_773[%shift_right_arithmetic3A_8, %and3A_16, %add3A_762], %get3A_767 : memref<4x8x129xf32, #tpu.memory_space<vmem>>[vector<16xi32>, vector<16xi32>, vector<16xi32>], vector<16xf32>,
      %get3A_774 = arith.constant 1 : i32
      %get3A_775 = arith.index_cast %get3A_774 : i32 to index
      %get3A_776 = arith.index_cast %add3A_756 : i32 to index
      %get3A_777 = arith.constant 16 : index
      %get3A_778 = tpu.vector_load %arg7[%get3A_775, %get3A_776, %get3A_777] {strides = array<i32>} : memref<2x512x32xf32, #tpu.memory_space<vmem>>, vector<16xf32>,
      %scatter3A_779 = arith.constant 1 : i32
      %scatter3A_780 = arith.constant 0 : i32
      %scatter3A_781 = arith.constant 0 : i32
      %scatter3A_782 = arith.constant 0 : i32
      %scatter3A_783 = tpu.memref_slice %arg8[%scatter3A_779, %shift_right_arithmetic3A_332, %scatter3A_780, %scatter3A_781, %scatter3A_782] : memref<2x4x4x8x129xf32, #tpu.memory_space<vmem>> -> memref<1x1x4x8x129xf32, #tpu.memory_space<vmem>>
      %scatter3A_784 = tpu.memref_squeeze %scatter3A_783 : memref<1x1x4x8x129xf32, #tpu.memory_space<vmem>> -> memref<4x8x129xf32, #tpu.memory_space<vmem>>
      tpu.vector_store_idx %scatter3A_784[%add3A_14, %and3A_16, %add3A_762], %get3A_778 : memref<4x8x129xf32, #tpu.memory_space<vmem>>[vector<16xi32>, vector<16xi32>, vector<16xi32>], vector<16xf32>,
      %add3A_785 = arith.constant 15 : i32
      %add3A_786 = arith.addi %mul3A_336, %add3A_785 : i32
      %mul3A_787 = arith.constant 16 : i32
      %mul3A_788 = arith.muli %and3A_334, %mul3A_787 : i32
      %add3A_789 = arith.constant 15 : i32
      %add3A_790 = arith.addi %mul3A_788, %add3A_789 : i32
      %add3A_791 = vector.broadcast %add3A_790 : i32 to vector<16xi32>
      %add3A_792 = arith.addi %broadcast_in_dim3A_6, %add3A_791 : vector<16xi32>
      %get3A_793 = arith.constant 1 : i32
      %get3A_794 = arith.index_cast %get3A_793 : i32 to index
      %get3A_795 = arith.index_cast %add3A_786 : i32 to index
      %get3A_796 = arith.constant 0 : index
      %get3A_797 = tpu.vector_load %arg7[%get3A_794, %get3A_795, %get3A_796] {strides = array<i32>} : memref<2x512x32xf32, #tpu.memory_space<vmem>>, vector<16xf32>,
      %scatter3A_798 = arith.constant 1 : i32
      %scatter3A_799 = arith.constant 0 : i32
      %scatter3A_800 = arith.constant 0 : i32
      %scatter3A_801 = arith.constant 0 : i32
      %scatter3A_802 = tpu.memref_slice %arg8[%scatter3A_798, %shift_right_arithmetic3A_332, %scatter3A_799, %scatter3A_800, %scatter3A_801] : memref<2x4x4x8x129xf32, #tpu.memory_space<vmem>> -> memref<1x1x4x8x129xf32, #tpu.memory_space<vmem>>
      %scatter3A_803 = tpu.memref_squeeze %scatter3A_802 : memref<1x1x4x8x129xf32, #tpu.memory_space<vmem>> -> memref<4x8x129xf32, #tpu.memory_space<vmem>>
      tpu.vector_store_idx %scatter3A_803[%shift_right_arithmetic3A_8, %and3A_16, %add3A_792], %get3A_797 : memref<4x8x129xf32, #tpu.memory_space<vmem>>[vector<16xi32>, vector<16xi32>, vector<16xi32>], vector<16xf32>,
      %get3A_804 = arith.constant 1 : i32
      %get3A_805 = arith.index_cast %get3A_804 : i32 to index
      %get3A_806 = arith.index_cast %add3A_786 : i32 to index
      %get3A_807 = arith.constant 16 : index
      %get3A_808 = tpu.vector_load %arg7[%get3A_805, %get3A_806, %get3A_807] {strides = array<i32>} : memref<2x512x32xf32, #tpu.memory_space<vmem>>, vector<16xf32>,
      %scatter3A_809 = arith.constant 1 : i32
      %scatter3A_810 = arith.constant 0 : i32
      %scatter3A_811 = arith.constant 0 : i32
      %scatter3A_812 = arith.constant 0 : i32
      %scatter3A_813 = tpu.memref_slice %arg8[%scatter3A_809, %shift_right_arithmetic3A_332, %scatter3A_810, %scatter3A_811, %scatter3A_812] : memref<2x4x4x8x129xf32, #tpu.memory_space<vmem>> -> memref<1x1x4x8x129xf32, #tpu.memory_space<vmem>>
      %scatter3A_814 = tpu.memref_squeeze %scatter3A_813 : memref<1x1x4x8x129xf32, #tpu.memory_space<vmem>> -> memref<4x8x129xf32, #tpu.memory_space<vmem>>
      tpu.vector_store_idx %scatter3A_814[%add3A_14, %and3A_16, %add3A_792], %get3A_808 : memref<4x8x129xf32, #tpu.memory_space<vmem>>[vector<16xi32>, vector<16xi32>, vector<16xi32>], vector<16xf32>,
    }
    %scan3A_106 = arith.constant 32 : i32
    %dma_start3A_107 = arith.constant 1 : i32
    %dma_start3A_108 = arith.constant 0 : i32
    %dma_start3A_109 = arith.constant 0 : i32
    %dma_start3A_110 = arith.constant 0 : i32
    %dma_start3A_111 = arith.constant 0 : i32
    %dma_start3A_112 = tpu.memref_slice %arg8[%dma_start3A_107, %dma_start3A_108, %dma_start3A_109, %dma_start3A_110, %dma_start3A_111] : memref<2x4x4x8x129xf32, #tpu.memory_space<vmem>> -> memref<1x4x4x8x128xf32, #tpu.memory_space<vmem>>
    %dma_start3A_113 = tpu.memref_squeeze %dma_start3A_112 : memref<1x4x4x8x128xf32, #tpu.memory_space<vmem>> -> memref<4x4x8x128xf32, #tpu.memory_space<vmem>>
    %dma_start3A_114 = arith.constant 4 : i32
    %dma_start3A_115 = arith.constant 0 : i32
    %dma_start3A_116 = arith.constant 0 : i32
    %dma_start3A_117 = arith.constant 0 : i32
    %dma_start3A_118 = tpu.memref_slice %arg4[%dma_start3A_114, %dma_start3A_115, %add3A, %dma_start3A_116, %dma_start3A_117] : memref<200x4x32x8x128xf32, #tpu.memory_space<hbm>> -> memref<4x4x1x8x128xf32, #tpu.memory_space<hbm>>
    %dma_start3A_119 = tpu.memref_squeeze %dma_start3A_118 : memref<4x4x1x8x128xf32, #tpu.memory_space<hbm>> -> memref<4x4x8x128xf32, #tpu.memory_space<hbm>>
    %dma_start3A_120 = arith.constant 4 : i32
    %dma_start3A_121 = arith.constant 0 : i32
    %dma_start3A_122 = arith.constant 0 : i32
    %dma_start3A_123 = arith.constant 0 : i32
    %dma_start3A_124 = tpu.memref_slice %arg4[%dma_start3A_120, %dma_start3A_121, %add3A, %dma_start3A_122, %dma_start3A_123] : memref<200x4x32x8x128xf32, #tpu.memory_space<hbm>> -> memref<4x4x1x8x128xf32, #tpu.memory_space<hbm>>
    %dma_start3A_125 = tpu.memref_squeeze %dma_start3A_124 : memref<4x4x1x8x128xf32, #tpu.memory_space<hbm>> -> memref<4x4x8x128xf32, #tpu.memory_space<hbm>>
    %dma_start3A_126 = arith.constant 0 : i32
    %dma_start3A_127 = arith.constant 0 : i32
    %dma_start3A_128 = arith.constant 0 : i32
    %dma_start3A_129 = arith.constant 0 : i32
    %dma_start3A_130 = tpu.memref_slice %arg8[%dma_start3A_107, %dma_start3A_126, %dma_start3A_127, %dma_start3A_128, %dma_start3A_129] : memref<2x4x4x8x129xf32, #tpu.memory_space<vmem>> -> memref<1x4x4x8x128xf32, #tpu.memory_space<vmem>>
    %dma_start3A_131 = tpu.memref_squeeze %dma_start3A_130 : memref<1x4x4x8x128xf32, #tpu.memory_space<vmem>> -> memref<4x4x8x128xf32, #tpu.memory_space<vmem>>
    tpu.enqueue_dma source(%dma_start3A_131 : memref<4x4x8x128xf32, #tpu.memory_space<vmem>>) target(%dma_start3A_125 : memref<4x4x8x128xf32, #tpu.memory_space<hbm>>) target_semaphore(%arg12 : memref<!tpu.dma_semaphore, #tpu.memory_space<semaphore_mem>>)
    %dma_start3A_132 = arith.constant 1 : i32
    %dma_start3A_133 = arith.constant 0 : i32
    %dma_start3A_134 = arith.constant 0 : i32
    %dma_start3A_135 = tpu.memref_slice %arg7[%dma_start3A_132, %dma_start3A_133, %dma_start3A_134] : memref<2x512x32xf32, #tpu.memory_space<vmem>> -> memref<1x512x32xf32, #tpu.memory_space<vmem>>
    %dma_start3A_136 = tpu.memref_squeeze %dma_start3A_135 : memref<1x512x32xf32, #tpu.memory_space<vmem>> -> memref<512x32xf32, #tpu.memory_space<vmem>>
    %dma_start3A_137 = arith.constant 1536 : i32
    %dma_start3A_138 = tpu.memref_slice %arg6[%dma_start3A_137] : memref<25600xi32, #tpu.memory_space<vmem>> -> memref<512xi32, #tpu.memory_space<vmem>>
    %dma_start3A_139 = arith.constant 0 : i32
    %dma_start3A_140 = arith.constant 0 : i32
    %dma_start3A_141 = tpu.memref_slice %arg3[%dma_start3A_139, %dma_start3A_140] : memref<200001x32xf32, #tpu.memory_space<hbm>> -> memref<200001x32xf32, #tpu.memory_space<hbm>>
    tpu.enqueue_indirect_dma source(%dma_start3A_141 : memref<200001x32xf32, #tpu.memory_space<hbm>>) target(%dma_start3A_136 : memref<512x32xf32, #tpu.memory_space<vmem>>) offsets(%dma_start3A_138 : memref<512xi32, #tpu.memory_space<vmem>>) semaphore(%arg10 : memref<!tpu.dma_semaphore, #tpu.memory_space<semaphore_mem>>)
    %scan3A_142 = arith.constant 0 : i32
    %scan3A_143 = arith.constant 1 : i32
    %scan3A_144 = arith.constant 23 : i32
    %scan3A_145 = arith.addi %scan3A_143, %scan3A_144 : i32
    %scan3A_146 = arith.constant 1 : i32
    scf.for %scan3A_330 = %scan3A_143 to %scan3A_145 step %scan3A_146  : i32 {
      %mul3A_331 = arith.constant 2 : i32
      %mul3A_332 = arith.muli %mul3A_331, %scan3A_330 : i32
      %mul3A_333 = arith.constant 512 : i32
      %mul3A_334 = arith.muli %mul3A_332, %mul3A_333 : i32
      %dma_wait3A_335 = arith.constant 0 : i32
      %dma_wait3A_336 = arith.constant 0 : i32
      %dma_wait3A_337 = arith.constant 0 : i32
      %dma_wait3A_338 = tpu.memref_slice %arg7[%dma_wait3A_335, %dma_wait3A_336, %dma_wait3A_337] : memref<2x512x32xf32, #tpu.memory_space<vmem>> -> memref<1x512x32xf32, #tpu.memory_space<vmem>>
      %dma_wait3A_339 = tpu.memref_squeeze %dma_wait3A_338 : memref<1x512x32xf32, #tpu.memory_space<vmem>> -> memref<512x32xf32, #tpu.memory_space<vmem>>
      %dma_wait3A_340 = tpu.memref_slice %arg6[%mul3A_334] : memref<25600xi32, #tpu.memory_space<vmem>> -> memref<512xi32, #tpu.memory_space<vmem>>
      %dma_wait3A_341 = arith.constant 0 : i32
      %dma_wait3A_342 = arith.constant 0 : i32
      %dma_wait3A_343 = tpu.memref_slice %arg3[%dma_wait3A_341, %dma_wait3A_342] : memref<200001x32xf32, #tpu.memory_space<hbm>> -> memref<200001x32xf32, #tpu.memory_space<hbm>>
      tpu.wait_indirect_dma semaphore(%arg9 : memref<!tpu.dma_semaphore, #tpu.memory_space<semaphore_mem>>) src(%dma_wait3A_343 : memref<200001x32xf32, #tpu.memory_space<hbm>>) dst(%dma_wait3A_339 : memref<512x32xf32, #tpu.memory_space<vmem>>)
      %sub3A = arith.constant 2 : i32
      %sub3A_344 = arith.subi %mul3A_332, %sub3A : i32
      %mul3A_345 = arith.constant 4 : i32
      %mul3A_346 = arith.muli %sub3A_344, %mul3A_345 : i32
      %dma_wait3A_347 = arith.constant 0 : i32
      %dma_wait3A_348 = arith.constant 0 : i32
      %dma_wait3A_349 = arith.constant 0 : i32
      %dma_wait3A_350 = arith.constant 0 : i32
      %dma_wait3A_351 = arith.constant 0 : i32
      %dma_wait3A_352 = tpu.memref_slice %arg8[%dma_wait3A_347, %dma_wait3A_348, %dma_wait3A_349, %dma_wait3A_350, %dma_wait3A_351] : memref<2x4x4x8x129xf32, #tpu.memory_space<vmem>> -> memref<1x4x4x8x128xf32, #tpu.memory_space<vmem>>
      %dma_wait3A_353 = tpu.memref_squeeze %dma_wait3A_352 : memref<1x4x4x8x128xf32, #tpu.memory_space<vmem>> -> memref<4x4x8x128xf32, #tpu.memory_space<vmem>>
      %dma_wait3A_354 = arith.constant 0 : i32
      %dma_wait3A_355 = arith.constant 0 : i32
      %dma_wait3A_356 = arith.constant 0 : i32
      %dma_wait3A_357 = tpu.memref_slice %arg4[%mul3A_346, %dma_wait3A_354, %add3A, %dma_wait3A_355, %dma_wait3A_356] : memref<200x4x32x8x128xf32, #tpu.memory_space<hbm>> -> memref<4x4x1x8x128xf32, #tpu.memory_space<hbm>>
      %dma_wait3A_358 = tpu.memref_squeeze %dma_wait3A_357 : memref<4x4x1x8x128xf32, #tpu.memory_space<hbm>> -> memref<4x4x8x128xf32, #tpu.memory_space<hbm>>
      %dma_wait3A_359 = arith.constant 0 : i32
      %dma_wait3A_360 = arith.constant 0 : i32
      %dma_wait3A_361 = arith.constant 0 : i32
      %dma_wait3A_362 = tpu.memref_slice %arg4[%mul3A_346, %dma_wait3A_359, %add3A, %dma_wait3A_360, %dma_wait3A_361] : memref<200x4x32x8x128xf32, #tpu.memory_space<hbm>> -> memref<4x4x1x8x128xf32, #tpu.memory_space<hbm>>
      %dma_wait3A_363 = tpu.memref_squeeze %dma_wait3A_362 : memref<4x4x1x8x128xf32, #tpu.memory_space<hbm>> -> memref<4x4x8x128xf32, #tpu.memory_space<hbm>>
      %dma_wait3A_364 = arith.constant 0 : i32
      %dma_wait3A_365 = arith.constant 0 : i32
      %dma_wait3A_366 = arith.constant 0 : i32
      %dma_wait3A_367 = arith.constant 0 : i32
      %dma_wait3A_368 = tpu.memref_slice %arg8[%dma_wait3A_347, %dma_wait3A_364, %dma_wait3A_365, %dma_wait3A_366, %dma_wait3A_367] : memref<2x4x4x8x129xf32, #tpu.memory_space<vmem>> -> memref<1x4x4x8x128xf32, #tpu.memory_space<vmem>>
      %dma_wait3A_369 = tpu.memref_squeeze %dma_wait3A_368 : memref<1x4x4x8x128xf32, #tpu.memory_space<vmem>> -> memref<4x4x8x128xf32, #tpu.memory_space<vmem>>
      tpu.wait_dma2 semaphore(%arg11 : memref<!tpu.dma_semaphore, #tpu.memory_space<semaphore_mem>>) src(%dma_wait3A_369 : memref<4x4x8x128xf32, #tpu.memory_space<vmem>>) dst(%dma_wait3A_363 : memref<4x4x8x128xf32, #tpu.memory_space<hbm>>)
      %scan3A_370 = arith.constant 0 : i32
      %scan3A_371 = arith.constant 0 : i32
      %scan3A_372 = arith.constant 32 : i32
      %scan3A_373 = arith.addi %scan3A_371, %scan3A_372 : i32
      %scan3A_374 = arith.constant 1 : i32
      scf.for %scan3A_500 = %scan3A_371 to %scan3A_373 step %scan3A_374  : i32 {
        %shift_right_arithmetic3A_501 = arith.constant 3 : i32
        %shift_right_arithmetic3A_502 = arith.shrsi %scan3A_500, %shift_right_arithmetic3A_501 : i32
        %and3A_503 = arith.constant 7 : i32
        %and3A_504 = arith.andi %scan3A_500, %and3A_503 : i32
        %mul3A_505 = arith.constant 16 : i32
        %mul3A_506 = arith.muli %scan3A_500, %mul3A_505 : i32
        %add3A_507 = arith.constant 0 : i32
        %add3A_508 = arith.addi %mul3A_506, %add3A_507 : i32
        %mul3A_509 = arith.constant 16 : i32
        %mul3A_510 = arith.muli %and3A_504, %mul3A_509 : i32
        %add3A_511 = arith.constant 0 : i32
        %add3A_512 = arith.addi %mul3A_510, %add3A_511 : i32
        %add3A_513 = vector.broadcast %add3A_512 : i32 to vector<16xi32>
        %add3A_514 = arith.addi %broadcast_in_dim3A_6, %add3A_513 : vector<16xi32>
        %get3A = arith.constant 0 : i32
        %get3A_515 = arith.index_cast %get3A : i32 to index
        %get3A_516 = arith.index_cast %add3A_508 : i32 to index
        %get3A_517 = arith.constant 0 : index
        %get3A_518 = tpu.vector_load %arg7[%get3A_515, %get3A_516, %get3A_517] {strides = array<i32>} : memref<2x512x32xf32, #tpu.memory_space<vmem>>, vector<16xf32>,
        %scatter3A = arith.constant 0 : i32
        %scatter3A_519 = arith.constant 0 : i32
        %scatter3A_520 = arith.constant 0 : i32
        %scatter3A_521 = arith.constant 0 : i32
        %scatter3A_522 = tpu.memref_slice %arg8[%scatter3A, %shift_right_arithmetic3A_502, %scatter3A_519, %scatter3A_520, %scatter3A_521] : memref<2x4x4x8x129xf32, #tpu.memory_space<vmem>> -> memref<1x1x4x8x129xf32, #tpu.memory_space<vmem>>
        %scatter3A_523 = tpu.memref_squeeze %scatter3A_522 : memref<1x1x4x8x129xf32, #tpu.memory_space<vmem>> -> memref<4x8x129xf32, #tpu.memory_space<vmem>>
        tpu.vector_store_idx %scatter3A_523[%shift_right_arithmetic3A_8, %and3A_16, %add3A_514], %get3A_518 : memref<4x8x129xf32, #tpu.memory_space<vmem>>[vector<16xi32>, vector<16xi32>, vector<16xi32>], vector<16xf32>,
        %get3A_524 = arith.constant 0 : i32
        %get3A_525 = arith.index_cast %get3A_524 : i32 to index
        %get3A_526 = arith.index_cast %add3A_508 : i32 to index
        %get3A_527 = arith.constant 16 : index
        %get3A_528 = tpu.vector_load %arg7[%get3A_525, %get3A_526, %get3A_527] {strides = array<i32>} : memref<2x512x32xf32, #tpu.memory_space<vmem>>, vector<16xf32>,
        %scatter3A_529 = arith.constant 0 : i32
        %scatter3A_530 = arith.constant 0 : i32
        %scatter3A_531 = arith.constant 0 : i32
        %scatter3A_532 = arith.constant 0 : i32
        %scatter3A_533 = tpu.memref_slice %arg8[%scatter3A_529, %shift_right_arithmetic3A_502, %scatter3A_530, %scatter3A_531, %scatter3A_532] : memref<2x4x4x8x129xf32, #tpu.memory_space<vmem>> -> memref<1x1x4x8x129xf32, #tpu.memory_space<vmem>>
        %scatter3A_534 = tpu.memref_squeeze %scatter3A_533 : memref<1x1x4x8x129xf32, #tpu.memory_space<vmem>> -> memref<4x8x129xf32, #tpu.memory_space<vmem>>
        tpu.vector_store_idx %scatter3A_534[%add3A_14, %and3A_16, %add3A_514], %get3A_528 : memref<4x8x129xf32, #tpu.memory_space<vmem>>[vector<16xi32>, vector<16xi32>, vector<16xi32>], vector<16xf32>,
        %add3A_535 = arith.constant 1 : i32
        %add3A_536 = arith.addi %mul3A_506, %add3A_535 : i32
        %mul3A_537 = arith.constant 16 : i32
        %mul3A_538 = arith.muli %and3A_504, %mul3A_537 : i32
        %add3A_539 = arith.constant 1 : i32
        %add3A_540 = arith.addi %mul3A_538, %add3A_539 : i32
        %add3A_541 = vector.broadcast %add3A_540 : i32 to vector<16xi32>
        %add3A_542 = arith.addi %broadcast_in_dim3A_6, %add3A_541 : vector<16xi32>
        %get3A_543 = arith.constant 0 : i32
        %get3A_544 = arith.index_cast %get3A_543 : i32 to index
        %get3A_545 = arith.index_cast %add3A_536 : i32 to index
        %get3A_546 = arith.constant 0 : index
        %get3A_547 = tpu.vector_load %arg7[%get3A_544, %get3A_545, %get3A_546] {strides = array<i32>} : memref<2x512x32xf32, #tpu.memory_space<vmem>>, vector<16xf32>,
        %scatter3A_548 = arith.constant 0 : i32
        %scatter3A_549 = arith.constant 0 : i32
        %scatter3A_550 = arith.constant 0 : i32
        %scatter3A_551 = arith.constant 0 : i32
        %scatter3A_552 = tpu.memref_slice %arg8[%scatter3A_548, %shift_right_arithmetic3A_502, %scatter3A_549, %scatter3A_550, %scatter3A_551] : memref<2x4x4x8x129xf32, #tpu.memory_space<vmem>> -> memref<1x1x4x8x129xf32, #tpu.memory_space<vmem>>
        %scatter3A_553 = tpu.memref_squeeze %scatter3A_552 : memref<1x1x4x8x129xf32, #tpu.memory_space<vmem>> -> memref<4x8x129xf32, #tpu.memory_space<vmem>>
        tpu.vector_store_idx %scatter3A_553[%shift_right_arithmetic3A_8, %and3A_16, %add3A_542], %get3A_547 : memref<4x8x129xf32, #tpu.memory_space<vmem>>[vector<16xi32>, vector<16xi32>, vector<16xi32>], vector<16xf32>,
        %get3A_554 = arith.constant 0 : i32
        %get3A_555 = arith.index_cast %get3A_554 : i32 to index
        %get3A_556 = arith.index_cast %add3A_536 : i32 to index
        %get3A_557 = arith.constant 16 : index
        %get3A_558 = tpu.vector_load %arg7[%get3A_555, %get3A_556, %get3A_557] {strides = array<i32>} : memref<2x512x32xf32, #tpu.memory_space<vmem>>, vector<16xf32>,
        %scatter3A_559 = arith.constant 0 : i32
        %scatter3A_560 = arith.constant 0 : i32
        %scatter3A_561 = arith.constant 0 : i32
        %scatter3A_562 = arith.constant 0 : i32
        %scatter3A_563 = tpu.memref_slice %arg8[%scatter3A_559, %shift_right_arithmetic3A_502, %scatter3A_560, %scatter3A_561, %scatter3A_562] : memref<2x4x4x8x129xf32, #tpu.memory_space<vmem>> -> memref<1x1x4x8x129xf32, #tpu.memory_space<vmem>>
        %scatter3A_564 = tpu.memref_squeeze %scatter3A_563 : memref<1x1x4x8x129xf32, #tpu.memory_space<vmem>> -> memref<4x8x129xf32, #tpu.memory_space<vmem>>
        tpu.vector_store_idx %scatter3A_564[%add3A_14, %and3A_16, %add3A_542], %get3A_558 : memref<4x8x129xf32, #tpu.memory_space<vmem>>[vector<16xi32>, vector<16xi32>, vector<16xi32>], vector<16xf32>,
        %add3A_565 = arith.constant 2 : i32
        %add3A_566 = arith.addi %mul3A_506, %add3A_565 : i32
        %mul3A_567 = arith.constant 16 : i32
        %mul3A_568 = arith.muli %and3A_504, %mul3A_567 : i32
        %add3A_569 = arith.constant 2 : i32
        %add3A_570 = arith.addi %mul3A_568, %add3A_569 : i32
        %add3A_571 = vector.broadcast %add3A_570 : i32 to vector<16xi32>
        %add3A_572 = arith.addi %broadcast_in_dim3A_6, %add3A_571 : vector<16xi32>
        %get3A_573 = arith.constant 0 : i32
        %get3A_574 = arith.index_cast %get3A_573 : i32 to index
        %get3A_575 = arith.index_cast %add3A_566 : i32 to index
        %get3A_576 = arith.constant 0 : index
        %get3A_577 = tpu.vector_load %arg7[%get3A_574, %get3A_575, %get3A_576] {strides = array<i32>} : memref<2x512x32xf32, #tpu.memory_space<vmem>>, vector<16xf32>,
        %scatter3A_578 = arith.constant 0 : i32
        %scatter3A_579 = arith.constant 0 : i32
        %scatter3A_580 = arith.constant 0 : i32
        %scatter3A_581 = arith.constant 0 : i32
        %scatter3A_582 = tpu.memref_slice %arg8[%scatter3A_578, %shift_right_arithmetic3A_502, %scatter3A_579, %scatter3A_580, %scatter3A_581] : memref<2x4x4x8x129xf32, #tpu.memory_space<vmem>> -> memref<1x1x4x8x129xf32, #tpu.memory_space<vmem>>
        %scatter3A_583 = tpu.memref_squeeze %scatter3A_582 : memref<1x1x4x8x129xf32, #tpu.memory_space<vmem>> -> memref<4x8x129xf32, #tpu.memory_space<vmem>>
        tpu.vector_store_idx %scatter3A_583[%shift_right_arithmetic3A_8, %and3A_16, %add3A_572], %get3A_577 : memref<4x8x129xf32, #tpu.memory_space<vmem>>[vector<16xi32>, vector<16xi32>, vector<16xi32>], vector<16xf32>,
        %get3A_584 = arith.constant 0 : i32
        %get3A_585 = arith.index_cast %get3A_584 : i32 to index
        %get3A_586 = arith.index_cast %add3A_566 : i32 to index
        %get3A_587 = arith.constant 16 : index
        %get3A_588 = tpu.vector_load %arg7[%get3A_585, %get3A_586, %get3A_587] {strides = array<i32>} : memref<2x512x32xf32, #tpu.memory_space<vmem>>, vector<16xf32>,
        %scatter3A_589 = arith.constant 0 : i32
        %scatter3A_590 = arith.constant 0 : i32
        %scatter3A_591 = arith.constant 0 : i32
        %scatter3A_592 = arith.constant 0 : i32
        %scatter3A_593 = tpu.memref_slice %arg8[%scatter3A_589, %shift_right_arithmetic3A_502, %scatter3A_590, %scatter3A_591, %scatter3A_592] : memref<2x4x4x8x129xf32, #tpu.memory_space<vmem>> -> memref<1x1x4x8x129xf32, #tpu.memory_space<vmem>>
        %scatter3A_594 = tpu.memref_squeeze %scatter3A_593 : memref<1x1x4x8x129xf32, #tpu.memory_space<vmem>> -> memref<4x8x129xf32, #tpu.memory_space<vmem>>
        tpu.vector_store_idx %scatter3A_594[%add3A_14, %and3A_16, %add3A_572], %get3A_588 : memref<4x8x129xf32, #tpu.memory_space<vmem>>[vector<16xi32>, vector<16xi32>, vector<16xi32>], vector<16xf32>,
        %add3A_595 = arith.constant 3 : i32
        %add3A_596 = arith.addi %mul3A_506, %add3A_595 : i32
        %mul3A_597 = arith.constant 16 : i32
        %mul3A_598 = arith.muli %and3A_504, %mul3A_597 : i32
        %add3A_599 = arith.constant 3 : i32
        %add3A_600 = arith.addi %mul3A_598, %add3A_599 : i32
        %add3A_601 = vector.broadcast %add3A_600 : i32 to vector<16xi32>
        %add3A_602 = arith.addi %broadcast_in_dim3A_6, %add3A_601 : vector<16xi32>
        %get3A_603 = arith.constant 0 : i32
        %get3A_604 = arith.index_cast %get3A_603 : i32 to index
        %get3A_605 = arith.index_cast %add3A_596 : i32 to index
        %get3A_606 = arith.constant 0 : index
        %get3A_607 = tpu.vector_load %arg7[%get3A_604, %get3A_605, %get3A_606] {strides = array<i32>} : memref<2x512x32xf32, #tpu.memory_space<vmem>>, vector<16xf32>,
        %scatter3A_608 = arith.constant 0 : i32
        %scatter3A_609 = arith.constant 0 : i32
        %scatter3A_610 = arith.constant 0 : i32
        %scatter3A_611 = arith.constant 0 : i32
        %scatter3A_612 = tpu.memref_slice %arg8[%scatter3A_608, %shift_right_arithmetic3A_502, %scatter3A_609, %scatter3A_610, %scatter3A_611] : memref<2x4x4x8x129xf32, #tpu.memory_space<vmem>> -> memref<1x1x4x8x129xf32, #tpu.memory_space<vmem>>
        %scatter3A_613 = tpu.memref_squeeze %scatter3A_612 : memref<1x1x4x8x129xf32, #tpu.memory_space<vmem>> -> memref<4x8x129xf32, #tpu.memory_space<vmem>>
        tpu.vector_store_idx %scatter3A_613[%shift_right_arithmetic3A_8, %and3A_16, %add3A_602], %get3A_607 : memref<4x8x129xf32, #tpu.memory_space<vmem>>[vector<16xi32>, vector<16xi32>, vector<16xi32>], vector<16xf32>,
        %get3A_614 = arith.constant 0 : i32
        %get3A_615 = arith.index_cast %get3A_614 : i32 to index
        %get3A_616 = arith.index_cast %add3A_596 : i32 to index
        %get3A_617 = arith.constant 16 : index
        %get3A_618 = tpu.vector_load %arg7[%get3A_615, %get3A_616, %get3A_617] {strides = array<i32>} : memref<2x512x32xf32, #tpu.memory_space<vmem>>, vector<16xf32>,
        %scatter3A_619 = arith.constant 0 : i32
        %scatter3A_620 = arith.constant 0 : i32
        %scatter3A_621 = arith.constant 0 : i32
        %scatter3A_622 = arith.constant 0 : i32
        %scatter3A_623 = tpu.memref_slice %arg8[%scatter3A_619, %shift_right_arithmetic3A_502, %scatter3A_620, %scatter3A_621, %scatter3A_622] : memref<2x4x4x8x129xf32, #tpu.memory_space<vmem>> -> memref<1x1x4x8x129xf32, #tpu.memory_space<vmem>>
        %scatter3A_624 = tpu.memref_squeeze %scatter3A_623 : memref<1x1x4x8x129xf32, #tpu.memory_space<vmem>> -> memref<4x8x129xf32, #tpu.memory_space<vmem>>
        tpu.vector_store_idx %scatter3A_624[%add3A_14, %and3A_16, %add3A_602], %get3A_618 : memref<4x8x129xf32, #tpu.memory_space<vmem>>[vector<16xi32>, vector<16xi32>, vector<16xi32>], vector<16xf32>,
        %add3A_625 = arith.constant 4 : i32
        %add3A_626 = arith.addi %mul3A_506, %add3A_625 : i32
        %mul3A_627 = arith.constant 16 : i32
        %mul3A_628 = arith.muli %and3A_504, %mul3A_627 : i32
        %add3A_629 = arith.constant 4 : i32
        %add3A_630 = arith.addi %mul3A_628, %add3A_629 : i32
        %add3A_631 = vector.broadcast %add3A_630 : i32 to vector<16xi32>
        %add3A_632 = arith.addi %broadcast_in_dim3A_6, %add3A_631 : vector<16xi32>
        %get3A_633 = arith.constant 0 : i32
        %get3A_634 = arith.index_cast %get3A_633 : i32 to index
        %get3A_635 = arith.index_cast %add3A_626 : i32 to index
        %get3A_636 = arith.constant 0 : index
        %get3A_637 = tpu.vector_load %arg7[%get3A_634, %get3A_635, %get3A_636] {strides = array<i32>} : memref<2x512x32xf32, #tpu.memory_space<vmem>>, vector<16xf32>,
        %scatter3A_638 = arith.constant 0 : i32
        %scatter3A_639 = arith.constant 0 : i32
        %scatter3A_640 = arith.constant 0 : i32
        %scatter3A_641 = arith.constant 0 : i32
        %scatter3A_642 = tpu.memref_slice %arg8[%scatter3A_638, %shift_right_arithmetic3A_502, %scatter3A_639, %scatter3A_640, %scatter3A_641] : memref<2x4x4x8x129xf32, #tpu.memory_space<vmem>> -> memref<1x1x4x8x129xf32, #tpu.memory_space<vmem>>
        %scatter3A_643 = tpu.memref_squeeze %scatter3A_642 : memref<1x1x4x8x129xf32, #tpu.memory_space<vmem>> -> memref<4x8x129xf32, #tpu.memory_space<vmem>>
        tpu.vector_store_idx %scatter3A_643[%shift_right_arithmetic3A_8, %and3A_16, %add3A_632], %get3A_637 : memref<4x8x129xf32, #tpu.memory_space<vmem>>[vector<16xi32>, vector<16xi32>, vector<16xi32>], vector<16xf32>,
        %get3A_644 = arith.constant 0 : i32
        %get3A_645 = arith.index_cast %get3A_644 : i32 to index
        %get3A_646 = arith.index_cast %add3A_626 : i32 to index
        %get3A_647 = arith.constant 16 : index
        %get3A_648 = tpu.vector_load %arg7[%get3A_645, %get3A_646, %get3A_647] {strides = array<i32>} : memref<2x512x32xf32, #tpu.memory_space<vmem>>, vector<16xf32>,
        %scatter3A_649 = arith.constant 0 : i32
        %scatter3A_650 = arith.constant 0 : i32
        %scatter3A_651 = arith.constant 0 : i32
        %scatter3A_652 = arith.constant 0 : i32
        %scatter3A_653 = tpu.memref_slice %arg8[%scatter3A_649, %shift_right_arithmetic3A_502, %scatter3A_650, %scatter3A_651, %scatter3A_652] : memref<2x4x4x8x129xf32, #tpu.memory_space<vmem>> -> memref<1x1x4x8x129xf32, #tpu.memory_space<vmem>>
        %scatter3A_654 = tpu.memref_squeeze %scatter3A_653 : memref<1x1x4x8x129xf32, #tpu.memory_space<vmem>> -> memref<4x8x129xf32, #tpu.memory_space<vmem>>
        tpu.vector_store_idx %scatter3A_654[%add3A_14, %and3A_16, %add3A_632], %get3A_648 : memref<4x8x129xf32, #tpu.memory_space<vmem>>[vector<16xi32>, vector<16xi32>, vector<16xi32>], vector<16xf32>,
        %add3A_655 = arith.constant 5 : i32
        %add3A_656 = arith.addi %mul3A_506, %add3A_655 : i32
        %mul3A_657 = arith.constant 16 : i32
        %mul3A_658 = arith.muli %and3A_504, %mul3A_657 : i32
        %add3A_659 = arith.constant 5 : i32
        %add3A_660 = arith.addi %mul3A_658, %add3A_659 : i32
        %add3A_661 = vector.broadcast %add3A_660 : i32 to vector<16xi32>
        %add3A_662 = arith.addi %broadcast_in_dim3A_6, %add3A_661 : vector<16xi32>
        %get3A_663 = arith.constant 0 : i32
        %get3A_664 = arith.index_cast %get3A_663 : i32 to index
        %get3A_665 = arith.index_cast %add3A_656 : i32 to index
        %get3A_666 = arith.constant 0 : index
        %get3A_667 = tpu.vector_load %arg7[%get3A_664, %get3A_665, %get3A_666] {strides = array<i32>} : memref<2x512x32xf32, #tpu.memory_space<vmem>>, vector<16xf32>,
        %scatter3A_668 = arith.constant 0 : i32
        %scatter3A_669 = arith.constant 0 : i32
        %scatter3A_670 = arith.constant 0 : i32
        %scatter3A_671 = arith.constant 0 : i32
        %scatter3A_672 = tpu.memref_slice %arg8[%scatter3A_668, %shift_right_arithmetic3A_502, %scatter3A_669, %scatter3A_670, %scatter3A_671] : memref<2x4x4x8x129xf32, #tpu.memory_space<vmem>> -> memref<1x1x4x8x129xf32, #tpu.memory_space<vmem>>
        %scatter3A_673 = tpu.memref_squeeze %scatter3A_672 : memref<1x1x4x8x129xf32, #tpu.memory_space<vmem>> -> memref<4x8x129xf32, #tpu.memory_space<vmem>>
        tpu.vector_store_idx %scatter3A_673[%shift_right_arithmetic3A_8, %and3A_16, %add3A_662], %get3A_667 : memref<4x8x129xf32, #tpu.memory_space<vmem>>[vector<16xi32>, vector<16xi32>, vector<16xi32>], vector<16xf32>,
        %get3A_674 = arith.constant 0 : i32
        %get3A_675 = arith.index_cast %get3A_674 : i32 to index
        %get3A_676 = arith.index_cast %add3A_656 : i32 to index
        %get3A_677 = arith.constant 16 : index
        %get3A_678 = tpu.vector_load %arg7[%get3A_675, %get3A_676, %get3A_677] {strides = array<i32>} : memref<2x512x32xf32, #tpu.memory_space<vmem>>, vector<16xf32>,
        %scatter3A_679 = arith.constant 0 : i32
        %scatter3A_680 = arith.constant 0 : i32
        %scatter3A_681 = arith.constant 0 : i32
        %scatter3A_682 = arith.constant 0 : i32
        %scatter3A_683 = tpu.memref_slice %arg8[%scatter3A_679, %shift_right_arithmetic3A_502, %scatter3A_680, %scatter3A_681, %scatter3A_682] : memref<2x4x4x8x129xf32, #tpu.memory_space<vmem>> -> memref<1x1x4x8x129xf32, #tpu.memory_space<vmem>>
        %scatter3A_684 = tpu.memref_squeeze %scatter3A_683 : memref<1x1x4x8x129xf32, #tpu.memory_space<vmem>> -> memref<4x8x129xf32, #tpu.memory_space<vmem>>
        tpu.vector_store_idx %scatter3A_684[%add3A_14, %and3A_16, %add3A_662], %get3A_678 : memref<4x8x129xf32, #tpu.memory_space<vmem>>[vector<16xi32>, vector<16xi32>, vector<16xi32>], vector<16xf32>,
        %add3A_685 = arith.constant 6 : i32
        %add3A_686 = arith.addi %mul3A_506, %add3A_685 : i32
        %mul3A_687 = arith.constant 16 : i32
        %mul3A_688 = arith.muli %and3A_504, %mul3A_687 : i32
        %add3A_689 = arith.constant 6 : i32
        %add3A_690 = arith.addi %mul3A_688, %add3A_689 : i32
        %add3A_691 = vector.broadcast %add3A_690 : i32 to vector<16xi32>
        %add3A_692 = arith.addi %broadcast_in_dim3A_6, %add3A_691 : vector<16xi32>
        %get3A_693 = arith.constant 0 : i32
        %get3A_694 = arith.index_cast %get3A_693 : i32 to index
        %get3A_695 = arith.index_cast %add3A_686 : i32 to index
        %get3A_696 = arith.constant 0 : index
        %get3A_697 = tpu.vector_load %arg7[%get3A_694, %get3A_695, %get3A_696] {strides = array<i32>} : memref<2x512x32xf32, #tpu.memory_space<vmem>>, vector<16xf32>,
        %scatter3A_698 = arith.constant 0 : i32
        %scatter3A_699 = arith.constant 0 : i32
        %scatter3A_700 = arith.constant 0 : i32
        %scatter3A_701 = arith.constant 0 : i32
        %scatter3A_702 = tpu.memref_slice %arg8[%scatter3A_698, %shift_right_arithmetic3A_502, %scatter3A_699, %scatter3A_700, %scatter3A_701] : memref<2x4x4x8x129xf32, #tpu.memory_space<vmem>> -> memref<1x1x4x8x129xf32, #tpu.memory_space<vmem>>
        %scatter3A_703 = tpu.memref_squeeze %scatter3A_702 : memref<1x1x4x8x129xf32, #tpu.memory_space<vmem>> -> memref<4x8x129xf32, #tpu.memory_space<vmem>>
        tpu.vector_store_idx %scatter3A_703[%shift_right_arithmetic3A_8, %and3A_16, %add3A_692], %get3A_697 : memref<4x8x129xf32, #tpu.memory_space<vmem>>[vector<16xi32>, vector<16xi32>, vector<16xi32>], vector<16xf32>,
        %get3A_704 = arith.constant 0 : i32
        %get3A_705 = arith.index_cast %get3A_704 : i32 to index
        %get3A_706 = arith.index_cast %add3A_686 : i32 to index
        %get3A_707 = arith.constant 16 : index
        %get3A_708 = tpu.vector_load %arg7[%get3A_705, %get3A_706, %get3A_707] {strides = array<i32>} : memref<2x512x32xf32, #tpu.memory_space<vmem>>, vector<16xf32>,
        %scatter3A_709 = arith.constant 0 : i32
        %scatter3A_710 = arith.constant 0 : i32
        %scatter3A_711 = arith.constant 0 : i32
        %scatter3A_712 = arith.constant 0 : i32
        %scatter3A_713 = tpu.memref_slice %arg8[%scatter3A_709, %shift_right_arithmetic3A_502, %scatter3A_710, %scatter3A_711, %scatter3A_712] : memref<2x4x4x8x129xf32, #tpu.memory_space<vmem>> -> memref<1x1x4x8x129xf32, #tpu.memory_space<vmem>>
        %scatter3A_714 = tpu.memref_squeeze %scatter3A_713 : memref<1x1x4x8x129xf32, #tpu.memory_space<vmem>> -> memref<4x8x129xf32, #tpu.memory_space<vmem>>
        tpu.vector_store_idx %scatter3A_714[%add3A_14, %and3A_16, %add3A_692], %get3A_708 : memref<4x8x129xf32, #tpu.memory_space<vmem>>[vector<16xi32>, vector<16xi32>, vector<16xi32>], vector<16xf32>,
        %add3A_715 = arith.constant 7 : i32
        %add3A_716 = arith.addi %mul3A_506, %add3A_715 : i32
        %mul3A_717 = arith.constant 16 : i32
        %mul3A_718 = arith.muli %and3A_504, %mul3A_717 : i32
        %add3A_719 = arith.constant 7 : i32
        %add3A_720 = arith.addi %mul3A_718, %add3A_719 : i32
        %add3A_721 = vector.broadcast %add3A_720 : i32 to vector<16xi32>
        %add3A_722 = arith.addi %broadcast_in_dim3A_6, %add3A_721 : vector<16xi32>
        %get3A_723 = arith.constant 0 : i32
        %get3A_724 = arith.index_cast %get3A_723 : i32 to index
        %get3A_725 = arith.index_cast %add3A_716 : i32 to index
        %get3A_726 = arith.constant 0 : index
        %get3A_727 = tpu.vector_load %arg7[%get3A_724, %get3A_725, %get3A_726] {strides = array<i32>} : memref<2x512x32xf32, #tpu.memory_space<vmem>>, vector<16xf32>,
        %scatter3A_728 = arith.constant 0 : i32
        %scatter3A_729 = arith.constant 0 : i32
        %scatter3A_730 = arith.constant 0 : i32
        %scatter3A_731 = arith.constant 0 : i32
        %scatter3A_732 = tpu.memref_slice %arg8[%scatter3A_728, %shift_right_arithmetic3A_502, %scatter3A_729, %scatter3A_730, %scatter3A_731] : memref<2x4x4x8x129xf32, #tpu.memory_space<vmem>> -> memref<1x1x4x8x129xf32, #tpu.memory_space<vmem>>
        %scatter3A_733 = tpu.memref_squeeze %scatter3A_732 : memref<1x1x4x8x129xf32, #tpu.memory_space<vmem>> -> memref<4x8x129xf32, #tpu.memory_space<vmem>>
        tpu.vector_store_idx %scatter3A_733[%shift_right_arithmetic3A_8, %and3A_16, %add3A_722], %get3A_727 : memref<4x8x129xf32, #tpu.memory_space<vmem>>[vector<16xi32>, vector<16xi32>, vector<16xi32>], vector<16xf32>,
        %get3A_734 = arith.constant 0 : i32
        %get3A_735 = arith.index_cast %get3A_734 : i32 to index
        %get3A_736 = arith.index_cast %add3A_716 : i32 to index
        %get3A_737 = arith.constant 16 : index
        %get3A_738 = tpu.vector_load %arg7[%get3A_735, %get3A_736, %get3A_737] {strides = array<i32>} : memref<2x512x32xf32, #tpu.memory_space<vmem>>, vector<16xf32>,
        %scatter3A_739 = arith.constant 0 : i32
        %scatter3A_740 = arith.constant 0 : i32
        %scatter3A_741 = arith.constant 0 : i32
        %scatter3A_742 = arith.constant 0 : i32
        %scatter3A_743 = tpu.memref_slice %arg8[%scatter3A_739, %shift_right_arithmetic3A_502, %scatter3A_740, %scatter3A_741, %scatter3A_742] : memref<2x4x4x8x129xf32, #tpu.memory_space<vmem>> -> memref<1x1x4x8x129xf32, #tpu.memory_space<vmem>>
        %scatter3A_744 = tpu.memref_squeeze %scatter3A_743 : memref<1x1x4x8x129xf32, #tpu.memory_space<vmem>> -> memref<4x8x129xf32, #tpu.memory_space<vmem>>
        tpu.vector_store_idx %scatter3A_744[%add3A_14, %and3A_16, %add3A_722], %get3A_738 : memref<4x8x129xf32, #tpu.memory_space<vmem>>[vector<16xi32>, vector<16xi32>, vector<16xi32>], vector<16xf32>,
        %add3A_745 = arith.constant 8 : i32
        %add3A_746 = arith.addi %mul3A_506, %add3A_745 : i32
        %mul3A_747 = arith.constant 16 : i32
        %mul3A_748 = arith.muli %and3A_504, %mul3A_747 : i32
        %add3A_749 = arith.constant 8 : i32
        %add3A_750 = arith.addi %mul3A_748, %add3A_749 : i32
        %add3A_751 = vector.broadcast %add3A_750 : i32 to vector<16xi32>
        %add3A_752 = arith.addi %broadcast_in_dim3A_6, %add3A_751 : vector<16xi32>
        %get3A_753 = arith.constant 0 : i32
        %get3A_754 = arith.index_cast %get3A_753 : i32 to index
        %get3A_755 = arith.index_cast %add3A_746 : i32 to index
        %get3A_756 = arith.constant 0 : index
        %get3A_757 = tpu.vector_load %arg7[%get3A_754, %get3A_755, %get3A_756] {strides = array<i32>} : memref<2x512x32xf32, #tpu.memory_space<vmem>>, vector<16xf32>,
        %scatter3A_758 = arith.constant 0 : i32
        %scatter3A_759 = arith.constant 0 : i32
        %scatter3A_760 = arith.constant 0 : i32
        %scatter3A_761 = arith.constant 0 : i32
        %scatter3A_762 = tpu.memref_slice %arg8[%scatter3A_758, %shift_right_arithmetic3A_502, %scatter3A_759, %scatter3A_760, %scatter3A_761] : memref<2x4x4x8x129xf32, #tpu.memory_space<vmem>> -> memref<1x1x4x8x129xf32, #tpu.memory_space<vmem>>
        %scatter3A_763 = tpu.memref_squeeze %scatter3A_762 : memref<1x1x4x8x129xf32, #tpu.memory_space<vmem>> -> memref<4x8x129xf32, #tpu.memory_space<vmem>>
        tpu.vector_store_idx %scatter3A_763[%shift_right_arithmetic3A_8, %and3A_16, %add3A_752], %get3A_757 : memref<4x8x129xf32, #tpu.memory_space<vmem>>[vector<16xi32>, vector<16xi32>, vector<16xi32>], vector<16xf32>,
        %get3A_764 = arith.constant 0 : i32
        %get3A_765 = arith.index_cast %get3A_764 : i32 to index
        %get3A_766 = arith.index_cast %add3A_746 : i32 to index
        %get3A_767 = arith.constant 16 : index
        %get3A_768 = tpu.vector_load %arg7[%get3A_765, %get3A_766, %get3A_767] {strides = array<i32>} : memref<2x512x32xf32, #tpu.memory_space<vmem>>, vector<16xf32>,
        %scatter3A_769 = arith.constant 0 : i32
        %scatter3A_770 = arith.constant 0 : i32
        %scatter3A_771 = arith.constant 0 : i32
        %scatter3A_772 = arith.constant 0 : i32
        %scatter3A_773 = tpu.memref_slice %arg8[%scatter3A_769, %shift_right_arithmetic3A_502, %scatter3A_770, %scatter3A_771, %scatter3A_772] : memref<2x4x4x8x129xf32, #tpu.memory_space<vmem>> -> memref<1x1x4x8x129xf32, #tpu.memory_space<vmem>>
        %scatter3A_774 = tpu.memref_squeeze %scatter3A_773 : memref<1x1x4x8x129xf32, #tpu.memory_space<vmem>> -> memref<4x8x129xf32, #tpu.memory_space<vmem>>
        tpu.vector_store_idx %scatter3A_774[%add3A_14, %and3A_16, %add3A_752], %get3A_768 : memref<4x8x129xf32, #tpu.memory_space<vmem>>[vector<16xi32>, vector<16xi32>, vector<16xi32>], vector<16xf32>,
        %add3A_775 = arith.constant 9 : i32
        %add3A_776 = arith.addi %mul3A_506, %add3A_775 : i32
        %mul3A_777 = arith.constant 16 : i32
        %mul3A_778 = arith.muli %and3A_504, %mul3A_777 : i32
        %add3A_779 = arith.constant 9 : i32
        %add3A_780 = arith.addi %mul3A_778, %add3A_779 : i32
        %add3A_781 = vector.broadcast %add3A_780 : i32 to vector<16xi32>
        %add3A_782 = arith.addi %broadcast_in_dim3A_6, %add3A_781 : vector<16xi32>
        %get3A_783 = arith.constant 0 : i32
        %get3A_784 = arith.index_cast %get3A_783 : i32 to index
        %get3A_785 = arith.index_cast %add3A_776 : i32 to index
        %get3A_786 = arith.constant 0 : index
        %get3A_787 = tpu.vector_load %arg7[%get3A_784, %get3A_785, %get3A_786] {strides = array<i32>} : memref<2x512x32xf32, #tpu.memory_space<vmem>>, vector<16xf32>,
        %scatter3A_788 = arith.constant 0 : i32
        %scatter3A_789 = arith.constant 0 : i32
        %scatter3A_790 = arith.constant 0 : i32
        %scatter3A_791 = arith.constant 0 : i32
        %scatter3A_792 = tpu.memref_slice %arg8[%scatter3A_788, %shift_right_arithmetic3A_502, %scatter3A_789, %scatter3A_790, %scatter3A_791] : memref<2x4x4x8x129xf32, #tpu.memory_space<vmem>> -> memref<1x1x4x8x129xf32, #tpu.memory_space<vmem>>
        %scatter3A_793 = tpu.memref_squeeze %scatter3A_792 : memref<1x1x4x8x129xf32, #tpu.memory_space<vmem>> -> memref<4x8x129xf32, #tpu.memory_space<vmem>>
        tpu.vector_store_idx %scatter3A_793[%shift_right_arithmetic3A_8, %and3A_16, %add3A_782], %get3A_787 : memref<4x8x129xf32, #tpu.memory_space<vmem>>[vector<16xi32>, vector<16xi32>, vector<16xi32>], vector<16xf32>,
        %get3A_794 = arith.constant 0 : i32
        %get3A_795 = arith.index_cast %get3A_794 : i32 to index
        %get3A_796 = arith.index_cast %add3A_776 : i32 to index
        %get3A_797 = arith.constant 16 : index
        %get3A_798 = tpu.vector_load %arg7[%get3A_795, %get3A_796, %get3A_797] {strides = array<i32>} : memref<2x512x32xf32, #tpu.memory_space<vmem>>, vector<16xf32>,
        %scatter3A_799 = arith.constant 0 : i32
        %scatter3A_800 = arith.constant 0 : i32
        %scatter3A_801 = arith.constant 0 : i32
        %scatter3A_802 = arith.constant 0 : i32
        %scatter3A_803 = tpu.memref_slice %arg8[%scatter3A_799, %shift_right_arithmetic3A_502, %scatter3A_800, %scatter3A_801, %scatter3A_802] : memref<2x4x4x8x129xf32, #tpu.memory_space<vmem>> -> memref<1x1x4x8x129xf32, #tpu.memory_space<vmem>>
        %scatter3A_804 = tpu.memref_squeeze %scatter3A_803 : memref<1x1x4x8x129xf32, #tpu.memory_space<vmem>> -> memref<4x8x129xf32, #tpu.memory_space<vmem>>
        tpu.vector_store_idx %scatter3A_804[%add3A_14, %and3A_16, %add3A_782], %get3A_798 : memref<4x8x129xf32, #tpu.memory_space<vmem>>[vector<16xi32>, vector<16xi32>, vector<16xi32>], vector<16xf32>,
        %add3A_805 = arith.constant 10 : i32
        %add3A_806 = arith.addi %mul3A_506, %add3A_805 : i32
        %mul3A_807 = arith.constant 16 : i32
        %mul3A_808 = arith.muli %and3A_504, %mul3A_807 : i32
        %add3A_809 = arith.constant 10 : i32
        %add3A_810 = arith.addi %mul3A_808, %add3A_809 : i32
        %add3A_811 = vector.broadcast %add3A_810 : i32 to vector<16xi32>
        %add3A_812 = arith.addi %broadcast_in_dim3A_6, %add3A_811 : vector<16xi32>
        %get3A_813 = arith.constant 0 : i32
        %get3A_814 = arith.index_cast %get3A_813 : i32 to index
        %get3A_815 = arith.index_cast %add3A_806 : i32 to index
        %get3A_816 = arith.constant 0 : index
        %get3A_817 = tpu.vector_load %arg7[%get3A_814, %get3A_815, %get3A_816] {strides = array<i32>} : memref<2x512x32xf32, #tpu.memory_space<vmem>>, vector<16xf32>,
        %scatter3A_818 = arith.constant 0 : i32
        %scatter3A_819 = arith.constant 0 : i32
        %scatter3A_820 = arith.constant 0 : i32
        %scatter3A_821 = arith.constant 0 : i32
        %scatter3A_822 = tpu.memref_slice %arg8[%scatter3A_818, %shift_right_arithmetic3A_502, %scatter3A_819, %scatter3A_820, %scatter3A_821] : memref<2x4x4x8x129xf32, #tpu.memory_space<vmem>> -> memref<1x1x4x8x129xf32, #tpu.memory_space<vmem>>
        %scatter3A_823 = tpu.memref_squeeze %scatter3A_822 : memref<1x1x4x8x129xf32, #tpu.memory_space<vmem>> -> memref<4x8x129xf32, #tpu.memory_space<vmem>>
        tpu.vector_store_idx %scatter3A_823[%shift_right_arithmetic3A_8, %and3A_16, %add3A_812], %get3A_817 : memref<4x8x129xf32, #tpu.memory_space<vmem>>[vector<16xi32>, vector<16xi32>, vector<16xi32>], vector<16xf32>,
        %get3A_824 = arith.constant 0 : i32
        %get3A_825 = arith.index_cast %get3A_824 : i32 to index
        %get3A_826 = arith.index_cast %add3A_806 : i32 to index
        %get3A_827 = arith.constant 16 : index
        %get3A_828 = tpu.vector_load %arg7[%get3A_825, %get3A_826, %get3A_827] {strides = array<i32>} : memref<2x512x32xf32, #tpu.memory_space<vmem>>, vector<16xf32>,
        %scatter3A_829 = arith.constant 0 : i32
        %scatter3A_830 = arith.constant 0 : i32
        %scatter3A_831 = arith.constant 0 : i32
        %scatter3A_832 = arith.constant 0 : i32
        %scatter3A_833 = tpu.memref_slice %arg8[%scatter3A_829, %shift_right_arithmetic3A_502, %scatter3A_830, %scatter3A_831, %scatter3A_832] : memref<2x4x4x8x129xf32, #tpu.memory_space<vmem>> -> memref<1x1x4x8x129xf32, #tpu.memory_space<vmem>>
        %scatter3A_834 = tpu.memref_squeeze %scatter3A_833 : memref<1x1x4x8x129xf32, #tpu.memory_space<vmem>> -> memref<4x8x129xf32, #tpu.memory_space<vmem>>
        tpu.vector_store_idx %scatter3A_834[%add3A_14, %and3A_16, %add3A_812], %get3A_828 : memref<4x8x129xf32, #tpu.memory_space<vmem>>[vector<16xi32>, vector<16xi32>, vector<16xi32>], vector<16xf32>,
        %add3A_835 = arith.constant 11 : i32
        %add3A_836 = arith.addi %mul3A_506, %add3A_835 : i32
        %mul3A_837 = arith.constant 16 : i32
        %mul3A_838 = arith.muli %and3A_504, %mul3A_837 : i32
        %add3A_839 = arith.constant 11 : i32
        %add3A_840 = arith.addi %mul3A_838, %add3A_839 : i32
        %add3A_841 = vector.broadcast %add3A_840 : i32 to vector<16xi32>
        %add3A_842 = arith.addi %broadcast_in_dim3A_6, %add3A_841 : vector<16xi32>
        %get3A_843 = arith.constant 0 : i32
        %get3A_844 = arith.index_cast %get3A_843 : i32 to index
        %get3A_845 = arith.index_cast %add3A_836 : i32 to index
        %get3A_846 = arith.constant 0 : index
        %get3A_847 = tpu.vector_load %arg7[%get3A_844, %get3A_845, %get3A_846] {strides = array<i32>} : memref<2x512x32xf32, #tpu.memory_space<vmem>>, vector<16xf32>,
        %scatter3A_848 = arith.constant 0 : i32
        %scatter3A_849 = arith.constant 0 : i32
        %scatter3A_850 = arith.constant 0 : i32
        %scatter3A_851 = arith.constant 0 : i32
        %scatter3A_852 = tpu.memref_slice %arg8[%scatter3A_848, %shift_right_arithmetic3A_502, %scatter3A_849, %scatter3A_850, %scatter3A_851] : memref<2x4x4x8x129xf32, #tpu.memory_space<vmem>> -> memref<1x1x4x8x129xf32, #tpu.memory_space<vmem>>
        %scatter3A_853 = tpu.memref_squeeze %scatter3A_852 : memref<1x1x4x8x129xf32, #tpu.memory_space<vmem>> -> memref<4x8x129xf32, #tpu.memory_space<vmem>>
        tpu.vector_store_idx %scatter3A_853[%shift_right_arithmetic3A_8, %and3A_16, %add3A_842], %get3A_847 : memref<4x8x129xf32, #tpu.memory_space<vmem>>[vector<16xi32>, vector<16xi32>, vector<16xi32>], vector<16xf32>,
        %get3A_854 = arith.constant 0 : i32
        %get3A_855 = arith.index_cast %get3A_854 : i32 to index
        %get3A_856 = arith.index_cast %add3A_836 : i32 to index
        %get3A_857 = arith.constant 16 : index
        %get3A_858 = tpu.vector_load %arg7[%get3A_855, %get3A_856, %get3A_857] {strides = array<i32>} : memref<2x512x32xf32, #tpu.memory_space<vmem>>, vector<16xf32>,
        %scatter3A_859 = arith.constant 0 : i32
        %scatter3A_860 = arith.constant 0 : i32
        %scatter3A_861 = arith.constant 0 : i32
        %scatter3A_862 = arith.constant 0 : i32
        %scatter3A_863 = tpu.memref_slice %arg8[%scatter3A_859, %shift_right_arithmetic3A_502, %scatter3A_860, %scatter3A_861, %scatter3A_862] : memref<2x4x4x8x129xf32, #tpu.memory_space<vmem>> -> memref<1x1x4x8x129xf32, #tpu.memory_space<vmem>>
        %scatter3A_864 = tpu.memref_squeeze %scatter3A_863 : memref<1x1x4x8x129xf32, #tpu.memory_space<vmem>> -> memref<4x8x129xf32, #tpu.memory_space<vmem>>
        tpu.vector_store_idx %scatter3A_864[%add3A_14, %and3A_16, %add3A_842], %get3A_858 : memref<4x8x129xf32, #tpu.memory_space<vmem>>[vector<16xi32>, vector<16xi32>, vector<16xi32>], vector<16xf32>,
        %add3A_865 = arith.constant 12 : i32
        %add3A_866 = arith.addi %mul3A_506, %add3A_865 : i32
        %mul3A_867 = arith.constant 16 : i32
        %mul3A_868 = arith.muli %and3A_504, %mul3A_867 : i32
        %add3A_869 = arith.constant 12 : i32
        %add3A_870 = arith.addi %mul3A_868, %add3A_869 : i32
        %add3A_871 = vector.broadcast %add3A_870 : i32 to vector<16xi32>
        %add3A_872 = arith.addi %broadcast_in_dim3A_6, %add3A_871 : vector<16xi32>
        %get3A_873 = arith.constant 0 : i32
        %get3A_874 = arith.index_cast %get3A_873 : i32 to index
        %get3A_875 = arith.index_cast %add3A_866 : i32 to index
        %get3A_876 = arith.constant 0 : index
        %get3A_877 = tpu.vector_load %arg7[%get3A_874, %get3A_875, %get3A_876] {strides = array<i32>} : memref<2x512x32xf32, #tpu.memory_space<vmem>>, vector<16xf32>,
        %scatter3A_878 = arith.constant 0 : i32
        %scatter3A_879 = arith.constant 0 : i32
        %scatter3A_880 = arith.constant 0 : i32
        %scatter3A_881 = arith.constant 0 : i32
        %scatter3A_882 = tpu.memref_slice %arg8[%scatter3A_878, %shift_right_arithmetic3A_502, %scatter3A_879, %scatter3A_880, %scatter3A_881] : memref<2x4x4x8x129xf32, #tpu.memory_space<vmem>> -> memref<1x1x4x8x129xf32, #tpu.memory_space<vmem>>
        %scatter3A_883 = tpu.memref_squeeze %scatter3A_882 : memref<1x1x4x8x129xf32, #tpu.memory_space<vmem>> -> memref<4x8x129xf32, #tpu.memory_space<vmem>>
        tpu.vector_store_idx %scatter3A_883[%shift_right_arithmetic3A_8, %and3A_16, %add3A_872], %get3A_877 : memref<4x8x129xf32, #tpu.memory_space<vmem>>[vector<16xi32>, vector<16xi32>, vector<16xi32>], vector<16xf32>,
        %get3A_884 = arith.constant 0 : i32
        %get3A_885 = arith.index_cast %get3A_884 : i32 to index
        %get3A_886 = arith.index_cast %add3A_866 : i32 to index
        %get3A_887 = arith.constant 16 : index
        %get3A_888 = tpu.vector_load %arg7[%get3A_885, %get3A_886, %get3A_887] {strides = array<i32>} : memref<2x512x32xf32, #tpu.memory_space<vmem>>, vector<16xf32>,
        %scatter3A_889 = arith.constant 0 : i32
        %scatter3A_890 = arith.constant 0 : i32
        %scatter3A_891 = arith.constant 0 : i32
        %scatter3A_892 = arith.constant 0 : i32
        %scatter3A_893 = tpu.memref_slice %arg8[%scatter3A_889, %shift_right_arithmetic3A_502, %scatter3A_890, %scatter3A_891, %scatter3A_892] : memref<2x4x4x8x129xf32, #tpu.memory_space<vmem>> -> memref<1x1x4x8x129xf32, #tpu.memory_space<vmem>>
        %scatter3A_894 = tpu.memref_squeeze %scatter3A_893 : memref<1x1x4x8x129xf32, #tpu.memory_space<vmem>> -> memref<4x8x129xf32, #tpu.memory_space<vmem>>
        tpu.vector_store_idx %scatter3A_894[%add3A_14, %and3A_16, %add3A_872], %get3A_888 : memref<4x8x129xf32, #tpu.memory_space<vmem>>[vector<16xi32>, vector<16xi32>, vector<16xi32>], vector<16xf32>,
        %add3A_895 = arith.constant 13 : i32
        %add3A_896 = arith.addi %mul3A_506, %add3A_895 : i32
        %mul3A_897 = arith.constant 16 : i32
        %mul3A_898 = arith.muli %and3A_504, %mul3A_897 : i32
        %add3A_899 = arith.constant 13 : i32
        %add3A_900 = arith.addi %mul3A_898, %add3A_899 : i32
        %add3A_901 = vector.broadcast %add3A_900 : i32 to vector<16xi32>
        %add3A_902 = arith.addi %broadcast_in_dim3A_6, %add3A_901 : vector<16xi32>
        %get3A_903 = arith.constant 0 : i32
        %get3A_904 = arith.index_cast %get3A_903 : i32 to index
        %get3A_905 = arith.index_cast %add3A_896 : i32 to index
        %get3A_906 = arith.constant 0 : index
        %get3A_907 = tpu.vector_load %arg7[%get3A_904, %get3A_905, %get3A_906] {strides = array<i32>} : memref<2x512x32xf32, #tpu.memory_space<vmem>>, vector<16xf32>,
        %scatter3A_908 = arith.constant 0 : i32
        %scatter3A_909 = arith.constant 0 : i32
        %scatter3A_910 = arith.constant 0 : i32
        %scatter3A_911 = arith.constant 0 : i32
        %scatter3A_912 = tpu.memref_slice %arg8[%scatter3A_908, %shift_right_arithmetic3A_502, %scatter3A_909, %scatter3A_910, %scatter3A_911] : memref<2x4x4x8x129xf32, #tpu.memory_space<vmem>> -> memref<1x1x4x8x129xf32, #tpu.memory_space<vmem>>
        %scatter3A_913 = tpu.memref_squeeze %scatter3A_912 : memref<1x1x4x8x129xf32, #tpu.memory_space<vmem>> -> memref<4x8x129xf32, #tpu.memory_space<vmem>>
        tpu.vector_store_idx %scatter3A_913[%shift_right_arithmetic3A_8, %and3A_16, %add3A_902], %get3A_907 : memref<4x8x129xf32, #tpu.memory_space<vmem>>[vector<16xi32>, vector<16xi32>, vector<16xi32>], vector<16xf32>,
        %get3A_914 = arith.constant 0 : i32
        %get3A_915 = arith.index_cast %get3A_914 : i32 to index
        %get3A_916 = arith.index_cast %add3A_896 : i32 to index
        %get3A_917 = arith.constant 16 : index
        %get3A_918 = tpu.vector_load %arg7[%get3A_915, %get3A_916, %get3A_917] {strides = array<i32>} : memref<2x512x32xf32, #tpu.memory_space<vmem>>, vector<16xf32>,
        %scatter3A_919 = arith.constant 0 : i32
        %scatter3A_920 = arith.constant 0 : i32
        %scatter3A_921 = arith.constant 0 : i32
        %scatter3A_922 = arith.constant 0 : i32
        %scatter3A_923 = tpu.memref_slice %arg8[%scatter3A_919, %shift_right_arithmetic3A_502, %scatter3A_920, %scatter3A_921, %scatter3A_922] : memref<2x4x4x8x129xf32, #tpu.memory_space<vmem>> -> memref<1x1x4x8x129xf32, #tpu.memory_space<vmem>>
        %scatter3A_924 = tpu.memref_squeeze %scatter3A_923 : memref<1x1x4x8x129xf32, #tpu.memory_space<vmem>> -> memref<4x8x129xf32, #tpu.memory_space<vmem>>
        tpu.vector_store_idx %scatter3A_924[%add3A_14, %and3A_16, %add3A_902], %get3A_918 : memref<4x8x129xf32, #tpu.memory_space<vmem>>[vector<16xi32>, vector<16xi32>, vector<16xi32>], vector<16xf32>,
        %add3A_925 = arith.constant 14 : i32
        %add3A_926 = arith.addi %mul3A_506, %add3A_925 : i32
        %mul3A_927 = arith.constant 16 : i32
        %mul3A_928 = arith.muli %and3A_504, %mul3A_927 : i32
        %add3A_929 = arith.constant 14 : i32
        %add3A_930 = arith.addi %mul3A_928, %add3A_929 : i32
        %add3A_931 = vector.broadcast %add3A_930 : i32 to vector<16xi32>
        %add3A_932 = arith.addi %broadcast_in_dim3A_6, %add3A_931 : vector<16xi32>
        %get3A_933 = arith.constant 0 : i32
        %get3A_934 = arith.index_cast %get3A_933 : i32 to index
        %get3A_935 = arith.index_cast %add3A_926 : i32 to index
        %get3A_936 = arith.constant 0 : index
        %get3A_937 = tpu.vector_load %arg7[%get3A_934, %get3A_935, %get3A_936] {strides = array<i32>} : memref<2x512x32xf32, #tpu.memory_space<vmem>>, vector<16xf32>,
        %scatter3A_938 = arith.constant 0 : i32
        %scatter3A_939 = arith.constant 0 : i32
        %scatter3A_940 = arith.constant 0 : i32
        %scatter3A_941 = arith.constant 0 : i32
        %scatter3A_942 = tpu.memref_slice %arg8[%scatter3A_938, %shift_right_arithmetic3A_502, %scatter3A_939, %scatter3A_940, %scatter3A_941] : memref<2x4x4x8x129xf32, #tpu.memory_space<vmem>> -> memref<1x1x4x8x129xf32, #tpu.memory_space<vmem>>
        %scatter3A_943 = tpu.memref_squeeze %scatter3A_942 : memref<1x1x4x8x129xf32, #tpu.memory_space<vmem>> -> memref<4x8x129xf32, #tpu.memory_space<vmem>>
        tpu.vector_store_idx %scatter3A_943[%shift_right_arithmetic3A_8, %and3A_16, %add3A_932], %get3A_937 : memref<4x8x129xf32, #tpu.memory_space<vmem>>[vector<16xi32>, vector<16xi32>, vector<16xi32>], vector<16xf32>,
        %get3A_944 = arith.constant 0 : i32
        %get3A_945 = arith.index_cast %get3A_944 : i32 to index
        %get3A_946 = arith.index_cast %add3A_926 : i32 to index
        %get3A_947 = arith.constant 16 : index
        %get3A_948 = tpu.vector_load %arg7[%get3A_945, %get3A_946, %get3A_947] {strides = array<i32>} : memref<2x512x32xf32, #tpu.memory_space<vmem>>, vector<16xf32>,
        %scatter3A_949 = arith.constant 0 : i32
        %scatter3A_950 = arith.constant 0 : i32
        %scatter3A_951 = arith.constant 0 : i32
        %scatter3A_952 = arith.constant 0 : i32
        %scatter3A_953 = tpu.memref_slice %arg8[%scatter3A_949, %shift_right_arithmetic3A_502, %scatter3A_950, %scatter3A_951, %scatter3A_952] : memref<2x4x4x8x129xf32, #tpu.memory_space<vmem>> -> memref<1x1x4x8x129xf32, #tpu.memory_space<vmem>>
        %scatter3A_954 = tpu.memref_squeeze %scatter3A_953 : memref<1x1x4x8x129xf32, #tpu.memory_space<vmem>> -> memref<4x8x129xf32, #tpu.memory_space<vmem>>
        tpu.vector_store_idx %scatter3A_954[%add3A_14, %and3A_16, %add3A_932], %get3A_948 : memref<4x8x129xf32, #tpu.memory_space<vmem>>[vector<16xi32>, vector<16xi32>, vector<16xi32>], vector<16xf32>,
        %add3A_955 = arith.constant 15 : i32
        %add3A_956 = arith.addi %mul3A_506, %add3A_955 : i32
        %mul3A_957 = arith.constant 16 : i32
        %mul3A_958 = arith.muli %and3A_504, %mul3A_957 : i32
        %add3A_959 = arith.constant 15 : i32
        %add3A_960 = arith.addi %mul3A_958, %add3A_959 : i32
        %add3A_961 = vector.broadcast %add3A_960 : i32 to vector<16xi32>
        %add3A_962 = arith.addi %broadcast_in_dim3A_6, %add3A_961 : vector<16xi32>
        %get3A_963 = arith.constant 0 : i32
        %get3A_964 = arith.index_cast %get3A_963 : i32 to index
        %get3A_965 = arith.index_cast %add3A_956 : i32 to index
        %get3A_966 = arith.constant 0 : index
        %get3A_967 = tpu.vector_load %arg7[%get3A_964, %get3A_965, %get3A_966] {strides = array<i32>} : memref<2x512x32xf32, #tpu.memory_space<vmem>>, vector<16xf32>,
        %scatter3A_968 = arith.constant 0 : i32
        %scatter3A_969 = arith.constant 0 : i32
        %scatter3A_970 = arith.constant 0 : i32
        %scatter3A_971 = arith.constant 0 : i32
        %scatter3A_972 = tpu.memref_slice %arg8[%scatter3A_968, %shift_right_arithmetic3A_502, %scatter3A_969, %scatter3A_970, %scatter3A_971] : memref<2x4x4x8x129xf32, #tpu.memory_space<vmem>> -> memref<1x1x4x8x129xf32, #tpu.memory_space<vmem>>
        %scatter3A_973 = tpu.memref_squeeze %scatter3A_972 : memref<1x1x4x8x129xf32, #tpu.memory_space<vmem>> -> memref<4x8x129xf32, #tpu.memory_space<vmem>>
        tpu.vector_store_idx %scatter3A_973[%shift_right_arithmetic3A_8, %and3A_16, %add3A_962], %get3A_967 : memref<4x8x129xf32, #tpu.memory_space<vmem>>[vector<16xi32>, vector<16xi32>, vector<16xi32>], vector<16xf32>,
        %get3A_974 = arith.constant 0 : i32
        %get3A_975 = arith.index_cast %get3A_974 : i32 to index
        %get3A_976 = arith.index_cast %add3A_956 : i32 to index
        %get3A_977 = arith.constant 16 : index
        %get3A_978 = tpu.vector_load %arg7[%get3A_975, %get3A_976, %get3A_977] {strides = array<i32>} : memref<2x512x32xf32, #tpu.memory_space<vmem>>, vector<16xf32>,
        %scatter3A_979 = arith.constant 0 : i32
        %scatter3A_980 = arith.constant 0 : i32
        %scatter3A_981 = arith.constant 0 : i32
        %scatter3A_982 = arith.constant 0 : i32
        %scatter3A_983 = tpu.memref_slice %arg8[%scatter3A_979, %shift_right_arithmetic3A_502, %scatter3A_980, %scatter3A_981, %scatter3A_982] : memref<2x4x4x8x129xf32, #tpu.memory_space<vmem>> -> memref<1x1x4x8x129xf32, #tpu.memory_space<vmem>>
        %scatter3A_984 = tpu.memref_squeeze %scatter3A_983 : memref<1x1x4x8x129xf32, #tpu.memory_space<vmem>> -> memref<4x8x129xf32, #tpu.memory_space<vmem>>
        tpu.vector_store_idx %scatter3A_984[%add3A_14, %and3A_16, %add3A_962], %get3A_978 : memref<4x8x129xf32, #tpu.memory_space<vmem>>[vector<16xi32>, vector<16xi32>, vector<16xi32>], vector<16xf32>,
      }
      %scan3A_375 = arith.constant 32 : i32
      %mul3A_376 = arith.constant 4 : i32
      %mul3A_377 = arith.muli %mul3A_332, %mul3A_376 : i32
      %dma_start3A_378 = arith.constant 0 : i32
      %dma_start3A_379 = arith.constant 0 : i32
      %dma_start3A_380 = arith.constant 0 : i32
      %dma_start3A_381 = arith.constant 0 : i32
      %dma_start3A_382 = arith.constant 0 : i32
      %dma_start3A_383 = tpu.memref_slice %arg8[%dma_start3A_378, %dma_start3A_379, %dma_start3A_380, %dma_start3A_381, %dma_start3A_382] : memref<2x4x4x8x129xf32, #tpu.memory_space<vmem>> -> memref<1x4x4x8x128xf32, #tpu.memory_space<vmem>>
      %dma_start3A_384 = tpu.memref_squeeze %dma_start3A_383 : memref<1x4x4x8x128xf32, #tpu.memory_space<vmem>> -> memref<4x4x8x128xf32, #tpu.memory_space<vmem>>
      %dma_start3A_385 = arith.constant 0 : i32
      %dma_start3A_386 = arith.constant 0 : i32
      %dma_start3A_387 = arith.constant 0 : i32
      %dma_start3A_388 = tpu.memref_slice %arg4[%mul3A_377, %dma_start3A_385, %add3A, %dma_start3A_386, %dma_start3A_387] : memref<200x4x32x8x128xf32, #tpu.memory_space<hbm>> -> memref<4x4x1x8x128xf32, #tpu.memory_space<hbm>>
      %dma_start3A_389 = tpu.memref_squeeze %dma_start3A_388 : memref<4x4x1x8x128xf32, #tpu.memory_space<hbm>> -> memref<4x4x8x128xf32, #tpu.memory_space<hbm>>
      %dma_start3A_390 = arith.constant 0 : i32
      %dma_start3A_391 = arith.constant 0 : i32
      %dma_start3A_392 = arith.constant 0 : i32
      %dma_start3A_393 = tpu.memref_slice %arg4[%mul3A_377, %dma_start3A_390, %add3A, %dma_start3A_391, %dma_start3A_392] : memref<200x4x32x8x128xf32, #tpu.memory_space<hbm>> -> memref<4x4x1x8x128xf32, #tpu.memory_space<hbm>>
      %dma_start3A_394 = tpu.memref_squeeze %dma_start3A_393 : memref<4x4x1x8x128xf32, #tpu.memory_space<hbm>> -> memref<4x4x8x128xf32, #tpu.memory_space<hbm>>
      %dma_start3A_395 = arith.constant 0 : i32
      %dma_start3A_396 = arith.constant 0 : i32
      %dma_start3A_397 = arith.constant 0 : i32
      %dma_start3A_398 = arith.constant 0 : i32
      %dma_start3A_399 = tpu.memref_slice %arg8[%dma_start3A_378, %dma_start3A_395, %dma_start3A_396, %dma_start3A_397, %dma_start3A_398] : memref<2x4x4x8x129xf32, #tpu.memory_space<vmem>> -> memref<1x4x4x8x128xf32, #tpu.memory_space<vmem>>
      %dma_start3A_400 = tpu.memref_squeeze %dma_start3A_399 : memref<1x4x4x8x128xf32, #tpu.memory_space<vmem>> -> memref<4x4x8x128xf32, #tpu.memory_space<vmem>>
      tpu.enqueue_dma source(%dma_start3A_400 : memref<4x4x8x128xf32, #tpu.memory_space<vmem>>) target(%dma_start3A_394 : memref<4x4x8x128xf32, #tpu.memory_space<hbm>>) target_semaphore(%arg11 : memref<!tpu.dma_semaphore, #tpu.memory_space<semaphore_mem>>)
      %add3A_401 = arith.constant 2 : i32
      %add3A_402 = arith.addi %mul3A_332, %add3A_401 : i32
      %mul3A_403 = arith.constant 512 : i32
      %mul3A_404 = arith.muli %add3A_402, %mul3A_403 : i32
      %dma_start3A_405 = arith.constant 0 : i32
      %dma_start3A_406 = arith.constant 0 : i32
      %dma_start3A_407 = arith.constant 0 : i32
      %dma_start3A_408 = tpu.memref_slice %arg7[%dma_start3A_405, %dma_start3A_406, %dma_start3A_407] : memref<2x512x32xf32, #tpu.memory_space<vmem>> -> memref<1x512x32xf32, #tpu.memory_space<vmem>>
      %dma_start3A_409 = tpu.memref_squeeze %dma_start3A_408 : memref<1x512x32xf32, #tpu.memory_space<vmem>> -> memref<512x32xf32, #tpu.memory_space<vmem>>
      %dma_start3A_410 = tpu.memref_slice %arg6[%mul3A_404] : memref<25600xi32, #tpu.memory_space<vmem>> -> memref<512xi32, #tpu.memory_space<vmem>>
      %dma_start3A_411 = arith.constant 0 : i32
      %dma_start3A_412 = arith.constant 0 : i32
      %dma_start3A_413 = tpu.memref_slice %arg3[%dma_start3A_411, %dma_start3A_412] : memref<200001x32xf32, #tpu.memory_space<hbm>> -> memref<200001x32xf32, #tpu.memory_space<hbm>>
      tpu.enqueue_indirect_dma source(%dma_start3A_413 : memref<200001x32xf32, #tpu.memory_space<hbm>>) target(%dma_start3A_409 : memref<512x32xf32, #tpu.memory_space<vmem>>) offsets(%dma_start3A_410 : memref<512xi32, #tpu.memory_space<vmem>>) semaphore(%arg9 : memref<!tpu.dma_semaphore, #tpu.memory_space<semaphore_mem>>)
      %mul3A_414 = arith.constant 2 : i32
      %mul3A_415 = arith.muli %mul3A_414, %scan3A_330 : i32
      %add3A_416 = arith.constant 1 : i32
      %add3A_417 = arith.addi %mul3A_415, %add3A_416 : i32
      %mul3A_418 = arith.constant 512 : i32
      %mul3A_419 = arith.muli %add3A_417, %mul3A_418 : i32
      %dma_wait3A_420 = arith.constant 1 : i32
      %dma_wait3A_421 = arith.constant 0 : i32
      %dma_wait3A_422 = arith.constant 0 : i32
      %dma_wait3A_423 = tpu.memref_slice %arg7[%dma_wait3A_420, %dma_wait3A_421, %dma_wait3A_422] : memref<2x512x32xf32, #tpu.memory_space<vmem>> -> memref<1x512x32xf32, #tpu.memory_space<vmem>>
      %dma_wait3A_424 = tpu.memref_squeeze %dma_wait3A_423 : memref<1x512x32xf32, #tpu.memory_space<vmem>> -> memref<512x32xf32, #tpu.memory_space<vmem>>
      %dma_wait3A_425 = tpu.memref_slice %arg6[%mul3A_419] : memref<25600xi32, #tpu.memory_space<vmem>> -> memref<512xi32, #tpu.memory_space<vmem>>
      %dma_wait3A_426 = arith.constant 0 : i32
      %dma_wait3A_427 = arith.constant 0 : i32
      %dma_wait3A_428 = tpu.memref_slice %arg3[%dma_wait3A_426, %dma_wait3A_427] : memref<200001x32xf32, #tpu.memory_space<hbm>> -> memref<200001x32xf32, #tpu.memory_space<hbm>>
      tpu.wait_indirect_dma semaphore(%arg10 : memref<!tpu.dma_semaphore, #tpu.memory_space<semaphore_mem>>) src(%dma_wait3A_428 : memref<200001x32xf32, #tpu.memory_space<hbm>>) dst(%dma_wait3A_424 : memref<512x32xf32, #tpu.memory_space<vmem>>)
      %sub3A_429 = arith.constant 2 : i32
      %sub3A_430 = arith.subi %add3A_417, %sub3A_429 : i32
      %mul3A_431 = arith.constant 4 : i32
      %mul3A_432 = arith.muli %sub3A_430, %mul3A_431 : i32
      %dma_wait3A_433 = arith.constant 1 : i32
      %dma_wait3A_434 = arith.constant 0 : i32
      %dma_wait3A_435 = arith.constant 0 : i32
      %dma_wait3A_436 = arith.constant 0 : i32
      %dma_wait3A_437 = arith.constant 0 : i32
      %dma_wait3A_438 = tpu.memref_slice %arg8[%dma_wait3A_433, %dma_wait3A_434, %dma_wait3A_435, %dma_wait3A_436, %dma_wait3A_437] : memref<2x4x4x8x129xf32, #tpu.memory_space<vmem>> -> memref<1x4x4x8x128xf32, #tpu.memory_space<vmem>>
      %dma_wait3A_439 = tpu.memref_squeeze %dma_wait3A_438 : memref<1x4x4x8x128xf32, #tpu.memory_space<vmem>> -> memref<4x4x8x128xf32, #tpu.memory_space<vmem>>
      %dma_wait3A_440 = arith.constant 0 : i32
      %dma_wait3A_441 = arith.constant 0 : i32
      %dma_wait3A_442 = arith.constant 0 : i32
      %dma_wait3A_443 = tpu.memref_slice %arg4[%mul3A_432, %dma_wait3A_440, %add3A, %dma_wait3A_441, %dma_wait3A_442] : memref<200x4x32x8x128xf32, #tpu.memory_space<hbm>> -> memref<4x4x1x8x128xf32, #tpu.memory_space<hbm>>
      %dma_wait3A_444 = tpu.memref_squeeze %dma_wait3A_443 : memref<4x4x1x8x128xf32, #tpu.memory_space<hbm>> -> memref<4x4x8x128xf32, #tpu.memory_space<hbm>>
      %dma_wait3A_445 = arith.constant 0 : i32
      %dma_wait3A_446 = arith.constant 0 : i32
      %dma_wait3A_447 = arith.constant 0 : i32
      %dma_wait3A_448 = tpu.memref_slice %arg4[%mul3A_432, %dma_wait3A_445, %add3A, %dma_wait3A_446, %dma_wait3A_447] : memref<200x4x32x8x128xf32, #tpu.memory_space<hbm>> -> memref<4x4x1x8x128xf32, #tpu.memory_space<hbm>>
      %dma_wait3A_449 = tpu.memref_squeeze %dma_wait3A_448 : memref<4x4x1x8x128xf32, #tpu.memory_space<hbm>> -> memref<4x4x8x128xf32, #tpu.memory_space<hbm>>
      %dma_wait3A_450 = arith.constant 0 : i32
      %dma_wait3A_451 = arith.constant 0 : i32
      %dma_wait3A_452 = arith.constant 0 : i32
      %dma_wait3A_453 = arith.constant 0 : i32
      %dma_wait3A_454 = tpu.memref_slice %arg8[%dma_wait3A_433, %dma_wait3A_450, %dma_wait3A_451, %dma_wait3A_452, %dma_wait3A_453] : memref<2x4x4x8x129xf32, #tpu.memory_space<vmem>> -> memref<1x4x4x8x128xf32, #tpu.memory_space<vmem>>
      %dma_wait3A_455 = tpu.memref_squeeze %dma_wait3A_454 : memref<1x4x4x8x128xf32, #tpu.memory_space<vmem>> -> memref<4x4x8x128xf32, #tpu.memory_space<vmem>>
      tpu.wait_dma2 semaphore(%arg12 : memref<!tpu.dma_semaphore, #tpu.memory_space<semaphore_mem>>) src(%dma_wait3A_455 : memref<4x4x8x128xf32, #tpu.memory_space<vmem>>) dst(%dma_wait3A_449 : memref<4x4x8x128xf32, #tpu.memory_space<hbm>>)
      %scan3A_456 = arith.constant 0 : i32
      %scan3A_457 = arith.constant 0 : i32
      %scan3A_458 = arith.constant 32 : i32
      %scan3A_459 = arith.addi %scan3A_457, %scan3A_458 : i32
      %scan3A_460 = arith.constant 1 : i32
      scf.for %scan3A_500 = %scan3A_457 to %scan3A_459 step %scan3A_460  : i32 {
        %shift_right_arithmetic3A_501 = arith.constant 3 : i32
        %shift_right_arithmetic3A_502 = arith.shrsi %scan3A_500, %shift_right_arithmetic3A_501 : i32
        %and3A_503 = arith.constant 7 : i32
        %and3A_504 = arith.andi %scan3A_500, %and3A_503 : i32
        %mul3A_505 = arith.constant 16 : i32
        %mul3A_506 = arith.muli %scan3A_500, %mul3A_505 : i32
        %add3A_507 = arith.constant 0 : i32
        %add3A_508 = arith.addi %mul3A_506, %add3A_507 : i32
        %mul3A_509 = arith.constant 16 : i32
        %mul3A_510 = arith.muli %and3A_504, %mul3A_509 : i32
        %add3A_511 = arith.constant 0 : i32
        %add3A_512 = arith.addi %mul3A_510, %add3A_511 : i32
        %add3A_513 = vector.broadcast %add3A_512 : i32 to vector<16xi32>
        %add3A_514 = arith.addi %broadcast_in_dim3A_6, %add3A_513 : vector<16xi32>
        %get3A = arith.constant 1 : i32
        %get3A_515 = arith.index_cast %get3A : i32 to index
        %get3A_516 = arith.index_cast %add3A_508 : i32 to index
        %get3A_517 = arith.constant 0 : index
        %get3A_518 = tpu.vector_load %arg7[%get3A_515, %get3A_516, %get3A_517] {strides = array<i32>} : memref<2x512x32xf32, #tpu.memory_space<vmem>>, vector<16xf32>,
        %scatter3A = arith.constant 1 : i32
        %scatter3A_519 = arith.constant 0 : i32
        %scatter3A_520 = arith.constant 0 : i32
        %scatter3A_521 = arith.constant 0 : i32
        %scatter3A_522 = tpu.memref_slice %arg8[%scatter3A, %shift_right_arithmetic3A_502, %scatter3A_519, %scatter3A_520, %scatter3A_521] : memref<2x4x4x8x129xf32, #tpu.memory_space<vmem>> -> memref<1x1x4x8x129xf32, #tpu.memory_space<vmem>>
        %scatter3A_523 = tpu.memref_squeeze %scatter3A_522 : memref<1x1x4x8x129xf32, #tpu.memory_space<vmem>> -> memref<4x8x129xf32, #tpu.memory_space<vmem>>
        tpu.vector_store_idx %scatter3A_523[%shift_right_arithmetic3A_8, %and3A_16, %add3A_514], %get3A_518 : memref<4x8x129xf32, #tpu.memory_space<vmem>>[vector<16xi32>, vector<16xi32>, vector<16xi32>], vector<16xf32>,
        %get3A_524 = arith.constant 1 : i32
        %get3A_525 = arith.index_cast %get3A_524 : i32 to index
        %get3A_526 = arith.index_cast %add3A_508 : i32 to index
        %get3A_527 = arith.constant 16 : index
        %get3A_528 = tpu.vector_load %arg7[%get3A_525, %get3A_526, %get3A_527] {strides = array<i32>} : memref<2x512x32xf32, #tpu.memory_space<vmem>>, vector<16xf32>,
        %scatter3A_529 = arith.constant 1 : i32
        %scatter3A_530 = arith.constant 0 : i32
        %scatter3A_531 = arith.constant 0 : i32
        %scatter3A_532 = arith.constant 0 : i32
        %scatter3A_533 = tpu.memref_slice %arg8[%scatter3A_529, %shift_right_arithmetic3A_502, %scatter3A_530, %scatter3A_531, %scatter3A_532] : memref<2x4x4x8x129xf32, #tpu.memory_space<vmem>> -> memref<1x1x4x8x129xf32, #tpu.memory_space<vmem>>
        %scatter3A_534 = tpu.memref_squeeze %scatter3A_533 : memref<1x1x4x8x129xf32, #tpu.memory_space<vmem>> -> memref<4x8x129xf32, #tpu.memory_space<vmem>>
        tpu.vector_store_idx %scatter3A_534[%add3A_14, %and3A_16, %add3A_514], %get3A_528 : memref<4x8x129xf32, #tpu.memory_space<vmem>>[vector<16xi32>, vector<16xi32>, vector<16xi32>], vector<16xf32>,
        %add3A_535 = arith.constant 1 : i32
        %add3A_536 = arith.addi %mul3A_506, %add3A_535 : i32
        %mul3A_537 = arith.constant 16 : i32
        %mul3A_538 = arith.muli %and3A_504, %mul3A_537 : i32
        %add3A_539 = arith.constant 1 : i32
        %add3A_540 = arith.addi %mul3A_538, %add3A_539 : i32
        %add3A_541 = vector.broadcast %add3A_540 : i32 to vector<16xi32>
        %add3A_542 = arith.addi %broadcast_in_dim3A_6, %add3A_541 : vector<16xi32>
        %get3A_543 = arith.constant 1 : i32
        %get3A_544 = arith.index_cast %get3A_543 : i32 to index
        %get3A_545 = arith.index_cast %add3A_536 : i32 to index
        %get3A_546 = arith.constant 0 : index
        %get3A_547 = tpu.vector_load %arg7[%get3A_544, %get3A_545, %get3A_546] {strides = array<i32>} : memref<2x512x32xf32, #tpu.memory_space<vmem>>, vector<16xf32>,
        %scatter3A_548 = arith.constant 1 : i32
        %scatter3A_549 = arith.constant 0 : i32
        %scatter3A_550 = arith.constant 0 : i32
        %scatter3A_551 = arith.constant 0 : i32
        %scatter3A_552 = tpu.memref_slice %arg8[%scatter3A_548, %shift_right_arithmetic3A_502, %scatter3A_549, %scatter3A_550, %scatter3A_551] : memref<2x4x4x8x129xf32, #tpu.memory_space<vmem>> -> memref<1x1x4x8x129xf32, #tpu.memory_space<vmem>>
        %scatter3A_553 = tpu.memref_squeeze %scatter3A_552 : memref<1x1x4x8x129xf32, #tpu.memory_space<vmem>> -> memref<4x8x129xf32, #tpu.memory_space<vmem>>
        tpu.vector_store_idx %scatter3A_553[%shift_right_arithmetic3A_8, %and3A_16, %add3A_542], %get3A_547 : memref<4x8x129xf32, #tpu.memory_space<vmem>>[vector<16xi32>, vector<16xi32>, vector<16xi32>], vector<16xf32>,
        %get3A_554 = arith.constant 1 : i32
        %get3A_555 = arith.index_cast %get3A_554 : i32 to index
        %get3A_556 = arith.index_cast %add3A_536 : i32 to index
        %get3A_557 = arith.constant 16 : index
        %get3A_558 = tpu.vector_load %arg7[%get3A_555, %get3A_556, %get3A_557] {strides = array<i32>} : memref<2x512x32xf32, #tpu.memory_space<vmem>>, vector<16xf32>,
        %scatter3A_559 = arith.constant 1 : i32
        %scatter3A_560 = arith.constant 0 : i32
        %scatter3A_561 = arith.constant 0 : i32
        %scatter3A_562 = arith.constant 0 : i32
        %scatter3A_563 = tpu.memref_slice %arg8[%scatter3A_559, %shift_right_arithmetic3A_502, %scatter3A_560, %scatter3A_561, %scatter3A_562] : memref<2x4x4x8x129xf32, #tpu.memory_space<vmem>> -> memref<1x1x4x8x129xf32, #tpu.memory_space<vmem>>
        %scatter3A_564 = tpu.memref_squeeze %scatter3A_563 : memref<1x1x4x8x129xf32, #tpu.memory_space<vmem>> -> memref<4x8x129xf32, #tpu.memory_space<vmem>>
        tpu.vector_store_idx %scatter3A_564[%add3A_14, %and3A_16, %add3A_542], %get3A_558 : memref<4x8x129xf32, #tpu.memory_space<vmem>>[vector<16xi32>, vector<16xi32>, vector<16xi32>], vector<16xf32>,
        %add3A_565 = arith.constant 2 : i32
        %add3A_566 = arith.addi %mul3A_506, %add3A_565 : i32
        %mul3A_567 = arith.constant 16 : i32
        %mul3A_568 = arith.muli %and3A_504, %mul3A_567 : i32
        %add3A_569 = arith.constant 2 : i32
        %add3A_570 = arith.addi %mul3A_568, %add3A_569 : i32
        %add3A_571 = vector.broadcast %add3A_570 : i32 to vector<16xi32>
        %add3A_572 = arith.addi %broadcast_in_dim3A_6, %add3A_571 : vector<16xi32>
        %get3A_573 = arith.constant 1 : i32
        %get3A_574 = arith.index_cast %get3A_573 : i32 to index
        %get3A_575 = arith.index_cast %add3A_566 : i32 to index
        %get3A_576 = arith.constant 0 : index
        %get3A_577 = tpu.vector_load %arg7[%get3A_574, %get3A_575, %get3A_576] {strides = array<i32>} : memref<2x512x32xf32, #tpu.memory_space<vmem>>, vector<16xf32>,
        %scatter3A_578 = arith.constant 1 : i32
        %scatter3A_579 = arith.constant 0 : i32
        %scatter3A_580 = arith.constant 0 : i32
        %scatter3A_581 = arith.constant 0 : i32
        %scatter3A_582 = tpu.memref_slice %arg8[%scatter3A_578, %shift_right_arithmetic3A_502, %scatter3A_579, %scatter3A_580, %scatter3A_581] : memref<2x4x4x8x129xf32, #tpu.memory_space<vmem>> -> memref<1x1x4x8x129xf32, #tpu.memory_space<vmem>>
        %scatter3A_583 = tpu.memref_squeeze %scatter3A_582 : memref<1x1x4x8x129xf32, #tpu.memory_space<vmem>> -> memref<4x8x129xf32, #tpu.memory_space<vmem>>
        tpu.vector_store_idx %scatter3A_583[%shift_right_arithmetic3A_8, %and3A_16, %add3A_572], %get3A_577 : memref<4x8x129xf32, #tpu.memory_space<vmem>>[vector<16xi32>, vector<16xi32>, vector<16xi32>], vector<16xf32>,
        %get3A_584 = arith.constant 1 : i32
        %get3A_585 = arith.index_cast %get3A_584 : i32 to index
        %get3A_586 = arith.index_cast %add3A_566 : i32 to index
        %get3A_587 = arith.constant 16 : index
        %get3A_588 = tpu.vector_load %arg7[%get3A_585, %get3A_586, %get3A_587] {strides = array<i32>} : memref<2x512x32xf32, #tpu.memory_space<vmem>>, vector<16xf32>,
        %scatter3A_589 = arith.constant 1 : i32
        %scatter3A_590 = arith.constant 0 : i32
        %scatter3A_591 = arith.constant 0 : i32
        %scatter3A_592 = arith.constant 0 : i32
        %scatter3A_593 = tpu.memref_slice %arg8[%scatter3A_589, %shift_right_arithmetic3A_502, %scatter3A_590, %scatter3A_591, %scatter3A_592] : memref<2x4x4x8x129xf32, #tpu.memory_space<vmem>> -> memref<1x1x4x8x129xf32, #tpu.memory_space<vmem>>
        %scatter3A_594 = tpu.memref_squeeze %scatter3A_593 : memref<1x1x4x8x129xf32, #tpu.memory_space<vmem>> -> memref<4x8x129xf32, #tpu.memory_space<vmem>>
        tpu.vector_store_idx %scatter3A_594[%add3A_14, %and3A_16, %add3A_572], %get3A_588 : memref<4x8x129xf32, #tpu.memory_space<vmem>>[vector<16xi32>, vector<16xi32>, vector<16xi32>], vector<16xf32>,
        %add3A_595 = arith.constant 3 : i32
        %add3A_596 = arith.addi %mul3A_506, %add3A_595 : i32
        %mul3A_597 = arith.constant 16 : i32
        %mul3A_598 = arith.muli %and3A_504, %mul3A_597 : i32
        %add3A_599 = arith.constant 3 : i32
        %add3A_600 = arith.addi %mul3A_598, %add3A_599 : i32
        %add3A_601 = vector.broadcast %add3A_600 : i32 to vector<16xi32>
        %add3A_602 = arith.addi %broadcast_in_dim3A_6, %add3A_601 : vector<16xi32>
        %get3A_603 = arith.constant 1 : i32
        %get3A_604 = arith.index_cast %get3A_603 : i32 to index
        %get3A_605 = arith.index_cast %add3A_596 : i32 to index
        %get3A_606 = arith.constant 0 : index
        %get3A_607 = tpu.vector_load %arg7[%get3A_604, %get3A_605, %get3A_606] {strides = array<i32>} : memref<2x512x32xf32, #tpu.memory_space<vmem>>, vector<16xf32>,
        %scatter3A_608 = arith.constant 1 : i32
        %scatter3A_609 = arith.constant 0 : i32
        %scatter3A_610 = arith.constant 0 : i32
        %scatter3A_611 = arith.constant 0 : i32
        %scatter3A_612 = tpu.memref_slice %arg8[%scatter3A_608, %shift_right_arithmetic3A_502, %scatter3A_609, %scatter3A_610, %scatter3A_611] : memref<2x4x4x8x129xf32, #tpu.memory_space<vmem>> -> memref<1x1x4x8x129xf32, #tpu.memory_space<vmem>>
        %scatter3A_613 = tpu.memref_squeeze %scatter3A_612 : memref<1x1x4x8x129xf32, #tpu.memory_space<vmem>> -> memref<4x8x129xf32, #tpu.memory_space<vmem>>
        tpu.vector_store_idx %scatter3A_613[%shift_right_arithmetic3A_8, %and3A_16, %add3A_602], %get3A_607 : memref<4x8x129xf32, #tpu.memory_space<vmem>>[vector<16xi32>, vector<16xi32>, vector<16xi32>], vector<16xf32>,
        %get3A_614 = arith.constant 1 : i32
        %get3A_615 = arith.index_cast %get3A_614 : i32 to index
        %get3A_616 = arith.index_cast %add3A_596 : i32 to index
        %get3A_617 = arith.constant 16 : index
        %get3A_618 = tpu.vector_load %arg7[%get3A_615, %get3A_616, %get3A_617] {strides = array<i32>} : memref<2x512x32xf32, #tpu.memory_space<vmem>>, vector<16xf32>,
        %scatter3A_619 = arith.constant 1 : i32
        %scatter3A_620 = arith.constant 0 : i32
        %scatter3A_621 = arith.constant 0 : i32
        %scatter3A_622 = arith.constant 0 : i32
        %scatter3A_623 = tpu.memref_slice %arg8[%scatter3A_619, %shift_right_arithmetic3A_502, %scatter3A_620, %scatter3A_621, %scatter3A_622] : memref<2x4x4x8x129xf32, #tpu.memory_space<vmem>> -> memref<1x1x4x8x129xf32, #tpu.memory_space<vmem>>
        %scatter3A_624 = tpu.memref_squeeze %scatter3A_623 : memref<1x1x4x8x129xf32, #tpu.memory_space<vmem>> -> memref<4x8x129xf32, #tpu.memory_space<vmem>>
        tpu.vector_store_idx %scatter3A_624[%add3A_14, %and3A_16, %add3A_602], %get3A_618 : memref<4x8x129xf32, #tpu.memory_space<vmem>>[vector<16xi32>, vector<16xi32>, vector<16xi32>], vector<16xf32>,
        %add3A_625 = arith.constant 4 : i32
        %add3A_626 = arith.addi %mul3A_506, %add3A_625 : i32
        %mul3A_627 = arith.constant 16 : i32
        %mul3A_628 = arith.muli %and3A_504, %mul3A_627 : i32
        %add3A_629 = arith.constant 4 : i32
        %add3A_630 = arith.addi %mul3A_628, %add3A_629 : i32
        %add3A_631 = vector.broadcast %add3A_630 : i32 to vector<16xi32>
        %add3A_632 = arith.addi %broadcast_in_dim3A_6, %add3A_631 : vector<16xi32>
        %get3A_633 = arith.constant 1 : i32
        %get3A_634 = arith.index_cast %get3A_633 : i32 to index
        %get3A_635 = arith.index_cast %add3A_626 : i32 to index
        %get3A_636 = arith.constant 0 : index
        %get3A_637 = tpu.vector_load %arg7[%get3A_634, %get3A_635, %get3A_636] {strides = array<i32>} : memref<2x512x32xf32, #tpu.memory_space<vmem>>, vector<16xf32>,
        %scatter3A_638 = arith.constant 1 : i32
        %scatter3A_639 = arith.constant 0 : i32
        %scatter3A_640 = arith.constant 0 : i32
        %scatter3A_641 = arith.constant 0 : i32
        %scatter3A_642 = tpu.memref_slice %arg8[%scatter3A_638, %shift_right_arithmetic3A_502, %scatter3A_639, %scatter3A_640, %scatter3A_641] : memref<2x4x4x8x129xf32, #tpu.memory_space<vmem>> -> memref<1x1x4x8x129xf32, #tpu.memory_space<vmem>>
        %scatter3A_643 = tpu.memref_squeeze %scatter3A_642 : memref<1x1x4x8x129xf32, #tpu.memory_space<vmem>> -> memref<4x8x129xf32, #tpu.memory_space<vmem>>
        tpu.vector_store_idx %scatter3A_643[%shift_right_arithmetic3A_8, %and3A_16, %add3A_632], %get3A_637 : memref<4x8x129xf32, #tpu.memory_space<vmem>>[vector<16xi32>, vector<16xi32>, vector<16xi32>], vector<16xf32>,
        %get3A_644 = arith.constant 1 : i32
        %get3A_645 = arith.index_cast %get3A_644 : i32 to index
        %get3A_646 = arith.index_cast %add3A_626 : i32 to index
        %get3A_647 = arith.constant 16 : index
        %get3A_648 = tpu.vector_load %arg7[%get3A_645, %get3A_646, %get3A_647] {strides = array<i32>} : memref<2x512x32xf32, #tpu.memory_space<vmem>>, vector<16xf32>,
        %scatter3A_649 = arith.constant 1 : i32
        %scatter3A_650 = arith.constant 0 : i32
        %scatter3A_651 = arith.constant 0 : i32
        %scatter3A_652 = arith.constant 0 : i32
        %scatter3A_653 = tpu.memref_slice %arg8[%scatter3A_649, %shift_right_arithmetic3A_502, %scatter3A_650, %scatter3A_651, %scatter3A_652] : memref<2x4x4x8x129xf32, #tpu.memory_space<vmem>> -> memref<1x1x4x8x129xf32, #tpu.memory_space<vmem>>
        %scatter3A_654 = tpu.memref_squeeze %scatter3A_653 : memref<1x1x4x8x129xf32, #tpu.memory_space<vmem>> -> memref<4x8x129xf32, #tpu.memory_space<vmem>>
        tpu.vector_store_idx %scatter3A_654[%add3A_14, %and3A_16, %add3A_632], %get3A_648 : memref<4x8x129xf32, #tpu.memory_space<vmem>>[vector<16xi32>, vector<16xi32>, vector<16xi32>], vector<16xf32>,
        %add3A_655 = arith.constant 5 : i32
        %add3A_656 = arith.addi %mul3A_506, %add3A_655 : i32
        %mul3A_657 = arith.constant 16 : i32
        %mul3A_658 = arith.muli %and3A_504, %mul3A_657 : i32
        %add3A_659 = arith.constant 5 : i32
        %add3A_660 = arith.addi %mul3A_658, %add3A_659 : i32
        %add3A_661 = vector.broadcast %add3A_660 : i32 to vector<16xi32>
        %add3A_662 = arith.addi %broadcast_in_dim3A_6, %add3A_661 : vector<16xi32>
        %get3A_663 = arith.constant 1 : i32
        %get3A_664 = arith.index_cast %get3A_663 : i32 to index
        %get3A_665 = arith.index_cast %add3A_656 : i32 to index
        %get3A_666 = arith.constant 0 : index
        %get3A_667 = tpu.vector_load %arg7[%get3A_664, %get3A_665, %get3A_666] {strides = array<i32>} : memref<2x512x32xf32, #tpu.memory_space<vmem>>, vector<16xf32>,
        %scatter3A_668 = arith.constant 1 : i32
        %scatter3A_669 = arith.constant 0 : i32
        %scatter3A_670 = arith.constant 0 : i32
        %scatter3A_671 = arith.constant 0 : i32
        %scatter3A_672 = tpu.memref_slice %arg8[%scatter3A_668, %shift_right_arithmetic3A_502, %scatter3A_669, %scatter3A_670, %scatter3A_671] : memref<2x4x4x8x129xf32, #tpu.memory_space<vmem>> -> memref<1x1x4x8x129xf32, #tpu.memory_space<vmem>>
        %scatter3A_673 = tpu.memref_squeeze %scatter3A_672 : memref<1x1x4x8x129xf32, #tpu.memory_space<vmem>> -> memref<4x8x129xf32, #tpu.memory_space<vmem>>
        tpu.vector_store_idx %scatter3A_673[%shift_right_arithmetic3A_8, %and3A_16, %add3A_662], %get3A_667 : memref<4x8x129xf32, #tpu.memory_space<vmem>>[vector<16xi32>, vector<16xi32>, vector<16xi32>], vector<16xf32>,
        %get3A_674 = arith.constant 1 : i32
        %get3A_675 = arith.index_cast %get3A_674 : i32 to index
        %get3A_676 = arith.index_cast %add3A_656 : i32 to index
        %get3A_677 = arith.constant 16 : index
        %get3A_678 = tpu.vector_load %arg7[%get3A_675, %get3A_676, %get3A_677] {strides = array<i32>} : memref<2x512x32xf32, #tpu.memory_space<vmem>>, vector<16xf32>,
        %scatter3A_679 = arith.constant 1 : i32
        %scatter3A_680 = arith.constant 0 : i32
        %scatter3A_681 = arith.constant 0 : i32
        %scatter3A_682 = arith.constant 0 : i32
        %scatter3A_683 = tpu.memref_slice %arg8[%scatter3A_679, %shift_right_arithmetic3A_502, %scatter3A_680, %scatter3A_681, %scatter3A_682] : memref<2x4x4x8x129xf32, #tpu.memory_space<vmem>> -> memref<1x1x4x8x129xf32, #tpu.memory_space<vmem>>
        %scatter3A_684 = tpu.memref_squeeze %scatter3A_683 : memref<1x1x4x8x129xf32, #tpu.memory_space<vmem>> -> memref<4x8x129xf32, #tpu.memory_space<vmem>>
        tpu.vector_store_idx %scatter3A_684[%add3A_14, %and3A_16, %add3A_662], %get3A_678 : memref<4x8x129xf32, #tpu.memory_space<vmem>>[vector<16xi32>, vector<16xi32>, vector<16xi32>], vector<16xf32>,
        %add3A_685 = arith.constant 6 : i32
        %add3A_686 = arith.addi %mul3A_506, %add3A_685 : i32
        %mul3A_687 = arith.constant 16 : i32
        %mul3A_688 = arith.muli %and3A_504, %mul3A_687 : i32
        %add3A_689 = arith.constant 6 : i32
        %add3A_690 = arith.addi %mul3A_688, %add3A_689 : i32
        %add3A_691 = vector.broadcast %add3A_690 : i32 to vector<16xi32>
        %add3A_692 = arith.addi %broadcast_in_dim3A_6, %add3A_691 : vector<16xi32>
        %get3A_693 = arith.constant 1 : i32
        %get3A_694 = arith.index_cast %get3A_693 : i32 to index
        %get3A_695 = arith.index_cast %add3A_686 : i32 to index
        %get3A_696 = arith.constant 0 : index
        %get3A_697 = tpu.vector_load %arg7[%get3A_694, %get3A_695, %get3A_696] {strides = array<i32>} : memref<2x512x32xf32, #tpu.memory_space<vmem>>, vector<16xf32>,
        %scatter3A_698 = arith.constant 1 : i32
        %scatter3A_699 = arith.constant 0 : i32
        %scatter3A_700 = arith.constant 0 : i32
        %scatter3A_701 = arith.constant 0 : i32
        %scatter3A_702 = tpu.memref_slice %arg8[%scatter3A_698, %shift_right_arithmetic3A_502, %scatter3A_699, %scatter3A_700, %scatter3A_701] : memref<2x4x4x8x129xf32, #tpu.memory_space<vmem>> -> memref<1x1x4x8x129xf32, #tpu.memory_space<vmem>>
        %scatter3A_703 = tpu.memref_squeeze %scatter3A_702 : memref<1x1x4x8x129xf32, #tpu.memory_space<vmem>> -> memref<4x8x129xf32, #tpu.memory_space<vmem>>
        tpu.vector_store_idx %scatter3A_703[%shift_right_arithmetic3A_8, %and3A_16, %add3A_692], %get3A_697 : memref<4x8x129xf32, #tpu.memory_space<vmem>>[vector<16xi32>, vector<16xi32>, vector<16xi32>], vector<16xf32>,
        %get3A_704 = arith.constant 1 : i32
        %get3A_705 = arith.index_cast %get3A_704 : i32 to index
        %get3A_706 = arith.index_cast %add3A_686 : i32 to index
        %get3A_707 = arith.constant 16 : index
        %get3A_708 = tpu.vector_load %arg7[%get3A_705, %get3A_706, %get3A_707] {strides = array<i32>} : memref<2x512x32xf32, #tpu.memory_space<vmem>>, vector<16xf32>,
        %scatter3A_709 = arith.constant 1 : i32
        %scatter3A_710 = arith.constant 0 : i32
        %scatter3A_711 = arith.constant 0 : i32
        %scatter3A_712 = arith.constant 0 : i32
        %scatter3A_713 = tpu.memref_slice %arg8[%scatter3A_709, %shift_right_arithmetic3A_502, %scatter3A_710, %scatter3A_711, %scatter3A_712] : memref<2x4x4x8x129xf32, #tpu.memory_space<vmem>> -> memref<1x1x4x8x129xf32, #tpu.memory_space<vmem>>
        %scatter3A_714 = tpu.memref_squeeze %scatter3A_713 : memref<1x1x4x8x129xf32, #tpu.memory_space<vmem>> -> memref<4x8x129xf32, #tpu.memory_space<vmem>>
        tpu.vector_store_idx %scatter3A_714[%add3A_14, %and3A_16, %add3A_692], %get3A_708 : memref<4x8x129xf32, #tpu.memory_space<vmem>>[vector<16xi32>, vector<16xi32>, vector<16xi32>], vector<16xf32>,
        %add3A_715 = arith.constant 7 : i32
        %add3A_716 = arith.addi %mul3A_506, %add3A_715 : i32
        %mul3A_717 = arith.constant 16 : i32
        %mul3A_718 = arith.muli %and3A_504, %mul3A_717 : i32
        %add3A_719 = arith.constant 7 : i32
        %add3A_720 = arith.addi %mul3A_718, %add3A_719 : i32
        %add3A_721 = vector.broadcast %add3A_720 : i32 to vector<16xi32>
        %add3A_722 = arith.addi %broadcast_in_dim3A_6, %add3A_721 : vector<16xi32>
        %get3A_723 = arith.constant 1 : i32
        %get3A_724 = arith.index_cast %get3A_723 : i32 to index
        %get3A_725 = arith.index_cast %add3A_716 : i32 to index
        %get3A_726 = arith.constant 0 : index
        %get3A_727 = tpu.vector_load %arg7[%get3A_724, %get3A_725, %get3A_726] {strides = array<i32>} : memref<2x512x32xf32, #tpu.memory_space<vmem>>, vector<16xf32>,
        %scatter3A_728 = arith.constant 1 : i32
        %scatter3A_729 = arith.constant 0 : i32
        %scatter3A_730 = arith.constant 0 : i32
        %scatter3A_731 = arith.constant 0 : i32
        %scatter3A_732 = tpu.memref_slice %arg8[%scatter3A_728, %shift_right_arithmetic3A_502, %scatter3A_729, %scatter3A_730, %scatter3A_731] : memref<2x4x4x8x129xf32, #tpu.memory_space<vmem>> -> memref<1x1x4x8x129xf32, #tpu.memory_space<vmem>>
        %scatter3A_733 = tpu.memref_squeeze %scatter3A_732 : memref<1x1x4x8x129xf32, #tpu.memory_space<vmem>> -> memref<4x8x129xf32, #tpu.memory_space<vmem>>
        tpu.vector_store_idx %scatter3A_733[%shift_right_arithmetic3A_8, %and3A_16, %add3A_722], %get3A_727 : memref<4x8x129xf32, #tpu.memory_space<vmem>>[vector<16xi32>, vector<16xi32>, vector<16xi32>], vector<16xf32>,
        %get3A_734 = arith.constant 1 : i32
        %get3A_735 = arith.index_cast %get3A_734 : i32 to index
        %get3A_736 = arith.index_cast %add3A_716 : i32 to index
        %get3A_737 = arith.constant 16 : index
        %get3A_738 = tpu.vector_load %arg7[%get3A_735, %get3A_736, %get3A_737] {strides = array<i32>} : memref<2x512x32xf32, #tpu.memory_space<vmem>>, vector<16xf32>,
        %scatter3A_739 = arith.constant 1 : i32
        %scatter3A_740 = arith.constant 0 : i32
        %scatter3A_741 = arith.constant 0 : i32
        %scatter3A_742 = arith.constant 0 : i32
        %scatter3A_743 = tpu.memref_slice %arg8[%scatter3A_739, %shift_right_arithmetic3A_502, %scatter3A_740, %scatter3A_741, %scatter3A_742] : memref<2x4x4x8x129xf32, #tpu.memory_space<vmem>> -> memref<1x1x4x8x129xf32, #tpu.memory_space<vmem>>
        %scatter3A_744 = tpu.memref_squeeze %scatter3A_743 : memref<1x1x4x8x129xf32, #tpu.memory_space<vmem>> -> memref<4x8x129xf32, #tpu.memory_space<vmem>>
        tpu.vector_store_idx %scatter3A_744[%add3A_14, %and3A_16, %add3A_722], %get3A_738 : memref<4x8x129xf32, #tpu.memory_space<vmem>>[vector<16xi32>, vector<16xi32>, vector<16xi32>], vector<16xf32>,
        %add3A_745 = arith.constant 8 : i32
        %add3A_746 = arith.addi %mul3A_506, %add3A_745 : i32
        %mul3A_747 = arith.constant 16 : i32
        %mul3A_748 = arith.muli %and3A_504, %mul3A_747 : i32
        %add3A_749 = arith.constant 8 : i32
        %add3A_750 = arith.addi %mul3A_748, %add3A_749 : i32
        %add3A_751 = vector.broadcast %add3A_750 : i32 to vector<16xi32>
        %add3A_752 = arith.addi %broadcast_in_dim3A_6, %add3A_751 : vector<16xi32>
        %get3A_753 = arith.constant 1 : i32
        %get3A_754 = arith.index_cast %get3A_753 : i32 to index
        %get3A_755 = arith.index_cast %add3A_746 : i32 to index
        %get3A_756 = arith.constant 0 : index
        %get3A_757 = tpu.vector_load %arg7[%get3A_754, %get3A_755, %get3A_756] {strides = array<i32>} : memref<2x512x32xf32, #tpu.memory_space<vmem>>, vector<16xf32>,
        %scatter3A_758 = arith.constant 1 : i32
        %scatter3A_759 = arith.constant 0 : i32
        %scatter3A_760 = arith.constant 0 : i32
        %scatter3A_761 = arith.constant 0 : i32
        %scatter3A_762 = tpu.memref_slice %arg8[%scatter3A_758, %shift_right_arithmetic3A_502, %scatter3A_759, %scatter3A_760, %scatter3A_761] : memref<2x4x4x8x129xf32, #tpu.memory_space<vmem>> -> memref<1x1x4x8x129xf32, #tpu.memory_space<vmem>>
        %scatter3A_763 = tpu.memref_squeeze %scatter3A_762 : memref<1x1x4x8x129xf32, #tpu.memory_space<vmem>> -> memref<4x8x129xf32, #tpu.memory_space<vmem>>
        tpu.vector_store_idx %scatter3A_763[%shift_right_arithmetic3A_8, %and3A_16, %add3A_752], %get3A_757 : memref<4x8x129xf32, #tpu.memory_space<vmem>>[vector<16xi32>, vector<16xi32>, vector<16xi32>], vector<16xf32>,
        %get3A_764 = arith.constant 1 : i32
        %get3A_765 = arith.index_cast %get3A_764 : i32 to index
        %get3A_766 = arith.index_cast %add3A_746 : i32 to index
        %get3A_767 = arith.constant 16 : index
        %get3A_768 = tpu.vector_load %arg7[%get3A_765, %get3A_766, %get3A_767] {strides = array<i32>} : memref<2x512x32xf32, #tpu.memory_space<vmem>>, vector<16xf32>,
        %scatter3A_769 = arith.constant 1 : i32
        %scatter3A_770 = arith.constant 0 : i32
        %scatter3A_771 = arith.constant 0 : i32
        %scatter3A_772 = arith.constant 0 : i32
        %scatter3A_773 = tpu.memref_slice %arg8[%scatter3A_769, %shift_right_arithmetic3A_502, %scatter3A_770, %scatter3A_771, %scatter3A_772] : memref<2x4x4x8x129xf32, #tpu.memory_space<vmem>> -> memref<1x1x4x8x129xf32, #tpu.memory_space<vmem>>
        %scatter3A_774 = tpu.memref_squeeze %scatter3A_773 : memref<1x1x4x8x129xf32, #tpu.memory_space<vmem>> -> memref<4x8x129xf32, #tpu.memory_space<vmem>>
        tpu.vector_store_idx %scatter3A_774[%add3A_14, %and3A_16, %add3A_752], %get3A_768 : memref<4x8x129xf32, #tpu.memory_space<vmem>>[vector<16xi32>, vector<16xi32>, vector<16xi32>], vector<16xf32>,
        %add3A_775 = arith.constant 9 : i32
        %add3A_776 = arith.addi %mul3A_506, %add3A_775 : i32
        %mul3A_777 = arith.constant 16 : i32
        %mul3A_778 = arith.muli %and3A_504, %mul3A_777 : i32
        %add3A_779 = arith.constant 9 : i32
        %add3A_780 = arith.addi %mul3A_778, %add3A_779 : i32
        %add3A_781 = vector.broadcast %add3A_780 : i32 to vector<16xi32>
        %add3A_782 = arith.addi %broadcast_in_dim3A_6, %add3A_781 : vector<16xi32>
        %get3A_783 = arith.constant 1 : i32
        %get3A_784 = arith.index_cast %get3A_783 : i32 to index
        %get3A_785 = arith.index_cast %add3A_776 : i32 to index
        %get3A_786 = arith.constant 0 : index
        %get3A_787 = tpu.vector_load %arg7[%get3A_784, %get3A_785, %get3A_786] {strides = array<i32>} : memref<2x512x32xf32, #tpu.memory_space<vmem>>, vector<16xf32>,
        %scatter3A_788 = arith.constant 1 : i32
        %scatter3A_789 = arith.constant 0 : i32
        %scatter3A_790 = arith.constant 0 : i32
        %scatter3A_791 = arith.constant 0 : i32
        %scatter3A_792 = tpu.memref_slice %arg8[%scatter3A_788, %shift_right_arithmetic3A_502, %scatter3A_789, %scatter3A_790, %scatter3A_791] : memref<2x4x4x8x129xf32, #tpu.memory_space<vmem>> -> memref<1x1x4x8x129xf32, #tpu.memory_space<vmem>>
        %scatter3A_793 = tpu.memref_squeeze %scatter3A_792 : memref<1x1x4x8x129xf32, #tpu.memory_space<vmem>> -> memref<4x8x129xf32, #tpu.memory_space<vmem>>
        tpu.vector_store_idx %scatter3A_793[%shift_right_arithmetic3A_8, %and3A_16, %add3A_782], %get3A_787 : memref<4x8x129xf32, #tpu.memory_space<vmem>>[vector<16xi32>, vector<16xi32>, vector<16xi32>], vector<16xf32>,
        %get3A_794 = arith.constant 1 : i32
        %get3A_795 = arith.index_cast %get3A_794 : i32 to index
        %get3A_796 = arith.index_cast %add3A_776 : i32 to index
        %get3A_797 = arith.constant 16 : index
        %get3A_798 = tpu.vector_load %arg7[%get3A_795, %get3A_796, %get3A_797] {strides = array<i32>} : memref<2x512x32xf32, #tpu.memory_space<vmem>>, vector<16xf32>,
        %scatter3A_799 = arith.constant 1 : i32
        %scatter3A_800 = arith.constant 0 : i32
        %scatter3A_801 = arith.constant 0 : i32
        %scatter3A_802 = arith.constant 0 : i32
        %scatter3A_803 = tpu.memref_slice %arg8[%scatter3A_799, %shift_right_arithmetic3A_502, %scatter3A_800, %scatter3A_801, %scatter3A_802] : memref<2x4x4x8x129xf32, #tpu.memory_space<vmem>> -> memref<1x1x4x8x129xf32, #tpu.memory_space<vmem>>
        %scatter3A_804 = tpu.memref_squeeze %scatter3A_803 : memref<1x1x4x8x129xf32, #tpu.memory_space<vmem>> -> memref<4x8x129xf32, #tpu.memory_space<vmem>>
        tpu.vector_store_idx %scatter3A_804[%add3A_14, %and3A_16, %add3A_782], %get3A_798 : memref<4x8x129xf32, #tpu.memory_space<vmem>>[vector<16xi32>, vector<16xi32>, vector<16xi32>], vector<16xf32>,
        %add3A_805 = arith.constant 10 : i32
        %add3A_806 = arith.addi %mul3A_506, %add3A_805 : i32
        %mul3A_807 = arith.constant 16 : i32
        %mul3A_808 = arith.muli %and3A_504, %mul3A_807 : i32
        %add3A_809 = arith.constant 10 : i32
        %add3A_810 = arith.addi %mul3A_808, %add3A_809 : i32
        %add3A_811 = vector.broadcast %add3A_810 : i32 to vector<16xi32>
        %add3A_812 = arith.addi %broadcast_in_dim3A_6, %add3A_811 : vector<16xi32>
        %get3A_813 = arith.constant 1 : i32
        %get3A_814 = arith.index_cast %get3A_813 : i32 to index
        %get3A_815 = arith.index_cast %add3A_806 : i32 to index
        %get3A_816 = arith.constant 0 : index
        %get3A_817 = tpu.vector_load %arg7[%get3A_814, %get3A_815, %get3A_816] {strides = array<i32>} : memref<2x512x32xf32, #tpu.memory_space<vmem>>, vector<16xf32>,
        %scatter3A_818 = arith.constant 1 : i32
        %scatter3A_819 = arith.constant 0 : i32
        %scatter3A_820 = arith.constant 0 : i32
        %scatter3A_821 = arith.constant 0 : i32
        %scatter3A_822 = tpu.memref_slice %arg8[%scatter3A_818, %shift_right_arithmetic3A_502, %scatter3A_819, %scatter3A_820, %scatter3A_821] : memref<2x4x4x8x129xf32, #tpu.memory_space<vmem>> -> memref<1x1x4x8x129xf32, #tpu.memory_space<vmem>>
        %scatter3A_823 = tpu.memref_squeeze %scatter3A_822 : memref<1x1x4x8x129xf32, #tpu.memory_space<vmem>> -> memref<4x8x129xf32, #tpu.memory_space<vmem>>
        tpu.vector_store_idx %scatter3A_823[%shift_right_arithmetic3A_8, %and3A_16, %add3A_812], %get3A_817 : memref<4x8x129xf32, #tpu.memory_space<vmem>>[vector<16xi32>, vector<16xi32>, vector<16xi32>], vector<16xf32>,
        %get3A_824 = arith.constant 1 : i32
        %get3A_825 = arith.index_cast %get3A_824 : i32 to index
        %get3A_826 = arith.index_cast %add3A_806 : i32 to index
        %get3A_827 = arith.constant 16 : index
        %get3A_828 = tpu.vector_load %arg7[%get3A_825, %get3A_826, %get3A_827] {strides = array<i32>} : memref<2x512x32xf32, #tpu.memory_space<vmem>>, vector<16xf32>,
        %scatter3A_829 = arith.constant 1 : i32
        %scatter3A_830 = arith.constant 0 : i32
        %scatter3A_831 = arith.constant 0 : i32
        %scatter3A_832 = arith.constant 0 : i32
        %scatter3A_833 = tpu.memref_slice %arg8[%scatter3A_829, %shift_right_arithmetic3A_502, %scatter3A_830, %scatter3A_831, %scatter3A_832] : memref<2x4x4x8x129xf32, #tpu.memory_space<vmem>> -> memref<1x1x4x8x129xf32, #tpu.memory_space<vmem>>
        %scatter3A_834 = tpu.memref_squeeze %scatter3A_833 : memref<1x1x4x8x129xf32, #tpu.memory_space<vmem>> -> memref<4x8x129xf32, #tpu.memory_space<vmem>>
        tpu.vector_store_idx %scatter3A_834[%add3A_14, %and3A_16, %add3A_812], %get3A_828 : memref<4x8x129xf32, #tpu.memory_space<vmem>>[vector<16xi32>, vector<16xi32>, vector<16xi32>], vector<16xf32>,
        %add3A_835 = arith.constant 11 : i32
        %add3A_836 = arith.addi %mul3A_506, %add3A_835 : i32
        %mul3A_837 = arith.constant 16 : i32
        %mul3A_838 = arith.muli %and3A_504, %mul3A_837 : i32
        %add3A_839 = arith.constant 11 : i32
        %add3A_840 = arith.addi %mul3A_838, %add3A_839 : i32
        %add3A_841 = vector.broadcast %add3A_840 : i32 to vector<16xi32>
        %add3A_842 = arith.addi %broadcast_in_dim3A_6, %add3A_841 : vector<16xi32>
        %get3A_843 = arith.constant 1 : i32
        %get3A_844 = arith.index_cast %get3A_843 : i32 to index
        %get3A_845 = arith.index_cast %add3A_836 : i32 to index
        %get3A_846 = arith.constant 0 : index
        %get3A_847 = tpu.vector_load %arg7[%get3A_844, %get3A_845, %get3A_846] {strides = array<i32>} : memref<2x512x32xf32, #tpu.memory_space<vmem>>, vector<16xf32>,
        %scatter3A_848 = arith.constant 1 : i32
        %scatter3A_849 = arith.constant 0 : i32
        %scatter3A_850 = arith.constant 0 : i32
        %scatter3A_851 = arith.constant 0 : i32
        %scatter3A_852 = tpu.memref_slice %arg8[%scatter3A_848, %shift_right_arithmetic3A_502, %scatter3A_849, %scatter3A_850, %scatter3A_851] : memref<2x4x4x8x129xf32, #tpu.memory_space<vmem>> -> memref<1x1x4x8x129xf32, #tpu.memory_space<vmem>>
        %scatter3A_853 = tpu.memref_squeeze %scatter3A_852 : memref<1x1x4x8x129xf32, #tpu.memory_space<vmem>> -> memref<4x8x129xf32, #tpu.memory_space<vmem>>
        tpu.vector_store_idx %scatter3A_853[%shift_right_arithmetic3A_8, %and3A_16, %add3A_842], %get3A_847 : memref<4x8x129xf32, #tpu.memory_space<vmem>>[vector<16xi32>, vector<16xi32>, vector<16xi32>], vector<16xf32>,
        %get3A_854 = arith.constant 1 : i32
        %get3A_855 = arith.index_cast %get3A_854 : i32 to index
        %get3A_856 = arith.index_cast %add3A_836 : i32 to index
        %get3A_857 = arith.constant 16 : index
        %get3A_858 = tpu.vector_load %arg7[%get3A_855, %get3A_856, %get3A_857] {strides = array<i32>} : memref<2x512x32xf32, #tpu.memory_space<vmem>>, vector<16xf32>,
        %scatter3A_859 = arith.constant 1 : i32
        %scatter3A_860 = arith.constant 0 : i32
        %scatter3A_861 = arith.constant 0 : i32
        %scatter3A_862 = arith.constant 0 : i32
        %scatter3A_863 = tpu.memref_slice %arg8[%scatter3A_859, %shift_right_arithmetic3A_502, %scatter3A_860, %scatter3A_861, %scatter3A_862] : memref<2x4x4x8x129xf32, #tpu.memory_space<vmem>> -> memref<1x1x4x8x129xf32, #tpu.memory_space<vmem>>
        %scatter3A_864 = tpu.memref_squeeze %scatter3A_863 : memref<1x1x4x8x129xf32, #tpu.memory_space<vmem>> -> memref<4x8x129xf32, #tpu.memory_space<vmem>>
        tpu.vector_store_idx %scatter3A_864[%add3A_14, %and3A_16, %add3A_842], %get3A_858 : memref<4x8x129xf32, #tpu.memory_space<vmem>>[vector<16xi32>, vector<16xi32>, vector<16xi32>], vector<16xf32>,
        %add3A_865 = arith.constant 12 : i32
        %add3A_866 = arith.addi %mul3A_506, %add3A_865 : i32
        %mul3A_867 = arith.constant 16 : i32
        %mul3A_868 = arith.muli %and3A_504, %mul3A_867 : i32
        %add3A_869 = arith.constant 12 : i32
        %add3A_870 = arith.addi %mul3A_868, %add3A_869 : i32
        %add3A_871 = vector.broadcast %add3A_870 : i32 to vector<16xi32>
        %add3A_872 = arith.addi %broadcast_in_dim3A_6, %add3A_871 : vector<16xi32>
        %get3A_873 = arith.constant 1 : i32
        %get3A_874 = arith.index_cast %get3A_873 : i32 to index
        %get3A_875 = arith.index_cast %add3A_866 : i32 to index
        %get3A_876 = arith.constant 0 : index
        %get3A_877 = tpu.vector_load %arg7[%get3A_874, %get3A_875, %get3A_876] {strides = array<i32>} : memref<2x512x32xf32, #tpu.memory_space<vmem>>, vector<16xf32>,
        %scatter3A_878 = arith.constant 1 : i32
        %scatter3A_879 = arith.constant 0 : i32
        %scatter3A_880 = arith.constant 0 : i32
        %scatter3A_881 = arith.constant 0 : i32
        %scatter3A_882 = tpu.memref_slice %arg8[%scatter3A_878, %shift_right_arithmetic3A_502, %scatter3A_879, %scatter3A_880, %scatter3A_881] : memref<2x4x4x8x129xf32, #tpu.memory_space<vmem>> -> memref<1x1x4x8x129xf32, #tpu.memory_space<vmem>>
        %scatter3A_883 = tpu.memref_squeeze %scatter3A_882 : memref<1x1x4x8x129xf32, #tpu.memory_space<vmem>> -> memref<4x8x129xf32, #tpu.memory_space<vmem>>
        tpu.vector_store_idx %scatter3A_883[%shift_right_arithmetic3A_8, %and3A_16, %add3A_872], %get3A_877 : memref<4x8x129xf32, #tpu.memory_space<vmem>>[vector<16xi32>, vector<16xi32>, vector<16xi32>], vector<16xf32>,
        %get3A_884 = arith.constant 1 : i32
        %get3A_885 = arith.index_cast %get3A_884 : i32 to index
        %get3A_886 = arith.index_cast %add3A_866 : i32 to index
        %get3A_887 = arith.constant 16 : index
        %get3A_888 = tpu.vector_load %arg7[%get3A_885, %get3A_886, %get3A_887] {strides = array<i32>} : memref<2x512x32xf32, #tpu.memory_space<vmem>>, vector<16xf32>,
        %scatter3A_889 = arith.constant 1 : i32
        %scatter3A_890 = arith.constant 0 : i32
        %scatter3A_891 = arith.constant 0 : i32
        %scatter3A_892 = arith.constant 0 : i32
        %scatter3A_893 = tpu.memref_slice %arg8[%scatter3A_889, %shift_right_arithmetic3A_502, %scatter3A_890, %scatter3A_891, %scatter3A_892] : memref<2x4x4x8x129xf32, #tpu.memory_space<vmem>> -> memref<1x1x4x8x129xf32, #tpu.memory_space<vmem>>
        %scatter3A_894 = tpu.memref_squeeze %scatter3A_893 : memref<1x1x4x8x129xf32, #tpu.memory_space<vmem>> -> memref<4x8x129xf32, #tpu.memory_space<vmem>>
        tpu.vector_store_idx %scatter3A_894[%add3A_14, %and3A_16, %add3A_872], %get3A_888 : memref<4x8x129xf32, #tpu.memory_space<vmem>>[vector<16xi32>, vector<16xi32>, vector<16xi32>], vector<16xf32>,
        %add3A_895 = arith.constant 13 : i32
        %add3A_896 = arith.addi %mul3A_506, %add3A_895 : i32
        %mul3A_897 = arith.constant 16 : i32
        %mul3A_898 = arith.muli %and3A_504, %mul3A_897 : i32
        %add3A_899 = arith.constant 13 : i32
        %add3A_900 = arith.addi %mul3A_898, %add3A_899 : i32
        %add3A_901 = vector.broadcast %add3A_900 : i32 to vector<16xi32>
        %add3A_902 = arith.addi %broadcast_in_dim3A_6, %add3A_901 : vector<16xi32>
        %get3A_903 = arith.constant 1 : i32
        %get3A_904 = arith.index_cast %get3A_903 : i32 to index
        %get3A_905 = arith.index_cast %add3A_896 : i32 to index
        %get3A_906 = arith.constant 0 : index
        %get3A_907 = tpu.vector_load %arg7[%get3A_904, %get3A_905, %get3A_906] {strides = array<i32>} : memref<2x512x32xf32, #tpu.memory_space<vmem>>, vector<16xf32>,
        %scatter3A_908 = arith.constant 1 : i32
        %scatter3A_909 = arith.constant 0 : i32
        %scatter3A_910 = arith.constant 0 : i32
        %scatter3A_911 = arith.constant 0 : i32
        %scatter3A_912 = tpu.memref_slice %arg8[%scatter3A_908, %shift_right_arithmetic3A_502, %scatter3A_909, %scatter3A_910, %scatter3A_911] : memref<2x4x4x8x129xf32, #tpu.memory_space<vmem>> -> memref<1x1x4x8x129xf32, #tpu.memory_space<vmem>>
        %scatter3A_913 = tpu.memref_squeeze %scatter3A_912 : memref<1x1x4x8x129xf32, #tpu.memory_space<vmem>> -> memref<4x8x129xf32, #tpu.memory_space<vmem>>
        tpu.vector_store_idx %scatter3A_913[%shift_right_arithmetic3A_8, %and3A_16, %add3A_902], %get3A_907 : memref<4x8x129xf32, #tpu.memory_space<vmem>>[vector<16xi32>, vector<16xi32>, vector<16xi32>], vector<16xf32>,
        %get3A_914 = arith.constant 1 : i32
        %get3A_915 = arith.index_cast %get3A_914 : i32 to index
        %get3A_916 = arith.index_cast %add3A_896 : i32 to index
        %get3A_917 = arith.constant 16 : index
        %get3A_918 = tpu.vector_load %arg7[%get3A_915, %get3A_916, %get3A_917] {strides = array<i32>} : memref<2x512x32xf32, #tpu.memory_space<vmem>>, vector<16xf32>,
        %scatter3A_919 = arith.constant 1 : i32
        %scatter3A_920 = arith.constant 0 : i32
        %scatter3A_921 = arith.constant 0 : i32
        %scatter3A_922 = arith.constant 0 : i32
        %scatter3A_923 = tpu.memref_slice %arg8[%scatter3A_919, %shift_right_arithmetic3A_502, %scatter3A_920, %scatter3A_921, %scatter3A_922] : memref<2x4x4x8x129xf32, #tpu.memory_space<vmem>> -> memref<1x1x4x8x129xf32, #tpu.memory_space<vmem>>
        %scatter3A_924 = tpu.memref_squeeze %scatter3A_923 : memref<1x1x4x8x129xf32, #tpu.memory_space<vmem>> -> memref<4x8x129xf32, #tpu.memory_space<vmem>>
        tpu.vector_store_idx %scatter3A_924[%add3A_14, %and3A_16, %add3A_902], %get3A_918 : memref<4x8x129xf32, #tpu.memory_space<vmem>>[vector<16xi32>, vector<16xi32>, vector<16xi32>], vector<16xf32>,
        %add3A_925 = arith.constant 14 : i32
        %add3A_926 = arith.addi %mul3A_506, %add3A_925 : i32
        %mul3A_927 = arith.constant 16 : i32
        %mul3A_928 = arith.muli %and3A_504, %mul3A_927 : i32
        %add3A_929 = arith.constant 14 : i32
        %add3A_930 = arith.addi %mul3A_928, %add3A_929 : i32
        %add3A_931 = vector.broadcast %add3A_930 : i32 to vector<16xi32>
        %add3A_932 = arith.addi %broadcast_in_dim3A_6, %add3A_931 : vector<16xi32>
        %get3A_933 = arith.constant 1 : i32
        %get3A_934 = arith.index_cast %get3A_933 : i32 to index
        %get3A_935 = arith.index_cast %add3A_926 : i32 to index
        %get3A_936 = arith.constant 0 : index
        %get3A_937 = tpu.vector_load %arg7[%get3A_934, %get3A_935, %get3A_936] {strides = array<i32>} : memref<2x512x32xf32, #tpu.memory_space<vmem>>, vector<16xf32>,
        %scatter3A_938 = arith.constant 1 : i32
        %scatter3A_939 = arith.constant 0 : i32
        %scatter3A_940 = arith.constant 0 : i32
        %scatter3A_941 = arith.constant 0 : i32
        %scatter3A_942 = tpu.memref_slice %arg8[%scatter3A_938, %shift_right_arithmetic3A_502, %scatter3A_939, %scatter3A_940, %scatter3A_941] : memref<2x4x4x8x129xf32, #tpu.memory_space<vmem>> -> memref<1x1x4x8x129xf32, #tpu.memory_space<vmem>>
        %scatter3A_943 = tpu.memref_squeeze %scatter3A_942 : memref<1x1x4x8x129xf32, #tpu.memory_space<vmem>> -> memref<4x8x129xf32, #tpu.memory_space<vmem>>
        tpu.vector_store_idx %scatter3A_943[%shift_right_arithmetic3A_8, %and3A_16, %add3A_932], %get3A_937 : memref<4x8x129xf32, #tpu.memory_space<vmem>>[vector<16xi32>, vector<16xi32>, vector<16xi32>], vector<16xf32>,
        %get3A_944 = arith.constant 1 : i32
        %get3A_945 = arith.index_cast %get3A_944 : i32 to index
        %get3A_946 = arith.index_cast %add3A_926 : i32 to index
        %get3A_947 = arith.constant 16 : index
        %get3A_948 = tpu.vector_load %arg7[%get3A_945, %get3A_946, %get3A_947] {strides = array<i32>} : memref<2x512x32xf32, #tpu.memory_space<vmem>>, vector<16xf32>,
        %scatter3A_949 = arith.constant 1 : i32
        %scatter3A_950 = arith.constant 0 : i32
        %scatter3A_951 = arith.constant 0 : i32
        %scatter3A_952 = arith.constant 0 : i32
        %scatter3A_953 = tpu.memref_slice %arg8[%scatter3A_949, %shift_right_arithmetic3A_502, %scatter3A_950, %scatter3A_951, %scatter3A_952] : memref<2x4x4x8x129xf32, #tpu.memory_space<vmem>> -> memref<1x1x4x8x129xf32, #tpu.memory_space<vmem>>
        %scatter3A_954 = tpu.memref_squeeze %scatter3A_953 : memref<1x1x4x8x129xf32, #tpu.memory_space<vmem>> -> memref<4x8x129xf32, #tpu.memory_space<vmem>>
        tpu.vector_store_idx %scatter3A_954[%add3A_14, %and3A_16, %add3A_932], %get3A_948 : memref<4x8x129xf32, #tpu.memory_space<vmem>>[vector<16xi32>, vector<16xi32>, vector<16xi32>], vector<16xf32>,
        %add3A_955 = arith.constant 15 : i32
        %add3A_956 = arith.addi %mul3A_506, %add3A_955 : i32
        %mul3A_957 = arith.constant 16 : i32
        %mul3A_958 = arith.muli %and3A_504, %mul3A_957 : i32
        %add3A_959 = arith.constant 15 : i32
        %add3A_960 = arith.addi %mul3A_958, %add3A_959 : i32
        %add3A_961 = vector.broadcast %add3A_960 : i32 to vector<16xi32>
        %add3A_962 = arith.addi %broadcast_in_dim3A_6, %add3A_961 : vector<16xi32>
        %get3A_963 = arith.constant 1 : i32
        %get3A_964 = arith.index_cast %get3A_963 : i32 to index
        %get3A_965 = arith.index_cast %add3A_956 : i32 to index
        %get3A_966 = arith.constant 0 : index
        %get3A_967 = tpu.vector_load %arg7[%get3A_964, %get3A_965, %get3A_966] {strides = array<i32>} : memref<2x512x32xf32, #tpu.memory_space<vmem>>, vector<16xf32>,
        %scatter3A_968 = arith.constant 1 : i32
        %scatter3A_969 = arith.constant 0 : i32
        %scatter3A_970 = arith.constant 0 : i32
        %scatter3A_971 = arith.constant 0 : i32
        %scatter3A_972 = tpu.memref_slice %arg8[%scatter3A_968, %shift_right_arithmetic3A_502, %scatter3A_969, %scatter3A_970, %scatter3A_971] : memref<2x4x4x8x129xf32, #tpu.memory_space<vmem>> -> memref<1x1x4x8x129xf32, #tpu.memory_space<vmem>>
        %scatter3A_973 = tpu.memref_squeeze %scatter3A_972 : memref<1x1x4x8x129xf32, #tpu.memory_space<vmem>> -> memref<4x8x129xf32, #tpu.memory_space<vmem>>
        tpu.vector_store_idx %scatter3A_973[%shift_right_arithmetic3A_8, %and3A_16, %add3A_962], %get3A_967 : memref<4x8x129xf32, #tpu.memory_space<vmem>>[vector<16xi32>, vector<16xi32>, vector<16xi32>], vector<16xf32>,
        %get3A_974 = arith.constant 1 : i32
        %get3A_975 = arith.index_cast %get3A_974 : i32 to index
        %get3A_976 = arith.index_cast %add3A_956 : i32 to index
        %get3A_977 = arith.constant 16 : index
        %get3A_978 = tpu.vector_load %arg7[%get3A_975, %get3A_976, %get3A_977] {strides = array<i32>} : memref<2x512x32xf32, #tpu.memory_space<vmem>>, vector<16xf32>,
        %scatter3A_979 = arith.constant 1 : i32
        %scatter3A_980 = arith.constant 0 : i32
        %scatter3A_981 = arith.constant 0 : i32
        %scatter3A_982 = arith.constant 0 : i32
        %scatter3A_983 = tpu.memref_slice %arg8[%scatter3A_979, %shift_right_arithmetic3A_502, %scatter3A_980, %scatter3A_981, %scatter3A_982] : memref<2x4x4x8x129xf32, #tpu.memory_space<vmem>> -> memref<1x1x4x8x129xf32, #tpu.memory_space<vmem>>
        %scatter3A_984 = tpu.memref_squeeze %scatter3A_983 : memref<1x1x4x8x129xf32, #tpu.memory_space<vmem>> -> memref<4x8x129xf32, #tpu.memory_space<vmem>>
        tpu.vector_store_idx %scatter3A_984[%add3A_14, %and3A_16, %add3A_962], %get3A_978 : memref<4x8x129xf32, #tpu.memory_space<vmem>>[vector<16xi32>, vector<16xi32>, vector<16xi32>], vector<16xf32>,
      }
      %scan3A_461 = arith.constant 32 : i32
      %mul3A_462 = arith.constant 4 : i32
      %mul3A_463 = arith.muli %add3A_417, %mul3A_462 : i32
      %dma_start3A_464 = arith.constant 1 : i32
      %dma_start3A_465 = arith.constant 0 : i32
      %dma_start3A_466 = arith.constant 0 : i32
      %dma_start3A_467 = arith.constant 0 : i32
      %dma_start3A_468 = arith.constant 0 : i32
      %dma_start3A_469 = tpu.memref_slice %arg8[%dma_start3A_464, %dma_start3A_465, %dma_start3A_466, %dma_start3A_467, %dma_start3A_468] : memref<2x4x4x8x129xf32, #tpu.memory_space<vmem>> -> memref<1x4x4x8x128xf32, #tpu.memory_space<vmem>>
      %dma_start3A_470 = tpu.memref_squeeze %dma_start3A_469 : memref<1x4x4x8x128xf32, #tpu.memory_space<vmem>> -> memref<4x4x8x128xf32, #tpu.memory_space<vmem>>
      %dma_start3A_471 = arith.constant 0 : i32
      %dma_start3A_472 = arith.constant 0 : i32
      %dma_start3A_473 = arith.constant 0 : i32
      %dma_start3A_474 = tpu.memref_slice %arg4[%mul3A_463, %dma_start3A_471, %add3A, %dma_start3A_472, %dma_start3A_473] : memref<200x4x32x8x128xf32, #tpu.memory_space<hbm>> -> memref<4x4x1x8x128xf32, #tpu.memory_space<hbm>>
      %dma_start3A_475 = tpu.memref_squeeze %dma_start3A_474 : memref<4x4x1x8x128xf32, #tpu.memory_space<hbm>> -> memref<4x4x8x128xf32, #tpu.memory_space<hbm>>
      %dma_start3A_476 = arith.constant 0 : i32
      %dma_start3A_477 = arith.constant 0 : i32
      %dma_start3A_478 = arith.constant 0 : i32
      %dma_start3A_479 = tpu.memref_slice %arg4[%mul3A_463, %dma_start3A_476, %add3A, %dma_start3A_477, %dma_start3A_478] : memref<200x4x32x8x128xf32, #tpu.memory_space<hbm>> -> memref<4x4x1x8x128xf32, #tpu.memory_space<hbm>>
      %dma_start3A_480 = tpu.memref_squeeze %dma_start3A_479 : memref<4x4x1x8x128xf32, #tpu.memory_space<hbm>> -> memref<4x4x8x128xf32, #tpu.memory_space<hbm>>
      %dma_start3A_481 = arith.constant 0 : i32
      %dma_start3A_482 = arith.constant 0 : i32
      %dma_start3A_483 = arith.constant 0 : i32
      %dma_start3A_484 = arith.constant 0 : i32
      %dma_start3A_485 = tpu.memref_slice %arg8[%dma_start3A_464, %dma_start3A_481, %dma_start3A_482, %dma_start3A_483, %dma_start3A_484] : memref<2x4x4x8x129xf32, #tpu.memory_space<vmem>> -> memref<1x4x4x8x128xf32, #tpu.memory_space<vmem>>
      %dma_start3A_486 = tpu.memref_squeeze %dma_start3A_485 : memref<1x4x4x8x128xf32, #tpu.memory_space<vmem>> -> memref<4x4x8x128xf32, #tpu.memory_space<vmem>>
      tpu.enqueue_dma source(%dma_start3A_486 : memref<4x4x8x128xf32, #tpu.memory_space<vmem>>) target(%dma_start3A_480 : memref<4x4x8x128xf32, #tpu.memory_space<hbm>>) target_semaphore(%arg12 : memref<!tpu.dma_semaphore, #tpu.memory_space<semaphore_mem>>)
      %add3A_487 = arith.constant 2 : i32
      %add3A_488 = arith.addi %add3A_417, %add3A_487 : i32
      %mul3A_489 = arith.constant 512 : i32
      %mul3A_490 = arith.muli %add3A_488, %mul3A_489 : i32
      %dma_start3A_491 = arith.constant 1 : i32
      %dma_start3A_492 = arith.constant 0 : i32
      %dma_start3A_493 = arith.constant 0 : i32
      %dma_start3A_494 = tpu.memref_slice %arg7[%dma_start3A_491, %dma_start3A_492, %dma_start3A_493] : memref<2x512x32xf32, #tpu.memory_space<vmem>> -> memref<1x512x32xf32, #tpu.memory_space<vmem>>
      %dma_start3A_495 = tpu.memref_squeeze %dma_start3A_494 : memref<1x512x32xf32, #tpu.memory_space<vmem>> -> memref<512x32xf32, #tpu.memory_space<vmem>>
      %dma_start3A_496 = tpu.memref_slice %arg6[%mul3A_490] : memref<25600xi32, #tpu.memory_space<vmem>> -> memref<512xi32, #tpu.memory_space<vmem>>
      %dma_start3A_497 = arith.constant 0 : i32
      %dma_start3A_498 = arith.constant 0 : i32
      %dma_start3A_499 = tpu.memref_slice %arg3[%dma_start3A_497, %dma_start3A_498] : memref<200001x32xf32, #tpu.memory_space<hbm>> -> memref<200001x32xf32, #tpu.memory_space<hbm>>
      tpu.enqueue_indirect_dma source(%dma_start3A_499 : memref<200001x32xf32, #tpu.memory_space<hbm>>) target(%dma_start3A_495 : memref<512x32xf32, #tpu.memory_space<vmem>>) offsets(%dma_start3A_496 : memref<512xi32, #tpu.memory_space<vmem>>) semaphore(%arg10 : memref<!tpu.dma_semaphore, #tpu.memory_space<semaphore_mem>>)
    }
    %scan3A_147 = arith.constant 23 : i32
    %dma_wait3A_148 = arith.constant 0 : i32
    %dma_wait3A_149 = arith.constant 0 : i32
    %dma_wait3A_150 = arith.constant 0 : i32
    %dma_wait3A_151 = tpu.memref_slice %arg7[%dma_wait3A_148, %dma_wait3A_149, %dma_wait3A_150] : memref<2x512x32xf32, #tpu.memory_space<vmem>> -> memref<1x512x32xf32, #tpu.memory_space<vmem>>
    %dma_wait3A_152 = tpu.memref_squeeze %dma_wait3A_151 : memref<1x512x32xf32, #tpu.memory_space<vmem>> -> memref<512x32xf32, #tpu.memory_space<vmem>>
    %dma_wait3A_153 = arith.constant 24576 : i32
    %dma_wait3A_154 = tpu.memref_slice %arg6[%dma_wait3A_153] : memref<25600xi32, #tpu.memory_space<vmem>> -> memref<512xi32, #tpu.memory_space<vmem>>
    %dma_wait3A_155 = arith.constant 0 : i32
    %dma_wait3A_156 = arith.constant 0 : i32
    %dma_wait3A_157 = tpu.memref_slice %arg3[%dma_wait3A_155, %dma_wait3A_156] : memref<200001x32xf32, #tpu.memory_space<hbm>> -> memref<200001x32xf32, #tpu.memory_space<hbm>>
    tpu.wait_indirect_dma semaphore(%arg9 : memref<!tpu.dma_semaphore, #tpu.memory_space<semaphore_mem>>) src(%dma_wait3A_157 : memref<200001x32xf32, #tpu.memory_space<hbm>>) dst(%dma_wait3A_152 : memref<512x32xf32, #tpu.memory_space<vmem>>)
    %dma_wait3A_158 = arith.constant 0 : i32
    %dma_wait3A_159 = arith.constant 0 : i32
    %dma_wait3A_160 = arith.constant 0 : i32
    %dma_wait3A_161 = arith.constant 0 : i32
    %dma_wait3A_162 = arith.constant 0 : i32
    %dma_wait3A_163 = tpu.memref_slice %arg8[%dma_wait3A_158, %dma_wait3A_159, %dma_wait3A_160, %dma_wait3A_161, %dma_wait3A_162] : memref<2x4x4x8x129xf32, #tpu.memory_space<vmem>> -> memref<1x4x4x8x128xf32, #tpu.memory_space<vmem>>
    %dma_wait3A_164 = tpu.memref_squeeze %dma_wait3A_163 : memref<1x4x4x8x128xf32, #tpu.memory_space<vmem>> -> memref<4x4x8x128xf32, #tpu.memory_space<vmem>>
    %dma_wait3A_165 = arith.constant 184 : i32
    %dma_wait3A_166 = arith.constant 0 : i32
    %dma_wait3A_167 = arith.constant 0 : i32
    %dma_wait3A_168 = arith.constant 0 : i32
    %dma_wait3A_169 = tpu.memref_slice %arg4[%dma_wait3A_165, %dma_wait3A_166, %add3A, %dma_wait3A_167, %dma_wait3A_168] : memref<200x4x32x8x128xf32, #tpu.memory_space<hbm>> -> memref<4x4x1x8x128xf32, #tpu.memory_space<hbm>>
    %dma_wait3A_170 = tpu.memref_squeeze %dma_wait3A_169 : memref<4x4x1x8x128xf32, #tpu.memory_space<hbm>> -> memref<4x4x8x128xf32, #tpu.memory_space<hbm>>
    %dma_wait3A_171 = arith.constant 184 : i32
    %dma_wait3A_172 = arith.constant 0 : i32
    %dma_wait3A_173 = arith.constant 0 : i32
    %dma_wait3A_174 = arith.constant 0 : i32
    %dma_wait3A_175 = tpu.memref_slice %arg4[%dma_wait3A_171, %dma_wait3A_172, %add3A, %dma_wait3A_173, %dma_wait3A_174] : memref<200x4x32x8x128xf32, #tpu.memory_space<hbm>> -> memref<4x4x1x8x128xf32, #tpu.memory_space<hbm>>
    %dma_wait3A_176 = tpu.memref_squeeze %dma_wait3A_175 : memref<4x4x1x8x128xf32, #tpu.memory_space<hbm>> -> memref<4x4x8x128xf32, #tpu.memory_space<hbm>>
    %dma_wait3A_177 = arith.constant 0 : i32
    %dma_wait3A_178 = arith.constant 0 : i32
    %dma_wait3A_179 = arith.constant 0 : i32
    %dma_wait3A_180 = arith.constant 0 : i32
    %dma_wait3A_181 = tpu.memref_slice %arg8[%dma_wait3A_158, %dma_wait3A_177, %dma_wait3A_178, %dma_wait3A_179, %dma_wait3A_180] : memref<2x4x4x8x129xf32, #tpu.memory_space<vmem>> -> memref<1x4x4x8x128xf32, #tpu.memory_space<vmem>>
    %dma_wait3A_182 = tpu.memref_squeeze %dma_wait3A_181 : memref<1x4x4x8x128xf32, #tpu.memory_space<vmem>> -> memref<4x4x8x128xf32, #tpu.memory_space<vmem>>
    tpu.wait_dma2 semaphore(%arg11 : memref<!tpu.dma_semaphore, #tpu.memory_space<semaphore_mem>>) src(%dma_wait3A_182 : memref<4x4x8x128xf32, #tpu.memory_space<vmem>>) dst(%dma_wait3A_176 : memref<4x4x8x128xf32, #tpu.memory_space<hbm>>)
    %scan3A_183 = arith.constant 0 : i32
    %scan3A_184 = arith.constant 0 : i32
    %scan3A_185 = arith.constant 32 : i32
    %scan3A_186 = arith.addi %scan3A_184, %scan3A_185 : i32
    %scan3A_187 = arith.constant 1 : i32
    scf.for %scan3A_330 = %scan3A_184 to %scan3A_186 step %scan3A_187  : i32 {
      %shift_right_arithmetic3A_331 = arith.constant 3 : i32
      %shift_right_arithmetic3A_332 = arith.shrsi %scan3A_330, %shift_right_arithmetic3A_331 : i32
      %and3A_333 = arith.constant 7 : i32
      %and3A_334 = arith.andi %scan3A_330, %and3A_333 : i32
      %mul3A_335 = arith.constant 16 : i32
      %mul3A_336 = arith.muli %scan3A_330, %mul3A_335 : i32
      %add3A_337 = arith.constant 0 : i32
      %add3A_338 = arith.addi %mul3A_336, %add3A_337 : i32
      %mul3A_339 = arith.constant 16 : i32
      %mul3A_340 = arith.muli %and3A_334, %mul3A_339 : i32
      %add3A_341 = arith.constant 0 : i32
      %add3A_342 = arith.addi %mul3A_340, %add3A_341 : i32
      %add3A_343 = vector.broadcast %add3A_342 : i32 to vector<16xi32>
      %add3A_344 = arith.addi %broadcast_in_dim3A_6, %add3A_343 : vector<16xi32>
      %get3A = arith.constant 0 : i32
      %get3A_345 = arith.index_cast %get3A : i32 to index
      %get3A_346 = arith.index_cast %add3A_338 : i32 to index
      %get3A_347 = arith.constant 0 : index
      %get3A_348 = tpu.vector_load %arg7[%get3A_345, %get3A_346, %get3A_347] {strides = array<i32>} : memref<2x512x32xf32, #tpu.memory_space<vmem>>, vector<16xf32>,
      %scatter3A = arith.constant 0 : i32
      %scatter3A_349 = arith.constant 0 : i32
      %scatter3A_350 = arith.constant 0 : i32
      %scatter3A_351 = arith.constant 0 : i32
      %scatter3A_352 = tpu.memref_slice %arg8[%scatter3A, %shift_right_arithmetic3A_332, %scatter3A_349, %scatter3A_350, %scatter3A_351] : memref<2x4x4x8x129xf32, #tpu.memory_space<vmem>> -> memref<1x1x4x8x129xf32, #tpu.memory_space<vmem>>
      %scatter3A_353 = tpu.memref_squeeze %scatter3A_352 : memref<1x1x4x8x129xf32, #tpu.memory_space<vmem>> -> memref<4x8x129xf32, #tpu.memory_space<vmem>>
      tpu.vector_store_idx %scatter3A_353[%shift_right_arithmetic3A_8, %and3A_16, %add3A_344], %get3A_348 : memref<4x8x129xf32, #tpu.memory_space<vmem>>[vector<16xi32>, vector<16xi32>, vector<16xi32>], vector<16xf32>,
      %get3A_354 = arith.constant 0 : i32
      %get3A_355 = arith.index_cast %get3A_354 : i32 to index
      %get3A_356 = arith.index_cast %add3A_338 : i32 to index
      %get3A_357 = arith.constant 16 : index
      %get3A_358 = tpu.vector_load %arg7[%get3A_355, %get3A_356, %get3A_357] {strides = array<i32>} : memref<2x512x32xf32, #tpu.memory_space<vmem>>, vector<16xf32>,
      %scatter3A_359 = arith.constant 0 : i32
      %scatter3A_360 = arith.constant 0 : i32
      %scatter3A_361 = arith.constant 0 : i32
      %scatter3A_362 = arith.constant 0 : i32
      %scatter3A_363 = tpu.memref_slice %arg8[%scatter3A_359, %shift_right_arithmetic3A_332, %scatter3A_360, %scatter3A_361, %scatter3A_362] : memref<2x4x4x8x129xf32, #tpu.memory_space<vmem>> -> memref<1x1x4x8x129xf32, #tpu.memory_space<vmem>>
      %scatter3A_364 = tpu.memref_squeeze %scatter3A_363 : memref<1x1x4x8x129xf32, #tpu.memory_space<vmem>> -> memref<4x8x129xf32, #tpu.memory_space<vmem>>
      tpu.vector_store_idx %scatter3A_364[%add3A_14, %and3A_16, %add3A_344], %get3A_358 : memref<4x8x129xf32, #tpu.memory_space<vmem>>[vector<16xi32>, vector<16xi32>, vector<16xi32>], vector<16xf32>,
      %add3A_365 = arith.constant 1 : i32
      %add3A_366 = arith.addi %mul3A_336, %add3A_365 : i32
      %mul3A_367 = arith.constant 16 : i32
      %mul3A_368 = arith.muli %and3A_334, %mul3A_367 : i32
      %add3A_369 = arith.constant 1 : i32
      %add3A_370 = arith.addi %mul3A_368, %add3A_369 : i32
      %add3A_371 = vector.broadcast %add3A_370 : i32 to vector<16xi32>
      %add3A_372 = arith.addi %broadcast_in_dim3A_6, %add3A_371 : vector<16xi32>
      %get3A_373 = arith.constant 0 : i32
      %get3A_374 = arith.index_cast %get3A_373 : i32 to index
      %get3A_375 = arith.index_cast %add3A_366 : i32 to index
      %get3A_376 = arith.constant 0 : index
      %get3A_377 = tpu.vector_load %arg7[%get3A_374, %get3A_375, %get3A_376] {strides = array<i32>} : memref<2x512x32xf32, #tpu.memory_space<vmem>>, vector<16xf32>,
      %scatter3A_378 = arith.constant 0 : i32
      %scatter3A_379 = arith.constant 0 : i32
      %scatter3A_380 = arith.constant 0 : i32
      %scatter3A_381 = arith.constant 0 : i32
      %scatter3A_382 = tpu.memref_slice %arg8[%scatter3A_378, %shift_right_arithmetic3A_332, %scatter3A_379, %scatter3A_380, %scatter3A_381] : memref<2x4x4x8x129xf32, #tpu.memory_space<vmem>> -> memref<1x1x4x8x129xf32, #tpu.memory_space<vmem>>
      %scatter3A_383 = tpu.memref_squeeze %scatter3A_382 : memref<1x1x4x8x129xf32, #tpu.memory_space<vmem>> -> memref<4x8x129xf32, #tpu.memory_space<vmem>>
      tpu.vector_store_idx %scatter3A_383[%shift_right_arithmetic3A_8, %and3A_16, %add3A_372], %get3A_377 : memref<4x8x129xf32, #tpu.memory_space<vmem>>[vector<16xi32>, vector<16xi32>, vector<16xi32>], vector<16xf32>,
      %get3A_384 = arith.constant 0 : i32
      %get3A_385 = arith.index_cast %get3A_384 : i32 to index
      %get3A_386 = arith.index_cast %add3A_366 : i32 to index
      %get3A_387 = arith.constant 16 : index
      %get3A_388 = tpu.vector_load %arg7[%get3A_385, %get3A_386, %get3A_387] {strides = array<i32>} : memref<2x512x32xf32, #tpu.memory_space<vmem>>, vector<16xf32>,
      %scatter3A_389 = arith.constant 0 : i32
      %scatter3A_390 = arith.constant 0 : i32
      %scatter3A_391 = arith.constant 0 : i32
      %scatter3A_392 = arith.constant 0 : i32
      %scatter3A_393 = tpu.memref_slice %arg8[%scatter3A_389, %shift_right_arithmetic3A_332, %scatter3A_390, %scatter3A_391, %scatter3A_392] : memref<2x4x4x8x129xf32, #tpu.memory_space<vmem>> -> memref<1x1x4x8x129xf32, #tpu.memory_space<vmem>>
      %scatter3A_394 = tpu.memref_squeeze %scatter3A_393 : memref<1x1x4x8x129xf32, #tpu.memory_space<vmem>> -> memref<4x8x129xf32, #tpu.memory_space<vmem>>
      tpu.vector_store_idx %scatter3A_394[%add3A_14, %and3A_16, %add3A_372], %get3A_388 : memref<4x8x129xf32, #tpu.memory_space<vmem>>[vector<16xi32>, vector<16xi32>, vector<16xi32>], vector<16xf32>,
      %add3A_395 = arith.constant 2 : i32
      %add3A_396 = arith.addi %mul3A_336, %add3A_395 : i32
      %mul3A_397 = arith.constant 16 : i32
      %mul3A_398 = arith.muli %and3A_334, %mul3A_397 : i32
      %add3A_399 = arith.constant 2 : i32
      %add3A_400 = arith.addi %mul3A_398, %add3A_399 : i32
      %add3A_401 = vector.broadcast %add3A_400 : i32 to vector<16xi32>
      %add3A_402 = arith.addi %broadcast_in_dim3A_6, %add3A_401 : vector<16xi32>
      %get3A_403 = arith.constant 0 : i32
      %get3A_404 = arith.index_cast %get3A_403 : i32 to index
      %get3A_405 = arith.index_cast %add3A_396 : i32 to index
      %get3A_406 = arith.constant 0 : index
      %get3A_407 = tpu.vector_load %arg7[%get3A_404, %get3A_405, %get3A_406] {strides = array<i32>} : memref<2x512x32xf32, #tpu.memory_space<vmem>>, vector<16xf32>,
      %scatter3A_408 = arith.constant 0 : i32
      %scatter3A_409 = arith.constant 0 : i32
      %scatter3A_410 = arith.constant 0 : i32
      %scatter3A_411 = arith.constant 0 : i32
      %scatter3A_412 = tpu.memref_slice %arg8[%scatter3A_408, %shift_right_arithmetic3A_332, %scatter3A_409, %scatter3A_410, %scatter3A_411] : memref<2x4x4x8x129xf32, #tpu.memory_space<vmem>> -> memref<1x1x4x8x129xf32, #tpu.memory_space<vmem>>
      %scatter3A_413 = tpu.memref_squeeze %scatter3A_412 : memref<1x1x4x8x129xf32, #tpu.memory_space<vmem>> -> memref<4x8x129xf32, #tpu.memory_space<vmem>>
      tpu.vector_store_idx %scatter3A_413[%shift_right_arithmetic3A_8, %and3A_16, %add3A_402], %get3A_407 : memref<4x8x129xf32, #tpu.memory_space<vmem>>[vector<16xi32>, vector<16xi32>, vector<16xi32>], vector<16xf32>,
      %get3A_414 = arith.constant 0 : i32
      %get3A_415 = arith.index_cast %get3A_414 : i32 to index
      %get3A_416 = arith.index_cast %add3A_396 : i32 to index
      %get3A_417 = arith.constant 16 : index
      %get3A_418 = tpu.vector_load %arg7[%get3A_415, %get3A_416, %get3A_417] {strides = array<i32>} : memref<2x512x32xf32, #tpu.memory_space<vmem>>, vector<16xf32>,
      %scatter3A_419 = arith.constant 0 : i32
      %scatter3A_420 = arith.constant 0 : i32
      %scatter3A_421 = arith.constant 0 : i32
      %scatter3A_422 = arith.constant 0 : i32
      %scatter3A_423 = tpu.memref_slice %arg8[%scatter3A_419, %shift_right_arithmetic3A_332, %scatter3A_420, %scatter3A_421, %scatter3A_422] : memref<2x4x4x8x129xf32, #tpu.memory_space<vmem>> -> memref<1x1x4x8x129xf32, #tpu.memory_space<vmem>>
      %scatter3A_424 = tpu.memref_squeeze %scatter3A_423 : memref<1x1x4x8x129xf32, #tpu.memory_space<vmem>> -> memref<4x8x129xf32, #tpu.memory_space<vmem>>
      tpu.vector_store_idx %scatter3A_424[%add3A_14, %and3A_16, %add3A_402], %get3A_418 : memref<4x8x129xf32, #tpu.memory_space<vmem>>[vector<16xi32>, vector<16xi32>, vector<16xi32>], vector<16xf32>,
      %add3A_425 = arith.constant 3 : i32
      %add3A_426 = arith.addi %mul3A_336, %add3A_425 : i32
      %mul3A_427 = arith.constant 16 : i32
      %mul3A_428 = arith.muli %and3A_334, %mul3A_427 : i32
      %add3A_429 = arith.constant 3 : i32
      %add3A_430 = arith.addi %mul3A_428, %add3A_429 : i32
      %add3A_431 = vector.broadcast %add3A_430 : i32 to vector<16xi32>
      %add3A_432 = arith.addi %broadcast_in_dim3A_6, %add3A_431 : vector<16xi32>
      %get3A_433 = arith.constant 0 : i32
      %get3A_434 = arith.index_cast %get3A_433 : i32 to index
      %get3A_435 = arith.index_cast %add3A_426 : i32 to index
      %get3A_436 = arith.constant 0 : index
      %get3A_437 = tpu.vector_load %arg7[%get3A_434, %get3A_435, %get3A_436] {strides = array<i32>} : memref<2x512x32xf32, #tpu.memory_space<vmem>>, vector<16xf32>,
      %scatter3A_438 = arith.constant 0 : i32
      %scatter3A_439 = arith.constant 0 : i32
      %scatter3A_440 = arith.constant 0 : i32
      %scatter3A_441 = arith.constant 0 : i32
      %scatter3A_442 = tpu.memref_slice %arg8[%scatter3A_438, %shift_right_arithmetic3A_332, %scatter3A_439, %scatter3A_440, %scatter3A_441] : memref<2x4x4x8x129xf32, #tpu.memory_space<vmem>> -> memref<1x1x4x8x129xf32, #tpu.memory_space<vmem>>
      %scatter3A_443 = tpu.memref_squeeze %scatter3A_442 : memref<1x1x4x8x129xf32, #tpu.memory_space<vmem>> -> memref<4x8x129xf32, #tpu.memory_space<vmem>>
      tpu.vector_store_idx %scatter3A_443[%shift_right_arithmetic3A_8, %and3A_16, %add3A_432], %get3A_437 : memref<4x8x129xf32, #tpu.memory_space<vmem>>[vector<16xi32>, vector<16xi32>, vector<16xi32>], vector<16xf32>,
      %get3A_444 = arith.constant 0 : i32
      %get3A_445 = arith.index_cast %get3A_444 : i32 to index
      %get3A_446 = arith.index_cast %add3A_426 : i32 to index
      %get3A_447 = arith.constant 16 : index
      %get3A_448 = tpu.vector_load %arg7[%get3A_445, %get3A_446, %get3A_447] {strides = array<i32>} : memref<2x512x32xf32, #tpu.memory_space<vmem>>, vector<16xf32>,
      %scatter3A_449 = arith.constant 0 : i32
      %scatter3A_450 = arith.constant 0 : i32
      %scatter3A_451 = arith.constant 0 : i32
      %scatter3A_452 = arith.constant 0 : i32
      %scatter3A_453 = tpu.memref_slice %arg8[%scatter3A_449, %shift_right_arithmetic3A_332, %scatter3A_450, %scatter3A_451, %scatter3A_452] : memref<2x4x4x8x129xf32, #tpu.memory_space<vmem>> -> memref<1x1x4x8x129xf32, #tpu.memory_space<vmem>>
      %scatter3A_454 = tpu.memref_squeeze %scatter3A_453 : memref<1x1x4x8x129xf32, #tpu.memory_space<vmem>> -> memref<4x8x129xf32, #tpu.memory_space<vmem>>
      tpu.vector_store_idx %scatter3A_454[%add3A_14, %and3A_16, %add3A_432], %get3A_448 : memref<4x8x129xf32, #tpu.memory_space<vmem>>[vector<16xi32>, vector<16xi32>, vector<16xi32>], vector<16xf32>,
      %add3A_455 = arith.constant 4 : i32
      %add3A_456 = arith.addi %mul3A_336, %add3A_455 : i32
      %mul3A_457 = arith.constant 16 : i32
      %mul3A_458 = arith.muli %and3A_334, %mul3A_457 : i32
      %add3A_459 = arith.constant 4 : i32
      %add3A_460 = arith.addi %mul3A_458, %add3A_459 : i32
      %add3A_461 = vector.broadcast %add3A_460 : i32 to vector<16xi32>
      %add3A_462 = arith.addi %broadcast_in_dim3A_6, %add3A_461 : vector<16xi32>
      %get3A_463 = arith.constant 0 : i32
      %get3A_464 = arith.index_cast %get3A_463 : i32 to index
      %get3A_465 = arith.index_cast %add3A_456 : i32 to index
      %get3A_466 = arith.constant 0 : index
      %get3A_467 = tpu.vector_load %arg7[%get3A_464, %get3A_465, %get3A_466] {strides = array<i32>} : memref<2x512x32xf32, #tpu.memory_space<vmem>>, vector<16xf32>,
      %scatter3A_468 = arith.constant 0 : i32
      %scatter3A_469 = arith.constant 0 : i32
      %scatter3A_470 = arith.constant 0 : i32
      %scatter3A_471 = arith.constant 0 : i32
      %scatter3A_472 = tpu.memref_slice %arg8[%scatter3A_468, %shift_right_arithmetic3A_332, %scatter3A_469, %scatter3A_470, %scatter3A_471] : memref<2x4x4x8x129xf32, #tpu.memory_space<vmem>> -> memref<1x1x4x8x129xf32, #tpu.memory_space<vmem>>
      %scatter3A_473 = tpu.memref_squeeze %scatter3A_472 : memref<1x1x4x8x129xf32, #tpu.memory_space<vmem>> -> memref<4x8x129xf32, #tpu.memory_space<vmem>>
      tpu.vector_store_idx %scatter3A_473[%shift_right_arithmetic3A_8, %and3A_16, %add3A_462], %get3A_467 : memref<4x8x129xf32, #tpu.memory_space<vmem>>[vector<16xi32>, vector<16xi32>, vector<16xi32>], vector<16xf32>,
      %get3A_474 = arith.constant 0 : i32
      %get3A_475 = arith.index_cast %get3A_474 : i32 to index
      %get3A_476 = arith.index_cast %add3A_456 : i32 to index
      %get3A_477 = arith.constant 16 : index
      %get3A_478 = tpu.vector_load %arg7[%get3A_475, %get3A_476, %get3A_477] {strides = array<i32>} : memref<2x512x32xf32, #tpu.memory_space<vmem>>, vector<16xf32>,
      %scatter3A_479 = arith.constant 0 : i32
      %scatter3A_480 = arith.constant 0 : i32
      %scatter3A_481 = arith.constant 0 : i32
      %scatter3A_482 = arith.constant 0 : i32
      %scatter3A_483 = tpu.memref_slice %arg8[%scatter3A_479, %shift_right_arithmetic3A_332, %scatter3A_480, %scatter3A_481, %scatter3A_482] : memref<2x4x4x8x129xf32, #tpu.memory_space<vmem>> -> memref<1x1x4x8x129xf32, #tpu.memory_space<vmem>>
      %scatter3A_484 = tpu.memref_squeeze %scatter3A_483 : memref<1x1x4x8x129xf32, #tpu.memory_space<vmem>> -> memref<4x8x129xf32, #tpu.memory_space<vmem>>
      tpu.vector_store_idx %scatter3A_484[%add3A_14, %and3A_16, %add3A_462], %get3A_478 : memref<4x8x129xf32, #tpu.memory_space<vmem>>[vector<16xi32>, vector<16xi32>, vector<16xi32>], vector<16xf32>,
      %add3A_485 = arith.constant 5 : i32
      %add3A_486 = arith.addi %mul3A_336, %add3A_485 : i32
      %mul3A_487 = arith.constant 16 : i32
      %mul3A_488 = arith.muli %and3A_334, %mul3A_487 : i32
      %add3A_489 = arith.constant 5 : i32
      %add3A_490 = arith.addi %mul3A_488, %add3A_489 : i32
      %add3A_491 = vector.broadcast %add3A_490 : i32 to vector<16xi32>
      %add3A_492 = arith.addi %broadcast_in_dim3A_6, %add3A_491 : vector<16xi32>
      %get3A_493 = arith.constant 0 : i32
      %get3A_494 = arith.index_cast %get3A_493 : i32 to index
      %get3A_495 = arith.index_cast %add3A_486 : i32 to index
      %get3A_496 = arith.constant 0 : index
      %get3A_497 = tpu.vector_load %arg7[%get3A_494, %get3A_495, %get3A_496] {strides = array<i32>} : memref<2x512x32xf32, #tpu.memory_space<vmem>>, vector<16xf32>,
      %scatter3A_498 = arith.constant 0 : i32
      %scatter3A_499 = arith.constant 0 : i32
      %scatter3A_500 = arith.constant 0 : i32
      %scatter3A_501 = arith.constant 0 : i32
      %scatter3A_502 = tpu.memref_slice %arg8[%scatter3A_498, %shift_right_arithmetic3A_332, %scatter3A_499, %scatter3A_500, %scatter3A_501] : memref<2x4x4x8x129xf32, #tpu.memory_space<vmem>> -> memref<1x1x4x8x129xf32, #tpu.memory_space<vmem>>
      %scatter3A_503 = tpu.memref_squeeze %scatter3A_502 : memref<1x1x4x8x129xf32, #tpu.memory_space<vmem>> -> memref<4x8x129xf32, #tpu.memory_space<vmem>>
      tpu.vector_store_idx %scatter3A_503[%shift_right_arithmetic3A_8, %and3A_16, %add3A_492], %get3A_497 : memref<4x8x129xf32, #tpu.memory_space<vmem>>[vector<16xi32>, vector<16xi32>, vector<16xi32>], vector<16xf32>,
      %get3A_504 = arith.constant 0 : i32
      %get3A_505 = arith.index_cast %get3A_504 : i32 to index
      %get3A_506 = arith.index_cast %add3A_486 : i32 to index
      %get3A_507 = arith.constant 16 : index
      %get3A_508 = tpu.vector_load %arg7[%get3A_505, %get3A_506, %get3A_507] {strides = array<i32>} : memref<2x512x32xf32, #tpu.memory_space<vmem>>, vector<16xf32>,
      %scatter3A_509 = arith.constant 0 : i32
      %scatter3A_510 = arith.constant 0 : i32
      %scatter3A_511 = arith.constant 0 : i32
      %scatter3A_512 = arith.constant 0 : i32
      %scatter3A_513 = tpu.memref_slice %arg8[%scatter3A_509, %shift_right_arithmetic3A_332, %scatter3A_510, %scatter3A_511, %scatter3A_512] : memref<2x4x4x8x129xf32, #tpu.memory_space<vmem>> -> memref<1x1x4x8x129xf32, #tpu.memory_space<vmem>>
      %scatter3A_514 = tpu.memref_squeeze %scatter3A_513 : memref<1x1x4x8x129xf32, #tpu.memory_space<vmem>> -> memref<4x8x129xf32, #tpu.memory_space<vmem>>
      tpu.vector_store_idx %scatter3A_514[%add3A_14, %and3A_16, %add3A_492], %get3A_508 : memref<4x8x129xf32, #tpu.memory_space<vmem>>[vector<16xi32>, vector<16xi32>, vector<16xi32>], vector<16xf32>,
      %add3A_515 = arith.constant 6 : i32
      %add3A_516 = arith.addi %mul3A_336, %add3A_515 : i32
      %mul3A_517 = arith.constant 16 : i32
      %mul3A_518 = arith.muli %and3A_334, %mul3A_517 : i32
      %add3A_519 = arith.constant 6 : i32
      %add3A_520 = arith.addi %mul3A_518, %add3A_519 : i32
      %add3A_521 = vector.broadcast %add3A_520 : i32 to vector<16xi32>
      %add3A_522 = arith.addi %broadcast_in_dim3A_6, %add3A_521 : vector<16xi32>
      %get3A_523 = arith.constant 0 : i32
      %get3A_524 = arith.index_cast %get3A_523 : i32 to index
      %get3A_525 = arith.index_cast %add3A_516 : i32 to index
      %get3A_526 = arith.constant 0 : index
      %get3A_527 = tpu.vector_load %arg7[%get3A_524, %get3A_525, %get3A_526] {strides = array<i32>} : memref<2x512x32xf32, #tpu.memory_space<vmem>>, vector<16xf32>,
      %scatter3A_528 = arith.constant 0 : i32
      %scatter3A_529 = arith.constant 0 : i32
      %scatter3A_530 = arith.constant 0 : i32
      %scatter3A_531 = arith.constant 0 : i32
      %scatter3A_532 = tpu.memref_slice %arg8[%scatter3A_528, %shift_right_arithmetic3A_332, %scatter3A_529, %scatter3A_530, %scatter3A_531] : memref<2x4x4x8x129xf32, #tpu.memory_space<vmem>> -> memref<1x1x4x8x129xf32, #tpu.memory_space<vmem>>
      %scatter3A_533 = tpu.memref_squeeze %scatter3A_532 : memref<1x1x4x8x129xf32, #tpu.memory_space<vmem>> -> memref<4x8x129xf32, #tpu.memory_space<vmem>>
      tpu.vector_store_idx %scatter3A_533[%shift_right_arithmetic3A_8, %and3A_16, %add3A_522], %get3A_527 : memref<4x8x129xf32, #tpu.memory_space<vmem>>[vector<16xi32>, vector<16xi32>, vector<16xi32>], vector<16xf32>,
      %get3A_534 = arith.constant 0 : i32
      %get3A_535 = arith.index_cast %get3A_534 : i32 to index
      %get3A_536 = arith.index_cast %add3A_516 : i32 to index
      %get3A_537 = arith.constant 16 : index
      %get3A_538 = tpu.vector_load %arg7[%get3A_535, %get3A_536, %get3A_537] {strides = array<i32>} : memref<2x512x32xf32, #tpu.memory_space<vmem>>, vector<16xf32>,
      %scatter3A_539 = arith.constant 0 : i32
      %scatter3A_540 = arith.constant 0 : i32
      %scatter3A_541 = arith.constant 0 : i32
      %scatter3A_542 = arith.constant 0 : i32
      %scatter3A_543 = tpu.memref_slice %arg8[%scatter3A_539, %shift_right_arithmetic3A_332, %scatter3A_540, %scatter3A_541, %scatter3A_542] : memref<2x4x4x8x129xf32, #tpu.memory_space<vmem>> -> memref<1x1x4x8x129xf32, #tpu.memory_space<vmem>>
      %scatter3A_544 = tpu.memref_squeeze %scatter3A_543 : memref<1x1x4x8x129xf32, #tpu.memory_space<vmem>> -> memref<4x8x129xf32, #tpu.memory_space<vmem>>
      tpu.vector_store_idx %scatter3A_544[%add3A_14, %and3A_16, %add3A_522], %get3A_538 : memref<4x8x129xf32, #tpu.memory_space<vmem>>[vector<16xi32>, vector<16xi32>, vector<16xi32>], vector<16xf32>,
      %add3A_545 = arith.constant 7 : i32
      %add3A_546 = arith.addi %mul3A_336, %add3A_545 : i32
      %mul3A_547 = arith.constant 16 : i32
      %mul3A_548 = arith.muli %and3A_334, %mul3A_547 : i32
      %add3A_549 = arith.constant 7 : i32
      %add3A_550 = arith.addi %mul3A_548, %add3A_549 : i32
      %add3A_551 = vector.broadcast %add3A_550 : i32 to vector<16xi32>
      %add3A_552 = arith.addi %broadcast_in_dim3A_6, %add3A_551 : vector<16xi32>
      %get3A_553 = arith.constant 0 : i32
      %get3A_554 = arith.index_cast %get3A_553 : i32 to index
      %get3A_555 = arith.index_cast %add3A_546 : i32 to index
      %get3A_556 = arith.constant 0 : index
      %get3A_557 = tpu.vector_load %arg7[%get3A_554, %get3A_555, %get3A_556] {strides = array<i32>} : memref<2x512x32xf32, #tpu.memory_space<vmem>>, vector<16xf32>,
      %scatter3A_558 = arith.constant 0 : i32
      %scatter3A_559 = arith.constant 0 : i32
      %scatter3A_560 = arith.constant 0 : i32
      %scatter3A_561 = arith.constant 0 : i32
      %scatter3A_562 = tpu.memref_slice %arg8[%scatter3A_558, %shift_right_arithmetic3A_332, %scatter3A_559, %scatter3A_560, %scatter3A_561] : memref<2x4x4x8x129xf32, #tpu.memory_space<vmem>> -> memref<1x1x4x8x129xf32, #tpu.memory_space<vmem>>
      %scatter3A_563 = tpu.memref_squeeze %scatter3A_562 : memref<1x1x4x8x129xf32, #tpu.memory_space<vmem>> -> memref<4x8x129xf32, #tpu.memory_space<vmem>>
      tpu.vector_store_idx %scatter3A_563[%shift_right_arithmetic3A_8, %and3A_16, %add3A_552], %get3A_557 : memref<4x8x129xf32, #tpu.memory_space<vmem>>[vector<16xi32>, vector<16xi32>, vector<16xi32>], vector<16xf32>,
      %get3A_564 = arith.constant 0 : i32
      %get3A_565 = arith.index_cast %get3A_564 : i32 to index
      %get3A_566 = arith.index_cast %add3A_546 : i32 to index
      %get3A_567 = arith.constant 16 : index
      %get3A_568 = tpu.vector_load %arg7[%get3A_565, %get3A_566, %get3A_567] {strides = array<i32>} : memref<2x512x32xf32, #tpu.memory_space<vmem>>, vector<16xf32>,
      %scatter3A_569 = arith.constant 0 : i32
      %scatter3A_570 = arith.constant 0 : i32
      %scatter3A_571 = arith.constant 0 : i32
      %scatter3A_572 = arith.constant 0 : i32
      %scatter3A_573 = tpu.memref_slice %arg8[%scatter3A_569, %shift_right_arithmetic3A_332, %scatter3A_570, %scatter3A_571, %scatter3A_572] : memref<2x4x4x8x129xf32, #tpu.memory_space<vmem>> -> memref<1x1x4x8x129xf32, #tpu.memory_space<vmem>>
      %scatter3A_574 = tpu.memref_squeeze %scatter3A_573 : memref<1x1x4x8x129xf32, #tpu.memory_space<vmem>> -> memref<4x8x129xf32, #tpu.memory_space<vmem>>
      tpu.vector_store_idx %scatter3A_574[%add3A_14, %and3A_16, %add3A_552], %get3A_568 : memref<4x8x129xf32, #tpu.memory_space<vmem>>[vector<16xi32>, vector<16xi32>, vector<16xi32>], vector<16xf32>,
      %add3A_575 = arith.constant 8 : i32
      %add3A_576 = arith.addi %mul3A_336, %add3A_575 : i32
      %mul3A_577 = arith.constant 16 : i32
      %mul3A_578 = arith.muli %and3A_334, %mul3A_577 : i32
      %add3A_579 = arith.constant 8 : i32
      %add3A_580 = arith.addi %mul3A_578, %add3A_579 : i32
      %add3A_581 = vector.broadcast %add3A_580 : i32 to vector<16xi32>
      %add3A_582 = arith.addi %broadcast_in_dim3A_6, %add3A_581 : vector<16xi32>
      %get3A_583 = arith.constant 0 : i32
      %get3A_584 = arith.index_cast %get3A_583 : i32 to index
      %get3A_585 = arith.index_cast %add3A_576 : i32 to index
      %get3A_586 = arith.constant 0 : index
      %get3A_587 = tpu.vector_load %arg7[%get3A_584, %get3A_585, %get3A_586] {strides = array<i32>} : memref<2x512x32xf32, #tpu.memory_space<vmem>>, vector<16xf32>,
      %scatter3A_588 = arith.constant 0 : i32
      %scatter3A_589 = arith.constant 0 : i32
      %scatter3A_590 = arith.constant 0 : i32
      %scatter3A_591 = arith.constant 0 : i32
      %scatter3A_592 = tpu.memref_slice %arg8[%scatter3A_588, %shift_right_arithmetic3A_332, %scatter3A_589, %scatter3A_590, %scatter3A_591] : memref<2x4x4x8x129xf32, #tpu.memory_space<vmem>> -> memref<1x1x4x8x129xf32, #tpu.memory_space<vmem>>
      %scatter3A_593 = tpu.memref_squeeze %scatter3A_592 : memref<1x1x4x8x129xf32, #tpu.memory_space<vmem>> -> memref<4x8x129xf32, #tpu.memory_space<vmem>>
      tpu.vector_store_idx %scatter3A_593[%shift_right_arithmetic3A_8, %and3A_16, %add3A_582], %get3A_587 : memref<4x8x129xf32, #tpu.memory_space<vmem>>[vector<16xi32>, vector<16xi32>, vector<16xi32>], vector<16xf32>,
      %get3A_594 = arith.constant 0 : i32
      %get3A_595 = arith.index_cast %get3A_594 : i32 to index
      %get3A_596 = arith.index_cast %add3A_576 : i32 to index
      %get3A_597 = arith.constant 16 : index
      %get3A_598 = tpu.vector_load %arg7[%get3A_595, %get3A_596, %get3A_597] {strides = array<i32>} : memref<2x512x32xf32, #tpu.memory_space<vmem>>, vector<16xf32>,
      %scatter3A_599 = arith.constant 0 : i32
      %scatter3A_600 = arith.constant 0 : i32
      %scatter3A_601 = arith.constant 0 : i32
      %scatter3A_602 = arith.constant 0 : i32
      %scatter3A_603 = tpu.memref_slice %arg8[%scatter3A_599, %shift_right_arithmetic3A_332, %scatter3A_600, %scatter3A_601, %scatter3A_602] : memref<2x4x4x8x129xf32, #tpu.memory_space<vmem>> -> memref<1x1x4x8x129xf32, #tpu.memory_space<vmem>>
      %scatter3A_604 = tpu.memref_squeeze %scatter3A_603 : memref<1x1x4x8x129xf32, #tpu.memory_space<vmem>> -> memref<4x8x129xf32, #tpu.memory_space<vmem>>
      tpu.vector_store_idx %scatter3A_604[%add3A_14, %and3A_16, %add3A_582], %get3A_598 : memref<4x8x129xf32, #tpu.memory_space<vmem>>[vector<16xi32>, vector<16xi32>, vector<16xi32>], vector<16xf32>,
      %add3A_605 = arith.constant 9 : i32
      %add3A_606 = arith.addi %mul3A_336, %add3A_605 : i32
      %mul3A_607 = arith.constant 16 : i32
      %mul3A_608 = arith.muli %and3A_334, %mul3A_607 : i32
      %add3A_609 = arith.constant 9 : i32
      %add3A_610 = arith.addi %mul3A_608, %add3A_609 : i32
      %add3A_611 = vector.broadcast %add3A_610 : i32 to vector<16xi32>
      %add3A_612 = arith.addi %broadcast_in_dim3A_6, %add3A_611 : vector<16xi32>
      %get3A_613 = arith.constant 0 : i32
      %get3A_614 = arith.index_cast %get3A_613 : i32 to index
      %get3A_615 = arith.index_cast %add3A_606 : i32 to index
      %get3A_616 = arith.constant 0 : index
      %get3A_617 = tpu.vector_load %arg7[%get3A_614, %get3A_615, %get3A_616] {strides = array<i32>} : memref<2x512x32xf32, #tpu.memory_space<vmem>>, vector<16xf32>,
      %scatter3A_618 = arith.constant 0 : i32
      %scatter3A_619 = arith.constant 0 : i32
      %scatter3A_620 = arith.constant 0 : i32
      %scatter3A_621 = arith.constant 0 : i32
      %scatter3A_622 = tpu.memref_slice %arg8[%scatter3A_618, %shift_right_arithmetic3A_332, %scatter3A_619, %scatter3A_620, %scatter3A_621] : memref<2x4x4x8x129xf32, #tpu.memory_space<vmem>> -> memref<1x1x4x8x129xf32, #tpu.memory_space<vmem>>
      %scatter3A_623 = tpu.memref_squeeze %scatter3A_622 : memref<1x1x4x8x129xf32, #tpu.memory_space<vmem>> -> memref<4x8x129xf32, #tpu.memory_space<vmem>>
      tpu.vector_store_idx %scatter3A_623[%shift_right_arithmetic3A_8, %and3A_16, %add3A_612], %get3A_617 : memref<4x8x129xf32, #tpu.memory_space<vmem>>[vector<16xi32>, vector<16xi32>, vector<16xi32>], vector<16xf32>,
      %get3A_624 = arith.constant 0 : i32
      %get3A_625 = arith.index_cast %get3A_624 : i32 to index
      %get3A_626 = arith.index_cast %add3A_606 : i32 to index
      %get3A_627 = arith.constant 16 : index
      %get3A_628 = tpu.vector_load %arg7[%get3A_625, %get3A_626, %get3A_627] {strides = array<i32>} : memref<2x512x32xf32, #tpu.memory_space<vmem>>, vector<16xf32>,
      %scatter3A_629 = arith.constant 0 : i32
      %scatter3A_630 = arith.constant 0 : i32
      %scatter3A_631 = arith.constant 0 : i32
      %scatter3A_632 = arith.constant 0 : i32
      %scatter3A_633 = tpu.memref_slice %arg8[%scatter3A_629, %shift_right_arithmetic3A_332, %scatter3A_630, %scatter3A_631, %scatter3A_632] : memref<2x4x4x8x129xf32, #tpu.memory_space<vmem>> -> memref<1x1x4x8x129xf32, #tpu.memory_space<vmem>>
      %scatter3A_634 = tpu.memref_squeeze %scatter3A_633 : memref<1x1x4x8x129xf32, #tpu.memory_space<vmem>> -> memref<4x8x129xf32, #tpu.memory_space<vmem>>
      tpu.vector_store_idx %scatter3A_634[%add3A_14, %and3A_16, %add3A_612], %get3A_628 : memref<4x8x129xf32, #tpu.memory_space<vmem>>[vector<16xi32>, vector<16xi32>, vector<16xi32>], vector<16xf32>,
      %add3A_635 = arith.constant 10 : i32
      %add3A_636 = arith.addi %mul3A_336, %add3A_635 : i32
      %mul3A_637 = arith.constant 16 : i32
      %mul3A_638 = arith.muli %and3A_334, %mul3A_637 : i32
      %add3A_639 = arith.constant 10 : i32
      %add3A_640 = arith.addi %mul3A_638, %add3A_639 : i32
      %add3A_641 = vector.broadcast %add3A_640 : i32 to vector<16xi32>
      %add3A_642 = arith.addi %broadcast_in_dim3A_6, %add3A_641 : vector<16xi32>
      %get3A_643 = arith.constant 0 : i32
      %get3A_644 = arith.index_cast %get3A_643 : i32 to index
      %get3A_645 = arith.index_cast %add3A_636 : i32 to index
      %get3A_646 = arith.constant 0 : index
      %get3A_647 = tpu.vector_load %arg7[%get3A_644, %get3A_645, %get3A_646] {strides = array<i32>} : memref<2x512x32xf32, #tpu.memory_space<vmem>>, vector<16xf32>,
      %scatter3A_648 = arith.constant 0 : i32
      %scatter3A_649 = arith.constant 0 : i32
      %scatter3A_650 = arith.constant 0 : i32
      %scatter3A_651 = arith.constant 0 : i32
      %scatter3A_652 = tpu.memref_slice %arg8[%scatter3A_648, %shift_right_arithmetic3A_332, %scatter3A_649, %scatter3A_650, %scatter3A_651] : memref<2x4x4x8x129xf32, #tpu.memory_space<vmem>> -> memref<1x1x4x8x129xf32, #tpu.memory_space<vmem>>
      %scatter3A_653 = tpu.memref_squeeze %scatter3A_652 : memref<1x1x4x8x129xf32, #tpu.memory_space<vmem>> -> memref<4x8x129xf32, #tpu.memory_space<vmem>>
      tpu.vector_store_idx %scatter3A_653[%shift_right_arithmetic3A_8, %and3A_16, %add3A_642], %get3A_647 : memref<4x8x129xf32, #tpu.memory_space<vmem>>[vector<16xi32>, vector<16xi32>, vector<16xi32>], vector<16xf32>,
      %get3A_654 = arith.constant 0 : i32
      %get3A_655 = arith.index_cast %get3A_654 : i32 to index
      %get3A_656 = arith.index_cast %add3A_636 : i32 to index
      %get3A_657 = arith.constant 16 : index
      %get3A_658 = tpu.vector_load %arg7[%get3A_655, %get3A_656, %get3A_657] {strides = array<i32>} : memref<2x512x32xf32, #tpu.memory_space<vmem>>, vector<16xf32>,
      %scatter3A_659 = arith.constant 0 : i32
      %scatter3A_660 = arith.constant 0 : i32
      %scatter3A_661 = arith.constant 0 : i32
      %scatter3A_662 = arith.constant 0 : i32
      %scatter3A_663 = tpu.memref_slice %arg8[%scatter3A_659, %shift_right_arithmetic3A_332, %scatter3A_660, %scatter3A_661, %scatter3A_662] : memref<2x4x4x8x129xf32, #tpu.memory_space<vmem>> -> memref<1x1x4x8x129xf32, #tpu.memory_space<vmem>>
      %scatter3A_664 = tpu.memref_squeeze %scatter3A_663 : memref<1x1x4x8x129xf32, #tpu.memory_space<vmem>> -> memref<4x8x129xf32, #tpu.memory_space<vmem>>
      tpu.vector_store_idx %scatter3A_664[%add3A_14, %and3A_16, %add3A_642], %get3A_658 : memref<4x8x129xf32, #tpu.memory_space<vmem>>[vector<16xi32>, vector<16xi32>, vector<16xi32>], vector<16xf32>,
      %add3A_665 = arith.constant 11 : i32
      %add3A_666 = arith.addi %mul3A_336, %add3A_665 : i32
      %mul3A_667 = arith.constant 16 : i32
      %mul3A_668 = arith.muli %and3A_334, %mul3A_667 : i32
      %add3A_669 = arith.constant 11 : i32
      %add3A_670 = arith.addi %mul3A_668, %add3A_669 : i32
      %add3A_671 = vector.broadcast %add3A_670 : i32 to vector<16xi32>
      %add3A_672 = arith.addi %broadcast_in_dim3A_6, %add3A_671 : vector<16xi32>
      %get3A_673 = arith.constant 0 : i32
      %get3A_674 = arith.index_cast %get3A_673 : i32 to index
      %get3A_675 = arith.index_cast %add3A_666 : i32 to index
      %get3A_676 = arith.constant 0 : index
      %get3A_677 = tpu.vector_load %arg7[%get3A_674, %get3A_675, %get3A_676] {strides = array<i32>} : memref<2x512x32xf32, #tpu.memory_space<vmem>>, vector<16xf32>,
      %scatter3A_678 = arith.constant 0 : i32
      %scatter3A_679 = arith.constant 0 : i32
      %scatter3A_680 = arith.constant 0 : i32
      %scatter3A_681 = arith.constant 0 : i32
      %scatter3A_682 = tpu.memref_slice %arg8[%scatter3A_678, %shift_right_arithmetic3A_332, %scatter3A_679, %scatter3A_680, %scatter3A_681] : memref<2x4x4x8x129xf32, #tpu.memory_space<vmem>> -> memref<1x1x4x8x129xf32, #tpu.memory_space<vmem>>
      %scatter3A_683 = tpu.memref_squeeze %scatter3A_682 : memref<1x1x4x8x129xf32, #tpu.memory_space<vmem>> -> memref<4x8x129xf32, #tpu.memory_space<vmem>>
      tpu.vector_store_idx %scatter3A_683[%shift_right_arithmetic3A_8, %and3A_16, %add3A_672], %get3A_677 : memref<4x8x129xf32, #tpu.memory_space<vmem>>[vector<16xi32>, vector<16xi32>, vector<16xi32>], vector<16xf32>,
      %get3A_684 = arith.constant 0 : i32
      %get3A_685 = arith.index_cast %get3A_684 : i32 to index
      %get3A_686 = arith.index_cast %add3A_666 : i32 to index
      %get3A_687 = arith.constant 16 : index
      %get3A_688 = tpu.vector_load %arg7[%get3A_685, %get3A_686, %get3A_687] {strides = array<i32>} : memref<2x512x32xf32, #tpu.memory_space<vmem>>, vector<16xf32>,
      %scatter3A_689 = arith.constant 0 : i32
      %scatter3A_690 = arith.constant 0 : i32
      %scatter3A_691 = arith.constant 0 : i32
      %scatter3A_692 = arith.constant 0 : i32
      %scatter3A_693 = tpu.memref_slice %arg8[%scatter3A_689, %shift_right_arithmetic3A_332, %scatter3A_690, %scatter3A_691, %scatter3A_692] : memref<2x4x4x8x129xf32, #tpu.memory_space<vmem>> -> memref<1x1x4x8x129xf32, #tpu.memory_space<vmem>>
      %scatter3A_694 = tpu.memref_squeeze %scatter3A_693 : memref<1x1x4x8x129xf32, #tpu.memory_space<vmem>> -> memref<4x8x129xf32, #tpu.memory_space<vmem>>
      tpu.vector_store_idx %scatter3A_694[%add3A_14, %and3A_16, %add3A_672], %get3A_688 : memref<4x8x129xf32, #tpu.memory_space<vmem>>[vector<16xi32>, vector<16xi32>, vector<16xi32>], vector<16xf32>,
      %add3A_695 = arith.constant 12 : i32
      %add3A_696 = arith.addi %mul3A_336, %add3A_695 : i32
      %mul3A_697 = arith.constant 16 : i32
      %mul3A_698 = arith.muli %and3A_334, %mul3A_697 : i32
      %add3A_699 = arith.constant 12 : i32
      %add3A_700 = arith.addi %mul3A_698, %add3A_699 : i32
      %add3A_701 = vector.broadcast %add3A_700 : i32 to vector<16xi32>
      %add3A_702 = arith.addi %broadcast_in_dim3A_6, %add3A_701 : vector<16xi32>
      %get3A_703 = arith.constant 0 : i32
      %get3A_704 = arith.index_cast %get3A_703 : i32 to index
      %get3A_705 = arith.index_cast %add3A_696 : i32 to index
      %get3A_706 = arith.constant 0 : index
      %get3A_707 = tpu.vector_load %arg7[%get3A_704, %get3A_705, %get3A_706] {strides = array<i32>} : memref<2x512x32xf32, #tpu.memory_space<vmem>>, vector<16xf32>,
      %scatter3A_708 = arith.constant 0 : i32
      %scatter3A_709 = arith.constant 0 : i32
      %scatter3A_710 = arith.constant 0 : i32
      %scatter3A_711 = arith.constant 0 : i32
      %scatter3A_712 = tpu.memref_slice %arg8[%scatter3A_708, %shift_right_arithmetic3A_332, %scatter3A_709, %scatter3A_710, %scatter3A_711] : memref<2x4x4x8x129xf32, #tpu.memory_space<vmem>> -> memref<1x1x4x8x129xf32, #tpu.memory_space<vmem>>
      %scatter3A_713 = tpu.memref_squeeze %scatter3A_712 : memref<1x1x4x8x129xf32, #tpu.memory_space<vmem>> -> memref<4x8x129xf32, #tpu.memory_space<vmem>>
      tpu.vector_store_idx %scatter3A_713[%shift_right_arithmetic3A_8, %and3A_16, %add3A_702], %get3A_707 : memref<4x8x129xf32, #tpu.memory_space<vmem>>[vector<16xi32>, vector<16xi32>, vector<16xi32>], vector<16xf32>,
      %get3A_714 = arith.constant 0 : i32
      %get3A_715 = arith.index_cast %get3A_714 : i32 to index
      %get3A_716 = arith.index_cast %add3A_696 : i32 to index
      %get3A_717 = arith.constant 16 : index
      %get3A_718 = tpu.vector_load %arg7[%get3A_715, %get3A_716, %get3A_717] {strides = array<i32>} : memref<2x512x32xf32, #tpu.memory_space<vmem>>, vector<16xf32>,
      %scatter3A_719 = arith.constant 0 : i32
      %scatter3A_720 = arith.constant 0 : i32
      %scatter3A_721 = arith.constant 0 : i32
      %scatter3A_722 = arith.constant 0 : i32
      %scatter3A_723 = tpu.memref_slice %arg8[%scatter3A_719, %shift_right_arithmetic3A_332, %scatter3A_720, %scatter3A_721, %scatter3A_722] : memref<2x4x4x8x129xf32, #tpu.memory_space<vmem>> -> memref<1x1x4x8x129xf32, #tpu.memory_space<vmem>>
      %scatter3A_724 = tpu.memref_squeeze %scatter3A_723 : memref<1x1x4x8x129xf32, #tpu.memory_space<vmem>> -> memref<4x8x129xf32, #tpu.memory_space<vmem>>
      tpu.vector_store_idx %scatter3A_724[%add3A_14, %and3A_16, %add3A_702], %get3A_718 : memref<4x8x129xf32, #tpu.memory_space<vmem>>[vector<16xi32>, vector<16xi32>, vector<16xi32>], vector<16xf32>,
      %add3A_725 = arith.constant 13 : i32
      %add3A_726 = arith.addi %mul3A_336, %add3A_725 : i32
      %mul3A_727 = arith.constant 16 : i32
      %mul3A_728 = arith.muli %and3A_334, %mul3A_727 : i32
      %add3A_729 = arith.constant 13 : i32
      %add3A_730 = arith.addi %mul3A_728, %add3A_729 : i32
      %add3A_731 = vector.broadcast %add3A_730 : i32 to vector<16xi32>
      %add3A_732 = arith.addi %broadcast_in_dim3A_6, %add3A_731 : vector<16xi32>
      %get3A_733 = arith.constant 0 : i32
      %get3A_734 = arith.index_cast %get3A_733 : i32 to index
      %get3A_735 = arith.index_cast %add3A_726 : i32 to index
      %get3A_736 = arith.constant 0 : index
      %get3A_737 = tpu.vector_load %arg7[%get3A_734, %get3A_735, %get3A_736] {strides = array<i32>} : memref<2x512x32xf32, #tpu.memory_space<vmem>>, vector<16xf32>,
      %scatter3A_738 = arith.constant 0 : i32
      %scatter3A_739 = arith.constant 0 : i32
      %scatter3A_740 = arith.constant 0 : i32
      %scatter3A_741 = arith.constant 0 : i32
      %scatter3A_742 = tpu.memref_slice %arg8[%scatter3A_738, %shift_right_arithmetic3A_332, %scatter3A_739, %scatter3A_740, %scatter3A_741] : memref<2x4x4x8x129xf32, #tpu.memory_space<vmem>> -> memref<1x1x4x8x129xf32, #tpu.memory_space<vmem>>
      %scatter3A_743 = tpu.memref_squeeze %scatter3A_742 : memref<1x1x4x8x129xf32, #tpu.memory_space<vmem>> -> memref<4x8x129xf32, #tpu.memory_space<vmem>>
      tpu.vector_store_idx %scatter3A_743[%shift_right_arithmetic3A_8, %and3A_16, %add3A_732], %get3A_737 : memref<4x8x129xf32, #tpu.memory_space<vmem>>[vector<16xi32>, vector<16xi32>, vector<16xi32>], vector<16xf32>,
      %get3A_744 = arith.constant 0 : i32
      %get3A_745 = arith.index_cast %get3A_744 : i32 to index
      %get3A_746 = arith.index_cast %add3A_726 : i32 to index
      %get3A_747 = arith.constant 16 : index
      %get3A_748 = tpu.vector_load %arg7[%get3A_745, %get3A_746, %get3A_747] {strides = array<i32>} : memref<2x512x32xf32, #tpu.memory_space<vmem>>, vector<16xf32>,
      %scatter3A_749 = arith.constant 0 : i32
      %scatter3A_750 = arith.constant 0 : i32
      %scatter3A_751 = arith.constant 0 : i32
      %scatter3A_752 = arith.constant 0 : i32
      %scatter3A_753 = tpu.memref_slice %arg8[%scatter3A_749, %shift_right_arithmetic3A_332, %scatter3A_750, %scatter3A_751, %scatter3A_752] : memref<2x4x4x8x129xf32, #tpu.memory_space<vmem>> -> memref<1x1x4x8x129xf32, #tpu.memory_space<vmem>>
      %scatter3A_754 = tpu.memref_squeeze %scatter3A_753 : memref<1x1x4x8x129xf32, #tpu.memory_space<vmem>> -> memref<4x8x129xf32, #tpu.memory_space<vmem>>
      tpu.vector_store_idx %scatter3A_754[%add3A_14, %and3A_16, %add3A_732], %get3A_748 : memref<4x8x129xf32, #tpu.memory_space<vmem>>[vector<16xi32>, vector<16xi32>, vector<16xi32>], vector<16xf32>,
      %add3A_755 = arith.constant 14 : i32
      %add3A_756 = arith.addi %mul3A_336, %add3A_755 : i32
      %mul3A_757 = arith.constant 16 : i32
      %mul3A_758 = arith.muli %and3A_334, %mul3A_757 : i32
      %add3A_759 = arith.constant 14 : i32
      %add3A_760 = arith.addi %mul3A_758, %add3A_759 : i32
      %add3A_761 = vector.broadcast %add3A_760 : i32 to vector<16xi32>
      %add3A_762 = arith.addi %broadcast_in_dim3A_6, %add3A_761 : vector<16xi32>
      %get3A_763 = arith.constant 0 : i32
      %get3A_764 = arith.index_cast %get3A_763 : i32 to index
      %get3A_765 = arith.index_cast %add3A_756 : i32 to index
      %get3A_766 = arith.constant 0 : index
      %get3A_767 = tpu.vector_load %arg7[%get3A_764, %get3A_765, %get3A_766] {strides = array<i32>} : memref<2x512x32xf32, #tpu.memory_space<vmem>>, vector<16xf32>,
      %scatter3A_768 = arith.constant 0 : i32
      %scatter3A_769 = arith.constant 0 : i32
      %scatter3A_770 = arith.constant 0 : i32
      %scatter3A_771 = arith.constant 0 : i32
      %scatter3A_772 = tpu.memref_slice %arg8[%scatter3A_768, %shift_right_arithmetic3A_332, %scatter3A_769, %scatter3A_770, %scatter3A_771] : memref<2x4x4x8x129xf32, #tpu.memory_space<vmem>> -> memref<1x1x4x8x129xf32, #tpu.memory_space<vmem>>
      %scatter3A_773 = tpu.memref_squeeze %scatter3A_772 : memref<1x1x4x8x129xf32, #tpu.memory_space<vmem>> -> memref<4x8x129xf32, #tpu.memory_space<vmem>>
      tpu.vector_store_idx %scatter3A_773[%shift_right_arithmetic3A_8, %and3A_16, %add3A_762], %get3A_767 : memref<4x8x129xf32, #tpu.memory_space<vmem>>[vector<16xi32>, vector<16xi32>, vector<16xi32>], vector<16xf32>,
      %get3A_774 = arith.constant 0 : i32
      %get3A_775 = arith.index_cast %get3A_774 : i32 to index
      %get3A_776 = arith.index_cast %add3A_756 : i32 to index
      %get3A_777 = arith.constant 16 : index
      %get3A_778 = tpu.vector_load %arg7[%get3A_775, %get3A_776, %get3A_777] {strides = array<i32>} : memref<2x512x32xf32, #tpu.memory_space<vmem>>, vector<16xf32>,
      %scatter3A_779 = arith.constant 0 : i32
      %scatter3A_780 = arith.constant 0 : i32
      %scatter3A_781 = arith.constant 0 : i32
      %scatter3A_782 = arith.constant 0 : i32
      %scatter3A_783 = tpu.memref_slice %arg8[%scatter3A_779, %shift_right_arithmetic3A_332, %scatter3A_780, %scatter3A_781, %scatter3A_782] : memref<2x4x4x8x129xf32, #tpu.memory_space<vmem>> -> memref<1x1x4x8x129xf32, #tpu.memory_space<vmem>>
      %scatter3A_784 = tpu.memref_squeeze %scatter3A_783 : memref<1x1x4x8x129xf32, #tpu.memory_space<vmem>> -> memref<4x8x129xf32, #tpu.memory_space<vmem>>
      tpu.vector_store_idx %scatter3A_784[%add3A_14, %and3A_16, %add3A_762], %get3A_778 : memref<4x8x129xf32, #tpu.memory_space<vmem>>[vector<16xi32>, vector<16xi32>, vector<16xi32>], vector<16xf32>,
      %add3A_785 = arith.constant 15 : i32
      %add3A_786 = arith.addi %mul3A_336, %add3A_785 : i32
      %mul3A_787 = arith.constant 16 : i32
      %mul3A_788 = arith.muli %and3A_334, %mul3A_787 : i32
      %add3A_789 = arith.constant 15 : i32
      %add3A_790 = arith.addi %mul3A_788, %add3A_789 : i32
      %add3A_791 = vector.broadcast %add3A_790 : i32 to vector<16xi32>
      %add3A_792 = arith.addi %broadcast_in_dim3A_6, %add3A_791 : vector<16xi32>
      %get3A_793 = arith.constant 0 : i32
      %get3A_794 = arith.index_cast %get3A_793 : i32 to index
      %get3A_795 = arith.index_cast %add3A_786 : i32 to index
      %get3A_796 = arith.constant 0 : index
      %get3A_797 = tpu.vector_load %arg7[%get3A_794, %get3A_795, %get3A_796] {strides = array<i32>} : memref<2x512x32xf32, #tpu.memory_space<vmem>>, vector<16xf32>,
      %scatter3A_798 = arith.constant 0 : i32
      %scatter3A_799 = arith.constant 0 : i32
      %scatter3A_800 = arith.constant 0 : i32
      %scatter3A_801 = arith.constant 0 : i32
      %scatter3A_802 = tpu.memref_slice %arg8[%scatter3A_798, %shift_right_arithmetic3A_332, %scatter3A_799, %scatter3A_800, %scatter3A_801] : memref<2x4x4x8x129xf32, #tpu.memory_space<vmem>> -> memref<1x1x4x8x129xf32, #tpu.memory_space<vmem>>
      %scatter3A_803 = tpu.memref_squeeze %scatter3A_802 : memref<1x1x4x8x129xf32, #tpu.memory_space<vmem>> -> memref<4x8x129xf32, #tpu.memory_space<vmem>>
      tpu.vector_store_idx %scatter3A_803[%shift_right_arithmetic3A_8, %and3A_16, %add3A_792], %get3A_797 : memref<4x8x129xf32, #tpu.memory_space<vmem>>[vector<16xi32>, vector<16xi32>, vector<16xi32>], vector<16xf32>,
      %get3A_804 = arith.constant 0 : i32
      %get3A_805 = arith.index_cast %get3A_804 : i32 to index
      %get3A_806 = arith.index_cast %add3A_786 : i32 to index
      %get3A_807 = arith.constant 16 : index
      %get3A_808 = tpu.vector_load %arg7[%get3A_805, %get3A_806, %get3A_807] {strides = array<i32>} : memref<2x512x32xf32, #tpu.memory_space<vmem>>, vector<16xf32>,
      %scatter3A_809 = arith.constant 0 : i32
      %scatter3A_810 = arith.constant 0 : i32
      %scatter3A_811 = arith.constant 0 : i32
      %scatter3A_812 = arith.constant 0 : i32
      %scatter3A_813 = tpu.memref_slice %arg8[%scatter3A_809, %shift_right_arithmetic3A_332, %scatter3A_810, %scatter3A_811, %scatter3A_812] : memref<2x4x4x8x129xf32, #tpu.memory_space<vmem>> -> memref<1x1x4x8x129xf32, #tpu.memory_space<vmem>>
      %scatter3A_814 = tpu.memref_squeeze %scatter3A_813 : memref<1x1x4x8x129xf32, #tpu.memory_space<vmem>> -> memref<4x8x129xf32, #tpu.memory_space<vmem>>
      tpu.vector_store_idx %scatter3A_814[%add3A_14, %and3A_16, %add3A_792], %get3A_808 : memref<4x8x129xf32, #tpu.memory_space<vmem>>[vector<16xi32>, vector<16xi32>, vector<16xi32>], vector<16xf32>,
    }
    %scan3A_188 = arith.constant 32 : i32
    %dma_start3A_189 = arith.constant 0 : i32
    %dma_start3A_190 = arith.constant 0 : i32
    %dma_start3A_191 = arith.constant 0 : i32
    %dma_start3A_192 = arith.constant 0 : i32
    %dma_start3A_193 = arith.constant 0 : i32
    %dma_start3A_194 = tpu.memref_slice %arg8[%dma_start3A_189, %dma_start3A_190, %dma_start3A_191, %dma_start3A_192, %dma_start3A_193] : memref<2x4x4x8x129xf32, #tpu.memory_space<vmem>> -> memref<1x4x4x8x128xf32, #tpu.memory_space<vmem>>
    %dma_start3A_195 = tpu.memref_squeeze %dma_start3A_194 : memref<1x4x4x8x128xf32, #tpu.memory_space<vmem>> -> memref<4x4x8x128xf32, #tpu.memory_space<vmem>>
    %dma_start3A_196 = arith.constant 192 : i32
    %dma_start3A_197 = arith.constant 0 : i32
    %dma_start3A_198 = arith.constant 0 : i32
    %dma_start3A_199 = arith.constant 0 : i32
    %dma_start3A_200 = tpu.memref_slice %arg4[%dma_start3A_196, %dma_start3A_197, %add3A, %dma_start3A_198, %dma_start3A_199] : memref<200x4x32x8x128xf32, #tpu.memory_space<hbm>> -> memref<4x4x1x8x128xf32, #tpu.memory_space<hbm>>
    %dma_start3A_201 = tpu.memref_squeeze %dma_start3A_200 : memref<4x4x1x8x128xf32, #tpu.memory_space<hbm>> -> memref<4x4x8x128xf32, #tpu.memory_space<hbm>>
    %dma_start3A_202 = arith.constant 192 : i32
    %dma_start3A_203 = arith.constant 0 : i32
    %dma_start3A_204 = arith.constant 0 : i32
    %dma_start3A_205 = arith.constant 0 : i32
    %dma_start3A_206 = tpu.memref_slice %arg4[%dma_start3A_202, %dma_start3A_203, %add3A, %dma_start3A_204, %dma_start3A_205] : memref<200x4x32x8x128xf32, #tpu.memory_space<hbm>> -> memref<4x4x1x8x128xf32, #tpu.memory_space<hbm>>
    %dma_start3A_207 = tpu.memref_squeeze %dma_start3A_206 : memref<4x4x1x8x128xf32, #tpu.memory_space<hbm>> -> memref<4x4x8x128xf32, #tpu.memory_space<hbm>>
    %dma_start3A_208 = arith.constant 0 : i32
    %dma_start3A_209 = arith.constant 0 : i32
    %dma_start3A_210 = arith.constant 0 : i32
    %dma_start3A_211 = arith.constant 0 : i32
    %dma_start3A_212 = tpu.memref_slice %arg8[%dma_start3A_189, %dma_start3A_208, %dma_start3A_209, %dma_start3A_210, %dma_start3A_211] : memref<2x4x4x8x129xf32, #tpu.memory_space<vmem>> -> memref<1x4x4x8x128xf32, #tpu.memory_space<vmem>>
    %dma_start3A_213 = tpu.memref_squeeze %dma_start3A_212 : memref<1x4x4x8x128xf32, #tpu.memory_space<vmem>> -> memref<4x4x8x128xf32, #tpu.memory_space<vmem>>
    tpu.enqueue_dma source(%dma_start3A_213 : memref<4x4x8x128xf32, #tpu.memory_space<vmem>>) target(%dma_start3A_207 : memref<4x4x8x128xf32, #tpu.memory_space<hbm>>) target_semaphore(%arg11 : memref<!tpu.dma_semaphore, #tpu.memory_space<semaphore_mem>>)
    %dma_wait3A_214 = arith.constant 1 : i32
    %dma_wait3A_215 = arith.constant 0 : i32
    %dma_wait3A_216 = arith.constant 0 : i32
    %dma_wait3A_217 = tpu.memref_slice %arg7[%dma_wait3A_214, %dma_wait3A_215, %dma_wait3A_216] : memref<2x512x32xf32, #tpu.memory_space<vmem>> -> memref<1x512x32xf32, #tpu.memory_space<vmem>>
    %dma_wait3A_218 = tpu.memref_squeeze %dma_wait3A_217 : memref<1x512x32xf32, #tpu.memory_space<vmem>> -> memref<512x32xf32, #tpu.memory_space<vmem>>
    %dma_wait3A_219 = arith.constant 25088 : i32
    %dma_wait3A_220 = tpu.memref_slice %arg6[%dma_wait3A_219] : memref<25600xi32, #tpu.memory_space<vmem>> -> memref<512xi32, #tpu.memory_space<vmem>>
    %dma_wait3A_221 = arith.constant 0 : i32
    %dma_wait3A_222 = arith.constant 0 : i32
    %dma_wait3A_223 = tpu.memref_slice %arg3[%dma_wait3A_221, %dma_wait3A_222] : memref<200001x32xf32, #tpu.memory_space<hbm>> -> memref<200001x32xf32, #tpu.memory_space<hbm>>
    tpu.wait_indirect_dma semaphore(%arg10 : memref<!tpu.dma_semaphore, #tpu.memory_space<semaphore_mem>>) src(%dma_wait3A_223 : memref<200001x32xf32, #tpu.memory_space<hbm>>) dst(%dma_wait3A_218 : memref<512x32xf32, #tpu.memory_space<vmem>>)
    %dma_wait3A_224 = arith.constant 1 : i32
    %dma_wait3A_225 = arith.constant 0 : i32
    %dma_wait3A_226 = arith.constant 0 : i32
    %dma_wait3A_227 = arith.constant 0 : i32
    %dma_wait3A_228 = arith.constant 0 : i32
    %dma_wait3A_229 = tpu.memref_slice %arg8[%dma_wait3A_224, %dma_wait3A_225, %dma_wait3A_226, %dma_wait3A_227, %dma_wait3A_228] : memref<2x4x4x8x129xf32, #tpu.memory_space<vmem>> -> memref<1x4x4x8x128xf32, #tpu.memory_space<vmem>>
    %dma_wait3A_230 = tpu.memref_squeeze %dma_wait3A_229 : memref<1x4x4x8x128xf32, #tpu.memory_space<vmem>> -> memref<4x4x8x128xf32, #tpu.memory_space<vmem>>
    %dma_wait3A_231 = arith.constant 188 : i32
    %dma_wait3A_232 = arith.constant 0 : i32
    %dma_wait3A_233 = arith.constant 0 : i32
    %dma_wait3A_234 = arith.constant 0 : i32
    %dma_wait3A_235 = tpu.memref_slice %arg4[%dma_wait3A_231, %dma_wait3A_232, %add3A, %dma_wait3A_233, %dma_wait3A_234] : memref<200x4x32x8x128xf32, #tpu.memory_space<hbm>> -> memref<4x4x1x8x128xf32, #tpu.memory_space<hbm>>
    %dma_wait3A_236 = tpu.memref_squeeze %dma_wait3A_235 : memref<4x4x1x8x128xf32, #tpu.memory_space<hbm>> -> memref<4x4x8x128xf32, #tpu.memory_space<hbm>>
    %dma_wait3A_237 = arith.constant 188 : i32
    %dma_wait3A_238 = arith.constant 0 : i32
    %dma_wait3A_239 = arith.constant 0 : i32
    %dma_wait3A_240 = arith.constant 0 : i32
    %dma_wait3A_241 = tpu.memref_slice %arg4[%dma_wait3A_237, %dma_wait3A_238, %add3A, %dma_wait3A_239, %dma_wait3A_240] : memref<200x4x32x8x128xf32, #tpu.memory_space<hbm>> -> memref<4x4x1x8x128xf32, #tpu.memory_space<hbm>>
    %dma_wait3A_242 = tpu.memref_squeeze %dma_wait3A_241 : memref<4x4x1x8x128xf32, #tpu.memory_space<hbm>> -> memref<4x4x8x128xf32, #tpu.memory_space<hbm>>
    %dma_wait3A_243 = arith.constant 0 : i32
    %dma_wait3A_244 = arith.constant 0 : i32
    %dma_wait3A_245 = arith.constant 0 : i32
    %dma_wait3A_246 = arith.constant 0 : i32
    %dma_wait3A_247 = tpu.memref_slice %arg8[%dma_wait3A_224, %dma_wait3A_243, %dma_wait3A_244, %dma_wait3A_245, %dma_wait3A_246] : memref<2x4x4x8x129xf32, #tpu.memory_space<vmem>> -> memref<1x4x4x8x128xf32, #tpu.memory_space<vmem>>
    %dma_wait3A_248 = tpu.memref_squeeze %dma_wait3A_247 : memref<1x4x4x8x128xf32, #tpu.memory_space<vmem>> -> memref<4x4x8x128xf32, #tpu.memory_space<vmem>>
    tpu.wait_dma2 semaphore(%arg12 : memref<!tpu.dma_semaphore, #tpu.memory_space<semaphore_mem>>) src(%dma_wait3A_248 : memref<4x4x8x128xf32, #tpu.memory_space<vmem>>) dst(%dma_wait3A_242 : memref<4x4x8x128xf32, #tpu.memory_space<hbm>>)
    %scan3A_249 = arith.constant 0 : i32
    %scan3A_250 = arith.constant 0 : i32
    %scan3A_251 = arith.constant 32 : i32
    %scan3A_252 = arith.addi %scan3A_250, %scan3A_251 : i32
    %scan3A_253 = arith.constant 1 : i32
    scf.for %scan3A_330 = %scan3A_250 to %scan3A_252 step %scan3A_253  : i32 {
      %shift_right_arithmetic3A_331 = arith.constant 3 : i32
      %shift_right_arithmetic3A_332 = arith.shrsi %scan3A_330, %shift_right_arithmetic3A_331 : i32
      %and3A_333 = arith.constant 7 : i32
      %and3A_334 = arith.andi %scan3A_330, %and3A_333 : i32
      %mul3A_335 = arith.constant 16 : i32
      %mul3A_336 = arith.muli %scan3A_330, %mul3A_335 : i32
      %add3A_337 = arith.constant 0 : i32
      %add3A_338 = arith.addi %mul3A_336, %add3A_337 : i32
      %mul3A_339 = arith.constant 16 : i32
      %mul3A_340 = arith.muli %and3A_334, %mul3A_339 : i32
      %add3A_341 = arith.constant 0 : i32
      %add3A_342 = arith.addi %mul3A_340, %add3A_341 : i32
      %add3A_343 = vector.broadcast %add3A_342 : i32 to vector<16xi32>
      %add3A_344 = arith.addi %broadcast_in_dim3A_6, %add3A_343 : vector<16xi32>
      %get3A = arith.constant 1 : i32
      %get3A_345 = arith.index_cast %get3A : i32 to index
      %get3A_346 = arith.index_cast %add3A_338 : i32 to index
      %get3A_347 = arith.constant 0 : index
      %get3A_348 = tpu.vector_load %arg7[%get3A_345, %get3A_346, %get3A_347] {strides = array<i32>} : memref<2x512x32xf32, #tpu.memory_space<vmem>>, vector<16xf32>,
      %scatter3A = arith.constant 1 : i32
      %scatter3A_349 = arith.constant 0 : i32
      %scatter3A_350 = arith.constant 0 : i32
      %scatter3A_351 = arith.constant 0 : i32
      %scatter3A_352 = tpu.memref_slice %arg8[%scatter3A, %shift_right_arithmetic3A_332, %scatter3A_349, %scatter3A_350, %scatter3A_351] : memref<2x4x4x8x129xf32, #tpu.memory_space<vmem>> -> memref<1x1x4x8x129xf32, #tpu.memory_space<vmem>>
      %scatter3A_353 = tpu.memref_squeeze %scatter3A_352 : memref<1x1x4x8x129xf32, #tpu.memory_space<vmem>> -> memref<4x8x129xf32, #tpu.memory_space<vmem>>
      tpu.vector_store_idx %scatter3A_353[%shift_right_arithmetic3A_8, %and3A_16, %add3A_344], %get3A_348 : memref<4x8x129xf32, #tpu.memory_space<vmem>>[vector<16xi32>, vector<16xi32>, vector<16xi32>], vector<16xf32>,
      %get3A_354 = arith.constant 1 : i32
      %get3A_355 = arith.index_cast %get3A_354 : i32 to index
      %get3A_356 = arith.index_cast %add3A_338 : i32 to index
      %get3A_357 = arith.constant 16 : index
      %get3A_358 = tpu.vector_load %arg7[%get3A_355, %get3A_356, %get3A_357] {strides = array<i32>} : memref<2x512x32xf32, #tpu.memory_space<vmem>>, vector<16xf32>,
      %scatter3A_359 = arith.constant 1 : i32
      %scatter3A_360 = arith.constant 0 : i32
      %scatter3A_361 = arith.constant 0 : i32
      %scatter3A_362 = arith.constant 0 : i32
      %scatter3A_363 = tpu.memref_slice %arg8[%scatter3A_359, %shift_right_arithmetic3A_332, %scatter3A_360, %scatter3A_361, %scatter3A_362] : memref<2x4x4x8x129xf32, #tpu.memory_space<vmem>> -> memref<1x1x4x8x129xf32, #tpu.memory_space<vmem>>
      %scatter3A_364 = tpu.memref_squeeze %scatter3A_363 : memref<1x1x4x8x129xf32, #tpu.memory_space<vmem>> -> memref<4x8x129xf32, #tpu.memory_space<vmem>>
      tpu.vector_store_idx %scatter3A_364[%add3A_14, %and3A_16, %add3A_344], %get3A_358 : memref<4x8x129xf32, #tpu.memory_space<vmem>>[vector<16xi32>, vector<16xi32>, vector<16xi32>], vector<16xf32>,
      %add3A_365 = arith.constant 1 : i32
      %add3A_366 = arith.addi %mul3A_336, %add3A_365 : i32
      %mul3A_367 = arith.constant 16 : i32
      %mul3A_368 = arith.muli %and3A_334, %mul3A_367 : i32
      %add3A_369 = arith.constant 1 : i32
      %add3A_370 = arith.addi %mul3A_368, %add3A_369 : i32
      %add3A_371 = vector.broadcast %add3A_370 : i32 to vector<16xi32>
      %add3A_372 = arith.addi %broadcast_in_dim3A_6, %add3A_371 : vector<16xi32>
      %get3A_373 = arith.constant 1 : i32
      %get3A_374 = arith.index_cast %get3A_373 : i32 to index
      %get3A_375 = arith.index_cast %add3A_366 : i32 to index
      %get3A_376 = arith.constant 0 : index
      %get3A_377 = tpu.vector_load %arg7[%get3A_374, %get3A_375, %get3A_376] {strides = array<i32>} : memref<2x512x32xf32, #tpu.memory_space<vmem>>, vector<16xf32>,
      %scatter3A_378 = arith.constant 1 : i32
      %scatter3A_379 = arith.constant 0 : i32
      %scatter3A_380 = arith.constant 0 : i32
      %scatter3A_381 = arith.constant 0 : i32
      %scatter3A_382 = tpu.memref_slice %arg8[%scatter3A_378, %shift_right_arithmetic3A_332, %scatter3A_379, %scatter3A_380, %scatter3A_381] : memref<2x4x4x8x129xf32, #tpu.memory_space<vmem>> -> memref<1x1x4x8x129xf32, #tpu.memory_space<vmem>>
      %scatter3A_383 = tpu.memref_squeeze %scatter3A_382 : memref<1x1x4x8x129xf32, #tpu.memory_space<vmem>> -> memref<4x8x129xf32, #tpu.memory_space<vmem>>
      tpu.vector_store_idx %scatter3A_383[%shift_right_arithmetic3A_8, %and3A_16, %add3A_372], %get3A_377 : memref<4x8x129xf32, #tpu.memory_space<vmem>>[vector<16xi32>, vector<16xi32>, vector<16xi32>], vector<16xf32>,
      %get3A_384 = arith.constant 1 : i32
      %get3A_385 = arith.index_cast %get3A_384 : i32 to index
      %get3A_386 = arith.index_cast %add3A_366 : i32 to index
      %get3A_387 = arith.constant 16 : index
      %get3A_388 = tpu.vector_load %arg7[%get3A_385, %get3A_386, %get3A_387] {strides = array<i32>} : memref<2x512x32xf32, #tpu.memory_space<vmem>>, vector<16xf32>,
      %scatter3A_389 = arith.constant 1 : i32
      %scatter3A_390 = arith.constant 0 : i32
      %scatter3A_391 = arith.constant 0 : i32
      %scatter3A_392 = arith.constant 0 : i32
      %scatter3A_393 = tpu.memref_slice %arg8[%scatter3A_389, %shift_right_arithmetic3A_332, %scatter3A_390, %scatter3A_391, %scatter3A_392] : memref<2x4x4x8x129xf32, #tpu.memory_space<vmem>> -> memref<1x1x4x8x129xf32, #tpu.memory_space<vmem>>
      %scatter3A_394 = tpu.memref_squeeze %scatter3A_393 : memref<1x1x4x8x129xf32, #tpu.memory_space<vmem>> -> memref<4x8x129xf32, #tpu.memory_space<vmem>>
      tpu.vector_store_idx %scatter3A_394[%add3A_14, %and3A_16, %add3A_372], %get3A_388 : memref<4x8x129xf32, #tpu.memory_space<vmem>>[vector<16xi32>, vector<16xi32>, vector<16xi32>], vector<16xf32>,
      %add3A_395 = arith.constant 2 : i32
      %add3A_396 = arith.addi %mul3A_336, %add3A_395 : i32
      %mul3A_397 = arith.constant 16 : i32
      %mul3A_398 = arith.muli %and3A_334, %mul3A_397 : i32
      %add3A_399 = arith.constant 2 : i32
      %add3A_400 = arith.addi %mul3A_398, %add3A_399 : i32
      %add3A_401 = vector.broadcast %add3A_400 : i32 to vector<16xi32>
      %add3A_402 = arith.addi %broadcast_in_dim3A_6, %add3A_401 : vector<16xi32>
      %get3A_403 = arith.constant 1 : i32
      %get3A_404 = arith.index_cast %get3A_403 : i32 to index
      %get3A_405 = arith.index_cast %add3A_396 : i32 to index
      %get3A_406 = arith.constant 0 : index
      %get3A_407 = tpu.vector_load %arg7[%get3A_404, %get3A_405, %get3A_406] {strides = array<i32>} : memref<2x512x32xf32, #tpu.memory_space<vmem>>, vector<16xf32>,
      %scatter3A_408 = arith.constant 1 : i32
      %scatter3A_409 = arith.constant 0 : i32
      %scatter3A_410 = arith.constant 0 : i32
      %scatter3A_411 = arith.constant 0 : i32
      %scatter3A_412 = tpu.memref_slice %arg8[%scatter3A_408, %shift_right_arithmetic3A_332, %scatter3A_409, %scatter3A_410, %scatter3A_411] : memref<2x4x4x8x129xf32, #tpu.memory_space<vmem>> -> memref<1x1x4x8x129xf32, #tpu.memory_space<vmem>>
      %scatter3A_413 = tpu.memref_squeeze %scatter3A_412 : memref<1x1x4x8x129xf32, #tpu.memory_space<vmem>> -> memref<4x8x129xf32, #tpu.memory_space<vmem>>
      tpu.vector_store_idx %scatter3A_413[%shift_right_arithmetic3A_8, %and3A_16, %add3A_402], %get3A_407 : memref<4x8x129xf32, #tpu.memory_space<vmem>>[vector<16xi32>, vector<16xi32>, vector<16xi32>], vector<16xf32>,
      %get3A_414 = arith.constant 1 : i32
      %get3A_415 = arith.index_cast %get3A_414 : i32 to index
      %get3A_416 = arith.index_cast %add3A_396 : i32 to index
      %get3A_417 = arith.constant 16 : index
      %get3A_418 = tpu.vector_load %arg7[%get3A_415, %get3A_416, %get3A_417] {strides = array<i32>} : memref<2x512x32xf32, #tpu.memory_space<vmem>>, vector<16xf32>,
      %scatter3A_419 = arith.constant 1 : i32
      %scatter3A_420 = arith.constant 0 : i32
      %scatter3A_421 = arith.constant 0 : i32
      %scatter3A_422 = arith.constant 0 : i32
      %scatter3A_423 = tpu.memref_slice %arg8[%scatter3A_419, %shift_right_arithmetic3A_332, %scatter3A_420, %scatter3A_421, %scatter3A_422] : memref<2x4x4x8x129xf32, #tpu.memory_space<vmem>> -> memref<1x1x4x8x129xf32, #tpu.memory_space<vmem>>
      %scatter3A_424 = tpu.memref_squeeze %scatter3A_423 : memref<1x1x4x8x129xf32, #tpu.memory_space<vmem>> -> memref<4x8x129xf32, #tpu.memory_space<vmem>>
      tpu.vector_store_idx %scatter3A_424[%add3A_14, %and3A_16, %add3A_402], %get3A_418 : memref<4x8x129xf32, #tpu.memory_space<vmem>>[vector<16xi32>, vector<16xi32>, vector<16xi32>], vector<16xf32>,
      %add3A_425 = arith.constant 3 : i32
      %add3A_426 = arith.addi %mul3A_336, %add3A_425 : i32
      %mul3A_427 = arith.constant 16 : i32
      %mul3A_428 = arith.muli %and3A_334, %mul3A_427 : i32
      %add3A_429 = arith.constant 3 : i32
      %add3A_430 = arith.addi %mul3A_428, %add3A_429 : i32
      %add3A_431 = vector.broadcast %add3A_430 : i32 to vector<16xi32>
      %add3A_432 = arith.addi %broadcast_in_dim3A_6, %add3A_431 : vector<16xi32>
      %get3A_433 = arith.constant 1 : i32
      %get3A_434 = arith.index_cast %get3A_433 : i32 to index
      %get3A_435 = arith.index_cast %add3A_426 : i32 to index
      %get3A_436 = arith.constant 0 : index
      %get3A_437 = tpu.vector_load %arg7[%get3A_434, %get3A_435, %get3A_436] {strides = array<i32>} : memref<2x512x32xf32, #tpu.memory_space<vmem>>, vector<16xf32>,
      %scatter3A_438 = arith.constant 1 : i32
      %scatter3A_439 = arith.constant 0 : i32
      %scatter3A_440 = arith.constant 0 : i32
      %scatter3A_441 = arith.constant 0 : i32
      %scatter3A_442 = tpu.memref_slice %arg8[%scatter3A_438, %shift_right_arithmetic3A_332, %scatter3A_439, %scatter3A_440, %scatter3A_441] : memref<2x4x4x8x129xf32, #tpu.memory_space<vmem>> -> memref<1x1x4x8x129xf32, #tpu.memory_space<vmem>>
      %scatter3A_443 = tpu.memref_squeeze %scatter3A_442 : memref<1x1x4x8x129xf32, #tpu.memory_space<vmem>> -> memref<4x8x129xf32, #tpu.memory_space<vmem>>
      tpu.vector_store_idx %scatter3A_443[%shift_right_arithmetic3A_8, %and3A_16, %add3A_432], %get3A_437 : memref<4x8x129xf32, #tpu.memory_space<vmem>>[vector<16xi32>, vector<16xi32>, vector<16xi32>], vector<16xf32>,
      %get3A_444 = arith.constant 1 : i32
      %get3A_445 = arith.index_cast %get3A_444 : i32 to index
      %get3A_446 = arith.index_cast %add3A_426 : i32 to index
      %get3A_447 = arith.constant 16 : index
      %get3A_448 = tpu.vector_load %arg7[%get3A_445, %get3A_446, %get3A_447] {strides = array<i32>} : memref<2x512x32xf32, #tpu.memory_space<vmem>>, vector<16xf32>,
      %scatter3A_449 = arith.constant 1 : i32
      %scatter3A_450 = arith.constant 0 : i32
      %scatter3A_451 = arith.constant 0 : i32
      %scatter3A_452 = arith.constant 0 : i32
      %scatter3A_453 = tpu.memref_slice %arg8[%scatter3A_449, %shift_right_arithmetic3A_332, %scatter3A_450, %scatter3A_451, %scatter3A_452] : memref<2x4x4x8x129xf32, #tpu.memory_space<vmem>> -> memref<1x1x4x8x129xf32, #tpu.memory_space<vmem>>
      %scatter3A_454 = tpu.memref_squeeze %scatter3A_453 : memref<1x1x4x8x129xf32, #tpu.memory_space<vmem>> -> memref<4x8x129xf32, #tpu.memory_space<vmem>>
      tpu.vector_store_idx %scatter3A_454[%add3A_14, %and3A_16, %add3A_432], %get3A_448 : memref<4x8x129xf32, #tpu.memory_space<vmem>>[vector<16xi32>, vector<16xi32>, vector<16xi32>], vector<16xf32>,
      %add3A_455 = arith.constant 4 : i32
      %add3A_456 = arith.addi %mul3A_336, %add3A_455 : i32
      %mul3A_457 = arith.constant 16 : i32
      %mul3A_458 = arith.muli %and3A_334, %mul3A_457 : i32
      %add3A_459 = arith.constant 4 : i32
      %add3A_460 = arith.addi %mul3A_458, %add3A_459 : i32
      %add3A_461 = vector.broadcast %add3A_460 : i32 to vector<16xi32>
      %add3A_462 = arith.addi %broadcast_in_dim3A_6, %add3A_461 : vector<16xi32>
      %get3A_463 = arith.constant 1 : i32
      %get3A_464 = arith.index_cast %get3A_463 : i32 to index
      %get3A_465 = arith.index_cast %add3A_456 : i32 to index
      %get3A_466 = arith.constant 0 : index
      %get3A_467 = tpu.vector_load %arg7[%get3A_464, %get3A_465, %get3A_466] {strides = array<i32>} : memref<2x512x32xf32, #tpu.memory_space<vmem>>, vector<16xf32>,
      %scatter3A_468 = arith.constant 1 : i32
      %scatter3A_469 = arith.constant 0 : i32
      %scatter3A_470 = arith.constant 0 : i32
      %scatter3A_471 = arith.constant 0 : i32
      %scatter3A_472 = tpu.memref_slice %arg8[%scatter3A_468, %shift_right_arithmetic3A_332, %scatter3A_469, %scatter3A_470, %scatter3A_471] : memref<2x4x4x8x129xf32, #tpu.memory_space<vmem>> -> memref<1x1x4x8x129xf32, #tpu.memory_space<vmem>>
      %scatter3A_473 = tpu.memref_squeeze %scatter3A_472 : memref<1x1x4x8x129xf32, #tpu.memory_space<vmem>> -> memref<4x8x129xf32, #tpu.memory_space<vmem>>
      tpu.vector_store_idx %scatter3A_473[%shift_right_arithmetic3A_8, %and3A_16, %add3A_462], %get3A_467 : memref<4x8x129xf32, #tpu.memory_space<vmem>>[vector<16xi32>, vector<16xi32>, vector<16xi32>], vector<16xf32>,
      %get3A_474 = arith.constant 1 : i32
      %get3A_475 = arith.index_cast %get3A_474 : i32 to index
      %get3A_476 = arith.index_cast %add3A_456 : i32 to index
      %get3A_477 = arith.constant 16 : index
      %get3A_478 = tpu.vector_load %arg7[%get3A_475, %get3A_476, %get3A_477] {strides = array<i32>} : memref<2x512x32xf32, #tpu.memory_space<vmem>>, vector<16xf32>,
      %scatter3A_479 = arith.constant 1 : i32
      %scatter3A_480 = arith.constant 0 : i32
      %scatter3A_481 = arith.constant 0 : i32
      %scatter3A_482 = arith.constant 0 : i32
      %scatter3A_483 = tpu.memref_slice %arg8[%scatter3A_479, %shift_right_arithmetic3A_332, %scatter3A_480, %scatter3A_481, %scatter3A_482] : memref<2x4x4x8x129xf32, #tpu.memory_space<vmem>> -> memref<1x1x4x8x129xf32, #tpu.memory_space<vmem>>
      %scatter3A_484 = tpu.memref_squeeze %scatter3A_483 : memref<1x1x4x8x129xf32, #tpu.memory_space<vmem>> -> memref<4x8x129xf32, #tpu.memory_space<vmem>>
      tpu.vector_store_idx %scatter3A_484[%add3A_14, %and3A_16, %add3A_462], %get3A_478 : memref<4x8x129xf32, #tpu.memory_space<vmem>>[vector<16xi32>, vector<16xi32>, vector<16xi32>], vector<16xf32>,
      %add3A_485 = arith.constant 5 : i32
      %add3A_486 = arith.addi %mul3A_336, %add3A_485 : i32
      %mul3A_487 = arith.constant 16 : i32
      %mul3A_488 = arith.muli %and3A_334, %mul3A_487 : i32
      %add3A_489 = arith.constant 5 : i32
      %add3A_490 = arith.addi %mul3A_488, %add3A_489 : i32
      %add3A_491 = vector.broadcast %add3A_490 : i32 to vector<16xi32>
      %add3A_492 = arith.addi %broadcast_in_dim3A_6, %add3A_491 : vector<16xi32>
      %get3A_493 = arith.constant 1 : i32
      %get3A_494 = arith.index_cast %get3A_493 : i32 to index
      %get3A_495 = arith.index_cast %add3A_486 : i32 to index
      %get3A_496 = arith.constant 0 : index
      %get3A_497 = tpu.vector_load %arg7[%get3A_494, %get3A_495, %get3A_496] {strides = array<i32>} : memref<2x512x32xf32, #tpu.memory_space<vmem>>, vector<16xf32>,
      %scatter3A_498 = arith.constant 1 : i32
      %scatter3A_499 = arith.constant 0 : i32
      %scatter3A_500 = arith.constant 0 : i32
      %scatter3A_501 = arith.constant 0 : i32
      %scatter3A_502 = tpu.memref_slice %arg8[%scatter3A_498, %shift_right_arithmetic3A_332, %scatter3A_499, %scatter3A_500, %scatter3A_501] : memref<2x4x4x8x129xf32, #tpu.memory_space<vmem>> -> memref<1x1x4x8x129xf32, #tpu.memory_space<vmem>>
      %scatter3A_503 = tpu.memref_squeeze %scatter3A_502 : memref<1x1x4x8x129xf32, #tpu.memory_space<vmem>> -> memref<4x8x129xf32, #tpu.memory_space<vmem>>
      tpu.vector_store_idx %scatter3A_503[%shift_right_arithmetic3A_8, %and3A_16, %add3A_492], %get3A_497 : memref<4x8x129xf32, #tpu.memory_space<vmem>>[vector<16xi32>, vector<16xi32>, vector<16xi32>], vector<16xf32>,
      %get3A_504 = arith.constant 1 : i32
      %get3A_505 = arith.index_cast %get3A_504 : i32 to index
      %get3A_506 = arith.index_cast %add3A_486 : i32 to index
      %get3A_507 = arith.constant 16 : index
      %get3A_508 = tpu.vector_load %arg7[%get3A_505, %get3A_506, %get3A_507] {strides = array<i32>} : memref<2x512x32xf32, #tpu.memory_space<vmem>>, vector<16xf32>,
      %scatter3A_509 = arith.constant 1 : i32
      %scatter3A_510 = arith.constant 0 : i32
      %scatter3A_511 = arith.constant 0 : i32
      %scatter3A_512 = arith.constant 0 : i32
      %scatter3A_513 = tpu.memref_slice %arg8[%scatter3A_509, %shift_right_arithmetic3A_332, %scatter3A_510, %scatter3A_511, %scatter3A_512] : memref<2x4x4x8x129xf32, #tpu.memory_space<vmem>> -> memref<1x1x4x8x129xf32, #tpu.memory_space<vmem>>
      %scatter3A_514 = tpu.memref_squeeze %scatter3A_513 : memref<1x1x4x8x129xf32, #tpu.memory_space<vmem>> -> memref<4x8x129xf32, #tpu.memory_space<vmem>>
      tpu.vector_store_idx %scatter3A_514[%add3A_14, %and3A_16, %add3A_492], %get3A_508 : memref<4x8x129xf32, #tpu.memory_space<vmem>>[vector<16xi32>, vector<16xi32>, vector<16xi32>], vector<16xf32>,
      %add3A_515 = arith.constant 6 : i32
      %add3A_516 = arith.addi %mul3A_336, %add3A_515 : i32
      %mul3A_517 = arith.constant 16 : i32
      %mul3A_518 = arith.muli %and3A_334, %mul3A_517 : i32
      %add3A_519 = arith.constant 6 : i32
      %add3A_520 = arith.addi %mul3A_518, %add3A_519 : i32
      %add3A_521 = vector.broadcast %add3A_520 : i32 to vector<16xi32>
      %add3A_522 = arith.addi %broadcast_in_dim3A_6, %add3A_521 : vector<16xi32>
      %get3A_523 = arith.constant 1 : i32
      %get3A_524 = arith.index_cast %get3A_523 : i32 to index
      %get3A_525 = arith.index_cast %add3A_516 : i32 to index
      %get3A_526 = arith.constant 0 : index
      %get3A_527 = tpu.vector_load %arg7[%get3A_524, %get3A_525, %get3A_526] {strides = array<i32>} : memref<2x512x32xf32, #tpu.memory_space<vmem>>, vector<16xf32>,
      %scatter3A_528 = arith.constant 1 : i32
      %scatter3A_529 = arith.constant 0 : i32
      %scatter3A_530 = arith.constant 0 : i32
      %scatter3A_531 = arith.constant 0 : i32
      %scatter3A_532 = tpu.memref_slice %arg8[%scatter3A_528, %shift_right_arithmetic3A_332, %scatter3A_529, %scatter3A_530, %scatter3A_531] : memref<2x4x4x8x129xf32, #tpu.memory_space<vmem>> -> memref<1x1x4x8x129xf32, #tpu.memory_space<vmem>>
      %scatter3A_533 = tpu.memref_squeeze %scatter3A_532 : memref<1x1x4x8x129xf32, #tpu.memory_space<vmem>> -> memref<4x8x129xf32, #tpu.memory_space<vmem>>
      tpu.vector_store_idx %scatter3A_533[%shift_right_arithmetic3A_8, %and3A_16, %add3A_522], %get3A_527 : memref<4x8x129xf32, #tpu.memory_space<vmem>>[vector<16xi32>, vector<16xi32>, vector<16xi32>], vector<16xf32>,
      %get3A_534 = arith.constant 1 : i32
      %get3A_535 = arith.index_cast %get3A_534 : i32 to index
      %get3A_536 = arith.index_cast %add3A_516 : i32 to index
      %get3A_537 = arith.constant 16 : index
      %get3A_538 = tpu.vector_load %arg7[%get3A_535, %get3A_536, %get3A_537] {strides = array<i32>} : memref<2x512x32xf32, #tpu.memory_space<vmem>>, vector<16xf32>,
      %scatter3A_539 = arith.constant 1 : i32
      %scatter3A_540 = arith.constant 0 : i32
      %scatter3A_541 = arith.constant 0 : i32
      %scatter3A_542 = arith.constant 0 : i32
      %scatter3A_543 = tpu.memref_slice %arg8[%scatter3A_539, %shift_right_arithmetic3A_332, %scatter3A_540, %scatter3A_541, %scatter3A_542] : memref<2x4x4x8x129xf32, #tpu.memory_space<vmem>> -> memref<1x1x4x8x129xf32, #tpu.memory_space<vmem>>
      %scatter3A_544 = tpu.memref_squeeze %scatter3A_543 : memref<1x1x4x8x129xf32, #tpu.memory_space<vmem>> -> memref<4x8x129xf32, #tpu.memory_space<vmem>>
      tpu.vector_store_idx %scatter3A_544[%add3A_14, %and3A_16, %add3A_522], %get3A_538 : memref<4x8x129xf32, #tpu.memory_space<vmem>>[vector<16xi32>, vector<16xi32>, vector<16xi32>], vector<16xf32>,
      %add3A_545 = arith.constant 7 : i32
      %add3A_546 = arith.addi %mul3A_336, %add3A_545 : i32
      %mul3A_547 = arith.constant 16 : i32
      %mul3A_548 = arith.muli %and3A_334, %mul3A_547 : i32
      %add3A_549 = arith.constant 7 : i32
      %add3A_550 = arith.addi %mul3A_548, %add3A_549 : i32
      %add3A_551 = vector.broadcast %add3A_550 : i32 to vector<16xi32>
      %add3A_552 = arith.addi %broadcast_in_dim3A_6, %add3A_551 : vector<16xi32>
      %get3A_553 = arith.constant 1 : i32
      %get3A_554 = arith.index_cast %get3A_553 : i32 to index
      %get3A_555 = arith.index_cast %add3A_546 : i32 to index
      %get3A_556 = arith.constant 0 : index
      %get3A_557 = tpu.vector_load %arg7[%get3A_554, %get3A_555, %get3A_556] {strides = array<i32>} : memref<2x512x32xf32, #tpu.memory_space<vmem>>, vector<16xf32>,
      %scatter3A_558 = arith.constant 1 : i32
      %scatter3A_559 = arith.constant 0 : i32
      %scatter3A_560 = arith.constant 0 : i32
      %scatter3A_561 = arith.constant 0 : i32
      %scatter3A_562 = tpu.memref_slice %arg8[%scatter3A_558, %shift_right_arithmetic3A_332, %scatter3A_559, %scatter3A_560, %scatter3A_561] : memref<2x4x4x8x129xf32, #tpu.memory_space<vmem>> -> memref<1x1x4x8x129xf32, #tpu.memory_space<vmem>>
      %scatter3A_563 = tpu.memref_squeeze %scatter3A_562 : memref<1x1x4x8x129xf32, #tpu.memory_space<vmem>> -> memref<4x8x129xf32, #tpu.memory_space<vmem>>
      tpu.vector_store_idx %scatter3A_563[%shift_right_arithmetic3A_8, %and3A_16, %add3A_552], %get3A_557 : memref<4x8x129xf32, #tpu.memory_space<vmem>>[vector<16xi32>, vector<16xi32>, vector<16xi32>], vector<16xf32>,
      %get3A_564 = arith.constant 1 : i32
      %get3A_565 = arith.index_cast %get3A_564 : i32 to index
      %get3A_566 = arith.index_cast %add3A_546 : i32 to index
      %get3A_567 = arith.constant 16 : index
      %get3A_568 = tpu.vector_load %arg7[%get3A_565, %get3A_566, %get3A_567] {strides = array<i32>} : memref<2x512x32xf32, #tpu.memory_space<vmem>>, vector<16xf32>,
      %scatter3A_569 = arith.constant 1 : i32
      %scatter3A_570 = arith.constant 0 : i32
      %scatter3A_571 = arith.constant 0 : i32
      %scatter3A_572 = arith.constant 0 : i32
      %scatter3A_573 = tpu.memref_slice %arg8[%scatter3A_569, %shift_right_arithmetic3A_332, %scatter3A_570, %scatter3A_571, %scatter3A_572] : memref<2x4x4x8x129xf32, #tpu.memory_space<vmem>> -> memref<1x1x4x8x129xf32, #tpu.memory_space<vmem>>
      %scatter3A_574 = tpu.memref_squeeze %scatter3A_573 : memref<1x1x4x8x129xf32, #tpu.memory_space<vmem>> -> memref<4x8x129xf32, #tpu.memory_space<vmem>>
      tpu.vector_store_idx %scatter3A_574[%add3A_14, %and3A_16, %add3A_552], %get3A_568 : memref<4x8x129xf32, #tpu.memory_space<vmem>>[vector<16xi32>, vector<16xi32>, vector<16xi32>], vector<16xf32>,
      %add3A_575 = arith.constant 8 : i32
      %add3A_576 = arith.addi %mul3A_336, %add3A_575 : i32
      %mul3A_577 = arith.constant 16 : i32
      %mul3A_578 = arith.muli %and3A_334, %mul3A_577 : i32
      %add3A_579 = arith.constant 8 : i32
      %add3A_580 = arith.addi %mul3A_578, %add3A_579 : i32
      %add3A_581 = vector.broadcast %add3A_580 : i32 to vector<16xi32>
      %add3A_582 = arith.addi %broadcast_in_dim3A_6, %add3A_581 : vector<16xi32>
      %get3A_583 = arith.constant 1 : i32
      %get3A_584 = arith.index_cast %get3A_583 : i32 to index
      %get3A_585 = arith.index_cast %add3A_576 : i32 to index
      %get3A_586 = arith.constant 0 : index
      %get3A_587 = tpu.vector_load %arg7[%get3A_584, %get3A_585, %get3A_586] {strides = array<i32>} : memref<2x512x32xf32, #tpu.memory_space<vmem>>, vector<16xf32>,
      %scatter3A_588 = arith.constant 1 : i32
      %scatter3A_589 = arith.constant 0 : i32
      %scatter3A_590 = arith.constant 0 : i32
      %scatter3A_591 = arith.constant 0 : i32
      %scatter3A_592 = tpu.memref_slice %arg8[%scatter3A_588, %shift_right_arithmetic3A_332, %scatter3A_589, %scatter3A_590, %scatter3A_591] : memref<2x4x4x8x129xf32, #tpu.memory_space<vmem>> -> memref<1x1x4x8x129xf32, #tpu.memory_space<vmem>>
      %scatter3A_593 = tpu.memref_squeeze %scatter3A_592 : memref<1x1x4x8x129xf32, #tpu.memory_space<vmem>> -> memref<4x8x129xf32, #tpu.memory_space<vmem>>
      tpu.vector_store_idx %scatter3A_593[%shift_right_arithmetic3A_8, %and3A_16, %add3A_582], %get3A_587 : memref<4x8x129xf32, #tpu.memory_space<vmem>>[vector<16xi32>, vector<16xi32>, vector<16xi32>], vector<16xf32>,
      %get3A_594 = arith.constant 1 : i32
      %get3A_595 = arith.index_cast %get3A_594 : i32 to index
      %get3A_596 = arith.index_cast %add3A_576 : i32 to index
      %get3A_597 = arith.constant 16 : index
      %get3A_598 = tpu.vector_load %arg7[%get3A_595, %get3A_596, %get3A_597] {strides = array<i32>} : memref<2x512x32xf32, #tpu.memory_space<vmem>>, vector<16xf32>,
      %scatter3A_599 = arith.constant 1 : i32
      %scatter3A_600 = arith.constant 0 : i32
      %scatter3A_601 = arith.constant 0 : i32
      %scatter3A_602 = arith.constant 0 : i32
      %scatter3A_603 = tpu.memref_slice %arg8[%scatter3A_599, %shift_right_arithmetic3A_332, %scatter3A_600, %scatter3A_601, %scatter3A_602] : memref<2x4x4x8x129xf32, #tpu.memory_space<vmem>> -> memref<1x1x4x8x129xf32, #tpu.memory_space<vmem>>
      %scatter3A_604 = tpu.memref_squeeze %scatter3A_603 : memref<1x1x4x8x129xf32, #tpu.memory_space<vmem>> -> memref<4x8x129xf32, #tpu.memory_space<vmem>>
      tpu.vector_store_idx %scatter3A_604[%add3A_14, %and3A_16, %add3A_582], %get3A_598 : memref<4x8x129xf32, #tpu.memory_space<vmem>>[vector<16xi32>, vector<16xi32>, vector<16xi32>], vector<16xf32>,
      %add3A_605 = arith.constant 9 : i32
      %add3A_606 = arith.addi %mul3A_336, %add3A_605 : i32
      %mul3A_607 = arith.constant 16 : i32
      %mul3A_608 = arith.muli %and3A_334, %mul3A_607 : i32
      %add3A_609 = arith.constant 9 : i32
      %add3A_610 = arith.addi %mul3A_608, %add3A_609 : i32
      %add3A_611 = vector.broadcast %add3A_610 : i32 to vector<16xi32>
      %add3A_612 = arith.addi %broadcast_in_dim3A_6, %add3A_611 : vector<16xi32>
      %get3A_613 = arith.constant 1 : i32
      %get3A_614 = arith.index_cast %get3A_613 : i32 to index
      %get3A_615 = arith.index_cast %add3A_606 : i32 to index
      %get3A_616 = arith.constant 0 : index
      %get3A_617 = tpu.vector_load %arg7[%get3A_614, %get3A_615, %get3A_616] {strides = array<i32>} : memref<2x512x32xf32, #tpu.memory_space<vmem>>, vector<16xf32>,
      %scatter3A_618 = arith.constant 1 : i32
      %scatter3A_619 = arith.constant 0 : i32
      %scatter3A_620 = arith.constant 0 : i32
      %scatter3A_621 = arith.constant 0 : i32
      %scatter3A_622 = tpu.memref_slice %arg8[%scatter3A_618, %shift_right_arithmetic3A_332, %scatter3A_619, %scatter3A_620, %scatter3A_621] : memref<2x4x4x8x129xf32, #tpu.memory_space<vmem>> -> memref<1x1x4x8x129xf32, #tpu.memory_space<vmem>>
      %scatter3A_623 = tpu.memref_squeeze %scatter3A_622 : memref<1x1x4x8x129xf32, #tpu.memory_space<vmem>> -> memref<4x8x129xf32, #tpu.memory_space<vmem>>
      tpu.vector_store_idx %scatter3A_623[%shift_right_arithmetic3A_8, %and3A_16, %add3A_612], %get3A_617 : memref<4x8x129xf32, #tpu.memory_space<vmem>>[vector<16xi32>, vector<16xi32>, vector<16xi32>], vector<16xf32>,
      %get3A_624 = arith.constant 1 : i32
      %get3A_625 = arith.index_cast %get3A_624 : i32 to index
      %get3A_626 = arith.index_cast %add3A_606 : i32 to index
      %get3A_627 = arith.constant 16 : index
      %get3A_628 = tpu.vector_load %arg7[%get3A_625, %get3A_626, %get3A_627] {strides = array<i32>} : memref<2x512x32xf32, #tpu.memory_space<vmem>>, vector<16xf32>,
      %scatter3A_629 = arith.constant 1 : i32
      %scatter3A_630 = arith.constant 0 : i32
      %scatter3A_631 = arith.constant 0 : i32
      %scatter3A_632 = arith.constant 0 : i32
      %scatter3A_633 = tpu.memref_slice %arg8[%scatter3A_629, %shift_right_arithmetic3A_332, %scatter3A_630, %scatter3A_631, %scatter3A_632] : memref<2x4x4x8x129xf32, #tpu.memory_space<vmem>> -> memref<1x1x4x8x129xf32, #tpu.memory_space<vmem>>
      %scatter3A_634 = tpu.memref_squeeze %scatter3A_633 : memref<1x1x4x8x129xf32, #tpu.memory_space<vmem>> -> memref<4x8x129xf32, #tpu.memory_space<vmem>>
      tpu.vector_store_idx %scatter3A_634[%add3A_14, %and3A_16, %add3A_612], %get3A_628 : memref<4x8x129xf32, #tpu.memory_space<vmem>>[vector<16xi32>, vector<16xi32>, vector<16xi32>], vector<16xf32>,
      %add3A_635 = arith.constant 10 : i32
      %add3A_636 = arith.addi %mul3A_336, %add3A_635 : i32
      %mul3A_637 = arith.constant 16 : i32
      %mul3A_638 = arith.muli %and3A_334, %mul3A_637 : i32
      %add3A_639 = arith.constant 10 : i32
      %add3A_640 = arith.addi %mul3A_638, %add3A_639 : i32
      %add3A_641 = vector.broadcast %add3A_640 : i32 to vector<16xi32>
      %add3A_642 = arith.addi %broadcast_in_dim3A_6, %add3A_641 : vector<16xi32>
      %get3A_643 = arith.constant 1 : i32
      %get3A_644 = arith.index_cast %get3A_643 : i32 to index
      %get3A_645 = arith.index_cast %add3A_636 : i32 to index
      %get3A_646 = arith.constant 0 : index
      %get3A_647 = tpu.vector_load %arg7[%get3A_644, %get3A_645, %get3A_646] {strides = array<i32>} : memref<2x512x32xf32, #tpu.memory_space<vmem>>, vector<16xf32>,
      %scatter3A_648 = arith.constant 1 : i32
      %scatter3A_649 = arith.constant 0 : i32
      %scatter3A_650 = arith.constant 0 : i32
      %scatter3A_651 = arith.constant 0 : i32
      %scatter3A_652 = tpu.memref_slice %arg8[%scatter3A_648, %shift_right_arithmetic3A_332, %scatter3A_649, %scatter3A_650, %scatter3A_651] : memref<2x4x4x8x129xf32, #tpu.memory_space<vmem>> -> memref<1x1x4x8x129xf32, #tpu.memory_space<vmem>>
      %scatter3A_653 = tpu.memref_squeeze %scatter3A_652 : memref<1x1x4x8x129xf32, #tpu.memory_space<vmem>> -> memref<4x8x129xf32, #tpu.memory_space<vmem>>
      tpu.vector_store_idx %scatter3A_653[%shift_right_arithmetic3A_8, %and3A_16, %add3A_642], %get3A_647 : memref<4x8x129xf32, #tpu.memory_space<vmem>>[vector<16xi32>, vector<16xi32>, vector<16xi32>], vector<16xf32>,
      %get3A_654 = arith.constant 1 : i32
      %get3A_655 = arith.index_cast %get3A_654 : i32 to index
      %get3A_656 = arith.index_cast %add3A_636 : i32 to index
      %get3A_657 = arith.constant 16 : index
      %get3A_658 = tpu.vector_load %arg7[%get3A_655, %get3A_656, %get3A_657] {strides = array<i32>} : memref<2x512x32xf32, #tpu.memory_space<vmem>>, vector<16xf32>,
      %scatter3A_659 = arith.constant 1 : i32
      %scatter3A_660 = arith.constant 0 : i32
      %scatter3A_661 = arith.constant 0 : i32
      %scatter3A_662 = arith.constant 0 : i32
      %scatter3A_663 = tpu.memref_slice %arg8[%scatter3A_659, %shift_right_arithmetic3A_332, %scatter3A_660, %scatter3A_661, %scatter3A_662] : memref<2x4x4x8x129xf32, #tpu.memory_space<vmem>> -> memref<1x1x4x8x129xf32, #tpu.memory_space<vmem>>
      %scatter3A_664 = tpu.memref_squeeze %scatter3A_663 : memref<1x1x4x8x129xf32, #tpu.memory_space<vmem>> -> memref<4x8x129xf32, #tpu.memory_space<vmem>>
      tpu.vector_store_idx %scatter3A_664[%add3A_14, %and3A_16, %add3A_642], %get3A_658 : memref<4x8x129xf32, #tpu.memory_space<vmem>>[vector<16xi32>, vector<16xi32>, vector<16xi32>], vector<16xf32>,
      %add3A_665 = arith.constant 11 : i32
      %add3A_666 = arith.addi %mul3A_336, %add3A_665 : i32
      %mul3A_667 = arith.constant 16 : i32
      %mul3A_668 = arith.muli %and3A_334, %mul3A_667 : i32
      %add3A_669 = arith.constant 11 : i32
      %add3A_670 = arith.addi %mul3A_668, %add3A_669 : i32
      %add3A_671 = vector.broadcast %add3A_670 : i32 to vector<16xi32>
      %add3A_672 = arith.addi %broadcast_in_dim3A_6, %add3A_671 : vector<16xi32>
      %get3A_673 = arith.constant 1 : i32
      %get3A_674 = arith.index_cast %get3A_673 : i32 to index
      %get3A_675 = arith.index_cast %add3A_666 : i32 to index
      %get3A_676 = arith.constant 0 : index
      %get3A_677 = tpu.vector_load %arg7[%get3A_674, %get3A_675, %get3A_676] {strides = array<i32>} : memref<2x512x32xf32, #tpu.memory_space<vmem>>, vector<16xf32>,
      %scatter3A_678 = arith.constant 1 : i32
      %scatter3A_679 = arith.constant 0 : i32
      %scatter3A_680 = arith.constant 0 : i32
      %scatter3A_681 = arith.constant 0 : i32
      %scatter3A_682 = tpu.memref_slice %arg8[%scatter3A_678, %shift_right_arithmetic3A_332, %scatter3A_679, %scatter3A_680, %scatter3A_681] : memref<2x4x4x8x129xf32, #tpu.memory_space<vmem>> -> memref<1x1x4x8x129xf32, #tpu.memory_space<vmem>>
      %scatter3A_683 = tpu.memref_squeeze %scatter3A_682 : memref<1x1x4x8x129xf32, #tpu.memory_space<vmem>> -> memref<4x8x129xf32, #tpu.memory_space<vmem>>
      tpu.vector_store_idx %scatter3A_683[%shift_right_arithmetic3A_8, %and3A_16, %add3A_672], %get3A_677 : memref<4x8x129xf32, #tpu.memory_space<vmem>>[vector<16xi32>, vector<16xi32>, vector<16xi32>], vector<16xf32>,
      %get3A_684 = arith.constant 1 : i32
      %get3A_685 = arith.index_cast %get3A_684 : i32 to index
      %get3A_686 = arith.index_cast %add3A_666 : i32 to index
      %get3A_687 = arith.constant 16 : index
      %get3A_688 = tpu.vector_load %arg7[%get3A_685, %get3A_686, %get3A_687] {strides = array<i32>} : memref<2x512x32xf32, #tpu.memory_space<vmem>>, vector<16xf32>,
      %scatter3A_689 = arith.constant 1 : i32
      %scatter3A_690 = arith.constant 0 : i32
      %scatter3A_691 = arith.constant 0 : i32
      %scatter3A_692 = arith.constant 0 : i32
      %scatter3A_693 = tpu.memref_slice %arg8[%scatter3A_689, %shift_right_arithmetic3A_332, %scatter3A_690, %scatter3A_691, %scatter3A_692] : memref<2x4x4x8x129xf32, #tpu.memory_space<vmem>> -> memref<1x1x4x8x129xf32, #tpu.memory_space<vmem>>
      %scatter3A_694 = tpu.memref_squeeze %scatter3A_693 : memref<1x1x4x8x129xf32, #tpu.memory_space<vmem>> -> memref<4x8x129xf32, #tpu.memory_space<vmem>>
      tpu.vector_store_idx %scatter3A_694[%add3A_14, %and3A_16, %add3A_672], %get3A_688 : memref<4x8x129xf32, #tpu.memory_space<vmem>>[vector<16xi32>, vector<16xi32>, vector<16xi32>], vector<16xf32>,
      %add3A_695 = arith.constant 12 : i32
      %add3A_696 = arith.addi %mul3A_336, %add3A_695 : i32
      %mul3A_697 = arith.constant 16 : i32
      %mul3A_698 = arith.muli %and3A_334, %mul3A_697 : i32
      %add3A_699 = arith.constant 12 : i32
      %add3A_700 = arith.addi %mul3A_698, %add3A_699 : i32
      %add3A_701 = vector.broadcast %add3A_700 : i32 to vector<16xi32>
      %add3A_702 = arith.addi %broadcast_in_dim3A_6, %add3A_701 : vector<16xi32>
      %get3A_703 = arith.constant 1 : i32
      %get3A_704 = arith.index_cast %get3A_703 : i32 to index
      %get3A_705 = arith.index_cast %add3A_696 : i32 to index
      %get3A_706 = arith.constant 0 : index
      %get3A_707 = tpu.vector_load %arg7[%get3A_704, %get3A_705, %get3A_706] {strides = array<i32>} : memref<2x512x32xf32, #tpu.memory_space<vmem>>, vector<16xf32>,
      %scatter3A_708 = arith.constant 1 : i32
      %scatter3A_709 = arith.constant 0 : i32
      %scatter3A_710 = arith.constant 0 : i32
      %scatter3A_711 = arith.constant 0 : i32
      %scatter3A_712 = tpu.memref_slice %arg8[%scatter3A_708, %shift_right_arithmetic3A_332, %scatter3A_709, %scatter3A_710, %scatter3A_711] : memref<2x4x4x8x129xf32, #tpu.memory_space<vmem>> -> memref<1x1x4x8x129xf32, #tpu.memory_space<vmem>>
      %scatter3A_713 = tpu.memref_squeeze %scatter3A_712 : memref<1x1x4x8x129xf32, #tpu.memory_space<vmem>> -> memref<4x8x129xf32, #tpu.memory_space<vmem>>
      tpu.vector_store_idx %scatter3A_713[%shift_right_arithmetic3A_8, %and3A_16, %add3A_702], %get3A_707 : memref<4x8x129xf32, #tpu.memory_space<vmem>>[vector<16xi32>, vector<16xi32>, vector<16xi32>], vector<16xf32>,
      %get3A_714 = arith.constant 1 : i32
      %get3A_715 = arith.index_cast %get3A_714 : i32 to index
      %get3A_716 = arith.index_cast %add3A_696 : i32 to index
      %get3A_717 = arith.constant 16 : index
      %get3A_718 = tpu.vector_load %arg7[%get3A_715, %get3A_716, %get3A_717] {strides = array<i32>} : memref<2x512x32xf32, #tpu.memory_space<vmem>>, vector<16xf32>,
      %scatter3A_719 = arith.constant 1 : i32
      %scatter3A_720 = arith.constant 0 : i32
      %scatter3A_721 = arith.constant 0 : i32
      %scatter3A_722 = arith.constant 0 : i32
      %scatter3A_723 = tpu.memref_slice %arg8[%scatter3A_719, %shift_right_arithmetic3A_332, %scatter3A_720, %scatter3A_721, %scatter3A_722] : memref<2x4x4x8x129xf32, #tpu.memory_space<vmem>> -> memref<1x1x4x8x129xf32, #tpu.memory_space<vmem>>
      %scatter3A_724 = tpu.memref_squeeze %scatter3A_723 : memref<1x1x4x8x129xf32, #tpu.memory_space<vmem>> -> memref<4x8x129xf32, #tpu.memory_space<vmem>>
      tpu.vector_store_idx %scatter3A_724[%add3A_14, %and3A_16, %add3A_702], %get3A_718 : memref<4x8x129xf32, #tpu.memory_space<vmem>>[vector<16xi32>, vector<16xi32>, vector<16xi32>], vector<16xf32>,
      %add3A_725 = arith.constant 13 : i32
      %add3A_726 = arith.addi %mul3A_336, %add3A_725 : i32
      %mul3A_727 = arith.constant 16 : i32
      %mul3A_728 = arith.muli %and3A_334, %mul3A_727 : i32
      %add3A_729 = arith.constant 13 : i32
      %add3A_730 = arith.addi %mul3A_728, %add3A_729 : i32
      %add3A_731 = vector.broadcast %add3A_730 : i32 to vector<16xi32>
      %add3A_732 = arith.addi %broadcast_in_dim3A_6, %add3A_731 : vector<16xi32>
      %get3A_733 = arith.constant 1 : i32
      %get3A_734 = arith.index_cast %get3A_733 : i32 to index
      %get3A_735 = arith.index_cast %add3A_726 : i32 to index
      %get3A_736 = arith.constant 0 : index
      %get3A_737 = tpu.vector_load %arg7[%get3A_734, %get3A_735, %get3A_736] {strides = array<i32>} : memref<2x512x32xf32, #tpu.memory_space<vmem>>, vector<16xf32>,
      %scatter3A_738 = arith.constant 1 : i32
      %scatter3A_739 = arith.constant 0 : i32
      %scatter3A_740 = arith.constant 0 : i32
      %scatter3A_741 = arith.constant 0 : i32
      %scatter3A_742 = tpu.memref_slice %arg8[%scatter3A_738, %shift_right_arithmetic3A_332, %scatter3A_739, %scatter3A_740, %scatter3A_741] : memref<2x4x4x8x129xf32, #tpu.memory_space<vmem>> -> memref<1x1x4x8x129xf32, #tpu.memory_space<vmem>>
      %scatter3A_743 = tpu.memref_squeeze %scatter3A_742 : memref<1x1x4x8x129xf32, #tpu.memory_space<vmem>> -> memref<4x8x129xf32, #tpu.memory_space<vmem>>
      tpu.vector_store_idx %scatter3A_743[%shift_right_arithmetic3A_8, %and3A_16, %add3A_732], %get3A_737 : memref<4x8x129xf32, #tpu.memory_space<vmem>>[vector<16xi32>, vector<16xi32>, vector<16xi32>], vector<16xf32>,
      %get3A_744 = arith.constant 1 : i32
      %get3A_745 = arith.index_cast %get3A_744 : i32 to index
      %get3A_746 = arith.index_cast %add3A_726 : i32 to index
      %get3A_747 = arith.constant 16 : index
      %get3A_748 = tpu.vector_load %arg7[%get3A_745, %get3A_746, %get3A_747] {strides = array<i32>} : memref<2x512x32xf32, #tpu.memory_space<vmem>>, vector<16xf32>,
      %scatter3A_749 = arith.constant 1 : i32
      %scatter3A_750 = arith.constant 0 : i32
      %scatter3A_751 = arith.constant 0 : i32
      %scatter3A_752 = arith.constant 0 : i32
      %scatter3A_753 = tpu.memref_slice %arg8[%scatter3A_749, %shift_right_arithmetic3A_332, %scatter3A_750, %scatter3A_751, %scatter3A_752] : memref<2x4x4x8x129xf32, #tpu.memory_space<vmem>> -> memref<1x1x4x8x129xf32, #tpu.memory_space<vmem>>
      %scatter3A_754 = tpu.memref_squeeze %scatter3A_753 : memref<1x1x4x8x129xf32, #tpu.memory_space<vmem>> -> memref<4x8x129xf32, #tpu.memory_space<vmem>>
      tpu.vector_store_idx %scatter3A_754[%add3A_14, %and3A_16, %add3A_732], %get3A_748 : memref<4x8x129xf32, #tpu.memory_space<vmem>>[vector<16xi32>, vector<16xi32>, vector<16xi32>], vector<16xf32>,
      %add3A_755 = arith.constant 14 : i32
      %add3A_756 = arith.addi %mul3A_336, %add3A_755 : i32
      %mul3A_757 = arith.constant 16 : i32
      %mul3A_758 = arith.muli %and3A_334, %mul3A_757 : i32
      %add3A_759 = arith.constant 14 : i32
      %add3A_760 = arith.addi %mul3A_758, %add3A_759 : i32
      %add3A_761 = vector.broadcast %add3A_760 : i32 to vector<16xi32>
      %add3A_762 = arith.addi %broadcast_in_dim3A_6, %add3A_761 : vector<16xi32>
      %get3A_763 = arith.constant 1 : i32
      %get3A_764 = arith.index_cast %get3A_763 : i32 to index
      %get3A_765 = arith.index_cast %add3A_756 : i32 to index
      %get3A_766 = arith.constant 0 : index
      %get3A_767 = tpu.vector_load %arg7[%get3A_764, %get3A_765, %get3A_766] {strides = array<i32>} : memref<2x512x32xf32, #tpu.memory_space<vmem>>, vector<16xf32>,
      %scatter3A_768 = arith.constant 1 : i32
      %scatter3A_769 = arith.constant 0 : i32
      %scatter3A_770 = arith.constant 0 : i32
      %scatter3A_771 = arith.constant 0 : i32
      %scatter3A_772 = tpu.memref_slice %arg8[%scatter3A_768, %shift_right_arithmetic3A_332, %scatter3A_769, %scatter3A_770, %scatter3A_771] : memref<2x4x4x8x129xf32, #tpu.memory_space<vmem>> -> memref<1x1x4x8x129xf32, #tpu.memory_space<vmem>>
      %scatter3A_773 = tpu.memref_squeeze %scatter3A_772 : memref<1x1x4x8x129xf32, #tpu.memory_space<vmem>> -> memref<4x8x129xf32, #tpu.memory_space<vmem>>
      tpu.vector_store_idx %scatter3A_773[%shift_right_arithmetic3A_8, %and3A_16, %add3A_762], %get3A_767 : memref<4x8x129xf32, #tpu.memory_space<vmem>>[vector<16xi32>, vector<16xi32>, vector<16xi32>], vector<16xf32>,
      %get3A_774 = arith.constant 1 : i32
      %get3A_775 = arith.index_cast %get3A_774 : i32 to index
      %get3A_776 = arith.index_cast %add3A_756 : i32 to index
      %get3A_777 = arith.constant 16 : index
      %get3A_778 = tpu.vector_load %arg7[%get3A_775, %get3A_776, %get3A_777] {strides = array<i32>} : memref<2x512x32xf32, #tpu.memory_space<vmem>>, vector<16xf32>,
      %scatter3A_779 = arith.constant 1 : i32
      %scatter3A_780 = arith.constant 0 : i32
      %scatter3A_781 = arith.constant 0 : i32
      %scatter3A_782 = arith.constant 0 : i32
      %scatter3A_783 = tpu.memref_slice %arg8[%scatter3A_779, %shift_right_arithmetic3A_332, %scatter3A_780, %scatter3A_781, %scatter3A_782] : memref<2x4x4x8x129xf32, #tpu.memory_space<vmem>> -> memref<1x1x4x8x129xf32, #tpu.memory_space<vmem>>
      %scatter3A_784 = tpu.memref_squeeze %scatter3A_783 : memref<1x1x4x8x129xf32, #tpu.memory_space<vmem>> -> memref<4x8x129xf32, #tpu.memory_space<vmem>>
      tpu.vector_store_idx %scatter3A_784[%add3A_14, %and3A_16, %add3A_762], %get3A_778 : memref<4x8x129xf32, #tpu.memory_space<vmem>>[vector<16xi32>, vector<16xi32>, vector<16xi32>], vector<16xf32>,
      %add3A_785 = arith.constant 15 : i32
      %add3A_786 = arith.addi %mul3A_336, %add3A_785 : i32
      %mul3A_787 = arith.constant 16 : i32
      %mul3A_788 = arith.muli %and3A_334, %mul3A_787 : i32
      %add3A_789 = arith.constant 15 : i32
      %add3A_790 = arith.addi %mul3A_788, %add3A_789 : i32
      %add3A_791 = vector.broadcast %add3A_790 : i32 to vector<16xi32>
      %add3A_792 = arith.addi %broadcast_in_dim3A_6, %add3A_791 : vector<16xi32>
      %get3A_793 = arith.constant 1 : i32
      %get3A_794 = arith.index_cast %get3A_793 : i32 to index
      %get3A_795 = arith.index_cast %add3A_786 : i32 to index
      %get3A_796 = arith.constant 0 : index
      %get3A_797 = tpu.vector_load %arg7[%get3A_794, %get3A_795, %get3A_796] {strides = array<i32>} : memref<2x512x32xf32, #tpu.memory_space<vmem>>, vector<16xf32>,
      %scatter3A_798 = arith.constant 1 : i32
      %scatter3A_799 = arith.constant 0 : i32
      %scatter3A_800 = arith.constant 0 : i32
      %scatter3A_801 = arith.constant 0 : i32
      %scatter3A_802 = tpu.memref_slice %arg8[%scatter3A_798, %shift_right_arithmetic3A_332, %scatter3A_799, %scatter3A_800, %scatter3A_801] : memref<2x4x4x8x129xf32, #tpu.memory_space<vmem>> -> memref<1x1x4x8x129xf32, #tpu.memory_space<vmem>>
      %scatter3A_803 = tpu.memref_squeeze %scatter3A_802 : memref<1x1x4x8x129xf32, #tpu.memory_space<vmem>> -> memref<4x8x129xf32, #tpu.memory_space<vmem>>
      tpu.vector_store_idx %scatter3A_803[%shift_right_arithmetic3A_8, %and3A_16, %add3A_792], %get3A_797 : memref<4x8x129xf32, #tpu.memory_space<vmem>>[vector<16xi32>, vector<16xi32>, vector<16xi32>], vector<16xf32>,
      %get3A_804 = arith.constant 1 : i32
      %get3A_805 = arith.index_cast %get3A_804 : i32 to index
      %get3A_806 = arith.index_cast %add3A_786 : i32 to index
      %get3A_807 = arith.constant 16 : index
      %get3A_808 = tpu.vector_load %arg7[%get3A_805, %get3A_806, %get3A_807] {strides = array<i32>} : memref<2x512x32xf32, #tpu.memory_space<vmem>>, vector<16xf32>,
      %scatter3A_809 = arith.constant 1 : i32
      %scatter3A_810 = arith.constant 0 : i32
      %scatter3A_811 = arith.constant 0 : i32
      %scatter3A_812 = arith.constant 0 : i32
      %scatter3A_813 = tpu.memref_slice %arg8[%scatter3A_809, %shift_right_arithmetic3A_332, %scatter3A_810, %scatter3A_811, %scatter3A_812] : memref<2x4x4x8x129xf32, #tpu.memory_space<vmem>> -> memref<1x1x4x8x129xf32, #tpu.memory_space<vmem>>
      %scatter3A_814 = tpu.memref_squeeze %scatter3A_813 : memref<1x1x4x8x129xf32, #tpu.memory_space<vmem>> -> memref<4x8x129xf32, #tpu.memory_space<vmem>>
      tpu.vector_store_idx %scatter3A_814[%add3A_14, %and3A_16, %add3A_792], %get3A_808 : memref<4x8x129xf32, #tpu.memory_space<vmem>>[vector<16xi32>, vector<16xi32>, vector<16xi32>], vector<16xf32>,
    }
    %scan3A_254 = arith.constant 32 : i32
    %dma_start3A_255 = arith.constant 1 : i32
    %dma_start3A_256 = arith.constant 0 : i32
    %dma_start3A_257 = arith.constant 0 : i32
    %dma_start3A_258 = arith.constant 0 : i32
    %dma_start3A_259 = arith.constant 0 : i32
    %dma_start3A_260 = tpu.memref_slice %arg8[%dma_start3A_255, %dma_start3A_256, %dma_start3A_257, %dma_start3A_258, %dma_start3A_259] : memref<2x4x4x8x129xf32, #tpu.memory_space<vmem>> -> memref<1x4x4x8x128xf32, #tpu.memory_space<vmem>>
    %dma_start3A_261 = tpu.memref_squeeze %dma_start3A_260 : memref<1x4x4x8x128xf32, #tpu.memory_space<vmem>> -> memref<4x4x8x128xf32, #tpu.memory_space<vmem>>
    %dma_start3A_262 = arith.constant 196 : i32
    %dma_start3A_263 = arith.constant 0 : i32
    %dma_start3A_264 = arith.constant 0 : i32
    %dma_start3A_265 = arith.constant 0 : i32
    %dma_start3A_266 = tpu.memref_slice %arg4[%dma_start3A_262, %dma_start3A_263, %add3A, %dma_start3A_264, %dma_start3A_265] : memref<200x4x32x8x128xf32, #tpu.memory_space<hbm>> -> memref<4x4x1x8x128xf32, #tpu.memory_space<hbm>>
    %dma_start3A_267 = tpu.memref_squeeze %dma_start3A_266 : memref<4x4x1x8x128xf32, #tpu.memory_space<hbm>> -> memref<4x4x8x128xf32, #tpu.memory_space<hbm>>
    %dma_start3A_268 = arith.constant 196 : i32
    %dma_start3A_269 = arith.constant 0 : i32
    %dma_start3A_270 = arith.constant 0 : i32
    %dma_start3A_271 = arith.constant 0 : i32
    %dma_start3A_272 = tpu.memref_slice %arg4[%dma_start3A_268, %dma_start3A_269, %add3A, %dma_start3A_270, %dma_start3A_271] : memref<200x4x32x8x128xf32, #tpu.memory_space<hbm>> -> memref<4x4x1x8x128xf32, #tpu.memory_space<hbm>>
    %dma_start3A_273 = tpu.memref_squeeze %dma_start3A_272 : memref<4x4x1x8x128xf32, #tpu.memory_space<hbm>> -> memref<4x4x8x128xf32, #tpu.memory_space<hbm>>
    %dma_start3A_274 = arith.constant 0 : i32
    %dma_start3A_275 = arith.constant 0 : i32
    %dma_start3A_276 = arith.constant 0 : i32
    %dma_start3A_277 = arith.constant 0 : i32
    %dma_start3A_278 = tpu.memref_slice %arg8[%dma_start3A_255, %dma_start3A_274, %dma_start3A_275, %dma_start3A_276, %dma_start3A_277] : memref<2x4x4x8x129xf32, #tpu.memory_space<vmem>> -> memref<1x4x4x8x128xf32, #tpu.memory_space<vmem>>
    %dma_start3A_279 = tpu.memref_squeeze %dma_start3A_278 : memref<1x4x4x8x128xf32, #tpu.memory_space<vmem>> -> memref<4x4x8x128xf32, #tpu.memory_space<vmem>>
    tpu.enqueue_dma source(%dma_start3A_279 : memref<4x4x8x128xf32, #tpu.memory_space<vmem>>) target(%dma_start3A_273 : memref<4x4x8x128xf32, #tpu.memory_space<hbm>>) target_semaphore(%arg12 : memref<!tpu.dma_semaphore, #tpu.memory_space<semaphore_mem>>)
    %dma_wait3A_280 = arith.constant 0 : i32
    %dma_wait3A_281 = arith.constant 0 : i32
    %dma_wait3A_282 = arith.constant 0 : i32
    %dma_wait3A_283 = arith.constant 0 : i32
    %dma_wait3A_284 = arith.constant 0 : i32
    %dma_wait3A_285 = tpu.memref_slice %arg8[%dma_wait3A_280, %dma_wait3A_281, %dma_wait3A_282, %dma_wait3A_283, %dma_wait3A_284] : memref<2x4x4x8x129xf32, #tpu.memory_space<vmem>> -> memref<1x4x4x8x128xf32, #tpu.memory_space<vmem>>
    %dma_wait3A_286 = tpu.memref_squeeze %dma_wait3A_285 : memref<1x4x4x8x128xf32, #tpu.memory_space<vmem>> -> memref<4x4x8x128xf32, #tpu.memory_space<vmem>>
    %dma_wait3A_287 = arith.constant 192 : i32
    %dma_wait3A_288 = arith.constant 0 : i32
    %dma_wait3A_289 = arith.constant 0 : i32
    %dma_wait3A_290 = arith.constant 0 : i32
    %dma_wait3A_291 = tpu.memref_slice %arg4[%dma_wait3A_287, %dma_wait3A_288, %add3A, %dma_wait3A_289, %dma_wait3A_290] : memref<200x4x32x8x128xf32, #tpu.memory_space<hbm>> -> memref<4x4x1x8x128xf32, #tpu.memory_space<hbm>>
    %dma_wait3A_292 = tpu.memref_squeeze %dma_wait3A_291 : memref<4x4x1x8x128xf32, #tpu.memory_space<hbm>> -> memref<4x4x8x128xf32, #tpu.memory_space<hbm>>
    %dma_wait3A_293 = arith.constant 192 : i32
    %dma_wait3A_294 = arith.constant 0 : i32
    %dma_wait3A_295 = arith.constant 0 : i32
    %dma_wait3A_296 = arith.constant 0 : i32
    %dma_wait3A_297 = tpu.memref_slice %arg4[%dma_wait3A_293, %dma_wait3A_294, %add3A, %dma_wait3A_295, %dma_wait3A_296] : memref<200x4x32x8x128xf32, #tpu.memory_space<hbm>> -> memref<4x4x1x8x128xf32, #tpu.memory_space<hbm>>
    %dma_wait3A_298 = tpu.memref_squeeze %dma_wait3A_297 : memref<4x4x1x8x128xf32, #tpu.memory_space<hbm>> -> memref<4x4x8x128xf32, #tpu.memory_space<hbm>>
    %dma_wait3A_299 = arith.constant 0 : i32
    %dma_wait3A_300 = arith.constant 0 : i32
    %dma_wait3A_301 = arith.constant 0 : i32
    %dma_wait3A_302 = arith.constant 0 : i32
    %dma_wait3A_303 = tpu.memref_slice %arg8[%dma_wait3A_280, %dma_wait3A_299, %dma_wait3A_300, %dma_wait3A_301, %dma_wait3A_302] : memref<2x4x4x8x129xf32, #tpu.memory_space<vmem>> -> memref<1x4x4x8x128xf32, #tpu.memory_space<vmem>>
    %dma_wait3A_304 = tpu.memref_squeeze %dma_wait3A_303 : memref<1x4x4x8x128xf32, #tpu.memory_space<vmem>> -> memref<4x4x8x128xf32, #tpu.memory_space<vmem>>
    tpu.wait_dma2 semaphore(%arg11 : memref<!tpu.dma_semaphore, #tpu.memory_space<semaphore_mem>>) src(%dma_wait3A_304 : memref<4x4x8x128xf32, #tpu.memory_space<vmem>>) dst(%dma_wait3A_298 : memref<4x4x8x128xf32, #tpu.memory_space<hbm>>)
    %dma_wait3A_305 = arith.constant 1 : i32
    %dma_wait3A_306 = arith.constant 0 : i32
    %dma_wait3A_307 = arith.constant 0 : i32
    %dma_wait3A_308 = arith.constant 0 : i32
    %dma_wait3A_309 = arith.constant 0 : i32
    %dma_wait3A_310 = tpu.memref_slice %arg8[%dma_wait3A_305, %dma_wait3A_306, %dma_wait3A_307, %dma_wait3A_308, %dma_wait3A_309] : memref<2x4x4x8x129xf32, #tpu.memory_space<vmem>> -> memref<1x4x4x8x128xf32, #tpu.memory_space<vmem>>
    %dma_wait3A_311 = tpu.memref_squeeze %dma_wait3A_310 : memref<1x4x4x8x128xf32, #tpu.memory_space<vmem>> -> memref<4x4x8x128xf32, #tpu.memory_space<vmem>>
    %dma_wait3A_312 = arith.constant 196 : i32
    %dma_wait3A_313 = arith.constant 0 : i32
    %dma_wait3A_314 = arith.constant 0 : i32
    %dma_wait3A_315 = arith.constant 0 : i32
    %dma_wait3A_316 = tpu.memref_slice %arg4[%dma_wait3A_312, %dma_wait3A_313, %add3A, %dma_wait3A_314, %dma_wait3A_315] : memref<200x4x32x8x128xf32, #tpu.memory_space<hbm>> -> memref<4x4x1x8x128xf32, #tpu.memory_space<hbm>>
    %dma_wait3A_317 = tpu.memref_squeeze %dma_wait3A_316 : memref<4x4x1x8x128xf32, #tpu.memory_space<hbm>> -> memref<4x4x8x128xf32, #tpu.memory_space<hbm>>
    %dma_wait3A_318 = arith.constant 196 : i32
    %dma_wait3A_319 = arith.constant 0 : i32
    %dma_wait3A_320 = arith.constant 0 : i32
    %dma_wait3A_321 = arith.constant 0 : i32
    %dma_wait3A_322 = tpu.memref_slice %arg4[%dma_wait3A_318, %dma_wait3A_319, %add3A, %dma_wait3A_320, %dma_wait3A_321] : memref<200x4x32x8x128xf32, #tpu.memory_space<hbm>> -> memref<4x4x1x8x128xf32, #tpu.memory_space<hbm>>
    %dma_wait3A_323 = tpu.memref_squeeze %dma_wait3A_322 : memref<4x4x1x8x128xf32, #tpu.memory_space<hbm>> -> memref<4x4x8x128xf32, #tpu.memory_space<hbm>>
    %dma_wait3A_324 = arith.constant 0 : i32
    %dma_wait3A_325 = arith.constant 0 : i32
    %dma_wait3A_326 = arith.constant 0 : i32
    %dma_wait3A_327 = arith.constant 0 : i32
    %dma_wait3A_328 = tpu.memref_slice %arg8[%dma_wait3A_305, %dma_wait3A_324, %dma_wait3A_325, %dma_wait3A_326, %dma_wait3A_327] : memref<2x4x4x8x129xf32, #tpu.memory_space<vmem>> -> memref<1x4x4x8x128xf32, #tpu.memory_space<vmem>>
    %dma_wait3A_329 = tpu.memref_squeeze %dma_wait3A_328 : memref<1x4x4x8x128xf32, #tpu.memory_space<vmem>> -> memref<4x4x8x128xf32, #tpu.memory_space<vmem>>
    tpu.wait_dma2 semaphore(%arg12 : memref<!tpu.dma_semaphore, #tpu.memory_space<semaphore_mem>>) src(%dma_wait3A_329 : memref<4x4x8x128xf32, #tpu.memory_space<vmem>>) dst(%dma_wait3A_323 : memref<4x4x8x128xf32, #tpu.memory_space<hbm>>)
    return
  }
}

</mosaic_0001>

<sc_bundles>
// kernel: kernel.3.cloned.1.call-start
scs
__scs_entry_jumppad:
0x0: {  	(pc) =	sbr.rel $0x88, $3  }
0x1: {  	(tag) =	ssettag $0x0;
	lr =	simm.s32 $0x1  }
0x2: {  	[smem:$0x3F9F] =	sst lr;
	_ =	strace $0xD0000000  }
0x3: {  	_ = 	snop  }
0x4: {  	_ = 	snop  }
0x5: {  	_ = 	snop  }
0x6: {  	_ = 	snop  }
0x7: {  	_ = 	snop  }
__scs_overlays_trampoline_lowered:
0x8: {  	[smem:$0x3FAE] =	sst s0  }
0x9: {  	[smem:$0x3FAF] =	sst s1  }
0xa: {  	[smem:$0x3FB0] =	sst s2  }
0xb: {  	[smem:$0x3FB1] =	sst s3  }
0xc: {  	[smem:$0x3FB2] =	sst s4  }
0xd: {  	[smem:$0x3FB3] =	sst s5  }
0xe: {  	[smem:$0x3FB4] =	sst s6  }
0xf: {  	[smem:$0x3FB5] =	sst s7  }
0x10: {  	[smem:$0x3FB6] =	sst s8  }
0x11: {  	[smem:$0x3FB7] =	sst s9;
	s0 =	simm.s32 @!p0 $0x0  }
0x12: {  	s1 =	sld [smem:$0x3F9D];
	s0 =	simm.s32 @p0 $0x1  }
0x13: {  	[smem:$0x3FB8] =	sst s0;
	s0 =	simm.s32 @!p1 $0x0  }
0x14: {  	s2 =	sld [smem:$0x3F9C];
	s0 =	simm.s32 @p1 $0x1  }
0x15: {  	[smem:$0x3FB9] =	sst s0;
	s0 =	simm.s32 @!p2 $0x0  }
0x16: {  	s3 =	sld [smem:$0x3FDB];
	s0 =	simm.s32 @p2 $0x1  }
0x17: {  	s4 =	simm.s32 $0x1BF5;
	[smem:$0x3FBB] =	sst s0  }
0x18: {  	s0 =	sld [smem:$0x3F9E];
	_ =	swait.ge [sflag:s4], $0x0  }
0x19: {  	s7 =	sld [smem:$0x3F9F]  }
0x1a: {  	s8 =	sadd.s32 $0xFFFFE003, lr  }
0x1b: {  	s9 =	sadd.s32 $0xFFFFFEF7, lr;
	s5 =	simm.s32 $0xFFFFFFFF;
	p2 =	slt.u32 s8, $0xFFFFF086  }
0x1c: {  	p1 =	slt.u32 s9, $0xF7A;
	s5 =	simm.s32 @!p2 $0x0  }
0x1d: {  	s5 =	simm.s32 @p1 $0x1;
	p0 =	seq.s32 s7, s2  }
0x1e: {  	s7 =	smul.u32 @!p0 $0xF7A, s2;
	p2 =	seq.s32 @!p0 s5, $0x0  }
0x1f: {  	s9 =	smul.u32 $0xF7A, s1;
	s8 =	simm.s32 @!p0 $0x1BF5;
	p2 =	por !p2, p0  }
0x20: {  	[sflag:s8] =	ssyncset.s32 @!p0 $0xFFFFF086;
	s6 =	sadd.s32 @!p0 s3, s7;
	s7 =	simm.s32 @!p0 $0x108  }
0x21: {  	s3 =	sadd.s32 s3, s9;
	s6 =	sadd.s32 @!p0 $0x88, s6;
	s7 =	simm.s32 @p2 $0x1082  }
0x22: {  	[simem:s7], [sflag:s8] =	dma.local @!p0 [hbm:s6], $0xF7A  }
0x23: {  	s9 =	sor.u32 $0xD0000000, s2;
	s6 =	simm.s32 $0x108;
	_ =	swait.ge @!p0 [sflag:s8], $0x0  }
0x24: {  	s3 =	sadd.s32 $0x88, s3;
	s6 =	simm.s32 @!p1 $0x1082;
	[sflag:s4] =	ssyncset.s32 $0xFFFFF086  }
0x25: {  	[simem:s6], [sflag:s4] =	dma.local [hbm:s3], $0xF7A  }
0x26: {  	[smem:$0x3F9F] =	sst s1;
	(tag) =	ssettag s2;
	_ =	strace s9  }
0x27: {  	s1 =	sld [smem:$0x3FAF]  }
0x28: {  	s2 =	sld [smem:$0x3FB0]  }
0x29: {  	s4 =	sld [smem:$0x3FB2]  }
0x2a: {  	p0 =	seq.s32 s5, $0x0;
	s5 =	sld [smem:$0x3FB3]  }
0x2b: {  	s6 =	sld [smem:$0x3FB4]  }
0x2c: {  	s7 =	sld [smem:$0x3FB5]  }
0x2d: {  	s3 =	simm.s32 $0x108;
	s8 =	sld [smem:$0x3FB6]  }
0x2e: {  	s3 =	simm.s32 @!p0 $0x1082;
	s9 =	sld [smem:$0x3FB7]  }
0x2f: {  	lr =	sadd.s32 s0, s3;
	s0 =	sld [smem:$0x3FAE]  }
0x30: {  	s3 =	sld [smem:$0x3FB1]  }
0x31: {  	[smem:$0x3FBA] =	sst s10  }
0x32: {  	s10 =	sld [smem:$0x3FB8];
	_ =	sdelay $0x3  }
0x33: {  	p0 =	seq.s32 s10, $0x1;
	s10 =	sld [smem:$0x3FBA];
	_ =	sdelay $0x3  }
0x34: {  	[smem:$0x3FBA] =	sst s10  }
0x35: {  	s10 =	sld [smem:$0x3FB9];
	_ =	sdelay $0x3  }
0x36: {  	p1 =	seq.s32 s10, $0x1;
	s10 =	sld [smem:$0x3FBA];
	_ =	sdelay $0x3  }
0x37: {  	[smem:$0x3FBA] =	sst s10  }
0x38: {  	s10 =	sld [smem:$0x3FBB]  }
0x39: {  	_ = 	snop;
	(pc) =	sbr.ind lr, $3  }
0x3a: {  	_ = 	snop  }
0x3b: {  	_ = 	snop  }
0x3c: {  	p2 =	seq.s32 s10, $0x1;
	s10 =	sld [smem:$0x3FBA]  }
0x3d: {  	_ =	shalt  }
0x3e: {  	_ =	shalt  }
0x3f: {  	_ =	shalt  }
0x40: {  	_ =	shalt  }
0x41: {  	_ =	shalt  }
0x42: {  	_ =	shalt  }
0x43: {  	_ =	shalt  }
0x44: {  	_ =	shalt  }
0x45: {  	_ =	shalt  }
0x46: {  	_ =	shalt  }
0x47: {  	_ =	shalt  }
0x48: {  	_ =	shalt  }
0x49: {  	_ =	shalt  }
0x4a: {  	_ =	shalt  }
0x4b: {  	_ =	shalt  }
0x4c: {  	_ =	shalt  }
0x4d: {  	_ =	shalt  }
0x4e: {  	_ =	shalt  }
0x4f: {  	_ =	shalt  }
0x50: {  	_ =	shalt  }
0x51: {  	_ =	shalt  }
0x52: {  	_ =	shalt  }
0x53: {  	_ =	shalt  }
0x54: {  	_ =	shalt  }
0x55: {  	_ =	shalt  }
0x56: {  	_ =	shalt  }
0x57: {  	_ =	shalt  }
0x58: {  	_ =	shalt  }
0x59: {  	_ =	shalt  }
0x5a: {  	_ =	shalt  }
0x5b: {  	_ =	shalt  }
0x5c: {  	_ =	shalt  }
0x5d: {  	_ =	shalt  }
0x5e: {  	_ =	shalt  }
0x5f: {  	_ =	shalt  }
0x60: {  	_ =	shalt  }
0x61: {  	_ =	shalt  }
0x62: {  	_ =	shalt  }
0x63: {  	_ =	shalt  }
0x64: {  	_ =	shalt  }
0x65: {  	_ =	shalt  }
0x66: {  	_ =	shalt  }
0x67: {  	_ =	shalt  }
0x68: {  	_ =	shalt  }
0x69: {  	_ =	shalt  }
0x6a: {  	_ =	shalt  }
0x6b: {  	_ =	shalt  }
0x6c: {  	_ =	shalt  }
0x6d: {  	_ =	shalt  }
0x6e: {  	_ =	shalt  }
0x6f: {  	_ =	shalt  }
0x70: {  	_ =	shalt  }
0x71: {  	_ =	shalt  }
0x72: {  	_ =	shalt  }
0x73: {  	_ =	shalt  }
0x74: {  	_ =	shalt  }
0x75: {  	_ =	shalt  }
0x76: {  	_ =	shalt  }
0x77: {  	_ =	shalt  }
0x78: {  	_ =	shalt  }
0x79: {  	_ =	shalt  }
0x7a: {  	_ =	shalt  }
0x7b: {  	_ =	shalt  }
0x7c: {  	_ =	shalt  }
0x7d: {  	_ =	shalt  }
0x7e: {  	_ =	shalt  }
0x7f: {  	_ =	shalt  }
0x80: {  	_ =	shalt  }
0x81: {  	_ =	shalt  }
0x82: {  	_ =	shalt  }
0x83: {  	_ =	shalt  }
0x84: {  	_ =	shalt  }
0x85: {  	_ =	shalt  }
0x86: {  	_ =	shalt  }
0x87: {  	_ =	shalt  }
.Lfunc_end0:
.L_simem_size_0:
called_computation_lowered:
.L_overlay_start_0:
0x88: {  	s2 =	sld [smem:$0x3FD9]  }
0x89: {  	s3 =	sld [smem:$0x3FFE];
	_ =	sdelay $0x1  }
0x8a: {  	s1 =	srdreg.scid  }
0x8b: {  	s0 =	sand.u32 $0x1, s1  }
0x8c: {  	s17 =	sshll.u32 s0, $0xA;
	s2 =	sadd.s32 s3, s2  }
0x8d: {  	s2 =	sadd.s32 s2, s17  }
0x8e: {  	[smem:$0x3FC6] =	sst s2  }
0x8f: {  	_ = 	snop  }
0x90: {  	s2 =	sld [smem:$0x3FD0];
	(tm) =	ssettm $0x1  }
0x91: {  	s18 =	sld [smem:$0x3FFB];
	_ =	sdelay $0x3  }
0x92: {  	_ =	strace s18  }
0x93: {  	s3 =	sld [smem:$0x3FFC];
	_ =	sdelay $0x3  }
0x94: {  	_ =	strace s3  }
0x95: {  	s3 =	sld [smem:$0x3FFD];
	_ =	sdelay $0x3  }
0x96: {  	_ =	strace s3  }
0x97: {  	_ =	strace $0x8FFFFFFF  }
0x98: {  	s19 =	sld [smem:$0x3FDB];
	_ =	sdelay $0x1  }
0x99: {  	s4 =	simm.s32 $_scs_section_size  }
0x9a: {  	s5 =	simm.s32 $_size__tile_overlayer_lowered;
	s6 =	simm.s32 $_tile_overlayer_lowered  }
0x9b: {  	s22 =	simm.s32 $0x1BFF;
	s21 =	sshll.u32 s6, $0x1;
	s3 =	sadd.s32 s4, s19  }
0x9c: {  	s7 =	simm.s32 $0x0;
	s20 =	sshll.u32 s5, $0x1;
	s5 =	sadd.s32 s21, s3  }
0x9d: {  	[timem:s7], [sflag:s22] =	dma.local [hbm:s5], s20  }
0x9e: {  	_ =	swait.ge [sflag:s22], s20  }
0x9f: {  	s4 =	ssub.s32 $0x0, s20;
	[sflag:s22] =	ssyncset.done $0x0  }
0xa0: {  	[sflag:s22] =	ssyncadd.s32 s4;
	_ =	sdelay $0x1  }
0xa1: {  	s23 =	simm.s32 $0x1B8B  }
0xa2: {  	_ =	swait.ge [sflag:s23], $0x1  }
0xa3: {  	[sflag:s23] =	ssyncset.done $0x0  }
0xa4: {  	s25 =	simm.s32 $0x1B8E;
	s24 =	sld [smem:$0x3FFE];
	[sflag:s23] =	ssyncadd.s32 $0xFFFFFFFF  }
0xa5: {  	s26 =	simm.s32 $execute0_lowered;
	[smem:$0x3FD2] =	sst s25  }
0xa6: {  	s5 =	sshll.u32 s26, $0x1;
	_ =	strace $0x80000046;
	[dreg:$0x1] =	wrdreg $0xFFFFFFFF  }
0xa7: {  	s28 =	simm.s32 $_size_execute0_lowered;
	s3 =	sadd.s32 s3, s5;
	[dreg:$0x0] =	wrdreg $0x0  }
0xa8: {  	s5 =	sshll.u32 s28, $0x1;
	[dreg:$0x2] =	wrdreg s3  }
0xa9: {  	[dreg:$0x3] =	wrdreg s5  }
0xaa: {  	[dreg:$0x4] =	wrdreg $0xC0  }
0xab: {  	_ =	task [dreg:s7], $0x5FFFF  }
0xac: {  	[dreg:$0x1] =	wrdreg $0xFFFFFFFF  }
0xad: {  	[dreg:$0x0] =	wrdreg $0x60  }
0xae: {  	[dreg:$0x2] =	wrdreg s24  }
0xaf: {  	[dreg:$0x3] =	wrdreg s2  }
0xb0: {  	[dreg:$0x4] =	wrdreg $0x9  }
0xb1: {  	_ =	task.clear_ibuf [dreg:s7], $0x5FFFF;
	_ =	strace $0x90000046  }
0xb2: {  	s29 =	simm.s32 $0x9;
	_ =	strace $0x80000048  }
0xb3: {  	_ =	swait.ge [sflag:s29], $0x1  }
0xb4: {  	[sflag:s29] =	ssyncadd.s32 $0xFFFFFFFF  }
0xb5: {  	_ =	strace $0x90000048  }
0xb6: {  	_ =	sfence  }
0xb7: {  	s30 =	sld [smem:$0x0];
	_ =	sdelay $0x2  }
0xb8: {  	s31 =	sshll.u32 s1, $0xD;
	s1 =	sshrl.u32 s1, $0x2  }
0xb9: {  	s3 =	sand.u32 $0x4000, s31;
	s1 =	sadd.s32 s1, s30  }
0xba: {  	s0 =	sor.u32 s3, s0;
	s1 =	sshll.u32 s1, $0x11  }
0xbb: {  	s0 =	sor.u32 s1, s0  }
0xbc: {  	s0 =	sadd.s32 $0x8F2B, s0  }
0xbd: {  	[sflag:s0] =	ssyncadd.remote.s32 $0x1  }
0xbe: {  	_ =	sfence.sel $0xFFFF  }
0xbf: {  	[dreg:$0x0] =	wrdreg $0xFFFFFFFF;
	(pc) =	sbr.abs _section_cstart, $3  }
0xc0: {  	[dreg:$0x1] =	wrdreg $0xFFFFFFFF  }
0xc1: {  	_ =	task.clear_ibuf [dreg:s7], $0x2FFFF;
	_ =	strace $0x9FFFFFFF  }
0xc2: {  	(tm) =	ssettm $0x7FFFFFFF  }
0xc3: {  	_ =	shalt  }
tec
execute0_lowered:
.L_overlay_start_1:
0x0: {  	(tag) =	ssettag $0x1  }
0x1: {  	s0 =	srdreg.scid  }
0x2: {  	s2 =	stileid.u32;
	s1 =	rddreg [dreg:$0x0];
	s13 =	simm.s32 $0x5  }
0x3: {  	s14 =	simm.s32 $0x200;
	s16 =	simm.s32 $0xC800;
	s18 =	simm.s32 $0x10800  }
0x4: {  	s19 =	simm.s32 $0x1;
	s21 =	simm.s32 $0x2;
	s22 =	simm.s32 $0x6A00  }
0x5: {  	v1 =	vlaneseq.u32;
	s23 =	simm.s32 $0x3;
	s24 =	simm.s32 $0x4;
	s25 =	simm.s32 $0x0  }
0x6: {  	v2 =	vimm.s32 $0x0;
	vm0 =	vcmask $0x300;
	s0 =	sand.u32 $0x1, s0;
	s3 =	sshll.u32 s2, $0x1;
	s2 =	rddreg [dreg:$0x1];
	v0 =	vmul.u32 $0x88, v1  }
0x7: {  	v1 =	vmul.u32 $0xC8, v1;
	v2 =	vsel vm0, $0x3, v2;
	s5 =	sor.u32 s0, s3;
	s3 =	simm.s32 $0x0;
	s0 =	ssub.s32 $0x2, s0  }
0x8: {  	s7 =	sadd.s32 $0x10000, s2;
	s4 =	smul.u32 $0xC80, s5;
	[smem:$0x7FF] =	sst s3;
	v3 =	vadd.s32 $0x880, v0;
	v4 =	vor.u32 $0x1, v0;
	v5 =	vadd.s32 $0x881, v0  }
0x9: {  	s31 =	sshrl.u32 s0, $0x1;
	s5 =	sshll.u32 s5, $0x7;
	v6 =	vor.u32 $0x2, v0;
	v7 =	vadd.s32 $0x882, v0;
	v8 =	vor.u32 $0x3, v0;
	_ =	strace $0x80000047  }
0xa: {  	v9 =	vadd.s32 $0x883, v0;
	v10 =	vor.u32 $0x4, v0;
	v11 =	vadd.s32 $0x884, v0;
	s0 =	ssub.s32 s0, s31;
	s6 =	sadd.s32 s2, s5;
	s9 =	sadd.s32 s5, s7  }
0xb: {  	v12 =	vor.u32 $0x5, v0;
	v13 =	vadd.s32 $0x885, v0;
	v14 =	vor.u32 $0x6, v0;
	s8 =	sadd.s32 s4, s1;
	s4 =	sadd.s32 $0x19400, s1;
	s10 =	sadd.s32 $0x300000, s6  }
0xc: {  	v15 =	vadd.s32 $0x886, v0;
	v16 =	vor.u32 $0x7, v0;
	v17 =	vadd.s32 $0x887, v0;
	s11 =	sadd.s32 $0x310000, s6;
	s12 =	smax.u32 s0, $0x1;
	s8 =	sadd.s32 $0x400, s8  }
.LBB2_1:
0xd: {  	v18 =	vadd.s32 s3, v1  }
0xe: {  	[tilespmem:s3], [sflag:$0x5] =	stream.linear.gather [hbm4b:s8+s3], $0x6400, $0x38;
	[tilespmem:$0x1D000] =	vst v63  }
0xf: {  	_ =	swait.ge [sflag:s13], $0x6400  }
0x10: {  	[sflag:s13] =	ssyncset.done $0x0  }
0x11: {  	[sflag:s13] =	ssyncadd.s32 $0xFFFF9C00  }
0x12: {  	v18 =	vld.idx.msk [tilespmem:v18+s3+$0x0], $0xffff;
	_ =	sdelay $0x4  }
0x13: {  	s0 =	simm.s32 $0xC80;
	vm0 =	vgt.s32 v18, $0xFFFE7960  }
0x14: {  	v19 =	vadd.s32 s0, v1;
	v18 =	vnsel vm0, $0xFFFE7960, v18  }
0x15: {  	vm0 =	vlt.s32 v18, $0x186A0  }
0x16: {  	v18 =	vnsel vm0, $0x186A0, v18  }
0x17: {  	s0 =	simm.s32 $0x6440;
	v18 =	vadd.s32 $0x186A0, v18  }
0x18: {  	[tilespmem:s0+$0xFFFFFFC0] =	vst v18  }
0x19: {  	v18 =	vld.idx.msk [tilespmem:v19+s3+$0x0], $0xffff;
	_ =	sdelay $0x4  }
0x1a: {  	s1 =	simm.s32 $0x1900;
	vm9 =	vgt.s32 v18, $0xFFFE7960  }
0x1b: {  	v19 =	vadd.s32 s1, v1;
	v18 =	vnsel vm9, $0xFFFE7960, v18  }
0x1c: {  	vm0 =	vlt.s32 v18, $0x186A0  }
0x1d: {  	v18 =	vnsel vm0, $0x186A0, v18  }
0x1e: {  	v18 =	vadd.s32 $0x186A0, v18  }
0x1f: {  	[tilespmem:s0+$0xFFFFFFD0] =	vst v18  }
0x20: {  	v18 =	vld.idx.msk [tilespmem:v19+s3+$0x0], $0xffff;
	_ =	sdelay $0x4  }
0x21: {  	s26 =	simm.s32 $0x2580;
	vm10 =	vgt.s32 v18, $0xFFFE7960  }
0x22: {  	v19 =	vadd.s32 s26, v1;
	v18 =	vnsel vm10, $0xFFFE7960, v18  }
0x23: {  	vm0 =	vlt.s32 v18, $0x186A0  }
0x24: {  	v18 =	vnsel vm0, $0x186A0, v18  }
0x25: {  	v18 =	vadd.s32 $0x186A0, v18  }
0x26: {  	[tilespmem:s0+$0xFFFFFFE0] =	vst v18  }
0x27: {  	v18 =	vld.idx.msk [tilespmem:v19+s3+$0x0], $0xffff;
	_ =	sdelay $0x4  }
0x28: {  	s28 =	simm.s32 $0x3200;
	vm11 =	vgt.s32 v18, $0xFFFE7960  }
0x29: {  	v19 =	vadd.s32 s28, v1;
	v18 =	vnsel vm11, $0xFFFE7960, v18  }
0x2a: {  	vm0 =	vlt.s32 v18, $0x186A0  }
0x2b: {  	v18 =	vnsel vm0, $0x186A0, v18  }
0x2c: {  	v18 =	vadd.s32 $0x186A0, v18  }
0x2d: {  	[tilespmem:s0+$0xFFFFFFF0] =	vst v18  }
0x2e: {  	v18 =	vld.idx.msk [tilespmem:v19+s3+$0x0], $0xffff;
	_ =	sdelay $0x4  }
0x2f: {  	s29 =	simm.s32 $0x3E80;
	vm12 =	vgt.s32 v18, $0xFFFE7960  }
0x30: {  	v19 =	vadd.s32 s29, v1;
	v18 =	vnsel vm12, $0xFFFE7960, v18  }
0x31: {  	vm0 =	vlt.s32 v18, $0x186A0  }
0x32: {  	v18 =	vnsel vm0, $0x186A0, v18  }
0x33: {  	v18 =	vadd.s32 $0x186A0, v18  }
0x34: {  	[tilespmem:s0+$0x0] =	vst v18  }
0x35: {  	v18 =	vld.idx.msk [tilespmem:v19+s3+$0x0], $0xffff;
	_ =	sdelay $0x4  }
0x36: {  	s30 =	simm.s32 $0x4B00;
	vm13 =	vgt.s32 v18, $0xFFFE7960  }
0x37: {  	v19 =	vadd.s32 s30, v1;
	v18 =	vnsel vm13, $0xFFFE7960, v18  }
0x38: {  	vm0 =	vlt.s32 v18, $0x186A0  }
0x39: {  	v18 =	vnsel vm0, $0x186A0, v18  }
0x3a: {  	v18 =	vadd.s32 $0x186A0, v18  }
0x3b: {  	[tilespmem:s0+$0x10] =	vst v18  }
0x3c: {  	v18 =	vld.idx.msk [tilespmem:v19+s3+$0x0], $0xffff;
	_ =	sdelay $0x4  }
0x3d: {  	s31 =	simm.s32 $0x5780;
	vm14 =	vgt.s32 v18, $0xFFFE7960  }
0x3e: {  	v19 =	vadd.s32 s31, v1;
	v18 =	vnsel vm14, $0xFFFE7960, v18  }
0x3f: {  	vm0 =	vlt.s32 v18, $0x186A0  }
0x40: {  	v18 =	vnsel vm0, $0x186A0, v18  }
0x41: {  	v18 =	vadd.s32 $0x186A0, v18  }
0x42: {  	[tilespmem:s0+$0x20] =	vst v18  }
0x43: {  	v19 =	vld.idx.msk [tilespmem:v19+s3+$0x0], $0xffff;
	_ =	sdelay $0x4  }
0x44: {  	s1 =	simm.s32 $0x1;
	vm15 =	vgt.s32 v19, $0xFFFE7960  }
0x45: {  	s15 =	simm.s32 $0x2;
	v18 =	vadd.s32 s1, v1;
	v19 =	vnsel vm15, $0xFFFE7960, v19  }
.LBB2_2:
0x46: {  	p0 =	sne.s32 s15, $0xC7;
	vm0 =	vlt.s32 v19, $0x186A0  }
0x47: {  	v19 =	vnsel vm0, $0x186A0, v19  }
0x48: {  	v19 =	vadd.s32 $0x186A0, v19  }
0x49: {  	[tilespmem:s0+$0x30] =	vst v19  }
0x4a: {  	v18 =	vld.idx.msk [tilespmem:v18+s3+$0x0], $0xffff;
	_ =	sdelay $0x5  }
0x4b: {  	s17 =	sadd.s32 $0xC80, s1;
	vm0 =	vgt.s32 v18, $0xFFFE7960  }
0x4c: {  	v19 =	vadd.s32 s17, v1;
	v18 =	vnsel vm0, $0xFFFE7960, v18  }
0x4d: {  	vm0 =	vlt.s32 v18, $0x186A0  }
0x4e: {  	v18 =	vnsel vm0, $0x186A0, v18  }
0x4f: {  	s0 =	sadd.s32 $0x80, s0;
	v18 =	vadd.s32 $0x186A0, v18  }
0x50: {  	[tilespmem:s0+$0xFFFFFFC0] =	vst v18  }
0x51: {  	v18 =	vld.idx.msk [tilespmem:v19+s3+$0x0], $0xffff;
	_ =	sdelay $0x5  }
0x52: {  	s17 =	sadd.s32 $0x1900, s1;
	vm0 =	vgt.s32 v18, $0xFFFE7960  }
0x53: {  	v19 =	vadd.s32 s17, v1;
	v18 =	vnsel vm0, $0xFFFE7960, v18  }
0x54: {  	vm0 =	vlt.s32 v18, $0x186A0  }
0x55: {  	v18 =	vnsel vm0, $0x186A0, v18  }
0x56: {  	v18 =	vadd.s32 $0x186A0, v18  }
0x57: {  	[tilespmem:s0+$0xFFFFFFD0] =	vst v18  }
0x58: {  	v18 =	vld.idx.msk [tilespmem:v19+s3+$0x0], $0xffff;
	_ =	sdelay $0x5  }
0x59: {  	s17 =	sadd.s32 $0x2580, s1;
	vm0 =	vgt.s32 v18, $0xFFFE7960  }
0x5a: {  	v19 =	vadd.s32 s17, v1;
	v18 =	vnsel vm0, $0xFFFE7960, v18  }
0x5b: {  	vm0 =	vlt.s32 v18, $0x186A0  }
0x5c: {  	v18 =	vnsel vm0, $0x186A0, v18  }
0x5d: {  	v18 =	vadd.s32 $0x186A0, v18  }
0x5e: {  	[tilespmem:s0+$0xFFFFFFE0] =	vst v18  }
0x5f: {  	v18 =	vld.idx.msk [tilespmem:v19+s3+$0x0], $0xffff;
	_ =	sdelay $0x5  }
0x60: {  	s17 =	sadd.s32 $0x3200, s1;
	vm0 =	vgt.s32 v18, $0xFFFE7960  }
0x61: {  	v19 =	vadd.s32 s17, v1;
	v18 =	vnsel vm0, $0xFFFE7960, v18  }
0x62: {  	vm0 =	vlt.s32 v18, $0x186A0  }
0x63: {  	v18 =	vnsel vm0, $0x186A0, v18  }
0x64: {  	v18 =	vadd.s32 $0x186A0, v18  }
0x65: {  	[tilespmem:s0+$0xFFFFFFF0] =	vst v18  }
0x66: {  	v18 =	vld.idx.msk [tilespmem:v19+s3+$0x0], $0xffff;
	_ =	sdelay $0x5  }
0x67: {  	s17 =	sadd.s32 $0x3E80, s1;
	vm0 =	vgt.s32 v18, $0xFFFE7960  }
0x68: {  	v19 =	vadd.s32 s17, v1;
	v18 =	vnsel vm0, $0xFFFE7960, v18  }
0x69: {  	vm0 =	vlt.s32 v18, $0x186A0  }
0x6a: {  	v18 =	vnsel vm0, $0x186A0, v18  }
0x6b: {  	v18 =	vadd.s32 $0x186A0, v18  }
0x6c: {  	[tilespmem:s0+$0x0] =	vst v18  }
0x6d: {  	v18 =	vld.idx.msk [tilespmem:v19+s3+$0x0], $0xffff;
	_ =	sdelay $0x5  }
0x6e: {  	s17 =	sadd.s32 $0x4B00, s1;
	vm0 =	vgt.s32 v18, $0xFFFE7960  }
0x6f: {  	v19 =	vadd.s32 s17, v1;
	v18 =	vnsel vm0, $0xFFFE7960, v18  }
0x70: {  	vm0 =	vlt.s32 v18, $0x186A0  }
0x71: {  	v18 =	vnsel vm0, $0x186A0, v18  }
0x72: {  	v18 =	vadd.s32 $0x186A0, v18  }
0x73: {  	[tilespmem:s0+$0x10] =	vst v18  }
0x74: {  	v18 =	vld.idx.msk [tilespmem:v19+s3+$0x0], $0xffff;
	_ =	sdelay $0x5  }
0x75: {  	s17 =	sadd.s32 $0x5780, s1;
	s1 =	smov.u32 s15;
	vm0 =	vgt.s32 v18, $0xFFFE7960  }
0x76: {  	v19 =	vadd.s32 s17, v1;
	v18 =	vnsel vm0, $0xFFFE7960, v18  }
0x77: {  	vm0 =	vlt.s32 v18, $0x186A0  }
0x78: {  	v18 =	vnsel vm0, $0x186A0, v18  }
0x79: {  	v18 =	vadd.s32 $0x186A0, v18  }
0x7a: {  	[tilespmem:s0+$0x20] =	vst v18  }
0x7b: {  	v19 =	vld.idx.msk [tilespmem:v19+s3+$0x0], $0xffff;
	_ =	sdelay $0x2  }
.Ltmp0:
0x7c: {  	(pc) =	sbr.rel @p0 .LBB2_2-.Ltmp0, $3  }
0x7d: {  	_ =	sdelay $0x1  }
0x7e: {  	vm0 =	vgt.s32 v19, $0xFFFE7960  }
0x7f: {  	s15 =	sadd.s32 $0x1, s15;
	v18 =	vadd.s32 s1, v1;
	v19 =	vnsel vm0, $0xFFFE7960, v19  }
0x80: {  	vm0 =	vlt.s32 v19, $0x186A0  }
0x81: {  	v19 =	vnsel vm0, $0x186A0, v19  }
0x82: {  	v19 =	vadd.s32 $0x186A0, v19  }
0x83: {  	[tilespmem:s0+$0x30] =	vst v19  }
0x84: {  	v18 =	vld.idx.msk [tilespmem:v18+s3+$0x0], $0xffff;
	_ =	sdelay $0x4  }
0x85: {  	s15 =	sadd.s32 $0xC80, s1;
	vm8 =	vgt.s32 v18, $0xFFFE7960  }
0x86: {  	v19 =	vadd.s32 s15, v1;
	v18 =	vnsel vm8, $0xFFFE7960, v18  }
0x87: {  	vm0 =	vlt.s32 v18, $0x186A0  }
0x88: {  	v18 =	vnsel vm0, $0x186A0, v18  }
0x89: {  	s0 =	sadd.s32 $0x80, s0;
	v18 =	vadd.s32 $0x186A0, v18  }
0x8a: {  	[tilespmem:s0+$0xFFFFFFC0] =	vst v18  }
0x8b: {  	v18 =	vld.idx.msk [tilespmem:v19+s3+$0x0], $0xffff;
	_ =	sdelay $0x4  }
0x8c: {  	s17 =	sadd.s32 $0x1900, s1;
	vm9 =	vgt.s32 v18, $0xFFFE7960  }
0x8d: {  	v19 =	vadd.s32 s17, v1;
	v18 =	vnsel vm9, $0xFFFE7960, v18  }
0x8e: {  	vm0 =	vlt.s32 v18, $0x186A0  }
0x8f: {  	v18 =	vnsel vm0, $0x186A0, v18  }
0x90: {  	v18 =	vadd.s32 $0x186A0, v18  }
0x91: {  	[tilespmem:s0+$0xFFFFFFD0] =	vst v18  }
0x92: {  	v18 =	vld.idx.msk [tilespmem:v19+s3+$0x0], $0xffff;
	_ =	sdelay $0x4  }
0x93: {  	s20 =	sadd.s32 $0x2580, s1;
	vm10 =	vgt.s32 v18, $0xFFFE7960  }
0x94: {  	v19 =	vadd.s32 s20, v1;
	v18 =	vnsel vm10, $0xFFFE7960, v18  }
0x95: {  	vm0 =	vlt.s32 v18, $0x186A0  }
0x96: {  	v18 =	vnsel vm0, $0x186A0, v18  }
0x97: {  	v18 =	vadd.s32 $0x186A0, v18  }
0x98: {  	[tilespmem:s0+$0xFFFFFFE0] =	vst v18  }
0x99: {  	v18 =	vld.idx.msk [tilespmem:v19+s3+$0x0], $0xffff;
	_ =	sdelay $0x4  }
0x9a: {  	s26 =	sadd.s32 $0x3200, s1;
	vm11 =	vgt.s32 v18, $0xFFFE7960  }
0x9b: {  	v19 =	vadd.s32 s26, v1;
	v18 =	vnsel vm11, $0xFFFE7960, v18  }
0x9c: {  	vm0 =	vlt.s32 v18, $0x186A0  }
0x9d: {  	v18 =	vnsel vm0, $0x186A0, v18  }
0x9e: {  	v18 =	vadd.s32 $0x186A0, v18  }
0x9f: {  	[tilespmem:s0+$0xFFFFFFF0] =	vst v18  }
0xa0: {  	v18 =	vld.idx.msk [tilespmem:v19+s3+$0x0], $0xffff;
	_ =	sdelay $0x4  }
0xa1: {  	s30 =	sadd.s32 $0x3E80, s1;
	vm12 =	vgt.s32 v18, $0xFFFE7960  }
0xa2: {  	v19 =	vadd.s32 s30, v1;
	v18 =	vnsel vm12, $0xFFFE7960, v18  }
0xa3: {  	vm0 =	vlt.s32 v18, $0x186A0  }
0xa4: {  	v18 =	vnsel vm0, $0x186A0, v18  }
0xa5: {  	v18 =	vadd.s32 $0x186A0, v18  }
0xa6: {  	[tilespmem:s0+$0x0] =	vst v18  }
0xa7: {  	v18 =	vld.idx.msk [tilespmem:v19+s3+$0x0], $0xffff;
	_ =	sdelay $0x4  }
0xa8: {  	s31 =	sadd.s32 $0x4B00, s1;
	vm13 =	vgt.s32 v18, $0xFFFE7960  }
0xa9: {  	v19 =	vadd.s32 s31, v1;
	v18 =	vnsel vm13, $0xFFFE7960, v18  }
0xaa: {  	vm0 =	vlt.s32 v18, $0x186A0  }
0xab: {  	v18 =	vnsel vm0, $0x186A0, v18  }
0xac: {  	v18 =	vadd.s32 $0x186A0, v18  }
0xad: {  	[tilespmem:s0+$0x10] =	vst v18  }
0xae: {  	v18 =	vld.idx.msk [tilespmem:v19+s3+$0x0], $0xffff;
	_ =	sdelay $0x4  }
0xaf: {  	s17 =	sadd.s32 $0x5780, s1;
	vm14 =	vgt.s32 v18, $0xFFFE7960  }
0xb0: {  	v19 =	vadd.s32 s17, v1;
	v18 =	vnsel vm14, $0xFFFE7960, v18  }
0xb1: {  	vm0 =	vlt.s32 v18, $0x186A0  }
0xb2: {  	v18 =	vnsel vm0, $0x186A0, v18  }
0xb3: {  	v18 =	vadd.s32 $0x186A0, v18  }
0xb4: {  	[tilespmem:s0+$0x20] =	vst v18  }
0xb5: {  	v18 =	vld.idx.msk [tilespmem:v19+s3+$0x0], $0xffff;
	_ =	sdelay $0x4  }
0xb6: {  	vm15 =	vgt.s32 v18, $0xFFFE7960  }
0xb7: {  	v18 =	vnsel vm15, $0xFFFE7960, v18  }
0xb8: {  	vm0 =	vlt.s32 v18, $0x186A0  }
0xb9: {  	v18 =	vnsel vm0, $0x186A0, v18  }
0xba: {  	s26 =	simm.s32 $0x0;
	v18 =	vadd.s32 $0x186A0, v18  }
0xbb: {  	s20 =	simm.s32 $0x6400;
	[tilespmem:s0+$0x30] =	vst v18;
	s0 =	sand.u32 $0x70, s26  }
0xbc: {  	[tilespmem:s16], [sflag:$0x1] =	stream.indirect.gather [hbm4b:s4+s14], $0x20, s20, s14, $0xb8;
	[tilespmem:$0x1D000] =	vst v63  }
0xbd: {  	s30 =	simm.s32 $0x6600;
	v18 =	vmov s0  }
0xbe: {  	v18 =	vshrl.u32 v18, $0x3;
	[tilespmem:s18], [sflag:$0x2] =	stream.indirect.gather [hbm4b:s4+s14], $0x20, s30, s14, $0xb8;
	[tilespmem:$0x1D000] =	vst v63  }
0xbf: {  	v18 =	vshll.u32 v18, v2;
	_ =	swait.ge [sflag:s19], $0x4000  }
0xc0: {  	v18 =	vbroadcast v18, $0x0;
	[sflag:s19] =	ssyncset.done $0x0  }
0xc1: {  	s26 =	simm.s32 $0xC900;
	[sflag:s19] =	ssyncadd.s32 $0xFFFFC000  }
0xc2: {  	v20 =	vadd.s32 v0, v18;
	v19 =	vld [tilespmem:s26+$0xFFFFFF00]  }
0xc3: {  	s31 =	simm.s32 $0x0  }
0xc4: {  	s1 =	smul.u32 $0x4400, s31;
	_ =	sdelay $0x1  }
0xc5: {  	s28 =	sshra.s32 s1, $0x2  }
0xc6: {  	[tilespmem:v20+s28+$0x14800] =	vst.idx.msk $0xffff, v19  }
0xc7: {  	v20 =	vadd.s32 v3, v18;
	v19 =	vld [tilespmem:s26+$0xFFFFFF10];
	_ =	sdelay $0x4  }
0xc8: {  	[tilespmem:v20+s28+$0x14800] =	vst.idx.msk $0xffff, v19  }
0xc9: {  	v20 =	vadd.s32 v4, v18;
	v19 =	vld [tilespmem:s26+$0xFFFFFF20];
	_ =	sdelay $0x4  }
0xca: {  	[tilespmem:v20+s28+$0x14800] =	vst.idx.msk $0xffff, v19  }
0xcb: {  	v20 =	vadd.s32 v5, v18;
	v19 =	vld [tilespmem:s26+$0xFFFFFF30];
	_ =	sdelay $0x4  }
0xcc: {  	[tilespmem:v20+s28+$0x14800] =	vst.idx.msk $0xffff, v19  }
0xcd: {  	v20 =	vadd.s32 v6, v18;
	v19 =	vld [tilespmem:s26+$0xFFFFFF40];
	_ =	sdelay $0x4  }
0xce: {  	[tilespmem:v20+s28+$0x14800] =	vst.idx.msk $0xffff, v19  }
0xcf: {  	v20 =	vadd.s32 v7, v18;
	v19 =	vld [tilespmem:s26+$0xFFFFFF50];
	_ =	sdelay $0x4  }
0xd0: {  	[tilespmem:v20+s28+$0x14800] =	vst.idx.msk $0xffff, v19  }
0xd1: {  	v20 =	vadd.s32 v8, v18;
	v19 =	vld [tilespmem:s26+$0xFFFFFF60];
	_ =	sdelay $0x4  }
0xd2: {  	[tilespmem:v20+s28+$0x14800] =	vst.idx.msk $0xffff, v19  }
0xd3: {  	v20 =	vadd.s32 v9, v18;
	v19 =	vld [tilespmem:s26+$0xFFFFFF70];
	_ =	sdelay $0x4  }
0xd4: {  	[tilespmem:v20+s28+$0x14800] =	vst.idx.msk $0xffff, v19  }
0xd5: {  	v20 =	vadd.s32 v10, v18;
	v19 =	vld [tilespmem:s26+$0xFFFFFF80];
	_ =	sdelay $0x4  }
0xd6: {  	[tilespmem:v20+s28+$0x14800] =	vst.idx.msk $0xffff, v19  }
0xd7: {  	v20 =	vadd.s32 v11, v18;
	v19 =	vld [tilespmem:s26+$0xFFFFFF90];
	_ =	sdelay $0x4  }
0xd8: {  	[tilespmem:v20+s28+$0x14800] =	vst.idx.msk $0xffff, v19  }
0xd9: {  	v20 =	vadd.s32 v12, v18;
	v19 =	vld [tilespmem:s26+$0xFFFFFFA0];
	_ =	sdelay $0x4  }
0xda: {  	[tilespmem:v20+s28+$0x14800] =	vst.idx.msk $0xffff, v19  }
0xdb: {  	v20 =	vadd.s32 v13, v18;
	v19 =	vld [tilespmem:s26+$0xFFFFFFB0];
	_ =	sdelay $0x4  }
0xdc: {  	[tilespmem:v20+s28+$0x14800] =	vst.idx.msk $0xffff, v19  }
0xdd: {  	v20 =	vadd.s32 v14, v18;
	v19 =	vld [tilespmem:s26+$0xFFFFFFC0];
	_ =	sdelay $0x4  }
0xde: {  	[tilespmem:v20+s28+$0x14800] =	vst.idx.msk $0xffff, v19  }
0xdf: {  	v20 =	vadd.s32 v15, v18;
	v19 =	vld [tilespmem:s26+$0xFFFFFFD0];
	_ =	sdelay $0x4  }
0xe0: {  	[tilespmem:v20+s28+$0x14800] =	vst.idx.msk $0xffff, v19  }
0xe1: {  	v20 =	vadd.s32 v16, v18;
	v19 =	vld [tilespmem:s26+$0xFFFFFFE0];
	_ =	sdelay $0x4  }
0xe2: {  	[tilespmem:v20+s28+$0x14800] =	vst.idx.msk $0xffff, v19  }
0xe3: {  	s0 =	sor.u32 $0x8, s0;
	v18 =	vadd.s32 v17, v18;
	v19 =	vld [tilespmem:s26+$0xFFFFFFF0]  }
0xe4: {  	v20 =	vmov s0  }
0xe5: {  	v20 =	vshrl.u32 v20, $0x3  }
0xe6: {  	v20 =	vshll.u32 v20, v2  }
0xe7: {  	v20 =	vbroadcast v20, $0x0  }
0xe8: {  	[tilespmem:v18+s28+$0x14800] =	vst.idx.msk $0xffff, v19  }
0xe9: {  	v19 =	vadd.s32 v0, v20;
	v18 =	vld [tilespmem:s26+$0x0];
	_ =	sdelay $0x4  }
0xea: {  	[tilespmem:v19+s28+$0x14800] =	vst.idx.msk $0xffff, v18  }
0xeb: {  	v19 =	vadd.s32 v3, v20;
	v18 =	vld [tilespmem:s26+$0x10];
	_ =	sdelay $0x4  }
0xec: {  	[tilespmem:v19+s28+$0x14800] =	vst.idx.msk $0xffff, v18  }
0xed: {  	v19 =	vadd.s32 v4, v20;
	v18 =	vld [tilespmem:s26+$0x20];
	_ =	sdelay $0x4  }
0xee: {  	[tilespmem:v19+s28+$0x14800] =	vst.idx.msk $0xffff, v18  }
0xef: {  	v19 =	vadd.s32 v5, v20;
	v18 =	vld [tilespmem:s26+$0x30];
	_ =	sdelay $0x4  }
0xf0: {  	[tilespmem:v19+s28+$0x14800] =	vst.idx.msk $0xffff, v18  }
0xf1: {  	v19 =	vadd.s32 v6, v20;
	v18 =	vld [tilespmem:s26+$0x40];
	_ =	sdelay $0x4  }
0xf2: {  	[tilespmem:v19+s28+$0x14800] =	vst.idx.msk $0xffff, v18  }
0xf3: {  	v19 =	vadd.s32 v7, v20;
	v18 =	vld [tilespmem:s26+$0x50];
	_ =	sdelay $0x4  }
0xf4: {  	[tilespmem:v19+s28+$0x14800] =	vst.idx.msk $0xffff, v18  }
0xf5: {  	v19 =	vadd.s32 v8, v20;
	v18 =	vld [tilespmem:s26+$0x60];
	_ =	sdelay $0x4  }
0xf6: {  	[tilespmem:v19+s28+$0x14800] =	vst.idx.msk $0xffff, v18  }
0xf7: {  	v19 =	vadd.s32 v9, v20;
	v18 =	vld [tilespmem:s26+$0x70];
	_ =	sdelay $0x4  }
0xf8: {  	[tilespmem:v19+s28+$0x14800] =	vst.idx.msk $0xffff, v18  }
0xf9: {  	v19 =	vadd.s32 v10, v20;
	v18 =	vld [tilespmem:s26+$0x80];
	_ =	sdelay $0x4  }
0xfa: {  	[tilespmem:v19+s28+$0x14800] =	vst.idx.msk $0xffff, v18  }
0xfb: {  	v19 =	vadd.s32 v11, v20;
	v18 =	vld [tilespmem:s26+$0x90];
	_ =	sdelay $0x4  }
0xfc: {  	[tilespmem:v19+s28+$0x14800] =	vst.idx.msk $0xffff, v18  }
0xfd: {  	v19 =	vadd.s32 v12, v20;
	v18 =	vld [tilespmem:s26+$0xA0];
	_ =	sdelay $0x4  }
0xfe: {  	[tilespmem:v19+s28+$0x14800] =	vst.idx.msk $0xffff, v18  }
0xff: {  	v19 =	vadd.s32 v13, v20;
	v18 =	vld [tilespmem:s26+$0xB0];
	_ =	sdelay $0x4  }
0x100: {  	[tilespmem:v19+s28+$0x14800] =	vst.idx.msk $0xffff, v18  }
0x101: {  	v19 =	vadd.s32 v14, v20;
	v18 =	vld [tilespmem:s26+$0xC0];
	_ =	sdelay $0x4  }
0x102: {  	[tilespmem:v19+s28+$0x14800] =	vst.idx.msk $0xffff, v18  }
0x103: {  	v19 =	vadd.s32 v15, v20;
	v18 =	vld [tilespmem:s26+$0xD0];
	_ =	sdelay $0x4  }
0x104: {  	[tilespmem:v19+s28+$0x14800] =	vst.idx.msk $0xffff, v18  }
0x105: {  	v19 =	vadd.s32 v16, v20;
	v18 =	vld [tilespmem:s26+$0xE0];
	_ =	sdelay $0x4  }
0x106: {  	s0 =	simm.s32 $0x10;
	[tilespmem:v19+s28+$0x14800] =	vst.idx.msk $0xffff, v18  }
0x107: {  	s29 =	simm.s32 $0x1;
	s1 =	simm.s32 $0x2;
	s15 =	sand.u32 $0x70, s0;
	v20 =	vadd.s32 v17, v20;
	v19 =	vld [tilespmem:s26+$0xF0]  }
.LBB2_4:
0x108: {  	p0 =	sne.s32 s1, $0x1F;
	v18 =	vmov s15  }
0x109: {  	v18 =	vshrl.u32 v18, $0x3  }
0x10a: {  	v18 =	vshll.u32 v18, v2  }
0x10b: {  	v18 =	vbroadcast v18, $0x0  }
0x10c: {  	s26 =	sadd.s32 $0x200, s26;
	[tilespmem:v20+s28+$0x14800] =	vst.idx.msk $0xffff, v19  }
0x10d: {  	v19 =	vld [tilespmem:s26+$0xFFFFFF00];
	v20 =	vadd.s32 v0, v18  }
0x10e: {  	s17 =	sshrl.u32 s29, $0x3;
	s29 =	smov.u32 s1  }
0x10f: {  	s17 =	smul.u32 $0x4400, s17;
	_ =	sdelay $0x1  }
0x110: {  	s28 =	sshra.s32 s17, $0x2  }
0x111: {  	[tilespmem:v20+s28+$0x14800] =	vst.idx.msk $0xffff, v19  }
0x112: {  	v20 =	vadd.s32 v3, v18;
	v19 =	vld [tilespmem:s26+$0xFFFFFF10];
	_ =	sdelay $0x4  }
0x113: {  	[tilespmem:v20+s28+$0x14800] =	vst.idx.msk $0xffff, v19  }
0x114: {  	v20 =	vadd.s32 v4, v18;
	v19 =	vld [tilespmem:s26+$0xFFFFFF20];
	_ =	sdelay $0x4  }
0x115: {  	[tilespmem:v20+s28+$0x14800] =	vst.idx.msk $0xffff, v19  }
0x116: {  	v20 =	vadd.s32 v5, v18;
	v19 =	vld [tilespmem:s26+$0xFFFFFF30];
	_ =	sdelay $0x4  }
0x117: {  	[tilespmem:v20+s28+$0x14800] =	vst.idx.msk $0xffff, v19  }
0x118: {  	v20 =	vadd.s32 v6, v18;
	v19 =	vld [tilespmem:s26+$0xFFFFFF40];
	_ =	sdelay $0x4  }
0x119: {  	[tilespmem:v20+s28+$0x14800] =	vst.idx.msk $0xffff, v19  }
0x11a: {  	v20 =	vadd.s32 v7, v18;
	v19 =	vld [tilespmem:s26+$0xFFFFFF50];
	_ =	sdelay $0x4  }
0x11b: {  	[tilespmem:v20+s28+$0x14800] =	vst.idx.msk $0xffff, v19  }
0x11c: {  	v20 =	vadd.s32 v8, v18;
	v19 =	vld [tilespmem:s26+$0xFFFFFF60];
	_ =	sdelay $0x4  }
0x11d: {  	[tilespmem:v20+s28+$0x14800] =	vst.idx.msk $0xffff, v19  }
0x11e: {  	v20 =	vadd.s32 v9, v18;
	v19 =	vld [tilespmem:s26+$0xFFFFFF70];
	_ =	sdelay $0x4  }
0x11f: {  	[tilespmem:v20+s28+$0x14800] =	vst.idx.msk $0xffff, v19  }
0x120: {  	v20 =	vadd.s32 v10, v18;
	v19 =	vld [tilespmem:s26+$0xFFFFFF80];
	_ =	sdelay $0x4  }
0x121: {  	[tilespmem:v20+s28+$0x14800] =	vst.idx.msk $0xffff, v19  }
0x122: {  	v20 =	vadd.s32 v11, v18;
	v19 =	vld [tilespmem:s26+$0xFFFFFF90];
	_ =	sdelay $0x4  }
0x123: {  	[tilespmem:v20+s28+$0x14800] =	vst.idx.msk $0xffff, v19  }
0x124: {  	v20 =	vadd.s32 v12, v18;
	v19 =	vld [tilespmem:s26+$0xFFFFFFA0];
	_ =	sdelay $0x4  }
0x125: {  	[tilespmem:v20+s28+$0x14800] =	vst.idx.msk $0xffff, v19  }
0x126: {  	v20 =	vadd.s32 v13, v18;
	v19 =	vld [tilespmem:s26+$0xFFFFFFB0];
	_ =	sdelay $0x4  }
0x127: {  	[tilespmem:v20+s28+$0x14800] =	vst.idx.msk $0xffff, v19  }
0x128: {  	v20 =	vadd.s32 v14, v18;
	v19 =	vld [tilespmem:s26+$0xFFFFFFC0];
	_ =	sdelay $0x4  }
0x129: {  	[tilespmem:v20+s28+$0x14800] =	vst.idx.msk $0xffff, v19  }
0x12a: {  	v20 =	vadd.s32 v15, v18;
	v19 =	vld [tilespmem:s26+$0xFFFFFFD0];
	_ =	sdelay $0x4  }
0x12b: {  	[tilespmem:v20+s28+$0x14800] =	vst.idx.msk $0xffff, v19  }
0x12c: {  	v20 =	vadd.s32 v16, v18;
	v19 =	vld [tilespmem:s26+$0xFFFFFFE0];
	_ =	sdelay $0x4  }
0x12d: {  	[tilespmem:v20+s28+$0x14800] =	vst.idx.msk $0xffff, v19  }
0x12e: {  	s15 =	sor.u32 $0x8, s15;
	v20 =	vadd.s32 v17, v18;
	v19 =	vld [tilespmem:s26+$0xFFFFFFF0]  }
0x12f: {  	v18 =	vmov s15  }
0x130: {  	v18 =	vshrl.u32 v18, $0x3  }
0x131: {  	v18 =	vshll.u32 v18, v2  }
0x132: {  	v18 =	vbroadcast v18, $0x0  }
0x133: {  	[tilespmem:v20+s28+$0x14800] =	vst.idx.msk $0xffff, v19  }
0x134: {  	v20 =	vadd.s32 v0, v18;
	v19 =	vld [tilespmem:s26+$0x0];
	_ =	sdelay $0x4  }
0x135: {  	[tilespmem:v20+s28+$0x14800] =	vst.idx.msk $0xffff, v19  }
0x136: {  	v20 =	vadd.s32 v3, v18;
	v19 =	vld [tilespmem:s26+$0x10];
	_ =	sdelay $0x4  }
0x137: {  	[tilespmem:v20+s28+$0x14800] =	vst.idx.msk $0xffff, v19  }
0x138: {  	v20 =	vadd.s32 v4, v18;
	v19 =	vld [tilespmem:s26+$0x20];
	_ =	sdelay $0x4  }
0x139: {  	[tilespmem:v20+s28+$0x14800] =	vst.idx.msk $0xffff, v19  }
0x13a: {  	v20 =	vadd.s32 v5, v18;
	v19 =	vld [tilespmem:s26+$0x30];
	_ =	sdelay $0x4  }
0x13b: {  	[tilespmem:v20+s28+$0x14800] =	vst.idx.msk $0xffff, v19  }
0x13c: {  	v20 =	vadd.s32 v6, v18;
	v19 =	vld [tilespmem:s26+$0x40];
	_ =	sdelay $0x4  }
0x13d: {  	[tilespmem:v20+s28+$0x14800] =	vst.idx.msk $0xffff, v19  }
0x13e: {  	v20 =	vadd.s32 v7, v18;
	v19 =	vld [tilespmem:s26+$0x50];
	_ =	sdelay $0x4  }
0x13f: {  	[tilespmem:v20+s28+$0x14800] =	vst.idx.msk $0xffff, v19  }
0x140: {  	v20 =	vadd.s32 v8, v18;
	v19 =	vld [tilespmem:s26+$0x60];
	_ =	sdelay $0x4  }
0x141: {  	[tilespmem:v20+s28+$0x14800] =	vst.idx.msk $0xffff, v19  }
0x142: {  	v20 =	vadd.s32 v9, v18;
	v19 =	vld [tilespmem:s26+$0x70];
	_ =	sdelay $0x4  }
0x143: {  	[tilespmem:v20+s28+$0x14800] =	vst.idx.msk $0xffff, v19  }
0x144: {  	v20 =	vadd.s32 v10, v18;
	v19 =	vld [tilespmem:s26+$0x80];
	_ =	sdelay $0x4  }
0x145: {  	[tilespmem:v20+s28+$0x14800] =	vst.idx.msk $0xffff, v19  }
0x146: {  	v20 =	vadd.s32 v11, v18;
	v19 =	vld [tilespmem:s26+$0x90];
	_ =	sdelay $0x4  }
0x147: {  	[tilespmem:v20+s28+$0x14800] =	vst.idx.msk $0xffff, v19  }
0x148: {  	v20 =	vadd.s32 v12, v18;
	v19 =	vld [tilespmem:s26+$0xA0];
	_ =	sdelay $0x4  }
0x149: {  	[tilespmem:v20+s28+$0x14800] =	vst.idx.msk $0xffff, v19  }
0x14a: {  	v20 =	vadd.s32 v13, v18;
	v19 =	vld [tilespmem:s26+$0xB0];
	_ =	sdelay $0x4  }
0x14b: {  	[tilespmem:v20+s28+$0x14800] =	vst.idx.msk $0xffff, v19  }
0x14c: {  	v20 =	vadd.s32 v14, v18;
	v19 =	vld [tilespmem:s26+$0xC0];
	_ =	sdelay $0x4  }
0x14d: {  	[tilespmem:v20+s28+$0x14800] =	vst.idx.msk $0xffff, v19  }
0x14e: {  	v20 =	vadd.s32 v15, v18;
	v19 =	vld [tilespmem:s26+$0xD0];
	_ =	sdelay $0x4  }
0x14f: {  	[tilespmem:v20+s28+$0x14800] =	vst.idx.msk $0xffff, v19  }
0x150: {  	v20 =	vadd.s32 v16, v18;
	v19 =	vld [tilespmem:s26+$0xE0];
	_ =	sdelay $0x1  }
.Ltmp1:
0x151: {  	(pc) =	sbr.rel @p0 .LBB2_4-.Ltmp1, $3  }
0x152: {  	_ =	sdelay $0x1  }
0x153: {  	s0 =	sadd.s32 $0x10, s0;
	[tilespmem:v20+s28+$0x14800] =	vst.idx.msk $0xffff, v19  }
0x154: {  	s1 =	sadd.s32 $0x1, s1;
	s15 =	sand.u32 $0x70, s0;
	v20 =	vadd.s32 v17, v18;
	v19 =	vld [tilespmem:s26+$0xF0]  }
0x155: {  	v18 =	vmov s15  }
0x156: {  	v18 =	vshrl.u32 v18, $0x3  }
0x157: {  	v18 =	vshll.u32 v18, v2  }
0x158: {  	v18 =	vbroadcast v18, $0x0  }
0x159: {  	s0 =	sadd.s32 $0x200, s26;
	[tilespmem:v20+s28+$0x14800] =	vst.idx.msk $0xffff, v19  }
0x15a: {  	v19 =	vld [tilespmem:s0+$0xFFFFFF00];
	v48 =	vadd.s32 v0, v18  }
0x15b: {  	s1 =	sshrl.u32 s29, $0x3  }
0x15c: {  	s1 =	smul.u32 $0x4400, s1;
	_ =	sdelay $0x1  }
0x15d: {  	s1 =	sshra.s32 s1, $0x2  }
0x15e: {  	[tilespmem:v48+s1+$0x14800] =	vst.idx.msk $0xffff, v19  }
0x15f: {  	v49 =	vadd.s32 v3, v18;
	v19 =	vld [tilespmem:s0+$0xFFFFFF10];
	_ =	sdelay $0x4  }
0x160: {  	[tilespmem:v49+s1+$0x14800] =	vst.idx.msk $0xffff, v19  }
0x161: {  	v50 =	vadd.s32 v4, v18;
	v19 =	vld [tilespmem:s0+$0xFFFFFF20];
	_ =	sdelay $0x4  }
0x162: {  	[tilespmem:v50+s1+$0x14800] =	vst.idx.msk $0xffff, v19  }
0x163: {  	v51 =	vadd.s32 v5, v18;
	v19 =	vld [tilespmem:s0+$0xFFFFFF30];
	_ =	sdelay $0x4  }
0x164: {  	[tilespmem:v51+s1+$0x14800] =	vst.idx.msk $0xffff, v19  }
0x165: {  	v52 =	vadd.s32 v6, v18;
	v19 =	vld [tilespmem:s0+$0xFFFFFF40];
	_ =	sdelay $0x4  }
0x166: {  	[tilespmem:v52+s1+$0x14800] =	vst.idx.msk $0xffff, v19  }
0x167: {  	v53 =	vadd.s32 v7, v18;
	v19 =	vld [tilespmem:s0+$0xFFFFFF50];
	_ =	sdelay $0x4  }
0x168: {  	[tilespmem:v53+s1+$0x14800] =	vst.idx.msk $0xffff, v19  }
0x169: {  	v54 =	vadd.s32 v8, v18;
	v19 =	vld [tilespmem:s0+$0xFFFFFF60];
	_ =	sdelay $0x4  }
0x16a: {  	[tilespmem:v54+s1+$0x14800] =	vst.idx.msk $0xffff, v19  }
0x16b: {  	v55 =	vadd.s32 v9, v18;
	v19 =	vld [tilespmem:s0+$0xFFFFFF70];
	_ =	sdelay $0x4  }
0x16c: {  	[tilespmem:v55+s1+$0x14800] =	vst.idx.msk $0xffff, v19  }
0x16d: {  	v56 =	vadd.s32 v10, v18;
	v19 =	vld [tilespmem:s0+$0xFFFFFF80];
	_ =	sdelay $0x4  }
0x16e: {  	[tilespmem:v56+s1+$0x14800] =	vst.idx.msk $0xffff, v19  }
0x16f: {  	v57 =	vadd.s32 v11, v18;
	v19 =	vld [tilespmem:s0+$0xFFFFFF90];
	_ =	sdelay $0x4  }
0x170: {  	[tilespmem:v57+s1+$0x14800] =	vst.idx.msk $0xffff, v19  }
0x171: {  	v58 =	vadd.s32 v12, v18;
	v19 =	vld [tilespmem:s0+$0xFFFFFFA0];
	_ =	sdelay $0x4  }
0x172: {  	[tilespmem:v58+s1+$0x14800] =	vst.idx.msk $0xffff, v19  }
0x173: {  	v59 =	vadd.s32 v13, v18;
	v19 =	vld [tilespmem:s0+$0xFFFFFFB0];
	_ =	sdelay $0x4  }
0x174: {  	[tilespmem:v59+s1+$0x14800] =	vst.idx.msk $0xffff, v19  }
0x175: {  	v60 =	vadd.s32 v14, v18;
	v19 =	vld [tilespmem:s0+$0xFFFFFFC0];
	_ =	sdelay $0x4  }
0x176: {  	[tilespmem:v60+s1+$0x14800] =	vst.idx.msk $0xffff, v19  }
0x177: {  	v61 =	vadd.s32 v15, v18;
	v19 =	vld [tilespmem:s0+$0xFFFFFFD0];
	_ =	sdelay $0x4  }
0x178: {  	[tilespmem:v61+s1+$0x14800] =	vst.idx.msk $0xffff, v19  }
0x179: {  	v62 =	vadd.s32 v16, v18;
	v19 =	vld [tilespmem:s0+$0xFFFFFFE0];
	_ =	sdelay $0x4  }
0x17a: {  	[tilespmem:v62+s1+$0x14800] =	vst.idx.msk $0xffff, v19  }
0x17b: {  	s20 =	sor.u32 $0x8, s15;
	v18 =	vadd.s32 v17, v18;
	v19 =	vld [tilespmem:s0+$0xFFFFFFF0]  }
0x17c: {  	v63 =	vmov s20  }
0x17d: {  	v20 =	vshrl.u32 v63, $0x3  }
0x17e: {  	v20 =	vshll.u32 v20, v2  }
0x17f: {  	v20 =	vbroadcast v20, $0x0  }
0x180: {  	[tilespmem:v18+s1+$0x14800] =	vst.idx.msk $0xffff, v19  }
0x181: {  	v19 =	vadd.s32 v0, v20;
	v18 =	vld [tilespmem:s0+$0x0];
	_ =	sdelay $0x4  }
0x182: {  	[tilespmem:v19+s1+$0x14800] =	vst.idx.msk $0xffff, v18  }
0x183: {  	v19 =	vadd.s32 v3, v20;
	v18 =	vld [tilespmem:s0+$0x10];
	_ =	sdelay $0x4  }
0x184: {  	[tilespmem:v19+s1+$0x14800] =	vst.idx.msk $0xffff, v18  }
0x185: {  	v19 =	vadd.s32 v4, v20;
	v18 =	vld [tilespmem:s0+$0x20];
	_ =	sdelay $0x4  }
0x186: {  	[tilespmem:v19+s1+$0x14800] =	vst.idx.msk $0xffff, v18  }
0x187: {  	v19 =	vadd.s32 v5, v20;
	v18 =	vld [tilespmem:s0+$0x30];
	_ =	sdelay $0x4  }
0x188: {  	[tilespmem:v19+s1+$0x14800] =	vst.idx.msk $0xffff, v18  }
0x189: {  	v19 =	vadd.s32 v6, v20;
	v18 =	vld [tilespmem:s0+$0x40];
	_ =	sdelay $0x4  }
0x18a: {  	[tilespmem:v19+s1+$0x14800] =	vst.idx.msk $0xffff, v18  }
0x18b: {  	v19 =	vadd.s32 v7, v20;
	v18 =	vld [tilespmem:s0+$0x50];
	_ =	sdelay $0x4  }
0x18c: {  	[tilespmem:v19+s1+$0x14800] =	vst.idx.msk $0xffff, v18  }
0x18d: {  	v19 =	vadd.s32 v8, v20;
	v18 =	vld [tilespmem:s0+$0x60];
	_ =	sdelay $0x4  }
0x18e: {  	[tilespmem:v19+s1+$0x14800] =	vst.idx.msk $0xffff, v18  }
0x18f: {  	v19 =	vadd.s32 v9, v20;
	v18 =	vld [tilespmem:s0+$0x70];
	_ =	sdelay $0x4  }
0x190: {  	[tilespmem:v19+s1+$0x14800] =	vst.idx.msk $0xffff, v18  }
0x191: {  	v19 =	vadd.s32 v10, v20;
	v18 =	vld [tilespmem:s0+$0x80];
	_ =	sdelay $0x4  }
0x192: {  	[tilespmem:v19+s1+$0x14800] =	vst.idx.msk $0xffff, v18  }
0x193: {  	v19 =	vadd.s32 v11, v20;
	v18 =	vld [tilespmem:s0+$0x90];
	_ =	sdelay $0x4  }
0x194: {  	[tilespmem:v19+s1+$0x14800] =	vst.idx.msk $0xffff, v18  }
0x195: {  	v19 =	vadd.s32 v12, v20;
	v18 =	vld [tilespmem:s0+$0xA0];
	_ =	sdelay $0x4  }
0x196: {  	[tilespmem:v19+s1+$0x14800] =	vst.idx.msk $0xffff, v18  }
0x197: {  	v19 =	vadd.s32 v13, v20;
	v18 =	vld [tilespmem:s0+$0xB0];
	_ =	sdelay $0x4  }
0x198: {  	[tilespmem:v19+s1+$0x14800] =	vst.idx.msk $0xffff, v18  }
0x199: {  	v19 =	vadd.s32 v14, v20;
	v18 =	vld [tilespmem:s0+$0xC0];
	_ =	sdelay $0x4  }
0x19a: {  	[tilespmem:v19+s1+$0x14800] =	vst.idx.msk $0xffff, v18  }
0x19b: {  	v19 =	vadd.s32 v15, v20;
	v18 =	vld [tilespmem:s0+$0xD0];
	_ =	sdelay $0x4  }
0x19c: {  	[tilespmem:v19+s1+$0x14800] =	vst.idx.msk $0xffff, v18  }
0x19d: {  	v19 =	vadd.s32 v16, v20;
	v18 =	vld [tilespmem:s0+$0xE0];
	_ =	sdelay $0x4  }
0x19e: {  	[tilespmem:v19+s1+$0x14800] =	vst.idx.msk $0xffff, v18  }
0x19f: {  	v19 =	vadd.s32 v17, v20;
	v18 =	vld [tilespmem:s0+$0xF0];
	_ =	sdelay $0x4  }
0x1a0: {  	s26 =	simm.s32 $0x14800;
	[tilespmem:v19+s1+$0x14800] =	vst.idx.msk $0xffff, v18  }
0x1a1: {  	[hbm4b:s6+s3] =	stream.linear.scatter [tilespmem:s26], [sflag:$0x3], $0x80, $0x38;
	[tilespmem:$0x1D000] =	vst v63  }
0x1a2: {  	s29 =	sadd.s32 $0x10, s6;
	s28 =	simm.s32 $0x14888  }
0x1a3: {  	[hbm4b:s29+s3] =	stream.linear.scatter [tilespmem:s28], [sflag:$0x3], $0x80, $0x38;
	[tilespmem:$0x1D000] =	vst v63  }
0x1a4: {  	s30 =	simm.s32 $0x14910;
	s31 =	sadd.s32 $0x20, s6;
	s15 =	simm.s32 $0x14998  }
0x1a5: {  	[hbm4b:s31+s3] =	stream.linear.scatter [tilespmem:s30], [sflag:$0x3], $0x80, $0x38;
	[tilespmem:$0x1D000] =	vst v63  }
0x1a6: {  	s17 =	sadd.s32 $0x30, s6;
	s20 =	simm.s32 $0x14A20;
	s0 =	simm.s32 $0x440  }
0x1a7: {  	[hbm4b:s17+s3] =	stream.linear.scatter [tilespmem:s15], [sflag:$0x3], $0x80, $0x38;
	[tilespmem:$0x1D000] =	vst v63  }
0x1a8: {  	s1 =	sadd.s32 $0x1000, s6;
	s26 =	sadd.s32 $0x40, s6;
	s28 =	simm.s32 $0x14AA8  }
0x1a9: {  	[hbm4b:s26+s3] =	stream.linear.scatter [tilespmem:s20], [sflag:$0x3], $0x80, $0x38;
	[tilespmem:$0x1D000] =	vst v63  }
0x1aa: {  	s29 =	sadd.s32 $0x50, s6;
	s30 =	simm.s32 $0x14B30;
	s31 =	sadd.s32 $0x60, s6  }
0x1ab: {  	[hbm4b:s29+s3] =	stream.linear.scatter [tilespmem:s28], [sflag:$0x3], $0x80, $0x38;
	[tilespmem:$0x1D000] =	vst v63  }
0x1ac: {  	s15 =	simm.s32 $0x2200;
	s17 =	simm.s32 $0x14BB8;
	s20 =	sadd.s32 $0x70, s6  }
0x1ad: {  	[hbm4b:s31+s3] =	stream.linear.scatter [tilespmem:s30], [sflag:$0x3], $0x80, $0x38;
	[tilespmem:$0x1D000] =	vst v63  }
.LBB2_6:
0x1ae: {  	[hbm4b:s20+s3] =	stream.linear.scatter [tilespmem:s17], [sflag:$0x3], $0x80, $0x38;
	[tilespmem:$0x1D000] =	vst v63  }
0x1af: {  	s17 =	smov.u32 s0;
	s0 =	smov.u32 s15  }
0x1b0: {  	s26 =	sadd.s32 $0x1100, s15;
	s0 =	sshra.s32 s0, $0x2;
	s20 =	sadd.s32 $0x14800, s17  }
0x1b1: {  	[hbm4b:s1+s3] =	stream.linear.scatter [tilespmem:s20], [sflag:$0x3], $0x80, $0x38;
	[tilespmem:$0x1D000] =	vst v63  }
0x1b2: {  	p0 =	sne.s32 s15, $0xFF00;
	s15 =	sadd.s32 $0x14888, s17;
	s20 =	sadd.s32 $0x10, s1  }
0x1b3: {  	[hbm4b:s20+s3] =	stream.linear.scatter [tilespmem:s15], [sflag:$0x3], $0x80, $0x38;
	[tilespmem:$0x1D000] =	vst v63  }
0x1b4: {  	s15 =	sadd.s32 $0x14910, s17;
	s20 =	sadd.s32 $0x20, s1  }
0x1b5: {  	[hbm4b:s20+s3] =	stream.linear.scatter [tilespmem:s15], [sflag:$0x3], $0x80, $0x38;
	[tilespmem:$0x1D000] =	vst v63  }
0x1b6: {  	s15 =	sadd.s32 $0x14998, s17;
	s20 =	sadd.s32 $0x30, s1  }
0x1b7: {  	[hbm4b:s20+s3] =	stream.linear.scatter [tilespmem:s15], [sflag:$0x3], $0x80, $0x38;
	[tilespmem:$0x1D000] =	vst v63  }
0x1b8: {  	s15 =	sadd.s32 $0x14A20, s17;
	s20 =	sadd.s32 $0x40, s1  }
0x1b9: {  	[hbm4b:s20+s3] =	stream.linear.scatter [tilespmem:s15], [sflag:$0x3], $0x80, $0x38;
	[tilespmem:$0x1D000] =	vst v63  }
.Ltmp2:
0x1ba: {  	s15 =	sadd.s32 $0x14AA8, s17;
	s20 =	sadd.s32 $0x50, s1;
	(pc) =	sbr.rel @p0 .LBB2_6-.Ltmp2, $4  }
0x1bb: {  	[hbm4b:s20+s3] =	stream.linear.scatter [tilespmem:s15], [sflag:$0x3], $0x80, $0x38;
	[tilespmem:$0x1D000] =	vst v63  }
0x1bc: {  	s15 =	sadd.s32 $0x14B30, s17;
	s20 =	sadd.s32 $0x60, s1;
	s17 =	sadd.s32 $0x14BB8, s17  }
0x1bd: {  	[hbm4b:s20+s3] =	stream.linear.scatter [tilespmem:s15], [sflag:$0x3], $0x80, $0x38;
	[tilespmem:$0x1D000] =	vst v63  }
0x1be: {  	s20 =	sadd.s32 $0x70, s1;
	s1 =	sadd.s32 $0x1000, s1;
	s15 =	smov.u32 s26  }
0x1bf: {  	[hbm4b:s20+s3] =	stream.linear.scatter [tilespmem:s17], [sflag:$0x3], $0x80, $0x38;
	[tilespmem:$0x1D000] =	vst v63  }
0x1c0: {  	s15 =	sadd.s32 $0x14800, s0  }
0x1c1: {  	[hbm4b:s1+s3] =	stream.linear.scatter [tilespmem:s15], [sflag:$0x3], $0x80, $0x38;
	[tilespmem:$0x1D000] =	vst v63  }
0x1c2: {  	s20 =	sadd.s32 $0x14888, s0;
	s26 =	sadd.s32 $0x10, s1  }
0x1c3: {  	[hbm4b:s26+s3] =	stream.linear.scatter [tilespmem:s20], [sflag:$0x3], $0x80, $0x38;
	[tilespmem:$0x1D000] =	vst v63  }
0x1c4: {  	s30 =	sadd.s32 $0x14910, s0;
	s31 =	sadd.s32 $0x20, s1  }
0x1c5: {  	[hbm4b:s31+s3] =	stream.linear.scatter [tilespmem:s30], [sflag:$0x3], $0x80, $0x38;
	[tilespmem:$0x1D000] =	vst v63  }
0x1c6: {  	s20 =	sadd.s32 $0x14998, s0;
	s26 =	sadd.s32 $0x30, s1  }
0x1c7: {  	[hbm4b:s26+s3] =	stream.linear.scatter [tilespmem:s20], [sflag:$0x3], $0x80, $0x38;
	[tilespmem:$0x1D000] =	vst v63  }
0x1c8: {  	s30 =	sadd.s32 $0x14A20, s0;
	s31 =	sadd.s32 $0x40, s1  }
0x1c9: {  	[hbm4b:s31+s3] =	stream.linear.scatter [tilespmem:s30], [sflag:$0x3], $0x80, $0x38;
	[tilespmem:$0x1D000] =	vst v63  }
0x1ca: {  	s17 =	sadd.s32 $0x14AA8, s0;
	s20 =	sadd.s32 $0x50, s1  }
0x1cb: {  	[hbm4b:s20+s3] =	stream.linear.scatter [tilespmem:s17], [sflag:$0x3], $0x80, $0x38;
	[tilespmem:$0x1D000] =	vst v63  }
0x1cc: {  	s26 =	sadd.s32 $0x14B30, s0;
	s30 =	sadd.s32 $0x60, s1  }
0x1cd: {  	[hbm4b:s30+s3] =	stream.linear.scatter [tilespmem:s26], [sflag:$0x3], $0x80, $0x38;
	[tilespmem:$0x1D000] =	vst v63  }
0x1ce: {  	s26 =	simm.s32 $0x0  }
0x1cf: {  	s15 =	sadd.s32 $0x70, s1;
	s31 =	sadd.s32 $0x14BB8, s0;
	s17 =	sand.u32 $0x70, s26  }
0x1d0: {  	[hbm4b:s15+s3] =	stream.linear.scatter [tilespmem:s31], [sflag:$0x3], $0x80, $0x38;
	[tilespmem:$0x1D000] =	vst v63  }
0x1d1: {  	s20 =	simm.s32 $0x6800;
	v18 =	vmov s17  }
0x1d2: {  	v18 =	vshrl.u32 v18, $0x3;
	[tilespmem:s16], [sflag:$0x1] =	stream.indirect.gather [hbm4b:s4+s14], $0x20, s20, s14, $0xb8;
	[tilespmem:$0x1D000] =	vst v63  }
0x1d3: {  	v18 =	vshll.u32 v18, v2;
	_ =	swait.ge [sflag:s21], $0x4000  }
0x1d4: {  	v18 =	vbroadcast v18, $0x0;
	[sflag:s21] =	ssyncset.done $0x0  }
0x1d5: {  	s30 =	simm.s32 $0x0;
	[sflag:s21] =	ssyncadd.s32 $0xFFFFC000  }
0x1d6: {  	v20 =	vadd.s32 v0, v18;
	v19 =	vld [tilespmem:s30+$0x10800]  }
0x1d7: {  	s31 =	simm.s32 $0x0  }
0x1d8: {  	s1 =	smul.u32 $0x4400, s31;
	_ =	sdelay $0x1  }
0x1d9: {  	s28 =	sshra.s32 s1, $0x2  }
0x1da: {  	[tilespmem:v20+s28+$0x18C00] =	vst.idx.msk $0xffff, v19  }
0x1db: {  	v20 =	vadd.s32 v3, v18;
	v19 =	vld [tilespmem:s30+$0x10810];
	_ =	sdelay $0x4  }
0x1dc: {  	[tilespmem:v20+s28+$0x18C00] =	vst.idx.msk $0xffff, v19  }
0x1dd: {  	v20 =	vadd.s32 v4, v18;
	v19 =	vld [tilespmem:s30+$0x10820];
	_ =	sdelay $0x4  }
0x1de: {  	[tilespmem:v20+s28+$0x18C00] =	vst.idx.msk $0xffff, v19  }
0x1df: {  	v20 =	vadd.s32 v5, v18;
	v19 =	vld [tilespmem:s30+$0x10830];
	_ =	sdelay $0x4  }
0x1e0: {  	[tilespmem:v20+s28+$0x18C00] =	vst.idx.msk $0xffff, v19  }
0x1e1: {  	v20 =	vadd.s32 v6, v18;
	v19 =	vld [tilespmem:s30+$0x10840];
	_ =	sdelay $0x4  }
0x1e2: {  	[tilespmem:v20+s28+$0x18C00] =	vst.idx.msk $0xffff, v19  }
0x1e3: {  	v20 =	vadd.s32 v7, v18;
	v19 =	vld [tilespmem:s30+$0x10850];
	_ =	sdelay $0x4  }
0x1e4: {  	[tilespmem:v20+s28+$0x18C00] =	vst.idx.msk $0xffff, v19  }
0x1e5: {  	v20 =	vadd.s32 v8, v18;
	v19 =	vld [tilespmem:s30+$0x10860];
	_ =	sdelay $0x4  }
0x1e6: {  	[tilespmem:v20+s28+$0x18C00] =	vst.idx.msk $0xffff, v19  }
0x1e7: {  	v20 =	vadd.s32 v9, v18;
	v19 =	vld [tilespmem:s30+$0x10870];
	_ =	sdelay $0x4  }
0x1e8: {  	[tilespmem:v20+s28+$0x18C00] =	vst.idx.msk $0xffff, v19  }
0x1e9: {  	v20 =	vadd.s32 v10, v18;
	v19 =	vld [tilespmem:s30+$0x10880];
	_ =	sdelay $0x4  }
0x1ea: {  	[tilespmem:v20+s28+$0x18C00] =	vst.idx.msk $0xffff, v19  }
0x1eb: {  	v20 =	vadd.s32 v11, v18;
	v19 =	vld [tilespmem:s30+$0x10890];
	_ =	sdelay $0x4  }
0x1ec: {  	[tilespmem:v20+s28+$0x18C00] =	vst.idx.msk $0xffff, v19  }
0x1ed: {  	v20 =	vadd.s32 v12, v18;
	v19 =	vld [tilespmem:s30+$0x108A0];
	_ =	sdelay $0x4  }
0x1ee: {  	[tilespmem:v20+s28+$0x18C00] =	vst.idx.msk $0xffff, v19  }
0x1ef: {  	v20 =	vadd.s32 v13, v18;
	v19 =	vld [tilespmem:s30+$0x108B0];
	_ =	sdelay $0x4  }
0x1f0: {  	[tilespmem:v20+s28+$0x18C00] =	vst.idx.msk $0xffff, v19  }
0x1f1: {  	v20 =	vadd.s32 v14, v18;
	v19 =	vld [tilespmem:s30+$0x108C0];
	_ =	sdelay $0x4  }
0x1f2: {  	[tilespmem:v20+s28+$0x18C00] =	vst.idx.msk $0xffff, v19  }
0x1f3: {  	v20 =	vadd.s32 v15, v18;
	v19 =	vld [tilespmem:s30+$0x108D0];
	_ =	sdelay $0x4  }
0x1f4: {  	[tilespmem:v20+s28+$0x18C00] =	vst.idx.msk $0xffff, v19  }
0x1f5: {  	v20 =	vadd.s32 v16, v18;
	v19 =	vld [tilespmem:s30+$0x108E0];
	_ =	sdelay $0x4  }
0x1f6: {  	[tilespmem:v20+s28+$0x18C00] =	vst.idx.msk $0xffff, v19  }
0x1f7: {  	s0 =	sor.u32 $0x8, s17;
	v18 =	vadd.s32 v17, v18;
	v19 =	vld [tilespmem:s30+$0x108F0]  }
0x1f8: {  	v20 =	vmov s0  }
0x1f9: {  	v20 =	vshrl.u32 v20, $0x3  }
0x1fa: {  	v20 =	vshll.u32 v20, v2  }
0x1fb: {  	v20 =	vbroadcast v20, $0x0  }
0x1fc: {  	[tilespmem:v18+s28+$0x18C00] =	vst.idx.msk $0xffff, v19  }
0x1fd: {  	v19 =	vadd.s32 v0, v20;
	v18 =	vld [tilespmem:s30+$0x10900];
	_ =	sdelay $0x4  }
0x1fe: {  	[tilespmem:v19+s28+$0x18C00] =	vst.idx.msk $0xffff, v18  }
0x1ff: {  	v19 =	vadd.s32 v3, v20;
	v18 =	vld [tilespmem:s30+$0x10910];
	_ =	sdelay $0x4  }
0x200: {  	[tilespmem:v19+s28+$0x18C00] =	vst.idx.msk $0xffff, v18  }
0x201: {  	v19 =	vadd.s32 v4, v20;
	v18 =	vld [tilespmem:s30+$0x10920];
	_ =	sdelay $0x4  }
0x202: {  	[tilespmem:v19+s28+$0x18C00] =	vst.idx.msk $0xffff, v18  }
0x203: {  	v19 =	vadd.s32 v5, v20;
	v18 =	vld [tilespmem:s30+$0x10930];
	_ =	sdelay $0x4  }
0x204: {  	[tilespmem:v19+s28+$0x18C00] =	vst.idx.msk $0xffff, v18  }
0x205: {  	v19 =	vadd.s32 v6, v20;
	v18 =	vld [tilespmem:s30+$0x10940];
	_ =	sdelay $0x4  }
0x206: {  	[tilespmem:v19+s28+$0x18C00] =	vst.idx.msk $0xffff, v18  }
0x207: {  	v19 =	vadd.s32 v7, v20;
	v18 =	vld [tilespmem:s30+$0x10950];
	_ =	sdelay $0x4  }
0x208: {  	[tilespmem:v19+s28+$0x18C00] =	vst.idx.msk $0xffff, v18  }
0x209: {  	v19 =	vadd.s32 v8, v20;
	v18 =	vld [tilespmem:s30+$0x10960];
	_ =	sdelay $0x4  }
0x20a: {  	[tilespmem:v19+s28+$0x18C00] =	vst.idx.msk $0xffff, v18  }
0x20b: {  	v19 =	vadd.s32 v9, v20;
	v18 =	vld [tilespmem:s30+$0x10970];
	_ =	sdelay $0x4  }
0x20c: {  	[tilespmem:v19+s28+$0x18C00] =	vst.idx.msk $0xffff, v18  }
0x20d: {  	v19 =	vadd.s32 v10, v20;
	v18 =	vld [tilespmem:s30+$0x10980];
	_ =	sdelay $0x4  }
0x20e: {  	[tilespmem:v19+s28+$0x18C00] =	vst.idx.msk $0xffff, v18  }
0x20f: {  	v19 =	vadd.s32 v11, v20;
	v18 =	vld [tilespmem:s30+$0x10990];
	_ =	sdelay $0x4  }
0x210: {  	[tilespmem:v19+s28+$0x18C00] =	vst.idx.msk $0xffff, v18  }
0x211: {  	v19 =	vadd.s32 v12, v20;
	v18 =	vld [tilespmem:s30+$0x109A0];
	_ =	sdelay $0x4  }
0x212: {  	[tilespmem:v19+s28+$0x18C00] =	vst.idx.msk $0xffff, v18  }
0x213: {  	v19 =	vadd.s32 v13, v20;
	v18 =	vld [tilespmem:s30+$0x109B0];
	_ =	sdelay $0x4  }
0x214: {  	[tilespmem:v19+s28+$0x18C00] =	vst.idx.msk $0xffff, v18  }
0x215: {  	v19 =	vadd.s32 v14, v20;
	v18 =	vld [tilespmem:s30+$0x109C0];
	_ =	sdelay $0x4  }
0x216: {  	[tilespmem:v19+s28+$0x18C00] =	vst.idx.msk $0xffff, v18  }
0x217: {  	v19 =	vadd.s32 v15, v20;
	v18 =	vld [tilespmem:s30+$0x109D0];
	_ =	sdelay $0x4  }
0x218: {  	[tilespmem:v19+s28+$0x18C00] =	vst.idx.msk $0xffff, v18  }
0x219: {  	v19 =	vadd.s32 v16, v20;
	v18 =	vld [tilespmem:s30+$0x109E0];
	_ =	sdelay $0x4  }
0x21a: {  	s1 =	simm.s32 $0x10;
	[tilespmem:v19+s28+$0x18C00] =	vst.idx.msk $0xffff, v18  }
0x21b: {  	s29 =	simm.s32 $0x800;
	s17 =	sand.u32 $0x70, s1;
	s0 =	simm.s32 $0x1000;
	v20 =	vadd.s32 v17, v20;
	v19 =	vld [tilespmem:s30+$0x109F0]  }
.LBB2_8:
0x21c: {  	p0 =	sne.s32 s0, $0xF800;
	v18 =	vmov s17  }
0x21d: {  	v18 =	vshrl.u32 v18, $0x3  }
0x21e: {  	v18 =	vshll.u32 v18, v2  }
0x21f: {  	v18 =	vbroadcast v18, $0x0  }
0x220: {  	s15 =	sshra.s32 s29, $0x2;
	s29 =	smov.u32 s0;
	[tilespmem:v20+s28+$0x18C00] =	vst.idx.msk $0xffff, v19  }
0x221: {  	s26 =	sadd.s32 $0x1, s26;
	v19 =	vld [tilespmem:s15+$0x10800];
	v20 =	vadd.s32 v0, v18  }
0x222: {  	s20 =	sshrl.u32 s26, $0x3  }
0x223: {  	s20 =	smul.u32 $0x4400, s20;
	_ =	sdelay $0x1  }
0x224: {  	s28 =	sshra.s32 s20, $0x2  }
0x225: {  	[tilespmem:v20+s28+$0x18C00] =	vst.idx.msk $0xffff, v19  }
0x226: {  	v20 =	vadd.s32 v3, v18;
	v19 =	vld [tilespmem:s15+$0x10810];
	_ =	sdelay $0x4  }
0x227: {  	[tilespmem:v20+s28+$0x18C00] =	vst.idx.msk $0xffff, v19  }
0x228: {  	v20 =	vadd.s32 v4, v18;
	v19 =	vld [tilespmem:s15+$0x10820];
	_ =	sdelay $0x4  }
0x229: {  	[tilespmem:v20+s28+$0x18C00] =	vst.idx.msk $0xffff, v19  }
0x22a: {  	v20 =	vadd.s32 v5, v18;
	v19 =	vld [tilespmem:s15+$0x10830];
	_ =	sdelay $0x4  }
0x22b: {  	[tilespmem:v20+s28+$0x18C00] =	vst.idx.msk $0xffff, v19  }
0x22c: {  	v20 =	vadd.s32 v6, v18;
	v19 =	vld [tilespmem:s15+$0x10840];
	_ =	sdelay $0x4  }
0x22d: {  	[tilespmem:v20+s28+$0x18C00] =	vst.idx.msk $0xffff, v19  }
0x22e: {  	v20 =	vadd.s32 v7, v18;
	v19 =	vld [tilespmem:s15+$0x10850];
	_ =	sdelay $0x4  }
0x22f: {  	[tilespmem:v20+s28+$0x18C00] =	vst.idx.msk $0xffff, v19  }
0x230: {  	v20 =	vadd.s32 v8, v18;
	v19 =	vld [tilespmem:s15+$0x10860];
	_ =	sdelay $0x4  }
0x231: {  	[tilespmem:v20+s28+$0x18C00] =	vst.idx.msk $0xffff, v19  }
0x232: {  	v20 =	vadd.s32 v9, v18;
	v19 =	vld [tilespmem:s15+$0x10870];
	_ =	sdelay $0x4  }
0x233: {  	[tilespmem:v20+s28+$0x18C00] =	vst.idx.msk $0xffff, v19  }
0x234: {  	v20 =	vadd.s32 v10, v18;
	v19 =	vld [tilespmem:s15+$0x10880];
	_ =	sdelay $0x4  }
0x235: {  	[tilespmem:v20+s28+$0x18C00] =	vst.idx.msk $0xffff, v19  }
0x236: {  	v20 =	vadd.s32 v11, v18;
	v19 =	vld [tilespmem:s15+$0x10890];
	_ =	sdelay $0x4  }
0x237: {  	[tilespmem:v20+s28+$0x18C00] =	vst.idx.msk $0xffff, v19  }
0x238: {  	v20 =	vadd.s32 v12, v18;
	v19 =	vld [tilespmem:s15+$0x108A0];
	_ =	sdelay $0x4  }
0x239: {  	[tilespmem:v20+s28+$0x18C00] =	vst.idx.msk $0xffff, v19  }
0x23a: {  	v20 =	vadd.s32 v13, v18;
	v19 =	vld [tilespmem:s15+$0x108B0];
	_ =	sdelay $0x4  }
0x23b: {  	[tilespmem:v20+s28+$0x18C00] =	vst.idx.msk $0xffff, v19  }
0x23c: {  	v20 =	vadd.s32 v14, v18;
	v19 =	vld [tilespmem:s15+$0x108C0];
	_ =	sdelay $0x4  }
0x23d: {  	[tilespmem:v20+s28+$0x18C00] =	vst.idx.msk $0xffff, v19  }
0x23e: {  	v20 =	vadd.s32 v15, v18;
	v19 =	vld [tilespmem:s15+$0x108D0];
	_ =	sdelay $0x4  }
0x23f: {  	[tilespmem:v20+s28+$0x18C00] =	vst.idx.msk $0xffff, v19  }
0x240: {  	v20 =	vadd.s32 v16, v18;
	v19 =	vld [tilespmem:s15+$0x108E0];
	_ =	sdelay $0x4  }
0x241: {  	[tilespmem:v20+s28+$0x18C00] =	vst.idx.msk $0xffff, v19  }
0x242: {  	s17 =	sor.u32 $0x8, s17;
	v20 =	vadd.s32 v17, v18;
	v19 =	vld [tilespmem:s15+$0x108F0]  }
0x243: {  	v18 =	vmov s17  }
0x244: {  	v18 =	vshrl.u32 v18, $0x3  }
0x245: {  	v18 =	vshll.u32 v18, v2  }
0x246: {  	v18 =	vbroadcast v18, $0x0  }
0x247: {  	[tilespmem:v20+s28+$0x18C00] =	vst.idx.msk $0xffff, v19  }
0x248: {  	v20 =	vadd.s32 v0, v18;
	v19 =	vld [tilespmem:s15+$0x10900];
	_ =	sdelay $0x4  }
0x249: {  	[tilespmem:v20+s28+$0x18C00] =	vst.idx.msk $0xffff, v19  }
0x24a: {  	v20 =	vadd.s32 v3, v18;
	v19 =	vld [tilespmem:s15+$0x10910];
	_ =	sdelay $0x4  }
0x24b: {  	[tilespmem:v20+s28+$0x18C00] =	vst.idx.msk $0xffff, v19  }
0x24c: {  	v20 =	vadd.s32 v4, v18;
	v19 =	vld [tilespmem:s15+$0x10920];
	_ =	sdelay $0x4  }
0x24d: {  	[tilespmem:v20+s28+$0x18C00] =	vst.idx.msk $0xffff, v19  }
0x24e: {  	v20 =	vadd.s32 v5, v18;
	v19 =	vld [tilespmem:s15+$0x10930];
	_ =	sdelay $0x4  }
0x24f: {  	[tilespmem:v20+s28+$0x18C00] =	vst.idx.msk $0xffff, v19  }
0x250: {  	v20 =	vadd.s32 v6, v18;
	v19 =	vld [tilespmem:s15+$0x10940];
	_ =	sdelay $0x4  }
0x251: {  	[tilespmem:v20+s28+$0x18C00] =	vst.idx.msk $0xffff, v19  }
0x252: {  	v20 =	vadd.s32 v7, v18;
	v19 =	vld [tilespmem:s15+$0x10950];
	_ =	sdelay $0x4  }
0x253: {  	[tilespmem:v20+s28+$0x18C00] =	vst.idx.msk $0xffff, v19  }
0x254: {  	v20 =	vadd.s32 v8, v18;
	v19 =	vld [tilespmem:s15+$0x10960];
	_ =	sdelay $0x4  }
0x255: {  	[tilespmem:v20+s28+$0x18C00] =	vst.idx.msk $0xffff, v19  }
0x256: {  	v20 =	vadd.s32 v9, v18;
	v19 =	vld [tilespmem:s15+$0x10970];
	_ =	sdelay $0x4  }
0x257: {  	[tilespmem:v20+s28+$0x18C00] =	vst.idx.msk $0xffff, v19  }
0x258: {  	v20 =	vadd.s32 v10, v18;
	v19 =	vld [tilespmem:s15+$0x10980];
	_ =	sdelay $0x4  }
0x259: {  	[tilespmem:v20+s28+$0x18C00] =	vst.idx.msk $0xffff, v19  }
0x25a: {  	v20 =	vadd.s32 v11, v18;
	v19 =	vld [tilespmem:s15+$0x10990];
	_ =	sdelay $0x4  }
0x25b: {  	[tilespmem:v20+s28+$0x18C00] =	vst.idx.msk $0xffff, v19  }
0x25c: {  	v20 =	vadd.s32 v12, v18;
	v19 =	vld [tilespmem:s15+$0x109A0];
	_ =	sdelay $0x4  }
0x25d: {  	[tilespmem:v20+s28+$0x18C00] =	vst.idx.msk $0xffff, v19  }
0x25e: {  	v20 =	vadd.s32 v13, v18;
	v19 =	vld [tilespmem:s15+$0x109B0];
	_ =	sdelay $0x4  }
0x25f: {  	[tilespmem:v20+s28+$0x18C00] =	vst.idx.msk $0xffff, v19  }
0x260: {  	v20 =	vadd.s32 v14, v18;
	v19 =	vld [tilespmem:s15+$0x109C0];
	_ =	sdelay $0x4  }
0x261: {  	[tilespmem:v20+s28+$0x18C00] =	vst.idx.msk $0xffff, v19  }
0x262: {  	v20 =	vadd.s32 v15, v18;
	v19 =	vld [tilespmem:s15+$0x109D0];
	_ =	sdelay $0x4  }
0x263: {  	[tilespmem:v20+s28+$0x18C00] =	vst.idx.msk $0xffff, v19  }
0x264: {  	v20 =	vadd.s32 v16, v18;
	v19 =	vld [tilespmem:s15+$0x109E0];
	_ =	sdelay $0x1  }
.Ltmp3:
0x265: {  	(pc) =	sbr.rel @p0 .LBB2_8-.Ltmp3, $3  }
0x266: {  	_ =	sdelay $0x1  }
0x267: {  	s1 =	sadd.s32 $0x10, s1;
	[tilespmem:v20+s28+$0x18C00] =	vst.idx.msk $0xffff, v19  }
0x268: {  	s0 =	sadd.s32 $0x800, s0;
	s17 =	sand.u32 $0x70, s1;
	v20 =	vadd.s32 v17, v18;
	v19 =	vld [tilespmem:s15+$0x109F0]  }
0x269: {  	v18 =	vmov s17  }
0x26a: {  	v18 =	vshrl.u32 v18, $0x3  }
0x26b: {  	v18 =	vshll.u32 v18, v2  }
0x26c: {  	v18 =	vbroadcast v18, $0x0  }
0x26d: {  	s0 =	sshra.s32 s29, $0x2;
	[tilespmem:v20+s28+$0x18C00] =	vst.idx.msk $0xffff, v19  }
0x26e: {  	s1 =	sadd.s32 $0x1, s26;
	v19 =	vld [tilespmem:s0+$0x10800];
	v48 =	vadd.s32 v0, v18  }
0x26f: {  	s1 =	sshrl.u32 s1, $0x3  }
0x270: {  	s1 =	smul.u32 $0x4400, s1;
	_ =	sdelay $0x1  }
0x271: {  	s1 =	sshra.s32 s1, $0x2  }
0x272: {  	[tilespmem:v48+s1+$0x18C00] =	vst.idx.msk $0xffff, v19  }
0x273: {  	v49 =	vadd.s32 v3, v18;
	v19 =	vld [tilespmem:s0+$0x10810];
	_ =	sdelay $0x4  }
0x274: {  	[tilespmem:v49+s1+$0x18C00] =	vst.idx.msk $0xffff, v19  }
0x275: {  	v50 =	vadd.s32 v4, v18;
	v19 =	vld [tilespmem:s0+$0x10820];
	_ =	sdelay $0x4  }
0x276: {  	[tilespmem:v50+s1+$0x18C00] =	vst.idx.msk $0xffff, v19  }
0x277: {  	v51 =	vadd.s32 v5, v18;
	v19 =	vld [tilespmem:s0+$0x10830];
	_ =	sdelay $0x4  }
0x278: {  	[tilespmem:v51+s1+$0x18C00] =	vst.idx.msk $0xffff, v19  }
0x279: {  	v52 =	vadd.s32 v6, v18;
	v19 =	vld [tilespmem:s0+$0x10840];
	_ =	sdelay $0x4  }
0x27a: {  	[tilespmem:v52+s1+$0x18C00] =	vst.idx.msk $0xffff, v19  }
0x27b: {  	v53 =	vadd.s32 v7, v18;
	v19 =	vld [tilespmem:s0+$0x10850];
	_ =	sdelay $0x4  }
0x27c: {  	[tilespmem:v53+s1+$0x18C00] =	vst.idx.msk $0xffff, v19  }
0x27d: {  	v54 =	vadd.s32 v8, v18;
	v19 =	vld [tilespmem:s0+$0x10860];
	_ =	sdelay $0x4  }
0x27e: {  	[tilespmem:v54+s1+$0x18C00] =	vst.idx.msk $0xffff, v19  }
0x27f: {  	v55 =	vadd.s32 v9, v18;
	v19 =	vld [tilespmem:s0+$0x10870];
	_ =	sdelay $0x4  }
0x280: {  	[tilespmem:v55+s1+$0x18C00] =	vst.idx.msk $0xffff, v19  }
0x281: {  	v56 =	vadd.s32 v10, v18;
	v19 =	vld [tilespmem:s0+$0x10880];
	_ =	sdelay $0x4  }
0x282: {  	[tilespmem:v56+s1+$0x18C00] =	vst.idx.msk $0xffff, v19  }
0x283: {  	v57 =	vadd.s32 v11, v18;
	v19 =	vld [tilespmem:s0+$0x10890];
	_ =	sdelay $0x4  }
0x284: {  	[tilespmem:v57+s1+$0x18C00] =	vst.idx.msk $0xffff, v19  }
0x285: {  	v58 =	vadd.s32 v12, v18;
	v19 =	vld [tilespmem:s0+$0x108A0];
	_ =	sdelay $0x4  }
0x286: {  	[tilespmem:v58+s1+$0x18C00] =	vst.idx.msk $0xffff, v19  }
0x287: {  	v59 =	vadd.s32 v13, v18;
	v19 =	vld [tilespmem:s0+$0x108B0];
	_ =	sdelay $0x4  }
0x288: {  	[tilespmem:v59+s1+$0x18C00] =	vst.idx.msk $0xffff, v19  }
0x289: {  	v60 =	vadd.s32 v14, v18;
	v19 =	vld [tilespmem:s0+$0x108C0];
	_ =	sdelay $0x4  }
0x28a: {  	[tilespmem:v60+s1+$0x18C00] =	vst.idx.msk $0xffff, v19  }
0x28b: {  	v61 =	vadd.s32 v15, v18;
	v19 =	vld [tilespmem:s0+$0x108D0];
	_ =	sdelay $0x4  }
0x28c: {  	[tilespmem:v61+s1+$0x18C00] =	vst.idx.msk $0xffff, v19  }
0x28d: {  	v62 =	vadd.s32 v16, v18;
	v19 =	vld [tilespmem:s0+$0x108E0];
	_ =	sdelay $0x4  }
0x28e: {  	[tilespmem:v62+s1+$0x18C00] =	vst.idx.msk $0xffff, v19  }
0x28f: {  	s15 =	sor.u32 $0x8, s17;
	v18 =	vadd.s32 v17, v18;
	v19 =	vld [tilespmem:s0+$0x108F0]  }
0x290: {  	v63 =	vmov s15  }
0x291: {  	v20 =	vshrl.u32 v63, $0x3  }
0x292: {  	v20 =	vshll.u32 v20, v2  }
0x293: {  	v20 =	vbroadcast v20, $0x0  }
0x294: {  	[tilespmem:v18+s1+$0x18C00] =	vst.idx.msk $0xffff, v19  }
0x295: {  	v19 =	vadd.s32 v0, v20;
	v18 =	vld [tilespmem:s0+$0x10900];
	_ =	sdelay $0x4  }
0x296: {  	[tilespmem:v19+s1+$0x18C00] =	vst.idx.msk $0xffff, v18  }
0x297: {  	v19 =	vadd.s32 v3, v20;
	v18 =	vld [tilespmem:s0+$0x10910];
	_ =	sdelay $0x4  }
0x298: {  	[tilespmem:v19+s1+$0x18C00] =	vst.idx.msk $0xffff, v18  }
0x299: {  	v19 =	vadd.s32 v4, v20;
	v18 =	vld [tilespmem:s0+$0x10920];
	_ =	sdelay $0x4  }
0x29a: {  	[tilespmem:v19+s1+$0x18C00] =	vst.idx.msk $0xffff, v18  }
0x29b: {  	v19 =	vadd.s32 v5, v20;
	v18 =	vld [tilespmem:s0+$0x10930];
	_ =	sdelay $0x4  }
0x29c: {  	[tilespmem:v19+s1+$0x18C00] =	vst.idx.msk $0xffff, v18  }
0x29d: {  	v19 =	vadd.s32 v6, v20;
	v18 =	vld [tilespmem:s0+$0x10940];
	_ =	sdelay $0x4  }
0x29e: {  	[tilespmem:v19+s1+$0x18C00] =	vst.idx.msk $0xffff, v18  }
0x29f: {  	v19 =	vadd.s32 v7, v20;
	v18 =	vld [tilespmem:s0+$0x10950];
	_ =	sdelay $0x4  }
0x2a0: {  	[tilespmem:v19+s1+$0x18C00] =	vst.idx.msk $0xffff, v18  }
0x2a1: {  	v19 =	vadd.s32 v8, v20;
	v18 =	vld [tilespmem:s0+$0x10960];
	_ =	sdelay $0x4  }
0x2a2: {  	[tilespmem:v19+s1+$0x18C00] =	vst.idx.msk $0xffff, v18  }
0x2a3: {  	v19 =	vadd.s32 v9, v20;
	v18 =	vld [tilespmem:s0+$0x10970];
	_ =	sdelay $0x4  }
0x2a4: {  	[tilespmem:v19+s1+$0x18C00] =	vst.idx.msk $0xffff, v18  }
0x2a5: {  	v19 =	vadd.s32 v10, v20;
	v18 =	vld [tilespmem:s0+$0x10980];
	_ =	sdelay $0x4  }
0x2a6: {  	[tilespmem:v19+s1+$0x18C00] =	vst.idx.msk $0xffff, v18  }
0x2a7: {  	v19 =	vadd.s32 v11, v20;
	v18 =	vld [tilespmem:s0+$0x10990];
	_ =	sdelay $0x4  }
0x2a8: {  	[tilespmem:v19+s1+$0x18C00] =	vst.idx.msk $0xffff, v18  }
0x2a9: {  	v19 =	vadd.s32 v12, v20;
	v18 =	vld [tilespmem:s0+$0x109A0];
	_ =	sdelay $0x4  }
0x2aa: {  	[tilespmem:v19+s1+$0x18C00] =	vst.idx.msk $0xffff, v18  }
0x2ab: {  	v19 =	vadd.s32 v13, v20;
	v18 =	vld [tilespmem:s0+$0x109B0];
	_ =	sdelay $0x4  }
0x2ac: {  	[tilespmem:v19+s1+$0x18C00] =	vst.idx.msk $0xffff, v18  }
0x2ad: {  	v19 =	vadd.s32 v14, v20;
	v18 =	vld [tilespmem:s0+$0x109C0];
	_ =	sdelay $0x4  }
0x2ae: {  	[tilespmem:v19+s1+$0x18C00] =	vst.idx.msk $0xffff, v18  }
0x2af: {  	v19 =	vadd.s32 v15, v20;
	v18 =	vld [tilespmem:s0+$0x109D0];
	_ =	sdelay $0x4  }
0x2b0: {  	[tilespmem:v19+s1+$0x18C00] =	vst.idx.msk $0xffff, v18  }
0x2b1: {  	v19 =	vadd.s32 v16, v20;
	v18 =	vld [tilespmem:s0+$0x109E0];
	_ =	sdelay $0x4  }
0x2b2: {  	[tilespmem:v19+s1+$0x18C00] =	vst.idx.msk $0xffff, v18  }
0x2b3: {  	v19 =	vadd.s32 v17, v20;
	v18 =	vld [tilespmem:s0+$0x109F0];
	_ =	sdelay $0x4  }
0x2b4: {  	s26 =	simm.s32 $0x18C00;
	[tilespmem:v19+s1+$0x18C00] =	vst.idx.msk $0xffff, v18  }
0x2b5: {  	[hbm4b:s9+s3] =	stream.linear.scatter [tilespmem:s26], [sflag:$0x4], $0x80, $0x38;
	[tilespmem:$0x1D000] =	vst v63  }
0x2b6: {  	s29 =	sadd.s32 $0x10, s9;
	s28 =	simm.s32 $0x18C88  }
0x2b7: {  	[hbm4b:s29+s3] =	stream.linear.scatter [tilespmem:s28], [sflag:$0x4], $0x80, $0x38;
	[tilespmem:$0x1D000] =	vst v63  }
0x2b8: {  	s30 =	simm.s32 $0x18D10;
	s31 =	sadd.s32 $0x20, s9;
	s17 =	sadd.s32 $0x30, s9  }
0x2b9: {  	[hbm4b:s31+s3] =	stream.linear.scatter [tilespmem:s30], [sflag:$0x4], $0x80, $0x38;
	[tilespmem:$0x1D000] =	vst v63  }
0x2ba: {  	s20 =	simm.s32 $0x18E20;
	s15 =	simm.s32 $0x18D98;
	s0 =	simm.s32 $0x440  }
0x2bb: {  	[hbm4b:s17+s3] =	stream.linear.scatter [tilespmem:s15], [sflag:$0x4], $0x80, $0x38;
	[tilespmem:$0x1D000] =	vst v63  }
0x2bc: {  	s1 =	sadd.s32 $0x1000, s9;
	s26 =	sadd.s32 $0x40, s9;
	s28 =	simm.s32 $0x18EA8  }
0x2bd: {  	[hbm4b:s26+s3] =	stream.linear.scatter [tilespmem:s20], [sflag:$0x4], $0x80, $0x38;
	[tilespmem:$0x1D000] =	vst v63  }
0x2be: {  	s29 =	sadd.s32 $0x50, s9;
	s30 =	simm.s32 $0x18F30;
	s31 =	sadd.s32 $0x60, s9  }
0x2bf: {  	[hbm4b:s29+s3] =	stream.linear.scatter [tilespmem:s28], [sflag:$0x4], $0x80, $0x38;
	[tilespmem:$0x1D000] =	vst v63  }
0x2c0: {  	s15 =	simm.s32 $0x2200;
	s17 =	simm.s32 $0x18FB8;
	s20 =	sadd.s32 $0x70, s9  }
0x2c1: {  	[hbm4b:s31+s3] =	stream.linear.scatter [tilespmem:s30], [sflag:$0x4], $0x80, $0x38;
	[tilespmem:$0x1D000] =	vst v63  }
.LBB2_10:
0x2c2: {  	[hbm4b:s20+s3] =	stream.linear.scatter [tilespmem:s17], [sflag:$0x4], $0x80, $0x38;
	[tilespmem:$0x1D000] =	vst v63  }
0x2c3: {  	s17 =	smov.u32 s0;
	s0 =	smov.u32 s15  }
0x2c4: {  	s26 =	sadd.s32 $0x1100, s15;
	s0 =	sshra.s32 s0, $0x2;
	s20 =	sadd.s32 $0x18C00, s17  }
0x2c5: {  	[hbm4b:s1+s3] =	stream.linear.scatter [tilespmem:s20], [sflag:$0x4], $0x80, $0x38;
	[tilespmem:$0x1D000] =	vst v63  }
0x2c6: {  	p0 =	sne.s32 s15, $0xFF00;
	s15 =	sadd.s32 $0x18C88, s17;
	s20 =	sadd.s32 $0x10, s1  }
0x2c7: {  	[hbm4b:s20+s3] =	stream.linear.scatter [tilespmem:s15], [sflag:$0x4], $0x80, $0x38;
	[tilespmem:$0x1D000] =	vst v63  }
0x2c8: {  	s15 =	sadd.s32 $0x18D10, s17;
	s20 =	sadd.s32 $0x20, s1  }
0x2c9: {  	[hbm4b:s20+s3] =	stream.linear.scatter [tilespmem:s15], [sflag:$0x4], $0x80, $0x38;
	[tilespmem:$0x1D000] =	vst v63  }
0x2ca: {  	s15 =	sadd.s32 $0x18D98, s17;
	s20 =	sadd.s32 $0x30, s1  }
0x2cb: {  	[hbm4b:s20+s3] =	stream.linear.scatter [tilespmem:s15], [sflag:$0x4], $0x80, $0x38;
	[tilespmem:$0x1D000] =	vst v63  }
0x2cc: {  	s15 =	sadd.s32 $0x18E20, s17;
	s20 =	sadd.s32 $0x40, s1  }
0x2cd: {  	[hbm4b:s20+s3] =	stream.linear.scatter [tilespmem:s15], [sflag:$0x4], $0x80, $0x38;
	[tilespmem:$0x1D000] =	vst v63  }
.Ltmp4:
0x2ce: {  	s15 =	sadd.s32 $0x18EA8, s17;
	s20 =	sadd.s32 $0x50, s1;
	(pc) =	sbr.rel @p0 .LBB2_10-.Ltmp4, $4  }
0x2cf: {  	[hbm4b:s20+s3] =	stream.linear.scatter [tilespmem:s15], [sflag:$0x4], $0x80, $0x38;
	[tilespmem:$0x1D000] =	vst v63  }
0x2d0: {  	s15 =	sadd.s32 $0x18F30, s17;
	s20 =	sadd.s32 $0x60, s1;
	s17 =	sadd.s32 $0x18FB8, s17  }
0x2d1: {  	[hbm4b:s20+s3] =	stream.linear.scatter [tilespmem:s15], [sflag:$0x4], $0x80, $0x38;
	[tilespmem:$0x1D000] =	vst v63  }
0x2d2: {  	s20 =	sadd.s32 $0x70, s1;
	s1 =	sadd.s32 $0x1000, s1;
	s15 =	smov.u32 s26  }
0x2d3: {  	[hbm4b:s20+s3] =	stream.linear.scatter [tilespmem:s17], [sflag:$0x4], $0x80, $0x38;
	[tilespmem:$0x1D000] =	vst v63  }
0x2d4: {  	s15 =	sadd.s32 $0x18C00, s0  }
0x2d5: {  	[hbm4b:s1+s3] =	stream.linear.scatter [tilespmem:s15], [sflag:$0x4], $0x80, $0x38;
	[tilespmem:$0x1D000] =	vst v63  }
0x2d6: {  	s30 =	sadd.s32 $0x18C88, s0;
	s31 =	sadd.s32 $0x10, s1  }
0x2d7: {  	[hbm4b:s31+s3] =	stream.linear.scatter [tilespmem:s30], [sflag:$0x4], $0x80, $0x38;
	[tilespmem:$0x1D000] =	vst v63  }
0x2d8: {  	s20 =	sadd.s32 $0x18D10, s0;
	s26 =	sadd.s32 $0x20, s1  }
0x2d9: {  	[hbm4b:s26+s3] =	stream.linear.scatter [tilespmem:s20], [sflag:$0x4], $0x80, $0x38;
	[tilespmem:$0x1D000] =	vst v63  }
0x2da: {  	s28 =	sadd.s32 $0x18D98, s0;
	s29 =	sadd.s32 $0x30, s1  }
0x2db: {  	[hbm4b:s29+s3] =	stream.linear.scatter [tilespmem:s28], [sflag:$0x4], $0x80, $0x38;
	[tilespmem:$0x1D000] =	vst v63  }
0x2dc: {  	s30 =	sadd.s32 $0x18E20, s0;
	s31 =	sadd.s32 $0x40, s1  }
0x2dd: {  	[hbm4b:s31+s3] =	stream.linear.scatter [tilespmem:s30], [sflag:$0x4], $0x80, $0x38;
	[tilespmem:$0x1D000] =	vst v63  }
0x2de: {  	s20 =	sadd.s32 $0x18EA8, s0;
	s26 =	sadd.s32 $0x50, s1  }
0x2df: {  	[hbm4b:s26+s3] =	stream.linear.scatter [tilespmem:s20], [sflag:$0x4], $0x80, $0x38;
	[tilespmem:$0x1D000] =	vst v63  }
0x2e0: {  	s28 =	sadd.s32 $0x18F30, s0;
	s29 =	sadd.s32 $0x60, s1  }
0x2e1: {  	[hbm4b:s29+s3] =	stream.linear.scatter [tilespmem:s28], [sflag:$0x4], $0x80, $0x38;
	[tilespmem:$0x1D000] =	vst v63  }
0x2e2: {  	s30 =	sadd.s32 $0x18FB8, s0;
	s31 =	sadd.s32 $0x70, s1  }
0x2e3: {  	[hbm4b:s31+s3] =	stream.linear.scatter [tilespmem:s30], [sflag:$0x4], $0x80, $0x38;
	[tilespmem:$0x1D000] =	vst v63  }
0x2e4: {  	s26 =	simm.s32 $0x1  }
0x2e5: {  	[tilespmem:s18], [sflag:$0x2] =	stream.indirect.gather [hbm4b:s4+s14], $0x20, s22, s14, $0xb8;
	[tilespmem:$0x1D000] =	vst v63  }
.LBB2_12:
0x2e6: {  	s0 =	simm.s32 $0x0  }
0x2e7: {  	_ =	swait.ge [sflag:s19], $0x4000;
	s0 =	sand.u32 $0x70, s0  }
0x2e8: {  	[sflag:s19] =	ssyncset.done $0x0;
	v18 =	vmov s0  }
0x2e9: {  	[sflag:s19] =	ssyncadd.s32 $0xFFFFC000;
	v18 =	vshrl.u32 v18, $0x3  }
0x2ea: {  	_ =	swait.ge [sflag:s23], $0x4000;
	v18 =	vshll.u32 v18, v2  }
0x2eb: {  	[sflag:s23] =	ssyncset.done $0x0;
	v18 =	vbroadcast v18, $0x0  }
0x2ec: {  	s28 =	simm.s32 $0xC900;
	[sflag:s23] =	ssyncadd.s32 $0xFFFFC000  }
0x2ed: {  	v19 =	vld [tilespmem:s28+$0xFFFFFF00];
	v20 =	vadd.s32 v0, v18  }
0x2ee: {  	s1 =	simm.s32 $0x0  }
0x2ef: {  	s1 =	smul.u32 $0x4400, s1;
	_ =	sdelay $0x1  }
0x2f0: {  	s29 =	sshra.s32 s1, $0x2  }
0x2f1: {  	[tilespmem:v20+s29+$0x14800] =	vst.idx.msk $0xffff, v19  }
0x2f2: {  	v20 =	vadd.s32 v3, v18;
	v19 =	vld [tilespmem:s28+$0xFFFFFF10];
	_ =	sdelay $0x4  }
0x2f3: {  	[tilespmem:v20+s29+$0x14800] =	vst.idx.msk $0xffff, v19  }
0x2f4: {  	v20 =	vadd.s32 v4, v18;
	v19 =	vld [tilespmem:s28+$0xFFFFFF20];
	_ =	sdelay $0x4  }
0x2f5: {  	[tilespmem:v20+s29+$0x14800] =	vst.idx.msk $0xffff, v19  }
0x2f6: {  	v20 =	vadd.s32 v5, v18;
	v19 =	vld [tilespmem:s28+$0xFFFFFF30];
	_ =	sdelay $0x4  }
0x2f7: {  	[tilespmem:v20+s29+$0x14800] =	vst.idx.msk $0xffff, v19  }
0x2f8: {  	v20 =	vadd.s32 v6, v18;
	v19 =	vld [tilespmem:s28+$0xFFFFFF40];
	_ =	sdelay $0x4  }
0x2f9: {  	[tilespmem:v20+s29+$0x14800] =	vst.idx.msk $0xffff, v19  }
0x2fa: {  	v20 =	vadd.s32 v7, v18;
	v19 =	vld [tilespmem:s28+$0xFFFFFF50];
	_ =	sdelay $0x4  }
0x2fb: {  	[tilespmem:v20+s29+$0x14800] =	vst.idx.msk $0xffff, v19  }
0x2fc: {  	v20 =	vadd.s32 v8, v18;
	v19 =	vld [tilespmem:s28+$0xFFFFFF60];
	_ =	sdelay $0x4  }
0x2fd: {  	[tilespmem:v20+s29+$0x14800] =	vst.idx.msk $0xffff, v19  }
0x2fe: {  	v20 =	vadd.s32 v9, v18;
	v19 =	vld [tilespmem:s28+$0xFFFFFF70];
	_ =	sdelay $0x4  }
0x2ff: {  	[tilespmem:v20+s29+$0x14800] =	vst.idx.msk $0xffff, v19  }
0x300: {  	v20 =	vadd.s32 v10, v18;
	v19 =	vld [tilespmem:s28+$0xFFFFFF80];
	_ =	sdelay $0x4  }
0x301: {  	[tilespmem:v20+s29+$0x14800] =	vst.idx.msk $0xffff, v19  }
0x302: {  	v20 =	vadd.s32 v11, v18;
	v19 =	vld [tilespmem:s28+$0xFFFFFF90];
	_ =	sdelay $0x4  }
0x303: {  	[tilespmem:v20+s29+$0x14800] =	vst.idx.msk $0xffff, v19  }
0x304: {  	v20 =	vadd.s32 v12, v18;
	v19 =	vld [tilespmem:s28+$0xFFFFFFA0];
	_ =	sdelay $0x4  }
0x305: {  	[tilespmem:v20+s29+$0x14800] =	vst.idx.msk $0xffff, v19  }
0x306: {  	v20 =	vadd.s32 v13, v18;
	v19 =	vld [tilespmem:s28+$0xFFFFFFB0];
	_ =	sdelay $0x4  }
0x307: {  	[tilespmem:v20+s29+$0x14800] =	vst.idx.msk $0xffff, v19  }
0x308: {  	v20 =	vadd.s32 v14, v18;
	v19 =	vld [tilespmem:s28+$0xFFFFFFC0];
	_ =	sdelay $0x4  }
0x309: {  	[tilespmem:v20+s29+$0x14800] =	vst.idx.msk $0xffff, v19  }
0x30a: {  	v20 =	vadd.s32 v15, v18;
	v19 =	vld [tilespmem:s28+$0xFFFFFFD0];
	_ =	sdelay $0x4  }
0x30b: {  	[tilespmem:v20+s29+$0x14800] =	vst.idx.msk $0xffff, v19  }
0x30c: {  	v20 =	vadd.s32 v16, v18;
	v19 =	vld [tilespmem:s28+$0xFFFFFFE0];
	_ =	sdelay $0x4  }
0x30d: {  	[tilespmem:v20+s29+$0x14800] =	vst.idx.msk $0xffff, v19  }
0x30e: {  	s0 =	sor.u32 $0x8, s0;
	v18 =	vadd.s32 v17, v18;
	v19 =	vld [tilespmem:s28+$0xFFFFFFF0]  }
0x30f: {  	v20 =	vmov s0  }
0x310: {  	v20 =	vshrl.u32 v20, $0x3  }
0x311: {  	v20 =	vshll.u32 v20, v2  }
0x312: {  	v20 =	vbroadcast v20, $0x0  }
0x313: {  	[tilespmem:v18+s29+$0x14800] =	vst.idx.msk $0xffff, v19  }
0x314: {  	v19 =	vadd.s32 v0, v20;
	v18 =	vld [tilespmem:s28+$0x0];
	_ =	sdelay $0x4  }
0x315: {  	[tilespmem:v19+s29+$0x14800] =	vst.idx.msk $0xffff, v18  }
0x316: {  	v19 =	vadd.s32 v3, v20;
	v18 =	vld [tilespmem:s28+$0x10];
	_ =	sdelay $0x4  }
0x317: {  	[tilespmem:v19+s29+$0x14800] =	vst.idx.msk $0xffff, v18  }
0x318: {  	v19 =	vadd.s32 v4, v20;
	v18 =	vld [tilespmem:s28+$0x20];
	_ =	sdelay $0x4  }
0x319: {  	[tilespmem:v19+s29+$0x14800] =	vst.idx.msk $0xffff, v18  }
0x31a: {  	v19 =	vadd.s32 v5, v20;
	v18 =	vld [tilespmem:s28+$0x30];
	_ =	sdelay $0x4  }
0x31b: {  	[tilespmem:v19+s29+$0x14800] =	vst.idx.msk $0xffff, v18  }
0x31c: {  	v19 =	vadd.s32 v6, v20;
	v18 =	vld [tilespmem:s28+$0x40];
	_ =	sdelay $0x4  }
0x31d: {  	[tilespmem:v19+s29+$0x14800] =	vst.idx.msk $0xffff, v18  }
0x31e: {  	v19 =	vadd.s32 v7, v20;
	v18 =	vld [tilespmem:s28+$0x50];
	_ =	sdelay $0x4  }
0x31f: {  	[tilespmem:v19+s29+$0x14800] =	vst.idx.msk $0xffff, v18  }
0x320: {  	v19 =	vadd.s32 v8, v20;
	v18 =	vld [tilespmem:s28+$0x60];
	_ =	sdelay $0x4  }
0x321: {  	[tilespmem:v19+s29+$0x14800] =	vst.idx.msk $0xffff, v18  }
0x322: {  	v19 =	vadd.s32 v9, v20;
	v18 =	vld [tilespmem:s28+$0x70];
	_ =	sdelay $0x4  }
0x323: {  	[tilespmem:v19+s29+$0x14800] =	vst.idx.msk $0xffff, v18  }
0x324: {  	v19 =	vadd.s32 v10, v20;
	v18 =	vld [tilespmem:s28+$0x80];
	_ =	sdelay $0x4  }
0x325: {  	[tilespmem:v19+s29+$0x14800] =	vst.idx.msk $0xffff, v18  }
0x326: {  	v19 =	vadd.s32 v11, v20;
	v18 =	vld [tilespmem:s28+$0x90];
	_ =	sdelay $0x4  }
0x327: {  	[tilespmem:v19+s29+$0x14800] =	vst.idx.msk $0xffff, v18  }
0x328: {  	v19 =	vadd.s32 v12, v20;
	v18 =	vld [tilespmem:s28+$0xA0];
	_ =	sdelay $0x4  }
0x329: {  	[tilespmem:v19+s29+$0x14800] =	vst.idx.msk $0xffff, v18  }
0x32a: {  	v19 =	vadd.s32 v13, v20;
	v18 =	vld [tilespmem:s28+$0xB0];
	_ =	sdelay $0x4  }
0x32b: {  	[tilespmem:v19+s29+$0x14800] =	vst.idx.msk $0xffff, v18  }
0x32c: {  	v19 =	vadd.s32 v14, v20;
	v18 =	vld [tilespmem:s28+$0xC0];
	_ =	sdelay $0x4  }
0x32d: {  	[tilespmem:v19+s29+$0x14800] =	vst.idx.msk $0xffff, v18  }
0x32e: {  	v19 =	vadd.s32 v15, v20;
	v18 =	vld [tilespmem:s28+$0xD0];
	_ =	sdelay $0x4  }
0x32f: {  	[tilespmem:v19+s29+$0x14800] =	vst.idx.msk $0xffff, v18  }
0x330: {  	v19 =	vadd.s32 v16, v20;
	v18 =	vld [tilespmem:s28+$0xE0];
	_ =	sdelay $0x4  }
0x331: {  	s0 =	simm.s32 $0x10;
	[tilespmem:v19+s29+$0x14800] =	vst.idx.msk $0xffff, v18  }
0x332: {  	s30 =	simm.s32 $0x1;
	s1 =	simm.s32 $0x2;
	s15 =	sand.u32 $0x70, s0;
	v20 =	vadd.s32 v17, v20;
	v19 =	vld [tilespmem:s28+$0xF0]  }
.LBB2_13:
0x333: {  	p0 =	sne.s32 s1, $0x1F;
	v18 =	vmov s15  }
0x334: {  	v18 =	vshrl.u32 v18, $0x3  }
0x335: {  	v18 =	vshll.u32 v18, v2  }
0x336: {  	v18 =	vbroadcast v18, $0x0  }
0x337: {  	s28 =	sadd.s32 $0x200, s28;
	[tilespmem:v20+s29+$0x14800] =	vst.idx.msk $0xffff, v19  }
0x338: {  	v19 =	vld [tilespmem:s28+$0xFFFFFF00];
	v20 =	vadd.s32 v0, v18  }
0x339: {  	s17 =	sshrl.u32 s30, $0x3;
	s30 =	smov.u32 s1  }
0x33a: {  	s17 =	smul.u32 $0x4400, s17;
	_ =	sdelay $0x1  }
0x33b: {  	s29 =	sshra.s32 s17, $0x2  }
0x33c: {  	[tilespmem:v20+s29+$0x14800] =	vst.idx.msk $0xffff, v19  }
0x33d: {  	v20 =	vadd.s32 v3, v18;
	v19 =	vld [tilespmem:s28+$0xFFFFFF10];
	_ =	sdelay $0x4  }
0x33e: {  	[tilespmem:v20+s29+$0x14800] =	vst.idx.msk $0xffff, v19  }
0x33f: {  	v20 =	vadd.s32 v4, v18;
	v19 =	vld [tilespmem:s28+$0xFFFFFF20];
	_ =	sdelay $0x4  }
0x340: {  	[tilespmem:v20+s29+$0x14800] =	vst.idx.msk $0xffff, v19  }
0x341: {  	v20 =	vadd.s32 v5, v18;
	v19 =	vld [tilespmem:s28+$0xFFFFFF30];
	_ =	sdelay $0x4  }
0x342: {  	[tilespmem:v20+s29+$0x14800] =	vst.idx.msk $0xffff, v19  }
0x343: {  	v20 =	vadd.s32 v6, v18;
	v19 =	vld [tilespmem:s28+$0xFFFFFF40];
	_ =	sdelay $0x4  }
0x344: {  	[tilespmem:v20+s29+$0x14800] =	vst.idx.msk $0xffff, v19  }
0x345: {  	v20 =	vadd.s32 v7, v18;
	v19 =	vld [tilespmem:s28+$0xFFFFFF50];
	_ =	sdelay $0x4  }
0x346: {  	[tilespmem:v20+s29+$0x14800] =	vst.idx.msk $0xffff, v19  }
0x347: {  	v20 =	vadd.s32 v8, v18;
	v19 =	vld [tilespmem:s28+$0xFFFFFF60];
	_ =	sdelay $0x4  }
0x348: {  	[tilespmem:v20+s29+$0x14800] =	vst.idx.msk $0xffff, v19  }
0x349: {  	v20 =	vadd.s32 v9, v18;
	v19 =	vld [tilespmem:s28+$0xFFFFFF70];
	_ =	sdelay $0x4  }
0x34a: {  	[tilespmem:v20+s29+$0x14800] =	vst.idx.msk $0xffff, v19  }
0x34b: {  	v20 =	vadd.s32 v10, v18;
	v19 =	vld [tilespmem:s28+$0xFFFFFF80];
	_ =	sdelay $0x4  }
0x34c: {  	[tilespmem:v20+s29+$0x14800] =	vst.idx.msk $0xffff, v19  }
0x34d: {  	v20 =	vadd.s32 v11, v18;
	v19 =	vld [tilespmem:s28+$0xFFFFFF90];
	_ =	sdelay $0x4  }
0x34e: {  	[tilespmem:v20+s29+$0x14800] =	vst.idx.msk $0xffff, v19  }
0x34f: {  	v20 =	vadd.s32 v12, v18;
	v19 =	vld [tilespmem:s28+$0xFFFFFFA0];
	_ =	sdelay $0x4  }
0x350: {  	[tilespmem:v20+s29+$0x14800] =	vst.idx.msk $0xffff, v19  }
0x351: {  	v20 =	vadd.s32 v13, v18;
	v19 =	vld [tilespmem:s28+$0xFFFFFFB0];
	_ =	sdelay $0x4  }
0x352: {  	[tilespmem:v20+s29+$0x14800] =	vst.idx.msk $0xffff, v19  }
0x353: {  	v20 =	vadd.s32 v14, v18;
	v19 =	vld [tilespmem:s28+$0xFFFFFFC0];
	_ =	sdelay $0x4  }
0x354: {  	[tilespmem:v20+s29+$0x14800] =	vst.idx.msk $0xffff, v19  }
0x355: {  	v20 =	vadd.s32 v15, v18;
	v19 =	vld [tilespmem:s28+$0xFFFFFFD0];
	_ =	sdelay $0x4  }
0x356: {  	[tilespmem:v20+s29+$0x14800] =	vst.idx.msk $0xffff, v19  }
0x357: {  	v20 =	vadd.s32 v16, v18;
	v19 =	vld [tilespmem:s28+$0xFFFFFFE0];
	_ =	sdelay $0x4  }
0x358: {  	[tilespmem:v20+s29+$0x14800] =	vst.idx.msk $0xffff, v19  }
0x359: {  	s15 =	sor.u32 $0x8, s15;
	v20 =	vadd.s32 v17, v18;
	v19 =	vld [tilespmem:s28+$0xFFFFFFF0]  }
0x35a: {  	v18 =	vmov s15  }
0x35b: {  	v18 =	vshrl.u32 v18, $0x3  }
0x35c: {  	v18 =	vshll.u32 v18, v2  }
0x35d: {  	v18 =	vbroadcast v18, $0x0  }
0x35e: {  	[tilespmem:v20+s29+$0x14800] =	vst.idx.msk $0xffff, v19  }
0x35f: {  	v20 =	vadd.s32 v0, v18;
	v19 =	vld [tilespmem:s28+$0x0];
	_ =	sdelay $0x4  }
0x360: {  	[tilespmem:v20+s29+$0x14800] =	vst.idx.msk $0xffff, v19  }
0x361: {  	v20 =	vadd.s32 v3, v18;
	v19 =	vld [tilespmem:s28+$0x10];
	_ =	sdelay $0x4  }
0x362: {  	[tilespmem:v20+s29+$0x14800] =	vst.idx.msk $0xffff, v19  }
0x363: {  	v20 =	vadd.s32 v4, v18;
	v19 =	vld [tilespmem:s28+$0x20];
	_ =	sdelay $0x4  }
0x364: {  	[tilespmem:v20+s29+$0x14800] =	vst.idx.msk $0xffff, v19  }
0x365: {  	v20 =	vadd.s32 v5, v18;
	v19 =	vld [tilespmem:s28+$0x30];
	_ =	sdelay $0x4  }
0x366: {  	[tilespmem:v20+s29+$0x14800] =	vst.idx.msk $0xffff, v19  }
0x367: {  	v20 =	vadd.s32 v6, v18;
	v19 =	vld [tilespmem:s28+$0x40];
	_ =	sdelay $0x4  }
0x368: {  	[tilespmem:v20+s29+$0x14800] =	vst.idx.msk $0xffff, v19  }
0x369: {  	v20 =	vadd.s32 v7, v18;
	v19 =	vld [tilespmem:s28+$0x50];
	_ =	sdelay $0x4  }
0x36a: {  	[tilespmem:v20+s29+$0x14800] =	vst.idx.msk $0xffff, v19  }
0x36b: {  	v20 =	vadd.s32 v8, v18;
	v19 =	vld [tilespmem:s28+$0x60];
	_ =	sdelay $0x4  }
0x36c: {  	[tilespmem:v20+s29+$0x14800] =	vst.idx.msk $0xffff, v19  }
0x36d: {  	v20 =	vadd.s32 v9, v18;
	v19 =	vld [tilespmem:s28+$0x70];
	_ =	sdelay $0x4  }
0x36e: {  	[tilespmem:v20+s29+$0x14800] =	vst.idx.msk $0xffff, v19  }
0x36f: {  	v20 =	vadd.s32 v10, v18;
	v19 =	vld [tilespmem:s28+$0x80];
	_ =	sdelay $0x4  }
0x370: {  	[tilespmem:v20+s29+$0x14800] =	vst.idx.msk $0xffff, v19  }
0x371: {  	v20 =	vadd.s32 v11, v18;
	v19 =	vld [tilespmem:s28+$0x90];
	_ =	sdelay $0x4  }
0x372: {  	[tilespmem:v20+s29+$0x14800] =	vst.idx.msk $0xffff, v19  }
0x373: {  	v20 =	vadd.s32 v12, v18;
	v19 =	vld [tilespmem:s28+$0xA0];
	_ =	sdelay $0x4  }
0x374: {  	[tilespmem:v20+s29+$0x14800] =	vst.idx.msk $0xffff, v19  }
0x375: {  	v20 =	vadd.s32 v13, v18;
	v19 =	vld [tilespmem:s28+$0xB0];
	_ =	sdelay $0x4  }
0x376: {  	[tilespmem:v20+s29+$0x14800] =	vst.idx.msk $0xffff, v19  }
0x377: {  	v20 =	vadd.s32 v14, v18;
	v19 =	vld [tilespmem:s28+$0xC0];
	_ =	sdelay $0x4  }
0x378: {  	[tilespmem:v20+s29+$0x14800] =	vst.idx.msk $0xffff, v19  }
0x379: {  	v20 =	vadd.s32 v15, v18;
	v19 =	vld [tilespmem:s28+$0xD0];
	_ =	sdelay $0x4  }
0x37a: {  	[tilespmem:v20+s29+$0x14800] =	vst.idx.msk $0xffff, v19  }
0x37b: {  	v20 =	vadd.s32 v16, v18;
	v19 =	vld [tilespmem:s28+$0xE0];
	_ =	sdelay $0x1  }
.Ltmp5:
0x37c: {  	(pc) =	sbr.rel @p0 .LBB2_13-.Ltmp5, $3  }
0x37d: {  	_ =	sdelay $0x1  }
0x37e: {  	s0 =	sadd.s32 $0x10, s0;
	[tilespmem:v20+s29+$0x14800] =	vst.idx.msk $0xffff, v19  }
0x37f: {  	s1 =	sadd.s32 $0x1, s1;
	s15 =	sand.u32 $0x70, s0;
	v20 =	vadd.s32 v17, v18;
	v19 =	vld [tilespmem:s28+$0xF0]  }
0x380: {  	v18 =	vmov s15  }
0x381: {  	v18 =	vshrl.u32 v18, $0x3  }
0x382: {  	v18 =	vshll.u32 v18, v2  }
0x383: {  	v18 =	vbroadcast v18, $0x0  }
0x384: {  	s0 =	sadd.s32 $0x200, s28;
	[tilespmem:v20+s29+$0x14800] =	vst.idx.msk $0xffff, v19  }
0x385: {  	v19 =	vld [tilespmem:s0+$0xFFFFFF00];
	v48 =	vadd.s32 v0, v18  }
0x386: {  	s1 =	sshrl.u32 s30, $0x3  }
0x387: {  	s1 =	smul.u32 $0x4400, s1;
	_ =	sdelay $0x1  }
0x388: {  	s1 =	sshra.s32 s1, $0x2  }
0x389: {  	[tilespmem:v48+s1+$0x14800] =	vst.idx.msk $0xffff, v19  }
0x38a: {  	v49 =	vadd.s32 v3, v18;
	v19 =	vld [tilespmem:s0+$0xFFFFFF10];
	_ =	sdelay $0x4  }
0x38b: {  	[tilespmem:v49+s1+$0x14800] =	vst.idx.msk $0xffff, v19  }
0x38c: {  	v50 =	vadd.s32 v4, v18;
	v19 =	vld [tilespmem:s0+$0xFFFFFF20];
	_ =	sdelay $0x4  }
0x38d: {  	[tilespmem:v50+s1+$0x14800] =	vst.idx.msk $0xffff, v19  }
0x38e: {  	v51 =	vadd.s32 v5, v18;
	v19 =	vld [tilespmem:s0+$0xFFFFFF30];
	_ =	sdelay $0x4  }
0x38f: {  	[tilespmem:v51+s1+$0x14800] =	vst.idx.msk $0xffff, v19  }
0x390: {  	v52 =	vadd.s32 v6, v18;
	v19 =	vld [tilespmem:s0+$0xFFFFFF40];
	_ =	sdelay $0x4  }
0x391: {  	[tilespmem:v52+s1+$0x14800] =	vst.idx.msk $0xffff, v19  }
0x392: {  	v53 =	vadd.s32 v7, v18;
	v19 =	vld [tilespmem:s0+$0xFFFFFF50];
	_ =	sdelay $0x4  }
0x393: {  	[tilespmem:v53+s1+$0x14800] =	vst.idx.msk $0xffff, v19  }
0x394: {  	v54 =	vadd.s32 v8, v18;
	v19 =	vld [tilespmem:s0+$0xFFFFFF60];
	_ =	sdelay $0x4  }
0x395: {  	[tilespmem:v54+s1+$0x14800] =	vst.idx.msk $0xffff, v19  }
0x396: {  	v55 =	vadd.s32 v9, v18;
	v19 =	vld [tilespmem:s0+$0xFFFFFF70];
	_ =	sdelay $0x4  }
0x397: {  	[tilespmem:v55+s1+$0x14800] =	vst.idx.msk $0xffff, v19  }
0x398: {  	v56 =	vadd.s32 v10, v18;
	v19 =	vld [tilespmem:s0+$0xFFFFFF80];
	_ =	sdelay $0x4  }
0x399: {  	[tilespmem:v56+s1+$0x14800] =	vst.idx.msk $0xffff, v19  }
0x39a: {  	v57 =	vadd.s32 v11, v18;
	v19 =	vld [tilespmem:s0+$0xFFFFFF90];
	_ =	sdelay $0x4  }
0x39b: {  	[tilespmem:v57+s1+$0x14800] =	vst.idx.msk $0xffff, v19  }
0x39c: {  	v58 =	vadd.s32 v12, v18;
	v19 =	vld [tilespmem:s0+$0xFFFFFFA0];
	_ =	sdelay $0x4  }
0x39d: {  	[tilespmem:v58+s1+$0x14800] =	vst.idx.msk $0xffff, v19  }
0x39e: {  	v59 =	vadd.s32 v13, v18;
	v19 =	vld [tilespmem:s0+$0xFFFFFFB0];
	_ =	sdelay $0x4  }
0x39f: {  	[tilespmem:v59+s1+$0x14800] =	vst.idx.msk $0xffff, v19  }
0x3a0: {  	v60 =	vadd.s32 v14, v18;
	v19 =	vld [tilespmem:s0+$0xFFFFFFC0];
	_ =	sdelay $0x4  }
0x3a1: {  	[tilespmem:v60+s1+$0x14800] =	vst.idx.msk $0xffff, v19  }
0x3a2: {  	v61 =	vadd.s32 v15, v18;
	v19 =	vld [tilespmem:s0+$0xFFFFFFD0];
	_ =	sdelay $0x4  }
0x3a3: {  	[tilespmem:v61+s1+$0x14800] =	vst.idx.msk $0xffff, v19  }
0x3a4: {  	v62 =	vadd.s32 v16, v18;
	v19 =	vld [tilespmem:s0+$0xFFFFFFE0];
	_ =	sdelay $0x4  }
0x3a5: {  	[tilespmem:v62+s1+$0x14800] =	vst.idx.msk $0xffff, v19  }
0x3a6: {  	s29 =	sor.u32 $0x8, s15;
	v18 =	vadd.s32 v17, v18;
	v19 =	vld [tilespmem:s0+$0xFFFFFFF0]  }
0x3a7: {  	v63 =	vmov s29  }
0x3a8: {  	v20 =	vshrl.u32 v63, $0x3  }
0x3a9: {  	v20 =	vshll.u32 v20, v2  }
0x3aa: {  	v20 =	vbroadcast v20, $0x0  }
0x3ab: {  	[tilespmem:v18+s1+$0x14800] =	vst.idx.msk $0xffff, v19  }
0x3ac: {  	v19 =	vadd.s32 v0, v20;
	v18 =	vld [tilespmem:s0+$0x0];
	_ =	sdelay $0x4  }
0x3ad: {  	[tilespmem:v19+s1+$0x14800] =	vst.idx.msk $0xffff, v18  }
0x3ae: {  	v19 =	vadd.s32 v3, v20;
	v18 =	vld [tilespmem:s0+$0x10];
	_ =	sdelay $0x4  }
0x3af: {  	[tilespmem:v19+s1+$0x14800] =	vst.idx.msk $0xffff, v18  }
0x3b0: {  	v19 =	vadd.s32 v4, v20;
	v18 =	vld [tilespmem:s0+$0x20];
	_ =	sdelay $0x4  }
0x3b1: {  	[tilespmem:v19+s1+$0x14800] =	vst.idx.msk $0xffff, v18  }
0x3b2: {  	v19 =	vadd.s32 v5, v20;
	v18 =	vld [tilespmem:s0+$0x30];
	_ =	sdelay $0x4  }
0x3b3: {  	[tilespmem:v19+s1+$0x14800] =	vst.idx.msk $0xffff, v18  }
0x3b4: {  	v19 =	vadd.s32 v6, v20;
	v18 =	vld [tilespmem:s0+$0x40];
	_ =	sdelay $0x4  }
0x3b5: {  	[tilespmem:v19+s1+$0x14800] =	vst.idx.msk $0xffff, v18  }
0x3b6: {  	v19 =	vadd.s32 v7, v20;
	v18 =	vld [tilespmem:s0+$0x50];
	_ =	sdelay $0x4  }
0x3b7: {  	[tilespmem:v19+s1+$0x14800] =	vst.idx.msk $0xffff, v18  }
0x3b8: {  	v19 =	vadd.s32 v8, v20;
	v18 =	vld [tilespmem:s0+$0x60];
	_ =	sdelay $0x4  }
0x3b9: {  	[tilespmem:v19+s1+$0x14800] =	vst.idx.msk $0xffff, v18  }
0x3ba: {  	v19 =	vadd.s32 v9, v20;
	v18 =	vld [tilespmem:s0+$0x70];
	_ =	sdelay $0x4  }
0x3bb: {  	[tilespmem:v19+s1+$0x14800] =	vst.idx.msk $0xffff, v18  }
0x3bc: {  	v19 =	vadd.s32 v10, v20;
	v18 =	vld [tilespmem:s0+$0x80];
	_ =	sdelay $0x4  }
0x3bd: {  	[tilespmem:v19+s1+$0x14800] =	vst.idx.msk $0xffff, v18  }
0x3be: {  	v19 =	vadd.s32 v11, v20;
	v18 =	vld [tilespmem:s0+$0x90];
	_ =	sdelay $0x4  }
0x3bf: {  	[tilespmem:v19+s1+$0x14800] =	vst.idx.msk $0xffff, v18  }
0x3c0: {  	v19 =	vadd.s32 v12, v20;
	v18 =	vld [tilespmem:s0+$0xA0];
	_ =	sdelay $0x4  }
0x3c1: {  	[tilespmem:v19+s1+$0x14800] =	vst.idx.msk $0xffff, v18  }
0x3c2: {  	v19 =	vadd.s32 v13, v20;
	v18 =	vld [tilespmem:s0+$0xB0];
	_ =	sdelay $0x4  }
0x3c3: {  	[tilespmem:v19+s1+$0x14800] =	vst.idx.msk $0xffff, v18  }
0x3c4: {  	v19 =	vadd.s32 v14, v20;
	v18 =	vld [tilespmem:s0+$0xC0];
	_ =	sdelay $0x4  }
0x3c5: {  	[tilespmem:v19+s1+$0x14800] =	vst.idx.msk $0xffff, v18  }
0x3c6: {  	v19 =	vadd.s32 v15, v20;
	v18 =	vld [tilespmem:s0+$0xD0];
	_ =	sdelay $0x4  }
0x3c7: {  	[tilespmem:v19+s1+$0x14800] =	vst.idx.msk $0xffff, v18  }
0x3c8: {  	v19 =	vadd.s32 v16, v20;
	v18 =	vld [tilespmem:s0+$0xE0];
	_ =	sdelay $0x4  }
0x3c9: {  	[tilespmem:v19+s1+$0x14800] =	vst.idx.msk $0xffff, v18  }
0x3ca: {  	v19 =	vadd.s32 v17, v20;
	v18 =	vld [tilespmem:s0+$0xF0];
	_ =	sdelay $0x2  }
0x3cb: {  	s30 =	sshll.u32 s26, $0x11  }
0x3cc: {  	s28 =	sor.u32 s5, s30  }
0x3cd: {  	s31 =	simm.s32 $0x14800;
	[tilespmem:v19+s1+$0x14800] =	vst.idx.msk $0xffff, v18;
	s1 =	sadd.s32 s2, s28  }
0x3ce: {  	[hbm4b:s1+s3] =	stream.linear.scatter [tilespmem:s31], [sflag:$0x3], $0x80, $0x38;
	[tilespmem:$0x1D000] =	vst v63  }
0x3cf: {  	s15 =	simm.s32 $0x14888;
	s17 =	sadd.s32 $0x10, s1  }
0x3d0: {  	[hbm4b:s17+s3] =	stream.linear.scatter [tilespmem:s15], [sflag:$0x3], $0x80, $0x38;
	[tilespmem:$0x1D000] =	vst v63  }
0x3d1: {  	s20 =	simm.s32 $0x14910;
	s30 =	simm.s32 $0x14998;
	s29 =	sadd.s32 $0x20, s1  }
0x3d2: {  	[hbm4b:s29+s3] =	stream.linear.scatter [tilespmem:s20], [sflag:$0x3], $0x80, $0x38;
	[tilespmem:$0x1D000] =	vst v63  }
0x3d3: {  	s0 =	simm.s32 $0x440;
	s31 =	sadd.s32 $0x30, s1;
	s15 =	simm.s32 $0x14A20  }
0x3d4: {  	[hbm4b:s31+s3] =	stream.linear.scatter [tilespmem:s30], [sflag:$0x3], $0x80, $0x38;
	[tilespmem:$0x1D000] =	vst v63  }
0x3d5: {  	s17 =	sadd.s32 $0x40, s1;
	s20 =	simm.s32 $0x14AA8;
	s29 =	sadd.s32 $0x50, s1  }
0x3d6: {  	[hbm4b:s17+s3] =	stream.linear.scatter [tilespmem:s15], [sflag:$0x3], $0x80, $0x38;
	[tilespmem:$0x1D000] =	vst v63  }
0x3d7: {  	s30 =	simm.s32 $0x14B30;
	s31 =	sadd.s32 $0x60, s1;
	s15 =	simm.s32 $0x2200  }
0x3d8: {  	[hbm4b:s29+s3] =	stream.linear.scatter [tilespmem:s20], [sflag:$0x3], $0x80, $0x38;
	[tilespmem:$0x1D000] =	vst v63  }
0x3d9: {  	s17 =	simm.s32 $0x14BB8;
	s20 =	sadd.s32 $0x70, s1;
	s1 =	sadd.s32 $0x1000, s1  }
0x3da: {  	[hbm4b:s31+s3] =	stream.linear.scatter [tilespmem:s30], [sflag:$0x3], $0x80, $0x38;
	[tilespmem:$0x1D000] =	vst v63  }
.LBB2_15:
0x3db: {  	[hbm4b:s20+s3] =	stream.linear.scatter [tilespmem:s17], [sflag:$0x3], $0x80, $0x38;
	[tilespmem:$0x1D000] =	vst v63  }
0x3dc: {  	s17 =	smov.u32 s0;
	s0 =	smov.u32 s15  }
0x3dd: {  	s29 =	sadd.s32 $0x1100, s15;
	s0 =	sshra.s32 s0, $0x2;
	s20 =	sadd.s32 $0x14800, s17  }
0x3de: {  	[hbm4b:s1+s3] =	stream.linear.scatter [tilespmem:s20], [sflag:$0x3], $0x80, $0x38;
	[tilespmem:$0x1D000] =	vst v63  }
0x3df: {  	p0 =	sne.s32 s15, $0xFF00;
	s15 =	sadd.s32 $0x14888, s17;
	s20 =	sadd.s32 $0x10, s1  }
0x3e0: {  	[hbm4b:s20+s3] =	stream.linear.scatter [tilespmem:s15], [sflag:$0x3], $0x80, $0x38;
	[tilespmem:$0x1D000] =	vst v63  }
0x3e1: {  	s15 =	sadd.s32 $0x14910, s17;
	s20 =	sadd.s32 $0x20, s1  }
0x3e2: {  	[hbm4b:s20+s3] =	stream.linear.scatter [tilespmem:s15], [sflag:$0x3], $0x80, $0x38;
	[tilespmem:$0x1D000] =	vst v63  }
0x3e3: {  	s15 =	sadd.s32 $0x14998, s17;
	s20 =	sadd.s32 $0x30, s1  }
0x3e4: {  	[hbm4b:s20+s3] =	stream.linear.scatter [tilespmem:s15], [sflag:$0x3], $0x80, $0x38;
	[tilespmem:$0x1D000] =	vst v63  }
0x3e5: {  	s15 =	sadd.s32 $0x14A20, s17;
	s20 =	sadd.s32 $0x40, s1  }
0x3e6: {  	[hbm4b:s20+s3] =	stream.linear.scatter [tilespmem:s15], [sflag:$0x3], $0x80, $0x38;
	[tilespmem:$0x1D000] =	vst v63  }
.Ltmp6:
0x3e7: {  	s15 =	sadd.s32 $0x14AA8, s17;
	s20 =	sadd.s32 $0x50, s1;
	(pc) =	sbr.rel @p0 .LBB2_15-.Ltmp6, $4  }
0x3e8: {  	[hbm4b:s20+s3] =	stream.linear.scatter [tilespmem:s15], [sflag:$0x3], $0x80, $0x38;
	[tilespmem:$0x1D000] =	vst v63  }
0x3e9: {  	s15 =	sadd.s32 $0x14B30, s17;
	s20 =	sadd.s32 $0x60, s1;
	s17 =	sadd.s32 $0x14BB8, s17  }
0x3ea: {  	[hbm4b:s20+s3] =	stream.linear.scatter [tilespmem:s15], [sflag:$0x3], $0x80, $0x38;
	[tilespmem:$0x1D000] =	vst v63  }
0x3eb: {  	s20 =	sadd.s32 $0x70, s1;
	s1 =	sadd.s32 $0x1000, s1;
	s15 =	smov.u32 s29  }
0x3ec: {  	[hbm4b:s20+s3] =	stream.linear.scatter [tilespmem:s17], [sflag:$0x3], $0x80, $0x38;
	[tilespmem:$0x1D000] =	vst v63  }
0x3ed: {  	s15 =	sadd.s32 $0x14800, s0  }
0x3ee: {  	[hbm4b:s1+s3] =	stream.linear.scatter [tilespmem:s15], [sflag:$0x3], $0x80, $0x38;
	[tilespmem:$0x1D000] =	vst v63  }
0x3ef: {  	s17 =	sadd.s32 $0x14888, s0;
	s20 =	sadd.s32 $0x10, s1  }
0x3f0: {  	[hbm4b:s20+s3] =	stream.linear.scatter [tilespmem:s17], [sflag:$0x3], $0x80, $0x38;
	[tilespmem:$0x1D000] =	vst v63  }
0x3f1: {  	s17 =	sadd.s32 $0x14910, s0;
	s20 =	sadd.s32 $0x20, s1  }
0x3f2: {  	[hbm4b:s20+s3] =	stream.linear.scatter [tilespmem:s17], [sflag:$0x3], $0x80, $0x38;
	[tilespmem:$0x1D000] =	vst v63  }
0x3f3: {  	s17 =	sadd.s32 $0x14998, s0;
	s20 =	sadd.s32 $0x30, s1  }
0x3f4: {  	[hbm4b:s20+s3] =	stream.linear.scatter [tilespmem:s17], [sflag:$0x3], $0x80, $0x38;
	[tilespmem:$0x1D000] =	vst v63  }
0x3f5: {  	s17 =	sadd.s32 $0x14A20, s0;
	s20 =	sadd.s32 $0x40, s1  }
0x3f6: {  	[hbm4b:s20+s3] =	stream.linear.scatter [tilespmem:s17], [sflag:$0x3], $0x80, $0x38;
	[tilespmem:$0x1D000] =	vst v63  }
0x3f7: {  	s17 =	sadd.s32 $0x14AA8, s0;
	s20 =	sadd.s32 $0x50, s1  }
0x3f8: {  	[hbm4b:s20+s3] =	stream.linear.scatter [tilespmem:s17], [sflag:$0x3], $0x80, $0x38;
	[tilespmem:$0x1D000] =	vst v63  }
0x3f9: {  	s17 =	sadd.s32 $0x14B30, s0;
	s20 =	sadd.s32 $0x60, s1  }
0x3fa: {  	[hbm4b:s20+s3] =	stream.linear.scatter [tilespmem:s17], [sflag:$0x3], $0x80, $0x38;
	[tilespmem:$0x1D000] =	vst v63  }
0x3fb: {  	s20 =	sadd.s32 $0x70, s1;
	s1 =	sshll.u32 s26, $0xA  }
0x3fc: {  	s17 =	sadd.s32 $0x14BB8, s0;
	s29 =	sand.u32 $0x3FFFFC00, s1  }
0x3fd: {  	[hbm4b:s20+s3] =	stream.linear.scatter [tilespmem:s17], [sflag:$0x3], $0x80, $0x38;
	[tilespmem:$0x1D000] =	vst v63  }
0x3fe: {  	s30 =	simm.s32 $0x0;
	s0 =	sadd.s32 $0x6800, s29  }
0x3ff: {  	[tilespmem:s16], [sflag:$0x1] =	stream.indirect.gather [hbm4b:s4+s14], $0x20, s0, s14, $0xb8;
	[tilespmem:$0x1D000] =	vst v63  }
0x400: {  	s15 =	sand.u32 $0x70, s30;
	_ =	swait.ge [sflag:s21], $0x4000  }
0x401: {  	v18 =	vmov s15;
	[sflag:s21] =	ssyncset.done $0x0  }
0x402: {  	v18 =	vshrl.u32 v18, $0x3;
	[sflag:s21] =	ssyncadd.s32 $0xFFFFC000  }
0x403: {  	v18 =	vshll.u32 v18, v2;
	_ =	swait.ge [sflag:s24], $0x4000  }
0x404: {  	v18 =	vbroadcast v18, $0x0;
	[sflag:s24] =	ssyncset.done $0x0  }
0x405: {  	s17 =	simm.s32 $0x0;
	[sflag:s24] =	ssyncadd.s32 $0xFFFFC000  }
0x406: {  	v20 =	vadd.s32 v0, v18;
	v19 =	vld [tilespmem:s17+$0x10800]  }
0x407: {  	s20 =	simm.s32 $0x0  }
0x408: {  	s1 =	smul.u32 $0x4400, s20;
	_ =	sdelay $0x1  }
0x409: {  	s31 =	sshra.s32 s1, $0x2  }
0x40a: {  	[tilespmem:v20+s31+$0x18C00] =	vst.idx.msk $0xffff, v19  }
0x40b: {  	v20 =	vadd.s32 v3, v18;
	v19 =	vld [tilespmem:s17+$0x10810];
	_ =	sdelay $0x4  }
0x40c: {  	[tilespmem:v20+s31+$0x18C00] =	vst.idx.msk $0xffff, v19  }
0x40d: {  	v20 =	vadd.s32 v4, v18;
	v19 =	vld [tilespmem:s17+$0x10820];
	_ =	sdelay $0x4  }
0x40e: {  	[tilespmem:v20+s31+$0x18C00] =	vst.idx.msk $0xffff, v19  }
0x40f: {  	v20 =	vadd.s32 v5, v18;
	v19 =	vld [tilespmem:s17+$0x10830];
	_ =	sdelay $0x4  }
0x410: {  	[tilespmem:v20+s31+$0x18C00] =	vst.idx.msk $0xffff, v19  }
0x411: {  	v20 =	vadd.s32 v6, v18;
	v19 =	vld [tilespmem:s17+$0x10840];
	_ =	sdelay $0x4  }
0x412: {  	[tilespmem:v20+s31+$0x18C00] =	vst.idx.msk $0xffff, v19  }
0x413: {  	v20 =	vadd.s32 v7, v18;
	v19 =	vld [tilespmem:s17+$0x10850];
	_ =	sdelay $0x4  }
0x414: {  	[tilespmem:v20+s31+$0x18C00] =	vst.idx.msk $0xffff, v19  }
0x415: {  	v20 =	vadd.s32 v8, v18;
	v19 =	vld [tilespmem:s17+$0x10860];
	_ =	sdelay $0x4  }
0x416: {  	[tilespmem:v20+s31+$0x18C00] =	vst.idx.msk $0xffff, v19  }
0x417: {  	v20 =	vadd.s32 v9, v18;
	v19 =	vld [tilespmem:s17+$0x10870];
	_ =	sdelay $0x4  }
0x418: {  	[tilespmem:v20+s31+$0x18C00] =	vst.idx.msk $0xffff, v19  }
0x419: {  	v20 =	vadd.s32 v10, v18;
	v19 =	vld [tilespmem:s17+$0x10880];
	_ =	sdelay $0x4  }
0x41a: {  	[tilespmem:v20+s31+$0x18C00] =	vst.idx.msk $0xffff, v19  }
0x41b: {  	v20 =	vadd.s32 v11, v18;
	v19 =	vld [tilespmem:s17+$0x10890];
	_ =	sdelay $0x4  }
0x41c: {  	[tilespmem:v20+s31+$0x18C00] =	vst.idx.msk $0xffff, v19  }
0x41d: {  	v20 =	vadd.s32 v12, v18;
	v19 =	vld [tilespmem:s17+$0x108A0];
	_ =	sdelay $0x4  }
0x41e: {  	[tilespmem:v20+s31+$0x18C00] =	vst.idx.msk $0xffff, v19  }
0x41f: {  	v20 =	vadd.s32 v13, v18;
	v19 =	vld [tilespmem:s17+$0x108B0];
	_ =	sdelay $0x4  }
0x420: {  	[tilespmem:v20+s31+$0x18C00] =	vst.idx.msk $0xffff, v19  }
0x421: {  	v20 =	vadd.s32 v14, v18;
	v19 =	vld [tilespmem:s17+$0x108C0];
	_ =	sdelay $0x4  }
0x422: {  	[tilespmem:v20+s31+$0x18C00] =	vst.idx.msk $0xffff, v19  }
0x423: {  	v20 =	vadd.s32 v15, v18;
	v19 =	vld [tilespmem:s17+$0x108D0];
	_ =	sdelay $0x4  }
0x424: {  	[tilespmem:v20+s31+$0x18C00] =	vst.idx.msk $0xffff, v19  }
0x425: {  	v20 =	vadd.s32 v16, v18;
	v19 =	vld [tilespmem:s17+$0x108E0];
	_ =	sdelay $0x4  }
0x426: {  	[tilespmem:v20+s31+$0x18C00] =	vst.idx.msk $0xffff, v19  }
0x427: {  	s0 =	sor.u32 $0x8, s15;
	v18 =	vadd.s32 v17, v18;
	v19 =	vld [tilespmem:s17+$0x108F0]  }
0x428: {  	v20 =	vmov s0  }
0x429: {  	v20 =	vshrl.u32 v20, $0x3  }
0x42a: {  	v20 =	vshll.u32 v20, v2  }
0x42b: {  	v20 =	vbroadcast v20, $0x0  }
0x42c: {  	[tilespmem:v18+s31+$0x18C00] =	vst.idx.msk $0xffff, v19  }
0x42d: {  	v19 =	vadd.s32 v0, v20;
	v18 =	vld [tilespmem:s17+$0x10900];
	_ =	sdelay $0x4  }
0x42e: {  	[tilespmem:v19+s31+$0x18C00] =	vst.idx.msk $0xffff, v18  }
0x42f: {  	v19 =	vadd.s32 v3, v20;
	v18 =	vld [tilespmem:s17+$0x10910];
	_ =	sdelay $0x4  }
0x430: {  	[tilespmem:v19+s31+$0x18C00] =	vst.idx.msk $0xffff, v18  }
0x431: {  	v19 =	vadd.s32 v4, v20;
	v18 =	vld [tilespmem:s17+$0x10920];
	_ =	sdelay $0x4  }
0x432: {  	[tilespmem:v19+s31+$0x18C00] =	vst.idx.msk $0xffff, v18  }
0x433: {  	v19 =	vadd.s32 v5, v20;
	v18 =	vld [tilespmem:s17+$0x10930];
	_ =	sdelay $0x4  }
0x434: {  	[tilespmem:v19+s31+$0x18C00] =	vst.idx.msk $0xffff, v18  }
0x435: {  	v19 =	vadd.s32 v6, v20;
	v18 =	vld [tilespmem:s17+$0x10940];
	_ =	sdelay $0x4  }
0x436: {  	[tilespmem:v19+s31+$0x18C00] =	vst.idx.msk $0xffff, v18  }
0x437: {  	v19 =	vadd.s32 v7, v20;
	v18 =	vld [tilespmem:s17+$0x10950];
	_ =	sdelay $0x4  }
0x438: {  	[tilespmem:v19+s31+$0x18C00] =	vst.idx.msk $0xffff, v18  }
0x439: {  	v19 =	vadd.s32 v8, v20;
	v18 =	vld [tilespmem:s17+$0x10960];
	_ =	sdelay $0x4  }
0x43a: {  	[tilespmem:v19+s31+$0x18C00] =	vst.idx.msk $0xffff, v18  }
0x43b: {  	v19 =	vadd.s32 v9, v20;
	v18 =	vld [tilespmem:s17+$0x10970];
	_ =	sdelay $0x4  }
0x43c: {  	[tilespmem:v19+s31+$0x18C00] =	vst.idx.msk $0xffff, v18  }
0x43d: {  	v19 =	vadd.s32 v10, v20;
	v18 =	vld [tilespmem:s17+$0x10980];
	_ =	sdelay $0x4  }
0x43e: {  	[tilespmem:v19+s31+$0x18C00] =	vst.idx.msk $0xffff, v18  }
0x43f: {  	v19 =	vadd.s32 v11, v20;
	v18 =	vld [tilespmem:s17+$0x10990];
	_ =	sdelay $0x4  }
0x440: {  	[tilespmem:v19+s31+$0x18C00] =	vst.idx.msk $0xffff, v18  }
0x441: {  	v19 =	vadd.s32 v12, v20;
	v18 =	vld [tilespmem:s17+$0x109A0];
	_ =	sdelay $0x4  }
0x442: {  	[tilespmem:v19+s31+$0x18C00] =	vst.idx.msk $0xffff, v18  }
0x443: {  	v19 =	vadd.s32 v13, v20;
	v18 =	vld [tilespmem:s17+$0x109B0];
	_ =	sdelay $0x4  }
0x444: {  	[tilespmem:v19+s31+$0x18C00] =	vst.idx.msk $0xffff, v18  }
0x445: {  	v19 =	vadd.s32 v14, v20;
	v18 =	vld [tilespmem:s17+$0x109C0];
	_ =	sdelay $0x4  }
0x446: {  	[tilespmem:v19+s31+$0x18C00] =	vst.idx.msk $0xffff, v18  }
0x447: {  	v19 =	vadd.s32 v15, v20;
	v18 =	vld [tilespmem:s17+$0x109D0];
	_ =	sdelay $0x4  }
0x448: {  	[tilespmem:v19+s31+$0x18C00] =	vst.idx.msk $0xffff, v18  }
0x449: {  	v19 =	vadd.s32 v16, v20;
	v18 =	vld [tilespmem:s17+$0x109E0];
	_ =	sdelay $0x4  }
0x44a: {  	s0 =	simm.s32 $0x10;
	[tilespmem:v19+s31+$0x18C00] =	vst.idx.msk $0xffff, v18  }
0x44b: {  	s15 =	simm.s32 $0x1000;
	s1 =	simm.s32 $0x800;
	s20 =	sand.u32 $0x70, s0;
	v20 =	vadd.s32 v17, v20;
	v19 =	vld [tilespmem:s17+$0x109F0]  }
.LBB2_17:
0x44c: {  	p0 =	sne.s32 s15, $0xF800;
	v18 =	vmov s20  }
0x44d: {  	v18 =	vshrl.u32 v18, $0x3  }
0x44e: {  	v18 =	vshll.u32 v18, v2  }
0x44f: {  	v18 =	vbroadcast v18, $0x0  }
0x450: {  	s17 =	sshra.s32 s1, $0x2;
	s1 =	smov.u32 s15;
	[tilespmem:v20+s31+$0x18C00] =	vst.idx.msk $0xffff, v19  }
0x451: {  	s30 =	sadd.s32 $0x1, s30;
	v19 =	vld [tilespmem:s17+$0x10800];
	v20 =	vadd.s32 v0, v18  }
0x452: {  	s31 =	sshrl.u32 s30, $0x3  }
0x453: {  	s31 =	smul.u32 $0x4400, s31;
	_ =	sdelay $0x1  }
0x454: {  	s31 =	sshra.s32 s31, $0x2  }
0x455: {  	[tilespmem:v20+s31+$0x18C00] =	vst.idx.msk $0xffff, v19  }
0x456: {  	v20 =	vadd.s32 v3, v18;
	v19 =	vld [tilespmem:s17+$0x10810];
	_ =	sdelay $0x4  }
0x457: {  	[tilespmem:v20+s31+$0x18C00] =	vst.idx.msk $0xffff, v19  }
0x458: {  	v20 =	vadd.s32 v4, v18;
	v19 =	vld [tilespmem:s17+$0x10820];
	_ =	sdelay $0x4  }
0x459: {  	[tilespmem:v20+s31+$0x18C00] =	vst.idx.msk $0xffff, v19  }
0x45a: {  	v20 =	vadd.s32 v5, v18;
	v19 =	vld [tilespmem:s17+$0x10830];
	_ =	sdelay $0x4  }
0x45b: {  	[tilespmem:v20+s31+$0x18C00] =	vst.idx.msk $0xffff, v19  }
0x45c: {  	v20 =	vadd.s32 v6, v18;
	v19 =	vld [tilespmem:s17+$0x10840];
	_ =	sdelay $0x4  }
0x45d: {  	[tilespmem:v20+s31+$0x18C00] =	vst.idx.msk $0xffff, v19  }
0x45e: {  	v20 =	vadd.s32 v7, v18;
	v19 =	vld [tilespmem:s17+$0x10850];
	_ =	sdelay $0x4  }
0x45f: {  	[tilespmem:v20+s31+$0x18C00] =	vst.idx.msk $0xffff, v19  }
0x460: {  	v20 =	vadd.s32 v8, v18;
	v19 =	vld [tilespmem:s17+$0x10860];
	_ =	sdelay $0x4  }
0x461: {  	[tilespmem:v20+s31+$0x18C00] =	vst.idx.msk $0xffff, v19  }
0x462: {  	v20 =	vadd.s32 v9, v18;
	v19 =	vld [tilespmem:s17+$0x10870];
	_ =	sdelay $0x4  }
0x463: {  	[tilespmem:v20+s31+$0x18C00] =	vst.idx.msk $0xffff, v19  }
0x464: {  	v20 =	vadd.s32 v10, v18;
	v19 =	vld [tilespmem:s17+$0x10880];
	_ =	sdelay $0x4  }
0x465: {  	[tilespmem:v20+s31+$0x18C00] =	vst.idx.msk $0xffff, v19  }
0x466: {  	v20 =	vadd.s32 v11, v18;
	v19 =	vld [tilespmem:s17+$0x10890];
	_ =	sdelay $0x4  }
0x467: {  	[tilespmem:v20+s31+$0x18C00] =	vst.idx.msk $0xffff, v19  }
0x468: {  	v20 =	vadd.s32 v12, v18;
	v19 =	vld [tilespmem:s17+$0x108A0];
	_ =	sdelay $0x4  }
0x469: {  	[tilespmem:v20+s31+$0x18C00] =	vst.idx.msk $0xffff, v19  }
0x46a: {  	v20 =	vadd.s32 v13, v18;
	v19 =	vld [tilespmem:s17+$0x108B0];
	_ =	sdelay $0x4  }
0x46b: {  	[tilespmem:v20+s31+$0x18C00] =	vst.idx.msk $0xffff, v19  }
0x46c: {  	v20 =	vadd.s32 v14, v18;
	v19 =	vld [tilespmem:s17+$0x108C0];
	_ =	sdelay $0x4  }
0x46d: {  	[tilespmem:v20+s31+$0x18C00] =	vst.idx.msk $0xffff, v19  }
0x46e: {  	v20 =	vadd.s32 v15, v18;
	v19 =	vld [tilespmem:s17+$0x108D0];
	_ =	sdelay $0x4  }
0x46f: {  	[tilespmem:v20+s31+$0x18C00] =	vst.idx.msk $0xffff, v19  }
0x470: {  	v20 =	vadd.s32 v16, v18;
	v19 =	vld [tilespmem:s17+$0x108E0];
	_ =	sdelay $0x4  }
0x471: {  	[tilespmem:v20+s31+$0x18C00] =	vst.idx.msk $0xffff, v19  }
0x472: {  	s20 =	sor.u32 $0x8, s20;
	v20 =	vadd.s32 v17, v18;
	v19 =	vld [tilespmem:s17+$0x108F0]  }
0x473: {  	v18 =	vmov s20  }
0x474: {  	v18 =	vshrl.u32 v18, $0x3  }
0x475: {  	v18 =	vshll.u32 v18, v2  }
0x476: {  	v18 =	vbroadcast v18, $0x0  }
0x477: {  	[tilespmem:v20+s31+$0x18C00] =	vst.idx.msk $0xffff, v19  }
0x478: {  	v20 =	vadd.s32 v0, v18;
	v19 =	vld [tilespmem:s17+$0x10900];
	_ =	sdelay $0x4  }
0x479: {  	[tilespmem:v20+s31+$0x18C00] =	vst.idx.msk $0xffff, v19  }
0x47a: {  	v20 =	vadd.s32 v3, v18;
	v19 =	vld [tilespmem:s17+$0x10910];
	_ =	sdelay $0x4  }
0x47b: {  	[tilespmem:v20+s31+$0x18C00] =	vst.idx.msk $0xffff, v19  }
0x47c: {  	v20 =	vadd.s32 v4, v18;
	v19 =	vld [tilespmem:s17+$0x10920];
	_ =	sdelay $0x4  }
0x47d: {  	[tilespmem:v20+s31+$0x18C00] =	vst.idx.msk $0xffff, v19  }
0x47e: {  	v20 =	vadd.s32 v5, v18;
	v19 =	vld [tilespmem:s17+$0x10930];
	_ =	sdelay $0x4  }
0x47f: {  	[tilespmem:v20+s31+$0x18C00] =	vst.idx.msk $0xffff, v19  }
0x480: {  	v20 =	vadd.s32 v6, v18;
	v19 =	vld [tilespmem:s17+$0x10940];
	_ =	sdelay $0x4  }
0x481: {  	[tilespmem:v20+s31+$0x18C00] =	vst.idx.msk $0xffff, v19  }
0x482: {  	v20 =	vadd.s32 v7, v18;
	v19 =	vld [tilespmem:s17+$0x10950];
	_ =	sdelay $0x4  }
0x483: {  	[tilespmem:v20+s31+$0x18C00] =	vst.idx.msk $0xffff, v19  }
0x484: {  	v20 =	vadd.s32 v8, v18;
	v19 =	vld [tilespmem:s17+$0x10960];
	_ =	sdelay $0x4  }
0x485: {  	[tilespmem:v20+s31+$0x18C00] =	vst.idx.msk $0xffff, v19  }
0x486: {  	v20 =	vadd.s32 v9, v18;
	v19 =	vld [tilespmem:s17+$0x10970];
	_ =	sdelay $0x4  }
0x487: {  	[tilespmem:v20+s31+$0x18C00] =	vst.idx.msk $0xffff, v19  }
0x488: {  	v20 =	vadd.s32 v10, v18;
	v19 =	vld [tilespmem:s17+$0x10980];
	_ =	sdelay $0x4  }
0x489: {  	[tilespmem:v20+s31+$0x18C00] =	vst.idx.msk $0xffff, v19  }
0x48a: {  	v20 =	vadd.s32 v11, v18;
	v19 =	vld [tilespmem:s17+$0x10990];
	_ =	sdelay $0x4  }
0x48b: {  	[tilespmem:v20+s31+$0x18C00] =	vst.idx.msk $0xffff, v19  }
0x48c: {  	v20 =	vadd.s32 v12, v18;
	v19 =	vld [tilespmem:s17+$0x109A0];
	_ =	sdelay $0x4  }
0x48d: {  	[tilespmem:v20+s31+$0x18C00] =	vst.idx.msk $0xffff, v19  }
0x48e: {  	v20 =	vadd.s32 v13, v18;
	v19 =	vld [tilespmem:s17+$0x109B0];
	_ =	sdelay $0x4  }
0x48f: {  	[tilespmem:v20+s31+$0x18C00] =	vst.idx.msk $0xffff, v19  }
0x490: {  	v20 =	vadd.s32 v14, v18;
	v19 =	vld [tilespmem:s17+$0x109C0];
	_ =	sdelay $0x4  }
0x491: {  	[tilespmem:v20+s31+$0x18C00] =	vst.idx.msk $0xffff, v19  }
0x492: {  	v20 =	vadd.s32 v15, v18;
	v19 =	vld [tilespmem:s17+$0x109D0];
	_ =	sdelay $0x4  }
0x493: {  	[tilespmem:v20+s31+$0x18C00] =	vst.idx.msk $0xffff, v19  }
0x494: {  	v20 =	vadd.s32 v16, v18;
	v19 =	vld [tilespmem:s17+$0x109E0];
	_ =	sdelay $0x1  }
.Ltmp7:
0x495: {  	(pc) =	sbr.rel @p0 .LBB2_17-.Ltmp7, $3  }
0x496: {  	_ =	sdelay $0x1  }
0x497: {  	s0 =	sadd.s32 $0x10, s0;
	[tilespmem:v20+s31+$0x18C00] =	vst.idx.msk $0xffff, v19  }
0x498: {  	s15 =	sadd.s32 $0x800, s15;
	s20 =	sand.u32 $0x70, s0;
	v20 =	vadd.s32 v17, v18;
	v19 =	vld [tilespmem:s17+$0x109F0]  }
0x499: {  	v18 =	vmov s20  }
0x49a: {  	v18 =	vshrl.u32 v18, $0x3  }
0x49b: {  	v18 =	vshll.u32 v18, v2  }
0x49c: {  	v18 =	vbroadcast v18, $0x0  }
0x49d: {  	s0 =	sshra.s32 s1, $0x2;
	[tilespmem:v20+s31+$0x18C00] =	vst.idx.msk $0xffff, v19  }
0x49e: {  	s30 =	sadd.s32 $0x1, s30;
	v19 =	vld [tilespmem:s0+$0x10800];
	v48 =	vadd.s32 v0, v18  }
0x49f: {  	s1 =	sshrl.u32 s30, $0x3  }
0x4a0: {  	s1 =	smul.u32 $0x4400, s1;
	_ =	sdelay $0x1  }
0x4a1: {  	s1 =	sshra.s32 s1, $0x2  }
0x4a2: {  	[tilespmem:v48+s1+$0x18C00] =	vst.idx.msk $0xffff, v19  }
0x4a3: {  	v49 =	vadd.s32 v3, v18;
	v19 =	vld [tilespmem:s0+$0x10810];
	_ =	sdelay $0x4  }
0x4a4: {  	[tilespmem:v49+s1+$0x18C00] =	vst.idx.msk $0xffff, v19  }
0x4a5: {  	v50 =	vadd.s32 v4, v18;
	v19 =	vld [tilespmem:s0+$0x10820];
	_ =	sdelay $0x4  }
0x4a6: {  	[tilespmem:v50+s1+$0x18C00] =	vst.idx.msk $0xffff, v19  }
0x4a7: {  	v51 =	vadd.s32 v5, v18;
	v19 =	vld [tilespmem:s0+$0x10830];
	_ =	sdelay $0x4  }
0x4a8: {  	[tilespmem:v51+s1+$0x18C00] =	vst.idx.msk $0xffff, v19  }
0x4a9: {  	v52 =	vadd.s32 v6, v18;
	v19 =	vld [tilespmem:s0+$0x10840];
	_ =	sdelay $0x4  }
0x4aa: {  	[tilespmem:v52+s1+$0x18C00] =	vst.idx.msk $0xffff, v19  }
0x4ab: {  	v53 =	vadd.s32 v7, v18;
	v19 =	vld [tilespmem:s0+$0x10850];
	_ =	sdelay $0x4  }
0x4ac: {  	[tilespmem:v53+s1+$0x18C00] =	vst.idx.msk $0xffff, v19  }
0x4ad: {  	v54 =	vadd.s32 v8, v18;
	v19 =	vld [tilespmem:s0+$0x10860];
	_ =	sdelay $0x4  }
0x4ae: {  	[tilespmem:v54+s1+$0x18C00] =	vst.idx.msk $0xffff, v19  }
0x4af: {  	v55 =	vadd.s32 v9, v18;
	v19 =	vld [tilespmem:s0+$0x10870];
	_ =	sdelay $0x4  }
0x4b0: {  	[tilespmem:v55+s1+$0x18C00] =	vst.idx.msk $0xffff, v19  }
0x4b1: {  	v56 =	vadd.s32 v10, v18;
	v19 =	vld [tilespmem:s0+$0x10880];
	_ =	sdelay $0x4  }
0x4b2: {  	[tilespmem:v56+s1+$0x18C00] =	vst.idx.msk $0xffff, v19  }
0x4b3: {  	v57 =	vadd.s32 v11, v18;
	v19 =	vld [tilespmem:s0+$0x10890];
	_ =	sdelay $0x4  }
0x4b4: {  	[tilespmem:v57+s1+$0x18C00] =	vst.idx.msk $0xffff, v19  }
0x4b5: {  	v58 =	vadd.s32 v12, v18;
	v19 =	vld [tilespmem:s0+$0x108A0];
	_ =	sdelay $0x4  }
0x4b6: {  	[tilespmem:v58+s1+$0x18C00] =	vst.idx.msk $0xffff, v19  }
0x4b7: {  	v59 =	vadd.s32 v13, v18;
	v19 =	vld [tilespmem:s0+$0x108B0];
	_ =	sdelay $0x4  }
0x4b8: {  	[tilespmem:v59+s1+$0x18C00] =	vst.idx.msk $0xffff, v19  }
0x4b9: {  	v60 =	vadd.s32 v14, v18;
	v19 =	vld [tilespmem:s0+$0x108C0];
	_ =	sdelay $0x4  }
0x4ba: {  	[tilespmem:v60+s1+$0x18C00] =	vst.idx.msk $0xffff, v19  }
0x4bb: {  	v61 =	vadd.s32 v15, v18;
	v19 =	vld [tilespmem:s0+$0x108D0];
	_ =	sdelay $0x4  }
0x4bc: {  	[tilespmem:v61+s1+$0x18C00] =	vst.idx.msk $0xffff, v19  }
0x4bd: {  	v62 =	vadd.s32 v16, v18;
	v19 =	vld [tilespmem:s0+$0x108E0];
	_ =	sdelay $0x4  }
0x4be: {  	[tilespmem:v62+s1+$0x18C00] =	vst.idx.msk $0xffff, v19  }
0x4bf: {  	s15 =	sor.u32 $0x8, s20;
	v18 =	vadd.s32 v17, v18;
	v19 =	vld [tilespmem:s0+$0x108F0]  }
0x4c0: {  	v63 =	vmov s15  }
0x4c1: {  	v20 =	vshrl.u32 v63, $0x3  }
0x4c2: {  	v20 =	vshll.u32 v20, v2  }
0x4c3: {  	v20 =	vbroadcast v20, $0x0  }
0x4c4: {  	[tilespmem:v18+s1+$0x18C00] =	vst.idx.msk $0xffff, v19  }
0x4c5: {  	v19 =	vadd.s32 v0, v20;
	v18 =	vld [tilespmem:s0+$0x10900];
	_ =	sdelay $0x4  }
0x4c6: {  	[tilespmem:v19+s1+$0x18C00] =	vst.idx.msk $0xffff, v18  }
0x4c7: {  	v19 =	vadd.s32 v3, v20;
	v18 =	vld [tilespmem:s0+$0x10910];
	_ =	sdelay $0x4  }
0x4c8: {  	[tilespmem:v19+s1+$0x18C00] =	vst.idx.msk $0xffff, v18  }
0x4c9: {  	v19 =	vadd.s32 v4, v20;
	v18 =	vld [tilespmem:s0+$0x10920];
	_ =	sdelay $0x4  }
0x4ca: {  	[tilespmem:v19+s1+$0x18C00] =	vst.idx.msk $0xffff, v18  }
0x4cb: {  	v19 =	vadd.s32 v5, v20;
	v18 =	vld [tilespmem:s0+$0x10930];
	_ =	sdelay $0x4  }
0x4cc: {  	[tilespmem:v19+s1+$0x18C00] =	vst.idx.msk $0xffff, v18  }
0x4cd: {  	v19 =	vadd.s32 v6, v20;
	v18 =	vld [tilespmem:s0+$0x10940];
	_ =	sdelay $0x4  }
0x4ce: {  	[tilespmem:v19+s1+$0x18C00] =	vst.idx.msk $0xffff, v18  }
0x4cf: {  	v19 =	vadd.s32 v7, v20;
	v18 =	vld [tilespmem:s0+$0x10950];
	_ =	sdelay $0x4  }
0x4d0: {  	[tilespmem:v19+s1+$0x18C00] =	vst.idx.msk $0xffff, v18  }
0x4d1: {  	v19 =	vadd.s32 v8, v20;
	v18 =	vld [tilespmem:s0+$0x10960];
	_ =	sdelay $0x4  }
0x4d2: {  	[tilespmem:v19+s1+$0x18C00] =	vst.idx.msk $0xffff, v18  }
0x4d3: {  	v19 =	vadd.s32 v9, v20;
	v18 =	vld [tilespmem:s0+$0x10970];
	_ =	sdelay $0x4  }
0x4d4: {  	[tilespmem:v19+s1+$0x18C00] =	vst.idx.msk $0xffff, v18  }
0x4d5: {  	v19 =	vadd.s32 v10, v20;
	v18 =	vld [tilespmem:s0+$0x10980];
	_ =	sdelay $0x4  }
0x4d6: {  	[tilespmem:v19+s1+$0x18C00] =	vst.idx.msk $0xffff, v18  }
0x4d7: {  	v19 =	vadd.s32 v11, v20;
	v18 =	vld [tilespmem:s0+$0x10990];
	_ =	sdelay $0x4  }
0x4d8: {  	[tilespmem:v19+s1+$0x18C00] =	vst.idx.msk $0xffff, v18  }
0x4d9: {  	v19 =	vadd.s32 v12, v20;
	v18 =	vld [tilespmem:s0+$0x109A0];
	_ =	sdelay $0x4  }
0x4da: {  	[tilespmem:v19+s1+$0x18C00] =	vst.idx.msk $0xffff, v18  }
0x4db: {  	v19 =	vadd.s32 v13, v20;
	v18 =	vld [tilespmem:s0+$0x109B0];
	_ =	sdelay $0x4  }
0x4dc: {  	[tilespmem:v19+s1+$0x18C00] =	vst.idx.msk $0xffff, v18  }
0x4dd: {  	v19 =	vadd.s32 v14, v20;
	v18 =	vld [tilespmem:s0+$0x109C0];
	_ =	sdelay $0x4  }
0x4de: {  	[tilespmem:v19+s1+$0x18C00] =	vst.idx.msk $0xffff, v18  }
0x4df: {  	v19 =	vadd.s32 v15, v20;
	v18 =	vld [tilespmem:s0+$0x109D0];
	_ =	sdelay $0x4  }
0x4e0: {  	[tilespmem:v19+s1+$0x18C00] =	vst.idx.msk $0xffff, v18  }
0x4e1: {  	v19 =	vadd.s32 v16, v20;
	v18 =	vld [tilespmem:s0+$0x109E0];
	_ =	sdelay $0x4  }
0x4e2: {  	[tilespmem:v19+s1+$0x18C00] =	vst.idx.msk $0xffff, v18  }
0x4e3: {  	v19 =	vadd.s32 v17, v20;
	v18 =	vld [tilespmem:s0+$0x109F0];
	_ =	sdelay $0x4  }
0x4e4: {  	s31 =	simm.s32 $0x18C00;
	[tilespmem:v19+s1+$0x18C00] =	vst.idx.msk $0xffff, v18;
	s1 =	sadd.s32 s28, s7  }
0x4e5: {  	[hbm4b:s1+s3] =	stream.linear.scatter [tilespmem:s31], [sflag:$0x4], $0x80, $0x38;
	[tilespmem:$0x1D000] =	vst v63  }
0x4e6: {  	s15 =	simm.s32 $0x18C88;
	s17 =	sadd.s32 $0x10, s1  }
0x4e7: {  	[hbm4b:s17+s3] =	stream.linear.scatter [tilespmem:s15], [sflag:$0x4], $0x80, $0x38;
	[tilespmem:$0x1D000] =	vst v63  }
0x4e8: {  	s20 =	simm.s32 $0x18D10;
	s30 =	simm.s32 $0x18D98;
	s28 =	sadd.s32 $0x20, s1  }
0x4e9: {  	[hbm4b:s28+s3] =	stream.linear.scatter [tilespmem:s20], [sflag:$0x4], $0x80, $0x38;
	[tilespmem:$0x1D000] =	vst v63  }
0x4ea: {  	s0 =	simm.s32 $0x440;
	s31 =	sadd.s32 $0x30, s1;
	s15 =	simm.s32 $0x18E20  }
0x4eb: {  	[hbm4b:s31+s3] =	stream.linear.scatter [tilespmem:s30], [sflag:$0x4], $0x80, $0x38;
	[tilespmem:$0x1D000] =	vst v63  }
0x4ec: {  	s17 =	sadd.s32 $0x40, s1;
	s20 =	simm.s32 $0x18EA8;
	s28 =	sadd.s32 $0x50, s1  }
0x4ed: {  	[hbm4b:s17+s3] =	stream.linear.scatter [tilespmem:s15], [sflag:$0x4], $0x80, $0x38;
	[tilespmem:$0x1D000] =	vst v63  }
0x4ee: {  	s30 =	simm.s32 $0x18F30;
	s31 =	sadd.s32 $0x60, s1;
	s15 =	simm.s32 $0x2200  }
0x4ef: {  	[hbm4b:s28+s3] =	stream.linear.scatter [tilespmem:s20], [sflag:$0x4], $0x80, $0x38;
	[tilespmem:$0x1D000] =	vst v63  }
0x4f0: {  	s17 =	simm.s32 $0x18FB8;
	s20 =	sadd.s32 $0x70, s1;
	s1 =	sadd.s32 $0x1000, s1  }
0x4f1: {  	[hbm4b:s31+s3] =	stream.linear.scatter [tilespmem:s30], [sflag:$0x4], $0x80, $0x38;
	[tilespmem:$0x1D000] =	vst v63  }
.LBB2_19:
0x4f2: {  	[hbm4b:s20+s3] =	stream.linear.scatter [tilespmem:s17], [sflag:$0x4], $0x80, $0x38;
	[tilespmem:$0x1D000] =	vst v63  }
0x4f3: {  	s17 =	smov.u32 s0;
	s0 =	smov.u32 s15  }
0x4f4: {  	s28 =	sadd.s32 $0x1100, s15;
	s0 =	sshra.s32 s0, $0x2;
	s20 =	sadd.s32 $0x18C00, s17  }
0x4f5: {  	[hbm4b:s1+s3] =	stream.linear.scatter [tilespmem:s20], [sflag:$0x4], $0x80, $0x38;
	[tilespmem:$0x1D000] =	vst v63  }
0x4f6: {  	p0 =	sne.s32 s15, $0xFF00;
	s15 =	sadd.s32 $0x18C88, s17;
	s20 =	sadd.s32 $0x10, s1  }
0x4f7: {  	[hbm4b:s20+s3] =	stream.linear.scatter [tilespmem:s15], [sflag:$0x4], $0x80, $0x38;
	[tilespmem:$0x1D000] =	vst v63  }
0x4f8: {  	s15 =	sadd.s32 $0x18D10, s17;
	s20 =	sadd.s32 $0x20, s1  }
0x4f9: {  	[hbm4b:s20+s3] =	stream.linear.scatter [tilespmem:s15], [sflag:$0x4], $0x80, $0x38;
	[tilespmem:$0x1D000] =	vst v63  }
0x4fa: {  	s15 =	sadd.s32 $0x18D98, s17;
	s20 =	sadd.s32 $0x30, s1  }
0x4fb: {  	[hbm4b:s20+s3] =	stream.linear.scatter [tilespmem:s15], [sflag:$0x4], $0x80, $0x38;
	[tilespmem:$0x1D000] =	vst v63  }
0x4fc: {  	s15 =	sadd.s32 $0x18E20, s17;
	s20 =	sadd.s32 $0x40, s1  }
0x4fd: {  	[hbm4b:s20+s3] =	stream.linear.scatter [tilespmem:s15], [sflag:$0x4], $0x80, $0x38;
	[tilespmem:$0x1D000] =	vst v63  }
.Ltmp8:
0x4fe: {  	s15 =	sadd.s32 $0x18EA8, s17;
	s20 =	sadd.s32 $0x50, s1;
	(pc) =	sbr.rel @p0 .LBB2_19-.Ltmp8, $4  }
0x4ff: {  	[hbm4b:s20+s3] =	stream.linear.scatter [tilespmem:s15], [sflag:$0x4], $0x80, $0x38;
	[tilespmem:$0x1D000] =	vst v63  }
0x500: {  	s15 =	sadd.s32 $0x18F30, s17;
	s20 =	sadd.s32 $0x60, s1;
	s17 =	sadd.s32 $0x18FB8, s17  }
0x501: {  	[hbm4b:s20+s3] =	stream.linear.scatter [tilespmem:s15], [sflag:$0x4], $0x80, $0x38;
	[tilespmem:$0x1D000] =	vst v63  }
0x502: {  	s20 =	sadd.s32 $0x70, s1;
	s1 =	sadd.s32 $0x1000, s1;
	s15 =	smov.u32 s28  }
0x503: {  	[hbm4b:s20+s3] =	stream.linear.scatter [tilespmem:s17], [sflag:$0x4], $0x80, $0x38;
	[tilespmem:$0x1D000] =	vst v63  }
0x504: {  	s15 =	sadd.s32 $0x18C00, s0  }
0x505: {  	[hbm4b:s1+s3] =	stream.linear.scatter [tilespmem:s15], [sflag:$0x4], $0x80, $0x38;
	[tilespmem:$0x1D000] =	vst v63  }
0x506: {  	s30 =	sadd.s32 $0x18C88, s0;
	s31 =	sadd.s32 $0x10, s1  }
0x507: {  	[hbm4b:s31+s3] =	stream.linear.scatter [tilespmem:s30], [sflag:$0x4], $0x80, $0x38;
	[tilespmem:$0x1D000] =	vst v63  }
0x508: {  	s20 =	sadd.s32 $0x18D10, s0;
	s28 =	sadd.s32 $0x20, s1  }
0x509: {  	[hbm4b:s28+s3] =	stream.linear.scatter [tilespmem:s20], [sflag:$0x4], $0x80, $0x38;
	[tilespmem:$0x1D000] =	vst v63  }
0x50a: {  	s30 =	sadd.s32 $0x18D98, s0;
	s31 =	sadd.s32 $0x30, s1  }
0x50b: {  	[hbm4b:s31+s3] =	stream.linear.scatter [tilespmem:s30], [sflag:$0x4], $0x80, $0x38;
	[tilespmem:$0x1D000] =	vst v63  }
0x50c: {  	s20 =	sadd.s32 $0x18E20, s0;
	s28 =	sadd.s32 $0x40, s1  }
0x50d: {  	[hbm4b:s28+s3] =	stream.linear.scatter [tilespmem:s20], [sflag:$0x4], $0x80, $0x38;
	[tilespmem:$0x1D000] =	vst v63  }
0x50e: {  	s26 =	sadd.s32 $0x1, s26;
	s30 =	sadd.s32 $0x18EA8, s0;
	s31 =	sadd.s32 $0x50, s1  }
0x50f: {  	[hbm4b:s31+s3] =	stream.linear.scatter [tilespmem:s30], [sflag:$0x4], $0x80, $0x38;
	[tilespmem:$0x1D000] =	vst v63  }
0x510: {  	s17 =	sadd.s32 $0x18F30, s0;
	p0 =	sne.s32 s26, $0x18;
	s20 =	sadd.s32 $0x60, s1  }
0x511: {  	[hbm4b:s20+s3] =	stream.linear.scatter [tilespmem:s17], [sflag:$0x4], $0x80, $0x38;
	[tilespmem:$0x1D000] =	vst v63  }
.Ltmp9:
0x512: {  	_ = 	snop;
	(pc) =	sbr.rel @p0 .LBB2_12-.Ltmp9, $4  }
0x513: {  	s28 =	sadd.s32 $0x18FB8, s0;
	s30 =	sadd.s32 $0x70, s1  }
0x514: {  	[hbm4b:s30+s3] =	stream.linear.scatter [tilespmem:s28], [sflag:$0x4], $0x80, $0x38;
	[tilespmem:$0x1D000] =	vst v63  }
0x515: {  	s31 =	sadd.s32 $0x6A00, s29  }
0x516: {  	[tilespmem:s18], [sflag:$0x2] =	stream.indirect.gather [hbm4b:s4+s14], $0x20, s31, s14, $0xb8;
	[tilespmem:$0x1D000] =	vst v63  }
0x517: {  	s0 =	simm.s32 $0x0  }
0x518: {  	_ =	swait.ge [sflag:s19], $0x4000;
	s0 =	sand.u32 $0x70, s0  }
0x519: {  	[sflag:s19] =	ssyncset.done $0x0;
	v18 =	vmov s0  }
0x51a: {  	[sflag:s19] =	ssyncadd.s32 $0xFFFFC000;
	v18 =	vshrl.u32 v18, $0x3  }
0x51b: {  	_ =	swait.ge [sflag:s23], $0x4000;
	v18 =	vshll.u32 v18, v2  }
0x51c: {  	[sflag:s23] =	ssyncset.done $0x0;
	v18 =	vbroadcast v18, $0x0  }
0x51d: {  	s26 =	simm.s32 $0xC900;
	[sflag:s23] =	ssyncadd.s32 $0xFFFFC000  }
0x51e: {  	v19 =	vld [tilespmem:s26+$0xFFFFFF00];
	v20 =	vadd.s32 v0, v18  }
0x51f: {  	s1 =	simm.s32 $0x0  }
0x520: {  	s1 =	smul.u32 $0x4400, s1;
	_ =	sdelay $0x1  }
0x521: {  	s28 =	sshra.s32 s1, $0x2  }
0x522: {  	[tilespmem:v20+s28+$0x14800] =	vst.idx.msk $0xffff, v19  }
0x523: {  	v20 =	vadd.s32 v3, v18;
	v19 =	vld [tilespmem:s26+$0xFFFFFF10];
	_ =	sdelay $0x4  }
0x524: {  	[tilespmem:v20+s28+$0x14800] =	vst.idx.msk $0xffff, v19  }
0x525: {  	v20 =	vadd.s32 v4, v18;
	v19 =	vld [tilespmem:s26+$0xFFFFFF20];
	_ =	sdelay $0x4  }
0x526: {  	[tilespmem:v20+s28+$0x14800] =	vst.idx.msk $0xffff, v19  }
0x527: {  	v20 =	vadd.s32 v5, v18;
	v19 =	vld [tilespmem:s26+$0xFFFFFF30];
	_ =	sdelay $0x4  }
0x528: {  	[tilespmem:v20+s28+$0x14800] =	vst.idx.msk $0xffff, v19  }
0x529: {  	v20 =	vadd.s32 v6, v18;
	v19 =	vld [tilespmem:s26+$0xFFFFFF40];
	_ =	sdelay $0x4  }
0x52a: {  	[tilespmem:v20+s28+$0x14800] =	vst.idx.msk $0xffff, v19  }
0x52b: {  	v20 =	vadd.s32 v7, v18;
	v19 =	vld [tilespmem:s26+$0xFFFFFF50];
	_ =	sdelay $0x4  }
0x52c: {  	[tilespmem:v20+s28+$0x14800] =	vst.idx.msk $0xffff, v19  }
0x52d: {  	v20 =	vadd.s32 v8, v18;
	v19 =	vld [tilespmem:s26+$0xFFFFFF60];
	_ =	sdelay $0x4  }
0x52e: {  	[tilespmem:v20+s28+$0x14800] =	vst.idx.msk $0xffff, v19  }
0x52f: {  	v20 =	vadd.s32 v9, v18;
	v19 =	vld [tilespmem:s26+$0xFFFFFF70];
	_ =	sdelay $0x4  }
0x530: {  	[tilespmem:v20+s28+$0x14800] =	vst.idx.msk $0xffff, v19  }
0x531: {  	v20 =	vadd.s32 v10, v18;
	v19 =	vld [tilespmem:s26+$0xFFFFFF80];
	_ =	sdelay $0x4  }
0x532: {  	[tilespmem:v20+s28+$0x14800] =	vst.idx.msk $0xffff, v19  }
0x533: {  	v20 =	vadd.s32 v11, v18;
	v19 =	vld [tilespmem:s26+$0xFFFFFF90];
	_ =	sdelay $0x4  }
0x534: {  	[tilespmem:v20+s28+$0x14800] =	vst.idx.msk $0xffff, v19  }
0x535: {  	v20 =	vadd.s32 v12, v18;
	v19 =	vld [tilespmem:s26+$0xFFFFFFA0];
	_ =	sdelay $0x4  }
0x536: {  	[tilespmem:v20+s28+$0x14800] =	vst.idx.msk $0xffff, v19  }
0x537: {  	v20 =	vadd.s32 v13, v18;
	v19 =	vld [tilespmem:s26+$0xFFFFFFB0];
	_ =	sdelay $0x4  }
0x538: {  	[tilespmem:v20+s28+$0x14800] =	vst.idx.msk $0xffff, v19  }
0x539: {  	v20 =	vadd.s32 v14, v18;
	v19 =	vld [tilespmem:s26+$0xFFFFFFC0];
	_ =	sdelay $0x4  }
0x53a: {  	[tilespmem:v20+s28+$0x14800] =	vst.idx.msk $0xffff, v19  }
0x53b: {  	v20 =	vadd.s32 v15, v18;
	v19 =	vld [tilespmem:s26+$0xFFFFFFD0];
	_ =	sdelay $0x4  }
0x53c: {  	[tilespmem:v20+s28+$0x14800] =	vst.idx.msk $0xffff, v19  }
0x53d: {  	v20 =	vadd.s32 v16, v18;
	v19 =	vld [tilespmem:s26+$0xFFFFFFE0];
	_ =	sdelay $0x4  }
0x53e: {  	[tilespmem:v20+s28+$0x14800] =	vst.idx.msk $0xffff, v19  }
0x53f: {  	s0 =	sor.u32 $0x8, s0;
	v18 =	vadd.s32 v17, v18;
	v19 =	vld [tilespmem:s26+$0xFFFFFFF0]  }
0x540: {  	v20 =	vmov s0  }
0x541: {  	v20 =	vshrl.u32 v20, $0x3  }
0x542: {  	v20 =	vshll.u32 v20, v2  }
0x543: {  	v20 =	vbroadcast v20, $0x0  }
0x544: {  	[tilespmem:v18+s28+$0x14800] =	vst.idx.msk $0xffff, v19  }
0x545: {  	v19 =	vadd.s32 v0, v20;
	v18 =	vld [tilespmem:s26+$0x0];
	_ =	sdelay $0x4  }
0x546: {  	[tilespmem:v19+s28+$0x14800] =	vst.idx.msk $0xffff, v18  }
0x547: {  	v19 =	vadd.s32 v3, v20;
	v18 =	vld [tilespmem:s26+$0x10];
	_ =	sdelay $0x4  }
0x548: {  	[tilespmem:v19+s28+$0x14800] =	vst.idx.msk $0xffff, v18  }
0x549: {  	v19 =	vadd.s32 v4, v20;
	v18 =	vld [tilespmem:s26+$0x20];
	_ =	sdelay $0x4  }
0x54a: {  	[tilespmem:v19+s28+$0x14800] =	vst.idx.msk $0xffff, v18  }
0x54b: {  	v19 =	vadd.s32 v5, v20;
	v18 =	vld [tilespmem:s26+$0x30];
	_ =	sdelay $0x4  }
0x54c: {  	[tilespmem:v19+s28+$0x14800] =	vst.idx.msk $0xffff, v18  }
0x54d: {  	v19 =	vadd.s32 v6, v20;
	v18 =	vld [tilespmem:s26+$0x40];
	_ =	sdelay $0x4  }
0x54e: {  	[tilespmem:v19+s28+$0x14800] =	vst.idx.msk $0xffff, v18  }
0x54f: {  	v19 =	vadd.s32 v7, v20;
	v18 =	vld [tilespmem:s26+$0x50];
	_ =	sdelay $0x4  }
0x550: {  	[tilespmem:v19+s28+$0x14800] =	vst.idx.msk $0xffff, v18  }
0x551: {  	v19 =	vadd.s32 v8, v20;
	v18 =	vld [tilespmem:s26+$0x60];
	_ =	sdelay $0x4  }
0x552: {  	[tilespmem:v19+s28+$0x14800] =	vst.idx.msk $0xffff, v18  }
0x553: {  	v19 =	vadd.s32 v9, v20;
	v18 =	vld [tilespmem:s26+$0x70];
	_ =	sdelay $0x4  }
0x554: {  	[tilespmem:v19+s28+$0x14800] =	vst.idx.msk $0xffff, v18  }
0x555: {  	v19 =	vadd.s32 v10, v20;
	v18 =	vld [tilespmem:s26+$0x80];
	_ =	sdelay $0x4  }
0x556: {  	[tilespmem:v19+s28+$0x14800] =	vst.idx.msk $0xffff, v18  }
0x557: {  	v19 =	vadd.s32 v11, v20;
	v18 =	vld [tilespmem:s26+$0x90];
	_ =	sdelay $0x4  }
0x558: {  	[tilespmem:v19+s28+$0x14800] =	vst.idx.msk $0xffff, v18  }
0x559: {  	v19 =	vadd.s32 v12, v20;
	v18 =	vld [tilespmem:s26+$0xA0];
	_ =	sdelay $0x4  }
0x55a: {  	[tilespmem:v19+s28+$0x14800] =	vst.idx.msk $0xffff, v18  }
0x55b: {  	v19 =	vadd.s32 v13, v20;
	v18 =	vld [tilespmem:s26+$0xB0];
	_ =	sdelay $0x4  }
0x55c: {  	[tilespmem:v19+s28+$0x14800] =	vst.idx.msk $0xffff, v18  }
0x55d: {  	v19 =	vadd.s32 v14, v20;
	v18 =	vld [tilespmem:s26+$0xC0];
	_ =	sdelay $0x4  }
0x55e: {  	[tilespmem:v19+s28+$0x14800] =	vst.idx.msk $0xffff, v18  }
0x55f: {  	v19 =	vadd.s32 v15, v20;
	v18 =	vld [tilespmem:s26+$0xD0];
	_ =	sdelay $0x4  }
0x560: {  	[tilespmem:v19+s28+$0x14800] =	vst.idx.msk $0xffff, v18  }
0x561: {  	v19 =	vadd.s32 v16, v20;
	v18 =	vld [tilespmem:s26+$0xE0];
	_ =	sdelay $0x4  }
0x562: {  	s0 =	simm.s32 $0x10;
	[tilespmem:v19+s28+$0x14800] =	vst.idx.msk $0xffff, v18  }
0x563: {  	s29 =	simm.s32 $0x1;
	s1 =	simm.s32 $0x2;
	s15 =	sand.u32 $0x70, s0;
	v20 =	vadd.s32 v17, v20;
	v19 =	vld [tilespmem:s26+$0xF0]  }
.LBB2_22:
0x564: {  	p0 =	sne.s32 s1, $0x1F;
	v18 =	vmov s15  }
0x565: {  	v18 =	vshrl.u32 v18, $0x3  }
0x566: {  	v18 =	vshll.u32 v18, v2  }
0x567: {  	v18 =	vbroadcast v18, $0x0  }
0x568: {  	s26 =	sadd.s32 $0x200, s26;
	[tilespmem:v20+s28+$0x14800] =	vst.idx.msk $0xffff, v19  }
0x569: {  	v19 =	vld [tilespmem:s26+$0xFFFFFF00];
	v20 =	vadd.s32 v0, v18  }
0x56a: {  	s17 =	sshrl.u32 s29, $0x3;
	s29 =	smov.u32 s1  }
0x56b: {  	s17 =	smul.u32 $0x4400, s17;
	_ =	sdelay $0x1  }
0x56c: {  	s28 =	sshra.s32 s17, $0x2  }
0x56d: {  	[tilespmem:v20+s28+$0x14800] =	vst.idx.msk $0xffff, v19  }
0x56e: {  	v20 =	vadd.s32 v3, v18;
	v19 =	vld [tilespmem:s26+$0xFFFFFF10];
	_ =	sdelay $0x4  }
0x56f: {  	[tilespmem:v20+s28+$0x14800] =	vst.idx.msk $0xffff, v19  }
0x570: {  	v20 =	vadd.s32 v4, v18;
	v19 =	vld [tilespmem:s26+$0xFFFFFF20];
	_ =	sdelay $0x4  }
0x571: {  	[tilespmem:v20+s28+$0x14800] =	vst.idx.msk $0xffff, v19  }
0x572: {  	v20 =	vadd.s32 v5, v18;
	v19 =	vld [tilespmem:s26+$0xFFFFFF30];
	_ =	sdelay $0x4  }
0x573: {  	[tilespmem:v20+s28+$0x14800] =	vst.idx.msk $0xffff, v19  }
0x574: {  	v20 =	vadd.s32 v6, v18;
	v19 =	vld [tilespmem:s26+$0xFFFFFF40];
	_ =	sdelay $0x4  }
0x575: {  	[tilespmem:v20+s28+$0x14800] =	vst.idx.msk $0xffff, v19  }
0x576: {  	v20 =	vadd.s32 v7, v18;
	v19 =	vld [tilespmem:s26+$0xFFFFFF50];
	_ =	sdelay $0x4  }
0x577: {  	[tilespmem:v20+s28+$0x14800] =	vst.idx.msk $0xffff, v19  }
0x578: {  	v20 =	vadd.s32 v8, v18;
	v19 =	vld [tilespmem:s26+$0xFFFFFF60];
	_ =	sdelay $0x4  }
0x579: {  	[tilespmem:v20+s28+$0x14800] =	vst.idx.msk $0xffff, v19  }
0x57a: {  	v20 =	vadd.s32 v9, v18;
	v19 =	vld [tilespmem:s26+$0xFFFFFF70];
	_ =	sdelay $0x4  }
0x57b: {  	[tilespmem:v20+s28+$0x14800] =	vst.idx.msk $0xffff, v19  }
0x57c: {  	v20 =	vadd.s32 v10, v18;
	v19 =	vld [tilespmem:s26+$0xFFFFFF80];
	_ =	sdelay $0x4  }
0x57d: {  	[tilespmem:v20+s28+$0x14800] =	vst.idx.msk $0xffff, v19  }
0x57e: {  	v20 =	vadd.s32 v11, v18;
	v19 =	vld [tilespmem:s26+$0xFFFFFF90];
	_ =	sdelay $0x4  }
0x57f: {  	[tilespmem:v20+s28+$0x14800] =	vst.idx.msk $0xffff, v19  }
0x580: {  	v20 =	vadd.s32 v12, v18;
	v19 =	vld [tilespmem:s26+$0xFFFFFFA0];
	_ =	sdelay $0x4  }
0x581: {  	[tilespmem:v20+s28+$0x14800] =	vst.idx.msk $0xffff, v19  }
0x582: {  	v20 =	vadd.s32 v13, v18;
	v19 =	vld [tilespmem:s26+$0xFFFFFFB0];
	_ =	sdelay $0x4  }
0x583: {  	[tilespmem:v20+s28+$0x14800] =	vst.idx.msk $0xffff, v19  }
0x584: {  	v20 =	vadd.s32 v14, v18;
	v19 =	vld [tilespmem:s26+$0xFFFFFFC0];
	_ =	sdelay $0x4  }
0x585: {  	[tilespmem:v20+s28+$0x14800] =	vst.idx.msk $0xffff, v19  }
0x586: {  	v20 =	vadd.s32 v15, v18;
	v19 =	vld [tilespmem:s26+$0xFFFFFFD0];
	_ =	sdelay $0x4  }
0x587: {  	[tilespmem:v20+s28+$0x14800] =	vst.idx.msk $0xffff, v19  }
0x588: {  	v20 =	vadd.s32 v16, v18;
	v19 =	vld [tilespmem:s26+$0xFFFFFFE0];
	_ =	sdelay $0x4  }
0x589: {  	[tilespmem:v20+s28+$0x14800] =	vst.idx.msk $0xffff, v19  }
0x58a: {  	s15 =	sor.u32 $0x8, s15;
	v20 =	vadd.s32 v17, v18;
	v19 =	vld [tilespmem:s26+$0xFFFFFFF0]  }
0x58b: {  	v18 =	vmov s15  }
0x58c: {  	v18 =	vshrl.u32 v18, $0x3  }
0x58d: {  	v18 =	vshll.u32 v18, v2  }
0x58e: {  	v18 =	vbroadcast v18, $0x0  }
0x58f: {  	[tilespmem:v20+s28+$0x14800] =	vst.idx.msk $0xffff, v19  }
0x590: {  	v20 =	vadd.s32 v0, v18;
	v19 =	vld [tilespmem:s26+$0x0];
	_ =	sdelay $0x4  }
0x591: {  	[tilespmem:v20+s28+$0x14800] =	vst.idx.msk $0xffff, v19  }
0x592: {  	v20 =	vadd.s32 v3, v18;
	v19 =	vld [tilespmem:s26+$0x10];
	_ =	sdelay $0x4  }
0x593: {  	[tilespmem:v20+s28+$0x14800] =	vst.idx.msk $0xffff, v19  }
0x594: {  	v20 =	vadd.s32 v4, v18;
	v19 =	vld [tilespmem:s26+$0x20];
	_ =	sdelay $0x4  }
0x595: {  	[tilespmem:v20+s28+$0x14800] =	vst.idx.msk $0xffff, v19  }
0x596: {  	v20 =	vadd.s32 v5, v18;
	v19 =	vld [tilespmem:s26+$0x30];
	_ =	sdelay $0x4  }
0x597: {  	[tilespmem:v20+s28+$0x14800] =	vst.idx.msk $0xffff, v19  }
0x598: {  	v20 =	vadd.s32 v6, v18;
	v19 =	vld [tilespmem:s26+$0x40];
	_ =	sdelay $0x4  }
0x599: {  	[tilespmem:v20+s28+$0x14800] =	vst.idx.msk $0xffff, v19  }
0x59a: {  	v20 =	vadd.s32 v7, v18;
	v19 =	vld [tilespmem:s26+$0x50];
	_ =	sdelay $0x4  }
0x59b: {  	[tilespmem:v20+s28+$0x14800] =	vst.idx.msk $0xffff, v19  }
0x59c: {  	v20 =	vadd.s32 v8, v18;
	v19 =	vld [tilespmem:s26+$0x60];
	_ =	sdelay $0x4  }
0x59d: {  	[tilespmem:v20+s28+$0x14800] =	vst.idx.msk $0xffff, v19  }
0x59e: {  	v20 =	vadd.s32 v9, v18;
	v19 =	vld [tilespmem:s26+$0x70];
	_ =	sdelay $0x4  }
0x59f: {  	[tilespmem:v20+s28+$0x14800] =	vst.idx.msk $0xffff, v19  }
0x5a0: {  	v20 =	vadd.s32 v10, v18;
	v19 =	vld [tilespmem:s26+$0x80];
	_ =	sdelay $0x4  }
0x5a1: {  	[tilespmem:v20+s28+$0x14800] =	vst.idx.msk $0xffff, v19  }
0x5a2: {  	v20 =	vadd.s32 v11, v18;
	v19 =	vld [tilespmem:s26+$0x90];
	_ =	sdelay $0x4  }
0x5a3: {  	[tilespmem:v20+s28+$0x14800] =	vst.idx.msk $0xffff, v19  }
0x5a4: {  	v20 =	vadd.s32 v12, v18;
	v19 =	vld [tilespmem:s26+$0xA0];
	_ =	sdelay $0x4  }
0x5a5: {  	[tilespmem:v20+s28+$0x14800] =	vst.idx.msk $0xffff, v19  }
0x5a6: {  	v20 =	vadd.s32 v13, v18;
	v19 =	vld [tilespmem:s26+$0xB0];
	_ =	sdelay $0x4  }
0x5a7: {  	[tilespmem:v20+s28+$0x14800] =	vst.idx.msk $0xffff, v19  }
0x5a8: {  	v20 =	vadd.s32 v14, v18;
	v19 =	vld [tilespmem:s26+$0xC0];
	_ =	sdelay $0x4  }
0x5a9: {  	[tilespmem:v20+s28+$0x14800] =	vst.idx.msk $0xffff, v19  }
0x5aa: {  	v20 =	vadd.s32 v15, v18;
	v19 =	vld [tilespmem:s26+$0xD0];
	_ =	sdelay $0x4  }
0x5ab: {  	[tilespmem:v20+s28+$0x14800] =	vst.idx.msk $0xffff, v19  }
0x5ac: {  	v20 =	vadd.s32 v16, v18;
	v19 =	vld [tilespmem:s26+$0xE0];
	_ =	sdelay $0x1  }
.Ltmp10:
0x5ad: {  	(pc) =	sbr.rel @p0 .LBB2_22-.Ltmp10, $3  }
0x5ae: {  	_ =	sdelay $0x1  }
0x5af: {  	s0 =	sadd.s32 $0x10, s0;
	[tilespmem:v20+s28+$0x14800] =	vst.idx.msk $0xffff, v19  }
0x5b0: {  	s1 =	sadd.s32 $0x1, s1;
	s15 =	sand.u32 $0x70, s0;
	v20 =	vadd.s32 v17, v18;
	v19 =	vld [tilespmem:s26+$0xF0]  }
0x5b1: {  	v18 =	vmov s15  }
0x5b2: {  	v18 =	vshrl.u32 v18, $0x3  }
0x5b3: {  	v18 =	vshll.u32 v18, v2  }
0x5b4: {  	v18 =	vbroadcast v18, $0x0  }
0x5b5: {  	s0 =	sadd.s32 $0x200, s26;
	[tilespmem:v20+s28+$0x14800] =	vst.idx.msk $0xffff, v19  }
0x5b6: {  	v19 =	vld [tilespmem:s0+$0xFFFFFF00];
	v48 =	vadd.s32 v0, v18  }
0x5b7: {  	s1 =	sshrl.u32 s29, $0x3  }
0x5b8: {  	s1 =	smul.u32 $0x4400, s1;
	_ =	sdelay $0x1  }
0x5b9: {  	s1 =	sshra.s32 s1, $0x2  }
0x5ba: {  	[tilespmem:v48+s1+$0x14800] =	vst.idx.msk $0xffff, v19  }
0x5bb: {  	v49 =	vadd.s32 v3, v18;
	v19 =	vld [tilespmem:s0+$0xFFFFFF10];
	_ =	sdelay $0x4  }
0x5bc: {  	[tilespmem:v49+s1+$0x14800] =	vst.idx.msk $0xffff, v19  }
0x5bd: {  	v50 =	vadd.s32 v4, v18;
	v19 =	vld [tilespmem:s0+$0xFFFFFF20];
	_ =	sdelay $0x4  }
0x5be: {  	[tilespmem:v50+s1+$0x14800] =	vst.idx.msk $0xffff, v19  }
0x5bf: {  	v51 =	vadd.s32 v5, v18;
	v19 =	vld [tilespmem:s0+$0xFFFFFF30];
	_ =	sdelay $0x4  }
0x5c0: {  	[tilespmem:v51+s1+$0x14800] =	vst.idx.msk $0xffff, v19  }
0x5c1: {  	v52 =	vadd.s32 v6, v18;
	v19 =	vld [tilespmem:s0+$0xFFFFFF40];
	_ =	sdelay $0x4  }
0x5c2: {  	[tilespmem:v52+s1+$0x14800] =	vst.idx.msk $0xffff, v19  }
0x5c3: {  	v53 =	vadd.s32 v7, v18;
	v19 =	vld [tilespmem:s0+$0xFFFFFF50];
	_ =	sdelay $0x4  }
0x5c4: {  	[tilespmem:v53+s1+$0x14800] =	vst.idx.msk $0xffff, v19  }
0x5c5: {  	v54 =	vadd.s32 v8, v18;
	v19 =	vld [tilespmem:s0+$0xFFFFFF60];
	_ =	sdelay $0x4  }
0x5c6: {  	[tilespmem:v54+s1+$0x14800] =	vst.idx.msk $0xffff, v19  }
0x5c7: {  	v55 =	vadd.s32 v9, v18;
	v19 =	vld [tilespmem:s0+$0xFFFFFF70];
	_ =	sdelay $0x4  }
0x5c8: {  	[tilespmem:v55+s1+$0x14800] =	vst.idx.msk $0xffff, v19  }
0x5c9: {  	v56 =	vadd.s32 v10, v18;
	v19 =	vld [tilespmem:s0+$0xFFFFFF80];
	_ =	sdelay $0x4  }
0x5ca: {  	[tilespmem:v56+s1+$0x14800] =	vst.idx.msk $0xffff, v19  }
0x5cb: {  	v57 =	vadd.s32 v11, v18;
	v19 =	vld [tilespmem:s0+$0xFFFFFF90];
	_ =	sdelay $0x4  }
0x5cc: {  	[tilespmem:v57+s1+$0x14800] =	vst.idx.msk $0xffff, v19  }
0x5cd: {  	v58 =	vadd.s32 v12, v18;
	v19 =	vld [tilespmem:s0+$0xFFFFFFA0];
	_ =	sdelay $0x4  }
0x5ce: {  	[tilespmem:v58+s1+$0x14800] =	vst.idx.msk $0xffff, v19  }
0x5cf: {  	v59 =	vadd.s32 v13, v18;
	v19 =	vld [tilespmem:s0+$0xFFFFFFB0];
	_ =	sdelay $0x4  }
0x5d0: {  	[tilespmem:v59+s1+$0x14800] =	vst.idx.msk $0xffff, v19  }
0x5d1: {  	v60 =	vadd.s32 v14, v18;
	v19 =	vld [tilespmem:s0+$0xFFFFFFC0];
	_ =	sdelay $0x4  }
0x5d2: {  	[tilespmem:v60+s1+$0x14800] =	vst.idx.msk $0xffff, v19  }
0x5d3: {  	v61 =	vadd.s32 v15, v18;
	v19 =	vld [tilespmem:s0+$0xFFFFFFD0];
	_ =	sdelay $0x4  }
0x5d4: {  	[tilespmem:v61+s1+$0x14800] =	vst.idx.msk $0xffff, v19  }
0x5d5: {  	v62 =	vadd.s32 v16, v18;
	v19 =	vld [tilespmem:s0+$0xFFFFFFE0];
	_ =	sdelay $0x4  }
0x5d6: {  	[tilespmem:v62+s1+$0x14800] =	vst.idx.msk $0xffff, v19  }
0x5d7: {  	s20 =	sor.u32 $0x8, s15;
	v18 =	vadd.s32 v17, v18;
	v19 =	vld [tilespmem:s0+$0xFFFFFFF0]  }
0x5d8: {  	v63 =	vmov s20  }
0x5d9: {  	v20 =	vshrl.u32 v63, $0x3  }
0x5da: {  	v20 =	vshll.u32 v20, v2  }
0x5db: {  	v20 =	vbroadcast v20, $0x0  }
0x5dc: {  	[tilespmem:v18+s1+$0x14800] =	vst.idx.msk $0xffff, v19  }
0x5dd: {  	v19 =	vadd.s32 v0, v20;
	v18 =	vld [tilespmem:s0+$0x0];
	_ =	sdelay $0x4  }
0x5de: {  	[tilespmem:v19+s1+$0x14800] =	vst.idx.msk $0xffff, v18  }
0x5df: {  	v19 =	vadd.s32 v3, v20;
	v18 =	vld [tilespmem:s0+$0x10];
	_ =	sdelay $0x4  }
0x5e0: {  	[tilespmem:v19+s1+$0x14800] =	vst.idx.msk $0xffff, v18  }
0x5e1: {  	v19 =	vadd.s32 v4, v20;
	v18 =	vld [tilespmem:s0+$0x20];
	_ =	sdelay $0x4  }
0x5e2: {  	[tilespmem:v19+s1+$0x14800] =	vst.idx.msk $0xffff, v18  }
0x5e3: {  	v19 =	vadd.s32 v5, v20;
	v18 =	vld [tilespmem:s0+$0x30];
	_ =	sdelay $0x4  }
0x5e4: {  	[tilespmem:v19+s1+$0x14800] =	vst.idx.msk $0xffff, v18  }
0x5e5: {  	v19 =	vadd.s32 v6, v20;
	v18 =	vld [tilespmem:s0+$0x40];
	_ =	sdelay $0x4  }
0x5e6: {  	[tilespmem:v19+s1+$0x14800] =	vst.idx.msk $0xffff, v18  }
0x5e7: {  	v19 =	vadd.s32 v7, v20;
	v18 =	vld [tilespmem:s0+$0x50];
	_ =	sdelay $0x4  }
0x5e8: {  	[tilespmem:v19+s1+$0x14800] =	vst.idx.msk $0xffff, v18  }
0x5e9: {  	v19 =	vadd.s32 v8, v20;
	v18 =	vld [tilespmem:s0+$0x60];
	_ =	sdelay $0x4  }
0x5ea: {  	[tilespmem:v19+s1+$0x14800] =	vst.idx.msk $0xffff, v18  }
0x5eb: {  	v19 =	vadd.s32 v9, v20;
	v18 =	vld [tilespmem:s0+$0x70];
	_ =	sdelay $0x4  }
0x5ec: {  	[tilespmem:v19+s1+$0x14800] =	vst.idx.msk $0xffff, v18  }
0x5ed: {  	v19 =	vadd.s32 v10, v20;
	v18 =	vld [tilespmem:s0+$0x80];
	_ =	sdelay $0x4  }
0x5ee: {  	[tilespmem:v19+s1+$0x14800] =	vst.idx.msk $0xffff, v18  }
0x5ef: {  	v19 =	vadd.s32 v11, v20;
	v18 =	vld [tilespmem:s0+$0x90];
	_ =	sdelay $0x4  }
0x5f0: {  	[tilespmem:v19+s1+$0x14800] =	vst.idx.msk $0xffff, v18  }
0x5f1: {  	v19 =	vadd.s32 v12, v20;
	v18 =	vld [tilespmem:s0+$0xA0];
	_ =	sdelay $0x4  }
0x5f2: {  	[tilespmem:v19+s1+$0x14800] =	vst.idx.msk $0xffff, v18  }
0x5f3: {  	v19 =	vadd.s32 v13, v20;
	v18 =	vld [tilespmem:s0+$0xB0];
	_ =	sdelay $0x4  }
0x5f4: {  	[tilespmem:v19+s1+$0x14800] =	vst.idx.msk $0xffff, v18  }
0x5f5: {  	v19 =	vadd.s32 v14, v20;
	v18 =	vld [tilespmem:s0+$0xC0];
	_ =	sdelay $0x4  }
0x5f6: {  	[tilespmem:v19+s1+$0x14800] =	vst.idx.msk $0xffff, v18  }
0x5f7: {  	v19 =	vadd.s32 v15, v20;
	v18 =	vld [tilespmem:s0+$0xD0];
	_ =	sdelay $0x4  }
0x5f8: {  	[tilespmem:v19+s1+$0x14800] =	vst.idx.msk $0xffff, v18  }
0x5f9: {  	v19 =	vadd.s32 v16, v20;
	v18 =	vld [tilespmem:s0+$0xE0];
	_ =	sdelay $0x4  }
0x5fa: {  	[tilespmem:v19+s1+$0x14800] =	vst.idx.msk $0xffff, v18  }
0x5fb: {  	v19 =	vadd.s32 v17, v20;
	v18 =	vld [tilespmem:s0+$0xF0];
	_ =	sdelay $0x4  }
0x5fc: {  	s26 =	simm.s32 $0x14800;
	[tilespmem:v19+s1+$0x14800] =	vst.idx.msk $0xffff, v18  }
0x5fd: {  	[hbm4b:s10+s3] =	stream.linear.scatter [tilespmem:s26], [sflag:$0x3], $0x80, $0x38;
	[tilespmem:$0x1D000] =	vst v63  }
0x5fe: {  	s29 =	sadd.s32 $0x10, s10;
	s28 =	simm.s32 $0x14888  }
0x5ff: {  	[hbm4b:s29+s3] =	stream.linear.scatter [tilespmem:s28], [sflag:$0x3], $0x80, $0x38;
	[tilespmem:$0x1D000] =	vst v63  }
0x600: {  	s30 =	simm.s32 $0x14910;
	s31 =	sadd.s32 $0x20, s10;
	s15 =	simm.s32 $0x14998  }
0x601: {  	[hbm4b:s31+s3] =	stream.linear.scatter [tilespmem:s30], [sflag:$0x3], $0x80, $0x38;
	[tilespmem:$0x1D000] =	vst v63  }
0x602: {  	s17 =	sadd.s32 $0x30, s10;
	s20 =	simm.s32 $0x14A20;
	s0 =	simm.s32 $0x440  }
0x603: {  	[hbm4b:s17+s3] =	stream.linear.scatter [tilespmem:s15], [sflag:$0x3], $0x80, $0x38;
	[tilespmem:$0x1D000] =	vst v63  }
0x604: {  	s1 =	sadd.s32 $0x1000, s10;
	s26 =	sadd.s32 $0x40, s10;
	s28 =	simm.s32 $0x14AA8  }
0x605: {  	[hbm4b:s26+s3] =	stream.linear.scatter [tilespmem:s20], [sflag:$0x3], $0x80, $0x38;
	[tilespmem:$0x1D000] =	vst v63  }
0x606: {  	s29 =	sadd.s32 $0x50, s10;
	s30 =	simm.s32 $0x14B30;
	s31 =	sadd.s32 $0x60, s10  }
0x607: {  	[hbm4b:s29+s3] =	stream.linear.scatter [tilespmem:s28], [sflag:$0x3], $0x80, $0x38;
	[tilespmem:$0x1D000] =	vst v63  }
0x608: {  	s15 =	simm.s32 $0x2200;
	s17 =	simm.s32 $0x14BB8;
	s20 =	sadd.s32 $0x70, s10  }
0x609: {  	[hbm4b:s31+s3] =	stream.linear.scatter [tilespmem:s30], [sflag:$0x3], $0x80, $0x38;
	[tilespmem:$0x1D000] =	vst v63  }
.LBB2_24:
0x60a: {  	[hbm4b:s20+s3] =	stream.linear.scatter [tilespmem:s17], [sflag:$0x3], $0x80, $0x38;
	[tilespmem:$0x1D000] =	vst v63  }
0x60b: {  	s17 =	smov.u32 s0;
	s0 =	smov.u32 s15  }
0x60c: {  	s26 =	sadd.s32 $0x1100, s15;
	s0 =	sshra.s32 s0, $0x2;
	s20 =	sadd.s32 $0x14800, s17  }
0x60d: {  	[hbm4b:s1+s3] =	stream.linear.scatter [tilespmem:s20], [sflag:$0x3], $0x80, $0x38;
	[tilespmem:$0x1D000] =	vst v63  }
0x60e: {  	p0 =	sne.s32 s15, $0xFF00;
	s15 =	sadd.s32 $0x14888, s17;
	s20 =	sadd.s32 $0x10, s1  }
0x60f: {  	[hbm4b:s20+s3] =	stream.linear.scatter [tilespmem:s15], [sflag:$0x3], $0x80, $0x38;
	[tilespmem:$0x1D000] =	vst v63  }
0x610: {  	s15 =	sadd.s32 $0x14910, s17;
	s20 =	sadd.s32 $0x20, s1  }
0x611: {  	[hbm4b:s20+s3] =	stream.linear.scatter [tilespmem:s15], [sflag:$0x3], $0x80, $0x38;
	[tilespmem:$0x1D000] =	vst v63  }
0x612: {  	s15 =	sadd.s32 $0x14998, s17;
	s20 =	sadd.s32 $0x30, s1  }
0x613: {  	[hbm4b:s20+s3] =	stream.linear.scatter [tilespmem:s15], [sflag:$0x3], $0x80, $0x38;
	[tilespmem:$0x1D000] =	vst v63  }
0x614: {  	s15 =	sadd.s32 $0x14A20, s17;
	s20 =	sadd.s32 $0x40, s1  }
0x615: {  	[hbm4b:s20+s3] =	stream.linear.scatter [tilespmem:s15], [sflag:$0x3], $0x80, $0x38;
	[tilespmem:$0x1D000] =	vst v63  }
.Ltmp11:
0x616: {  	s15 =	sadd.s32 $0x14AA8, s17;
	s20 =	sadd.s32 $0x50, s1;
	(pc) =	sbr.rel @p0 .LBB2_24-.Ltmp11, $4  }
0x617: {  	[hbm4b:s20+s3] =	stream.linear.scatter [tilespmem:s15], [sflag:$0x3], $0x80, $0x38;
	[tilespmem:$0x1D000] =	vst v63  }
0x618: {  	s15 =	sadd.s32 $0x14B30, s17;
	s20 =	sadd.s32 $0x60, s1;
	s17 =	sadd.s32 $0x14BB8, s17  }
0x619: {  	[hbm4b:s20+s3] =	stream.linear.scatter [tilespmem:s15], [sflag:$0x3], $0x80, $0x38;
	[tilespmem:$0x1D000] =	vst v63  }
0x61a: {  	s20 =	sadd.s32 $0x70, s1;
	s1 =	sadd.s32 $0x1000, s1;
	s15 =	smov.u32 s26  }
0x61b: {  	[hbm4b:s20+s3] =	stream.linear.scatter [tilespmem:s17], [sflag:$0x3], $0x80, $0x38;
	[tilespmem:$0x1D000] =	vst v63  }
0x61c: {  	s15 =	sadd.s32 $0x14800, s0  }
0x61d: {  	[hbm4b:s1+s3] =	stream.linear.scatter [tilespmem:s15], [sflag:$0x3], $0x80, $0x38;
	[tilespmem:$0x1D000] =	vst v63  }
0x61e: {  	s17 =	sadd.s32 $0x14888, s0;
	s20 =	sadd.s32 $0x10, s1  }
0x61f: {  	[hbm4b:s20+s3] =	stream.linear.scatter [tilespmem:s17], [sflag:$0x3], $0x80, $0x38;
	[tilespmem:$0x1D000] =	vst v63  }
0x620: {  	s26 =	sadd.s32 $0x14910, s0;
	s29 =	sadd.s32 $0x20, s1  }
0x621: {  	[hbm4b:s29+s3] =	stream.linear.scatter [tilespmem:s26], [sflag:$0x3], $0x80, $0x38;
	[tilespmem:$0x1D000] =	vst v63  }
0x622: {  	s30 =	sadd.s32 $0x14998, s0;
	s31 =	sadd.s32 $0x30, s1  }
0x623: {  	[hbm4b:s31+s3] =	stream.linear.scatter [tilespmem:s30], [sflag:$0x3], $0x80, $0x38;
	[tilespmem:$0x1D000] =	vst v63  }
0x624: {  	s17 =	sadd.s32 $0x14A20, s0;
	s20 =	sadd.s32 $0x40, s1  }
0x625: {  	[hbm4b:s20+s3] =	stream.linear.scatter [tilespmem:s17], [sflag:$0x3], $0x80, $0x38;
	[tilespmem:$0x1D000] =	vst v63  }
0x626: {  	s26 =	sadd.s32 $0x14AA8, s0;
	s29 =	sadd.s32 $0x50, s1  }
0x627: {  	[hbm4b:s29+s3] =	stream.linear.scatter [tilespmem:s26], [sflag:$0x3], $0x80, $0x38;
	[tilespmem:$0x1D000] =	vst v63  }
0x628: {  	s30 =	sadd.s32 $0x14B30, s0;
	s31 =	sadd.s32 $0x60, s1  }
0x629: {  	[hbm4b:s31+s3] =	stream.linear.scatter [tilespmem:s30], [sflag:$0x3], $0x80, $0x38;
	[tilespmem:$0x1D000] =	vst v63  }
0x62a: {  	s20 =	sadd.s32 $0x14BB8, s0;
	s26 =	sadd.s32 $0x70, s1  }
0x62b: {  	[hbm4b:s26+s3] =	stream.linear.scatter [tilespmem:s20], [sflag:$0x3], $0x80, $0x38;
	[tilespmem:$0x1D000] =	vst v63  }
0x62c: {  	s26 =	simm.s32 $0x0  }
0x62d: {  	_ =	swait.ge [sflag:s21], $0x4000;
	s29 =	sand.u32 $0x70, s26  }
0x62e: {  	[sflag:s21] =	ssyncset.done $0x0;
	v18 =	vmov s29  }
0x62f: {  	[sflag:s21] =	ssyncadd.s32 $0xFFFFC000;
	v18 =	vshrl.u32 v18, $0x3  }
0x630: {  	_ =	swait.ge [sflag:s24], $0x4000;
	v18 =	vshll.u32 v18, v2  }
0x631: {  	[sflag:s24] =	ssyncset.done $0x0;
	v18 =	vbroadcast v18, $0x0  }
0x632: {  	s30 =	simm.s32 $0x0;
	[sflag:s24] =	ssyncadd.s32 $0xFFFFC000  }
0x633: {  	v19 =	vld [tilespmem:s30+$0x10800];
	v20 =	vadd.s32 v0, v18  }
0x634: {  	s31 =	simm.s32 $0x0  }
0x635: {  	s1 =	smul.u32 $0x4400, s31;
	_ =	sdelay $0x1  }
0x636: {  	s28 =	sshra.s32 s1, $0x2  }
0x637: {  	[tilespmem:v20+s28+$0x18C00] =	vst.idx.msk $0xffff, v19  }
0x638: {  	v20 =	vadd.s32 v3, v18;
	v19 =	vld [tilespmem:s30+$0x10810];
	_ =	sdelay $0x4  }
0x639: {  	[tilespmem:v20+s28+$0x18C00] =	vst.idx.msk $0xffff, v19  }
0x63a: {  	v20 =	vadd.s32 v4, v18;
	v19 =	vld [tilespmem:s30+$0x10820];
	_ =	sdelay $0x4  }
0x63b: {  	[tilespmem:v20+s28+$0x18C00] =	vst.idx.msk $0xffff, v19  }
0x63c: {  	v20 =	vadd.s32 v5, v18;
	v19 =	vld [tilespmem:s30+$0x10830];
	_ =	sdelay $0x4  }
0x63d: {  	[tilespmem:v20+s28+$0x18C00] =	vst.idx.msk $0xffff, v19  }
0x63e: {  	v20 =	vadd.s32 v6, v18;
	v19 =	vld [tilespmem:s30+$0x10840];
	_ =	sdelay $0x4  }
0x63f: {  	[tilespmem:v20+s28+$0x18C00] =	vst.idx.msk $0xffff, v19  }
0x640: {  	v20 =	vadd.s32 v7, v18;
	v19 =	vld [tilespmem:s30+$0x10850];
	_ =	sdelay $0x4  }
0x641: {  	[tilespmem:v20+s28+$0x18C00] =	vst.idx.msk $0xffff, v19  }
0x642: {  	v20 =	vadd.s32 v8, v18;
	v19 =	vld [tilespmem:s30+$0x10860];
	_ =	sdelay $0x4  }
0x643: {  	[tilespmem:v20+s28+$0x18C00] =	vst.idx.msk $0xffff, v19  }
0x644: {  	v20 =	vadd.s32 v9, v18;
	v19 =	vld [tilespmem:s30+$0x10870];
	_ =	sdelay $0x4  }
0x645: {  	[tilespmem:v20+s28+$0x18C00] =	vst.idx.msk $0xffff, v19  }
0x646: {  	v20 =	vadd.s32 v10, v18;
	v19 =	vld [tilespmem:s30+$0x10880];
	_ =	sdelay $0x4  }
0x647: {  	[tilespmem:v20+s28+$0x18C00] =	vst.idx.msk $0xffff, v19  }
0x648: {  	v20 =	vadd.s32 v11, v18;
	v19 =	vld [tilespmem:s30+$0x10890];
	_ =	sdelay $0x4  }
0x649: {  	[tilespmem:v20+s28+$0x18C00] =	vst.idx.msk $0xffff, v19  }
0x64a: {  	v20 =	vadd.s32 v12, v18;
	v19 =	vld [tilespmem:s30+$0x108A0];
	_ =	sdelay $0x4  }
0x64b: {  	[tilespmem:v20+s28+$0x18C00] =	vst.idx.msk $0xffff, v19  }
0x64c: {  	v20 =	vadd.s32 v13, v18;
	v19 =	vld [tilespmem:s30+$0x108B0];
	_ =	sdelay $0x4  }
0x64d: {  	[tilespmem:v20+s28+$0x18C00] =	vst.idx.msk $0xffff, v19  }
0x64e: {  	v20 =	vadd.s32 v14, v18;
	v19 =	vld [tilespmem:s30+$0x108C0];
	_ =	sdelay $0x4  }
0x64f: {  	[tilespmem:v20+s28+$0x18C00] =	vst.idx.msk $0xffff, v19  }
0x650: {  	v20 =	vadd.s32 v15, v18;
	v19 =	vld [tilespmem:s30+$0x108D0];
	_ =	sdelay $0x4  }
0x651: {  	[tilespmem:v20+s28+$0x18C00] =	vst.idx.msk $0xffff, v19  }
0x652: {  	v20 =	vadd.s32 v16, v18;
	v19 =	vld [tilespmem:s30+$0x108E0];
	_ =	sdelay $0x4  }
0x653: {  	[tilespmem:v20+s28+$0x18C00] =	vst.idx.msk $0xffff, v19  }
0x654: {  	s0 =	sor.u32 $0x8, s29;
	v18 =	vadd.s32 v17, v18;
	v19 =	vld [tilespmem:s30+$0x108F0]  }
0x655: {  	v20 =	vmov s0  }
0x656: {  	v20 =	vshrl.u32 v20, $0x3  }
0x657: {  	v20 =	vshll.u32 v20, v2  }
0x658: {  	v20 =	vbroadcast v20, $0x0  }
0x659: {  	[tilespmem:v18+s28+$0x18C00] =	vst.idx.msk $0xffff, v19  }
0x65a: {  	v19 =	vadd.s32 v0, v20;
	v18 =	vld [tilespmem:s30+$0x10900];
	_ =	sdelay $0x4  }
0x65b: {  	[tilespmem:v19+s28+$0x18C00] =	vst.idx.msk $0xffff, v18  }
0x65c: {  	v19 =	vadd.s32 v3, v20;
	v18 =	vld [tilespmem:s30+$0x10910];
	_ =	sdelay $0x4  }
0x65d: {  	[tilespmem:v19+s28+$0x18C00] =	vst.idx.msk $0xffff, v18  }
0x65e: {  	v19 =	vadd.s32 v4, v20;
	v18 =	vld [tilespmem:s30+$0x10920];
	_ =	sdelay $0x4  }
0x65f: {  	[tilespmem:v19+s28+$0x18C00] =	vst.idx.msk $0xffff, v18  }
0x660: {  	v19 =	vadd.s32 v5, v20;
	v18 =	vld [tilespmem:s30+$0x10930];
	_ =	sdelay $0x4  }
0x661: {  	[tilespmem:v19+s28+$0x18C00] =	vst.idx.msk $0xffff, v18  }
0x662: {  	v19 =	vadd.s32 v6, v20;
	v18 =	vld [tilespmem:s30+$0x10940];
	_ =	sdelay $0x4  }
0x663: {  	[tilespmem:v19+s28+$0x18C00] =	vst.idx.msk $0xffff, v18  }
0x664: {  	v19 =	vadd.s32 v7, v20;
	v18 =	vld [tilespmem:s30+$0x10950];
	_ =	sdelay $0x4  }
0x665: {  	[tilespmem:v19+s28+$0x18C00] =	vst.idx.msk $0xffff, v18  }
0x666: {  	v19 =	vadd.s32 v8, v20;
	v18 =	vld [tilespmem:s30+$0x10960];
	_ =	sdelay $0x4  }
0x667: {  	[tilespmem:v19+s28+$0x18C00] =	vst.idx.msk $0xffff, v18  }
0x668: {  	v19 =	vadd.s32 v9, v20;
	v18 =	vld [tilespmem:s30+$0x10970];
	_ =	sdelay $0x4  }
0x669: {  	[tilespmem:v19+s28+$0x18C00] =	vst.idx.msk $0xffff, v18  }
0x66a: {  	v19 =	vadd.s32 v10, v20;
	v18 =	vld [tilespmem:s30+$0x10980];
	_ =	sdelay $0x4  }
0x66b: {  	[tilespmem:v19+s28+$0x18C00] =	vst.idx.msk $0xffff, v18  }
0x66c: {  	v19 =	vadd.s32 v11, v20;
	v18 =	vld [tilespmem:s30+$0x10990];
	_ =	sdelay $0x4  }
0x66d: {  	[tilespmem:v19+s28+$0x18C00] =	vst.idx.msk $0xffff, v18  }
0x66e: {  	v19 =	vadd.s32 v12, v20;
	v18 =	vld [tilespmem:s30+$0x109A0];
	_ =	sdelay $0x4  }
0x66f: {  	[tilespmem:v19+s28+$0x18C00] =	vst.idx.msk $0xffff, v18  }
0x670: {  	v19 =	vadd.s32 v13, v20;
	v18 =	vld [tilespmem:s30+$0x109B0];
	_ =	sdelay $0x4  }
0x671: {  	[tilespmem:v19+s28+$0x18C00] =	vst.idx.msk $0xffff, v18  }
0x672: {  	v19 =	vadd.s32 v14, v20;
	v18 =	vld [tilespmem:s30+$0x109C0];
	_ =	sdelay $0x4  }
0x673: {  	[tilespmem:v19+s28+$0x18C00] =	vst.idx.msk $0xffff, v18  }
0x674: {  	v19 =	vadd.s32 v15, v20;
	v18 =	vld [tilespmem:s30+$0x109D0];
	_ =	sdelay $0x4  }
0x675: {  	[tilespmem:v19+s28+$0x18C00] =	vst.idx.msk $0xffff, v18  }
0x676: {  	v19 =	vadd.s32 v16, v20;
	v18 =	vld [tilespmem:s30+$0x109E0];
	_ =	sdelay $0x4  }
0x677: {  	s0 =	simm.s32 $0x10;
	[tilespmem:v19+s28+$0x18C00] =	vst.idx.msk $0xffff, v18  }
0x678: {  	s15 =	simm.s32 $0x1000;
	s1 =	simm.s32 $0x800;
	s20 =	sand.u32 $0x70, s0;
	v20 =	vadd.s32 v17, v20;
	v19 =	vld [tilespmem:s30+$0x109F0]  }
.LBB2_26:
0x679: {  	p0 =	sne.s32 s15, $0xF800;
	v18 =	vmov s20  }
0x67a: {  	v18 =	vshrl.u32 v18, $0x3  }
0x67b: {  	v18 =	vshll.u32 v18, v2  }
0x67c: {  	v18 =	vbroadcast v18, $0x0  }
0x67d: {  	s17 =	sshra.s32 s1, $0x2;
	s1 =	smov.u32 s15;
	[tilespmem:v20+s28+$0x18C00] =	vst.idx.msk $0xffff, v19  }
0x67e: {  	s26 =	sadd.s32 $0x1, s26;
	v19 =	vld [tilespmem:s17+$0x10800];
	v20 =	vadd.s32 v0, v18  }
0x67f: {  	s28 =	sshrl.u32 s26, $0x3  }
0x680: {  	s28 =	smul.u32 $0x4400, s28;
	_ =	sdelay $0x1  }
0x681: {  	s28 =	sshra.s32 s28, $0x2  }
0x682: {  	[tilespmem:v20+s28+$0x18C00] =	vst.idx.msk $0xffff, v19  }
0x683: {  	v20 =	vadd.s32 v3, v18;
	v19 =	vld [tilespmem:s17+$0x10810];
	_ =	sdelay $0x4  }
0x684: {  	[tilespmem:v20+s28+$0x18C00] =	vst.idx.msk $0xffff, v19  }
0x685: {  	v20 =	vadd.s32 v4, v18;
	v19 =	vld [tilespmem:s17+$0x10820];
	_ =	sdelay $0x4  }
0x686: {  	[tilespmem:v20+s28+$0x18C00] =	vst.idx.msk $0xffff, v19  }
0x687: {  	v20 =	vadd.s32 v5, v18;
	v19 =	vld [tilespmem:s17+$0x10830];
	_ =	sdelay $0x4  }
0x688: {  	[tilespmem:v20+s28+$0x18C00] =	vst.idx.msk $0xffff, v19  }
0x689: {  	v20 =	vadd.s32 v6, v18;
	v19 =	vld [tilespmem:s17+$0x10840];
	_ =	sdelay $0x4  }
0x68a: {  	[tilespmem:v20+s28+$0x18C00] =	vst.idx.msk $0xffff, v19  }
0x68b: {  	v20 =	vadd.s32 v7, v18;
	v19 =	vld [tilespmem:s17+$0x10850];
	_ =	sdelay $0x4  }
0x68c: {  	[tilespmem:v20+s28+$0x18C00] =	vst.idx.msk $0xffff, v19  }
0x68d: {  	v20 =	vadd.s32 v8, v18;
	v19 =	vld [tilespmem:s17+$0x10860];
	_ =	sdelay $0x4  }
0x68e: {  	[tilespmem:v20+s28+$0x18C00] =	vst.idx.msk $0xffff, v19  }
0x68f: {  	v20 =	vadd.s32 v9, v18;
	v19 =	vld [tilespmem:s17+$0x10870];
	_ =	sdelay $0x4  }
0x690: {  	[tilespmem:v20+s28+$0x18C00] =	vst.idx.msk $0xffff, v19  }
0x691: {  	v20 =	vadd.s32 v10, v18;
	v19 =	vld [tilespmem:s17+$0x10880];
	_ =	sdelay $0x4  }
0x692: {  	[tilespmem:v20+s28+$0x18C00] =	vst.idx.msk $0xffff, v19  }
0x693: {  	v20 =	vadd.s32 v11, v18;
	v19 =	vld [tilespmem:s17+$0x10890];
	_ =	sdelay $0x4  }
0x694: {  	[tilespmem:v20+s28+$0x18C00] =	vst.idx.msk $0xffff, v19  }
0x695: {  	v20 =	vadd.s32 v12, v18;
	v19 =	vld [tilespmem:s17+$0x108A0];
	_ =	sdelay $0x4  }
0x696: {  	[tilespmem:v20+s28+$0x18C00] =	vst.idx.msk $0xffff, v19  }
0x697: {  	v20 =	vadd.s32 v13, v18;
	v19 =	vld [tilespmem:s17+$0x108B0];
	_ =	sdelay $0x4  }
0x698: {  	[tilespmem:v20+s28+$0x18C00] =	vst.idx.msk $0xffff, v19  }
0x699: {  	v20 =	vadd.s32 v14, v18;
	v19 =	vld [tilespmem:s17+$0x108C0];
	_ =	sdelay $0x4  }
0x69a: {  	[tilespmem:v20+s28+$0x18C00] =	vst.idx.msk $0xffff, v19  }
0x69b: {  	v20 =	vadd.s32 v15, v18;
	v19 =	vld [tilespmem:s17+$0x108D0];
	_ =	sdelay $0x4  }
0x69c: {  	[tilespmem:v20+s28+$0x18C00] =	vst.idx.msk $0xffff, v19  }
0x69d: {  	v20 =	vadd.s32 v16, v18;
	v19 =	vld [tilespmem:s17+$0x108E0];
	_ =	sdelay $0x4  }
0x69e: {  	[tilespmem:v20+s28+$0x18C00] =	vst.idx.msk $0xffff, v19  }
0x69f: {  	s20 =	sor.u32 $0x8, s20;
	v20 =	vadd.s32 v17, v18;
	v19 =	vld [tilespmem:s17+$0x108F0]  }
0x6a0: {  	v18 =	vmov s20  }
0x6a1: {  	v18 =	vshrl.u32 v18, $0x3  }
0x6a2: {  	v18 =	vshll.u32 v18, v2  }
0x6a3: {  	v18 =	vbroadcast v18, $0x0  }
0x6a4: {  	[tilespmem:v20+s28+$0x18C00] =	vst.idx.msk $0xffff, v19  }
0x6a5: {  	v20 =	vadd.s32 v0, v18;
	v19 =	vld [tilespmem:s17+$0x10900];
	_ =	sdelay $0x4  }
0x6a6: {  	[tilespmem:v20+s28+$0x18C00] =	vst.idx.msk $0xffff, v19  }
0x6a7: {  	v20 =	vadd.s32 v3, v18;
	v19 =	vld [tilespmem:s17+$0x10910];
	_ =	sdelay $0x4  }
0x6a8: {  	[tilespmem:v20+s28+$0x18C00] =	vst.idx.msk $0xffff, v19  }
0x6a9: {  	v20 =	vadd.s32 v4, v18;
	v19 =	vld [tilespmem:s17+$0x10920];
	_ =	sdelay $0x4  }
0x6aa: {  	[tilespmem:v20+s28+$0x18C00] =	vst.idx.msk $0xffff, v19  }
0x6ab: {  	v20 =	vadd.s32 v5, v18;
	v19 =	vld [tilespmem:s17+$0x10930];
	_ =	sdelay $0x4  }
0x6ac: {  	[tilespmem:v20+s28+$0x18C00] =	vst.idx.msk $0xffff, v19  }
0x6ad: {  	v20 =	vadd.s32 v6, v18;
	v19 =	vld [tilespmem:s17+$0x10940];
	_ =	sdelay $0x4  }
0x6ae: {  	[tilespmem:v20+s28+$0x18C00] =	vst.idx.msk $0xffff, v19  }
0x6af: {  	v20 =	vadd.s32 v7, v18;
	v19 =	vld [tilespmem:s17+$0x10950];
	_ =	sdelay $0x4  }
0x6b0: {  	[tilespmem:v20+s28+$0x18C00] =	vst.idx.msk $0xffff, v19  }
0x6b1: {  	v20 =	vadd.s32 v8, v18;
	v19 =	vld [tilespmem:s17+$0x10960];
	_ =	sdelay $0x4  }
0x6b2: {  	[tilespmem:v20+s28+$0x18C00] =	vst.idx.msk $0xffff, v19  }
0x6b3: {  	v20 =	vadd.s32 v9, v18;
	v19 =	vld [tilespmem:s17+$0x10970];
	_ =	sdelay $0x4  }
0x6b4: {  	[tilespmem:v20+s28+$0x18C00] =	vst.idx.msk $0xffff, v19  }
0x6b5: {  	v20 =	vadd.s32 v10, v18;
	v19 =	vld [tilespmem:s17+$0x10980];
	_ =	sdelay $0x4  }
0x6b6: {  	[tilespmem:v20+s28+$0x18C00] =	vst.idx.msk $0xffff, v19  }
0x6b7: {  	v20 =	vadd.s32 v11, v18;
	v19 =	vld [tilespmem:s17+$0x10990];
	_ =	sdelay $0x4  }
0x6b8: {  	[tilespmem:v20+s28+$0x18C00] =	vst.idx.msk $0xffff, v19  }
0x6b9: {  	v20 =	vadd.s32 v12, v18;
	v19 =	vld [tilespmem:s17+$0x109A0];
	_ =	sdelay $0x4  }
0x6ba: {  	[tilespmem:v20+s28+$0x18C00] =	vst.idx.msk $0xffff, v19  }
0x6bb: {  	v20 =	vadd.s32 v13, v18;
	v19 =	vld [tilespmem:s17+$0x109B0];
	_ =	sdelay $0x4  }
0x6bc: {  	[tilespmem:v20+s28+$0x18C00] =	vst.idx.msk $0xffff, v19  }
0x6bd: {  	v20 =	vadd.s32 v14, v18;
	v19 =	vld [tilespmem:s17+$0x109C0];
	_ =	sdelay $0x4  }
0x6be: {  	[tilespmem:v20+s28+$0x18C00] =	vst.idx.msk $0xffff, v19  }
0x6bf: {  	v20 =	vadd.s32 v15, v18;
	v19 =	vld [tilespmem:s17+$0x109D0];
	_ =	sdelay $0x4  }
0x6c0: {  	[tilespmem:v20+s28+$0x18C00] =	vst.idx.msk $0xffff, v19  }
0x6c1: {  	v20 =	vadd.s32 v16, v18;
	v19 =	vld [tilespmem:s17+$0x109E0];
	_ =	sdelay $0x1  }
.Ltmp12:
0x6c2: {  	(pc) =	sbr.rel @p0 .LBB2_26-.Ltmp12, $3  }
0x6c3: {  	_ =	sdelay $0x1  }
0x6c4: {  	s0 =	sadd.s32 $0x10, s0;
	[tilespmem:v20+s28+$0x18C00] =	vst.idx.msk $0xffff, v19  }
0x6c5: {  	s15 =	sadd.s32 $0x800, s15;
	s20 =	sand.u32 $0x70, s0;
	v20 =	vadd.s32 v17, v18;
	v19 =	vld [tilespmem:s17+$0x109F0]  }
0x6c6: {  	v18 =	vmov s20  }
0x6c7: {  	v18 =	vshrl.u32 v18, $0x3  }
0x6c8: {  	v18 =	vshll.u32 v18, v2  }
0x6c9: {  	v18 =	vbroadcast v18, $0x0  }
0x6ca: {  	s0 =	sshra.s32 s1, $0x2;
	[tilespmem:v20+s28+$0x18C00] =	vst.idx.msk $0xffff, v19  }
0x6cb: {  	s17 =	sadd.s32 $0x1, s26;
	v19 =	vld [tilespmem:s0+$0x10800];
	v48 =	vadd.s32 v0, v18  }
0x6cc: {  	s1 =	sshrl.u32 s17, $0x3  }
0x6cd: {  	s1 =	smul.u32 $0x4400, s1;
	_ =	sdelay $0x1  }
0x6ce: {  	s1 =	sshra.s32 s1, $0x2  }
0x6cf: {  	[tilespmem:v48+s1+$0x18C00] =	vst.idx.msk $0xffff, v19  }
0x6d0: {  	v49 =	vadd.s32 v3, v18;
	v19 =	vld [tilespmem:s0+$0x10810];
	_ =	sdelay $0x4  }
0x6d1: {  	[tilespmem:v49+s1+$0x18C00] =	vst.idx.msk $0xffff, v19  }
0x6d2: {  	v50 =	vadd.s32 v4, v18;
	v19 =	vld [tilespmem:s0+$0x10820];
	_ =	sdelay $0x4  }
0x6d3: {  	[tilespmem:v50+s1+$0x18C00] =	vst.idx.msk $0xffff, v19  }
0x6d4: {  	v51 =	vadd.s32 v5, v18;
	v19 =	vld [tilespmem:s0+$0x10830];
	_ =	sdelay $0x4  }
0x6d5: {  	[tilespmem:v51+s1+$0x18C00] =	vst.idx.msk $0xffff, v19  }
0x6d6: {  	v52 =	vadd.s32 v6, v18;
	v19 =	vld [tilespmem:s0+$0x10840];
	_ =	sdelay $0x4  }
0x6d7: {  	[tilespmem:v52+s1+$0x18C00] =	vst.idx.msk $0xffff, v19  }
0x6d8: {  	v53 =	vadd.s32 v7, v18;
	v19 =	vld [tilespmem:s0+$0x10850];
	_ =	sdelay $0x4  }
0x6d9: {  	[tilespmem:v53+s1+$0x18C00] =	vst.idx.msk $0xffff, v19  }
0x6da: {  	v54 =	vadd.s32 v8, v18;
	v19 =	vld [tilespmem:s0+$0x10860];
	_ =	sdelay $0x4  }
0x6db: {  	[tilespmem:v54+s1+$0x18C00] =	vst.idx.msk $0xffff, v19  }
0x6dc: {  	v55 =	vadd.s32 v9, v18;
	v19 =	vld [tilespmem:s0+$0x10870];
	_ =	sdelay $0x4  }
0x6dd: {  	[tilespmem:v55+s1+$0x18C00] =	vst.idx.msk $0xffff, v19  }
0x6de: {  	v56 =	vadd.s32 v10, v18;
	v19 =	vld [tilespmem:s0+$0x10880];
	_ =	sdelay $0x4  }
0x6df: {  	[tilespmem:v56+s1+$0x18C00] =	vst.idx.msk $0xffff, v19  }
0x6e0: {  	v57 =	vadd.s32 v11, v18;
	v19 =	vld [tilespmem:s0+$0x10890];
	_ =	sdelay $0x4  }
0x6e1: {  	[tilespmem:v57+s1+$0x18C00] =	vst.idx.msk $0xffff, v19  }
0x6e2: {  	v58 =	vadd.s32 v12, v18;
	v19 =	vld [tilespmem:s0+$0x108A0];
	_ =	sdelay $0x4  }
0x6e3: {  	[tilespmem:v58+s1+$0x18C00] =	vst.idx.msk $0xffff, v19  }
0x6e4: {  	v59 =	vadd.s32 v13, v18;
	v19 =	vld [tilespmem:s0+$0x108B0];
	_ =	sdelay $0x4  }
0x6e5: {  	[tilespmem:v59+s1+$0x18C00] =	vst.idx.msk $0xffff, v19  }
0x6e6: {  	v60 =	vadd.s32 v14, v18;
	v19 =	vld [tilespmem:s0+$0x108C0];
	_ =	sdelay $0x4  }
0x6e7: {  	[tilespmem:v60+s1+$0x18C00] =	vst.idx.msk $0xffff, v19  }
0x6e8: {  	v61 =	vadd.s32 v15, v18;
	v19 =	vld [tilespmem:s0+$0x108D0];
	_ =	sdelay $0x4  }
0x6e9: {  	[tilespmem:v61+s1+$0x18C00] =	vst.idx.msk $0xffff, v19  }
0x6ea: {  	v62 =	vadd.s32 v16, v18;
	v19 =	vld [tilespmem:s0+$0x108E0];
	_ =	sdelay $0x4  }
0x6eb: {  	[tilespmem:v62+s1+$0x18C00] =	vst.idx.msk $0xffff, v19  }
0x6ec: {  	s15 =	sor.u32 $0x8, s20;
	v18 =	vadd.s32 v17, v18;
	v19 =	vld [tilespmem:s0+$0x108F0]  }
0x6ed: {  	v63 =	vmov s15  }
0x6ee: {  	v20 =	vshrl.u32 v63, $0x3  }
0x6ef: {  	v20 =	vshll.u32 v20, v2  }
0x6f0: {  	v20 =	vbroadcast v20, $0x0  }
0x6f1: {  	[tilespmem:v18+s1+$0x18C00] =	vst.idx.msk $0xffff, v19  }
0x6f2: {  	v19 =	vadd.s32 v0, v20;
	v18 =	vld [tilespmem:s0+$0x10900];
	_ =	sdelay $0x4  }
0x6f3: {  	[tilespmem:v19+s1+$0x18C00] =	vst.idx.msk $0xffff, v18  }
0x6f4: {  	v19 =	vadd.s32 v3, v20;
	v18 =	vld [tilespmem:s0+$0x10910];
	_ =	sdelay $0x4  }
0x6f5: {  	[tilespmem:v19+s1+$0x18C00] =	vst.idx.msk $0xffff, v18  }
0x6f6: {  	v19 =	vadd.s32 v4, v20;
	v18 =	vld [tilespmem:s0+$0x10920];
	_ =	sdelay $0x4  }
0x6f7: {  	[tilespmem:v19+s1+$0x18C00] =	vst.idx.msk $0xffff, v18  }
0x6f8: {  	v19 =	vadd.s32 v5, v20;
	v18 =	vld [tilespmem:s0+$0x10930];
	_ =	sdelay $0x4  }
0x6f9: {  	[tilespmem:v19+s1+$0x18C00] =	vst.idx.msk $0xffff, v18  }
0x6fa: {  	v19 =	vadd.s32 v6, v20;
	v18 =	vld [tilespmem:s0+$0x10940];
	_ =	sdelay $0x4  }
0x6fb: {  	[tilespmem:v19+s1+$0x18C00] =	vst.idx.msk $0xffff, v18  }
0x6fc: {  	v19 =	vadd.s32 v7, v20;
	v18 =	vld [tilespmem:s0+$0x10950];
	_ =	sdelay $0x4  }
0x6fd: {  	[tilespmem:v19+s1+$0x18C00] =	vst.idx.msk $0xffff, v18  }
0x6fe: {  	v19 =	vadd.s32 v8, v20;
	v18 =	vld [tilespmem:s0+$0x10960];
	_ =	sdelay $0x4  }
0x6ff: {  	[tilespmem:v19+s1+$0x18C00] =	vst.idx.msk $0xffff, v18  }
0x700: {  	v19 =	vadd.s32 v9, v20;
	v18 =	vld [tilespmem:s0+$0x10970];
	_ =	sdelay $0x4  }
0x701: {  	[tilespmem:v19+s1+$0x18C00] =	vst.idx.msk $0xffff, v18  }
0x702: {  	v19 =	vadd.s32 v10, v20;
	v18 =	vld [tilespmem:s0+$0x10980];
	_ =	sdelay $0x4  }
0x703: {  	[tilespmem:v19+s1+$0x18C00] =	vst.idx.msk $0xffff, v18  }
0x704: {  	v19 =	vadd.s32 v11, v20;
	v18 =	vld [tilespmem:s0+$0x10990];
	_ =	sdelay $0x4  }
0x705: {  	[tilespmem:v19+s1+$0x18C00] =	vst.idx.msk $0xffff, v18  }
0x706: {  	v19 =	vadd.s32 v12, v20;
	v18 =	vld [tilespmem:s0+$0x109A0];
	_ =	sdelay $0x4  }
0x707: {  	[tilespmem:v19+s1+$0x18C00] =	vst.idx.msk $0xffff, v18  }
0x708: {  	v19 =	vadd.s32 v13, v20;
	v18 =	vld [tilespmem:s0+$0x109B0];
	_ =	sdelay $0x4  }
0x709: {  	[tilespmem:v19+s1+$0x18C00] =	vst.idx.msk $0xffff, v18  }
0x70a: {  	v19 =	vadd.s32 v14, v20;
	v18 =	vld [tilespmem:s0+$0x109C0];
	_ =	sdelay $0x4  }
0x70b: {  	[tilespmem:v19+s1+$0x18C00] =	vst.idx.msk $0xffff, v18  }
0x70c: {  	v19 =	vadd.s32 v15, v20;
	v18 =	vld [tilespmem:s0+$0x109D0];
	_ =	sdelay $0x4  }
0x70d: {  	[tilespmem:v19+s1+$0x18C00] =	vst.idx.msk $0xffff, v18  }
0x70e: {  	v19 =	vadd.s32 v16, v20;
	v18 =	vld [tilespmem:s0+$0x109E0];
	_ =	sdelay $0x4  }
0x70f: {  	[tilespmem:v19+s1+$0x18C00] =	vst.idx.msk $0xffff, v18  }
0x710: {  	v19 =	vadd.s32 v17, v20;
	v18 =	vld [tilespmem:s0+$0x109F0];
	_ =	sdelay $0x4  }
0x711: {  	s26 =	simm.s32 $0x18C00;
	[tilespmem:v19+s1+$0x18C00] =	vst.idx.msk $0xffff, v18  }
0x712: {  	[hbm4b:s11+s3] =	stream.linear.scatter [tilespmem:s26], [sflag:$0x4], $0x80, $0x38;
	[tilespmem:$0x1D000] =	vst v63  }
0x713: {  	s29 =	sadd.s32 $0x10, s11;
	s28 =	simm.s32 $0x18C88  }
0x714: {  	[hbm4b:s29+s3] =	stream.linear.scatter [tilespmem:s28], [sflag:$0x4], $0x80, $0x38;
	[tilespmem:$0x1D000] =	vst v63  }
0x715: {  	s30 =	simm.s32 $0x18D10;
	s31 =	sadd.s32 $0x20, s11;
	s20 =	simm.s32 $0x18E20  }
0x716: {  	[hbm4b:s31+s3] =	stream.linear.scatter [tilespmem:s30], [sflag:$0x4], $0x80, $0x38;
	[tilespmem:$0x1D000] =	vst v63  }
0x717: {  	s15 =	simm.s32 $0x18D98;
	s17 =	sadd.s32 $0x30, s11;
	s0 =	simm.s32 $0x440  }
0x718: {  	[hbm4b:s17+s3] =	stream.linear.scatter [tilespmem:s15], [sflag:$0x4], $0x80, $0x38;
	[tilespmem:$0x1D000] =	vst v63  }
0x719: {  	s1 =	sadd.s32 $0x1000, s11;
	s26 =	sadd.s32 $0x40, s11;
	s28 =	simm.s32 $0x18EA8  }
0x71a: {  	[hbm4b:s26+s3] =	stream.linear.scatter [tilespmem:s20], [sflag:$0x4], $0x80, $0x38;
	[tilespmem:$0x1D000] =	vst v63  }
0x71b: {  	s29 =	sadd.s32 $0x50, s11;
	s30 =	simm.s32 $0x18F30;
	s31 =	sadd.s32 $0x60, s11  }
0x71c: {  	[hbm4b:s29+s3] =	stream.linear.scatter [tilespmem:s28], [sflag:$0x4], $0x80, $0x38;
	[tilespmem:$0x1D000] =	vst v63  }
0x71d: {  	s15 =	simm.s32 $0x2200;
	s17 =	simm.s32 $0x18FB8;
	s20 =	sadd.s32 $0x70, s11  }
0x71e: {  	[hbm4b:s31+s3] =	stream.linear.scatter [tilespmem:s30], [sflag:$0x4], $0x80, $0x38;
	[tilespmem:$0x1D000] =	vst v63  }
.LBB2_28:
0x71f: {  	[hbm4b:s20+s3] =	stream.linear.scatter [tilespmem:s17], [sflag:$0x4], $0x80, $0x38;
	[tilespmem:$0x1D000] =	vst v63  }
0x720: {  	s17 =	smov.u32 s0;
	s0 =	smov.u32 s15  }
0x721: {  	s26 =	sadd.s32 $0x1100, s15;
	s0 =	sshra.s32 s0, $0x2;
	s20 =	sadd.s32 $0x18C00, s17  }
0x722: {  	[hbm4b:s1+s3] =	stream.linear.scatter [tilespmem:s20], [sflag:$0x4], $0x80, $0x38;
	[tilespmem:$0x1D000] =	vst v63  }
0x723: {  	p0 =	sne.s32 s15, $0xFF00;
	s15 =	sadd.s32 $0x18C88, s17;
	s20 =	sadd.s32 $0x10, s1  }
0x724: {  	[hbm4b:s20+s3] =	stream.linear.scatter [tilespmem:s15], [sflag:$0x4], $0x80, $0x38;
	[tilespmem:$0x1D000] =	vst v63  }
0x725: {  	s15 =	sadd.s32 $0x18D10, s17;
	s20 =	sadd.s32 $0x20, s1  }
0x726: {  	[hbm4b:s20+s3] =	stream.linear.scatter [tilespmem:s15], [sflag:$0x4], $0x80, $0x38;
	[tilespmem:$0x1D000] =	vst v63  }
0x727: {  	s15 =	sadd.s32 $0x18D98, s17;
	s20 =	sadd.s32 $0x30, s1  }
0x728: {  	[hbm4b:s20+s3] =	stream.linear.scatter [tilespmem:s15], [sflag:$0x4], $0x80, $0x38;
	[tilespmem:$0x1D000] =	vst v63  }
0x729: {  	s15 =	sadd.s32 $0x18E20, s17;
	s20 =	sadd.s32 $0x40, s1  }
0x72a: {  	[hbm4b:s20+s3] =	stream.linear.scatter [tilespmem:s15], [sflag:$0x4], $0x80, $0x38;
	[tilespmem:$0x1D000] =	vst v63  }
.Ltmp13:
0x72b: {  	s15 =	sadd.s32 $0x18EA8, s17;
	s20 =	sadd.s32 $0x50, s1;
	(pc) =	sbr.rel @p0 .LBB2_28-.Ltmp13, $4  }
0x72c: {  	[hbm4b:s20+s3] =	stream.linear.scatter [tilespmem:s15], [sflag:$0x4], $0x80, $0x38;
	[tilespmem:$0x1D000] =	vst v63  }
0x72d: {  	s15 =	sadd.s32 $0x18F30, s17;
	s20 =	sadd.s32 $0x60, s1;
	s17 =	sadd.s32 $0x18FB8, s17  }
0x72e: {  	[hbm4b:s20+s3] =	stream.linear.scatter [tilespmem:s15], [sflag:$0x4], $0x80, $0x38;
	[tilespmem:$0x1D000] =	vst v63  }
0x72f: {  	s20 =	sadd.s32 $0x70, s1;
	s1 =	sadd.s32 $0x1000, s1;
	s15 =	smov.u32 s26  }
0x730: {  	[hbm4b:s20+s3] =	stream.linear.scatter [tilespmem:s17], [sflag:$0x4], $0x80, $0x38;
	[tilespmem:$0x1D000] =	vst v63  }
0x731: {  	s15 =	sadd.s32 $0x18C00, s0  }
0x732: {  	[hbm4b:s1+s3] =	stream.linear.scatter [tilespmem:s15], [sflag:$0x4], $0x80, $0x38;
	[tilespmem:$0x1D000] =	vst v63  }
0x733: {  	s30 =	sadd.s32 $0x18C88, s0;
	s31 =	sadd.s32 $0x10, s1  }
0x734: {  	[hbm4b:s31+s3] =	stream.linear.scatter [tilespmem:s30], [sflag:$0x4], $0x80, $0x38;
	[tilespmem:$0x1D000] =	vst v63  }
0x735: {  	s20 =	sadd.s32 $0x18D10, s0;
	s26 =	sadd.s32 $0x20, s1  }
0x736: {  	[hbm4b:s26+s3] =	stream.linear.scatter [tilespmem:s20], [sflag:$0x4], $0x80, $0x38;
	[tilespmem:$0x1D000] =	vst v63  }
0x737: {  	s28 =	sadd.s32 $0x18D98, s0;
	s29 =	sadd.s32 $0x30, s1  }
0x738: {  	[hbm4b:s29+s3] =	stream.linear.scatter [tilespmem:s28], [sflag:$0x4], $0x80, $0x38;
	[tilespmem:$0x1D000] =	vst v63  }
0x739: {  	s30 =	sadd.s32 $0x18E20, s0;
	s31 =	sadd.s32 $0x40, s1  }
0x73a: {  	[hbm4b:s31+s3] =	stream.linear.scatter [tilespmem:s30], [sflag:$0x4], $0x80, $0x38;
	[tilespmem:$0x1D000] =	vst v63  }
0x73b: {  	s20 =	sadd.s32 $0x18EA8, s0;
	s26 =	sadd.s32 $0x50, s1  }
0x73c: {  	[hbm4b:s26+s3] =	stream.linear.scatter [tilespmem:s20], [sflag:$0x4], $0x80, $0x38;
	[tilespmem:$0x1D000] =	vst v63  }
0x73d: {  	s28 =	sadd.s32 $0x18F30, s0;
	s29 =	sadd.s32 $0x60, s1  }
0x73e: {  	[hbm4b:s29+s3] =	stream.linear.scatter [tilespmem:s28], [sflag:$0x4], $0x80, $0x38;
	[tilespmem:$0x1D000] =	vst v63  }
0x73f: {  	s25 =	sadd.s32 $0x1, s25;
	s30 =	sadd.s32 $0x18FB8, s0;
	s31 =	sadd.s32 $0x70, s1  }
0x740: {  	[hbm4b:s31+s3] =	stream.linear.scatter [tilespmem:s30], [sflag:$0x4], $0x80, $0x38;
	[tilespmem:$0x1D000] =	vst v63  }
0x741: {  	p0 =	sne.s32 s25, s12;
	_ =	swait.ge [sflag:s23], $0x4000  }
.Ltmp14:
0x742: {  	[sflag:s23] =	ssyncset.done $0x0;
	(pc) =	sbr.rel @p0 .LBB2_1-.Ltmp14, $4  }
0x743: {  	[sflag:s23] =	ssyncadd.s32 $0xFFFFC000  }
0x744: {  	_ =	swait.ge [sflag:s24], $0x4000  }
0x745: {  	[sflag:s24] =	ssyncset.done $0x0  }
0x746: {  	[sflag:s24] =	ssyncadd.s32 $0xFFFFC000  }
0x747: {  	_ =	sfence.sel $0x180000  }
0x748: {  	[bflag:$0x0] =	sbarrier.arrive $0xFFFF  }
0x749: {  	_ =	strace $0x90000047  }
0x74a: {  	s0 =	stileid.u32;
	[bflag:$0x2] =	sbarrier.arrive $0xFFFF  }
0x74b: {  	p0 =	sne.s32 s0, $0x0;
	s0 =	rddreg [dreg:$0x2]  }
0x74c: {  	s0 =	sadd.s32 @!p0 $0x100000, s0  }
0x74d: {  	[sflag:s0] =	ssyncadd.tile.s32 @!p0 $0x1;
	_ =	shalt  }
.Lfunc_end2:
_tile_overlayer_lowered:
.L_overlay_start_2:
0x74e: {  	(tag) =	ssettag $0x2  }
0x74f: {  	s0 =	rddreg [dreg:$0x0];
	s2 =	stileid.u32  }
0x750: {  	s1 =	rddreg [dreg:$0x1];
	p0 =	sne.s32 s2, $0x0  }
0x751: {  	s3 =	rddreg [dreg:$0x2];
	[bflag:$0x3] =	sbarrier.arrive $0xFFFF;
	s2 =	simm.s32 @!p0 $0x1C05  }
0x752: {  	[timem:s3], [sflag:s2] =	dma.local @!p0 [hbm:s0], s1  }
0x753: {  	s0 =	simm.s32 @!p0 $0x5  }
0x754: {  	_ =	swait.ge @!p0 [sflag:s0], s1  }
0x755: {  	s1 =	ssub.s32 @!p0 $0x0, s1;
	[sflag:s0] =	ssyncset.done @!p0 $0x0  }
0x756: {  	[sflag:s0] =	ssyncadd.s32 @!p0 s1  }
0x757: {  	[bflag:$0x3] =	sbarrier.arrive $0xFFFF  }
0x758: {  	_ =	shalt  }

</sc_bundles>
